<compile_context>
chip_gen: v7x
topology: tpu7x:2x2x1
jax: 0.10.2.dev20260603
libtpu: 0.0.44.dev20260713+nightly
codegen_flags: <defaults>
</compile_context>

<pallas_src>
import functools

import jax
import jax.numpy as jnp
from jax import lax
from jax.experimental import pallas as pl
from jax.experimental.pallas import tpu as pltpu
from jax.experimental.pallas import tpu_sc as plsc

_NC, _NS, _L = 2, 16, 16
_NW = _NC * _NS
_C = 128
_RB = 16


@functools.lru_cache(maxsize=None)
def _make_sc_agg(N, N_pad, D, CH):
    mesh = plsc.VectorSubcoreMesh(core_axis_name="c", subcore_axis_name="s")
    rows_per_tile = N_pad // _NS
    n_full = rows_per_tile // _C

    @functools.partial(
        pl.kernel,
        out_type=jax.ShapeDtypeStruct((_NC, N_pad, D), jnp.float32),
        mesh=mesh,
        scratch_types=[
            pltpu.VMEM((_RB, _C), jnp.int32),
            pltpu.VMEM((_RB, _C), jnp.int32),
            pltpu.VMEM((_RB, _C), jnp.float32),
            pltpu.VMEM((_C, D), jnp.float32),
            pltpu.VMEM((_C, D), jnp.float32),
            pltpu.VMEM_SHARED((N_pad, D), jnp.float32),
            pltpu.SemaphoreType.DMA,
            pltpu.SemaphoreType.DMA,
            pltpu.SemaphoreType.DMA,
            pltpu.SemaphoreType.DMA,
        ],
    )
    def sc_agg(x_hbm, src_hbm, dst_hbm, w_hbm, out_hbm,
               src_r, dst_r, w_r, rows0, rows1, acc_s, g0, g1, s0, s1):
        c = lax.axis_index("c")
        s = lax.axis_index("s")
        wid = c * _NS + s
        bufs = ((rows0, g0, s0), (rows1, g1, s1))

        zeros = jnp.zeros((_L,), jnp.float32)

        def _zrow(i, _):
            for cc in range(D // _L):
                rows0[i, pl.ds(cc * _L, _L)] = zeros
            return 0

        lax.fori_loop(0, _C, _zrow, 0)
        base = pl.multiple_of(s * rows_per_tile, _C)
        for k in range(n_full):
            pltpu.sync_copy(rows0, acc_s.at[pl.ds(base + k * _C, _C)])
        plsc.subcore_barrier()

        def _refill(off):
            pltpu.sync_copy(src_hbm.at[wid, pl.ds(off, _RB)], src_r)
            pltpu.sync_copy(dst_hbm.at[wid, pl.ds(off, _RB)], dst_r)
            pltpu.sync_copy(w_hbm.at[wid, pl.ds(off, _RB)], w_r)

        _refill(0)
        pltpu.async_copy(x_hbm.at[src_r.at[0]], rows0, g0)

        def _outer(o, _):
            for b in range(2):
                rv, gs, ss = bufs[b]
                orv, ogs, oss = bufs[1 - b]
                j = o * 2 + b
                m = lax.rem(j, _RB)
                mn = lax.rem(j + 1, _RB)

                pltpu.make_async_copy(x_hbm.at[src_r.at[m]], rv, gs).wait()

                @pl.when(jnp.logical_and(j > 0, m != 0))
                def _():
                    mp = lax.rem(j + _RB - 1, _RB)
                    pltpu.make_async_copy(orv, acc_s.at[dst_r.at[mp]], oss).wait()

                @pl.when(jnp.logical_and(j + 1 < CH, mn != 0))
                def _():
                    pltpu.async_copy(x_hbm.at[src_r.at[mn]], orv, ogs)

                def _grp(g, _):
                    wv = w_r[m, pl.ds(g * _L, _L)]
                    for r in range(_L):
                        ws = wv[r]
                        i = g * _L + r
                        for cc in range(D // _L):
                            sl = pl.ds(cc * _L, _L)
                            rv[i, sl] = rv[i, sl] * ws
                    return 0

                lax.fori_loop(0, _C // _L, _grp, 0)

                pltpu.async_copy(rv, acc_s.at[dst_r.at[m]], ss, add=True)

                @pl.when(jnp.logical_and(j + 1 < CH, mn == 0))
                def _():
                    pltpu.make_async_copy(rv, acc_s.at[dst_r.at[m]], ss).wait()
                    off = pl.multiple_of(j + 1, _RB)
                    _refill(off)
                    pltpu.async_copy(x_hbm.at[src_r.at[0]], orv, ogs)

            return 0

        lax.fori_loop(0, CH // 2, _outer, 0)

        pltpu.make_async_copy(rows1, acc_s.at[dst_r.at[_RB - 1]], s1).wait()

        plsc.subcore_barrier()
        for k in range(n_full):
            sl = pl.ds(base + k * _C, _C)
            pltpu.sync_copy(acc_s.at[sl], out_hbm.at[c, sl])

    return sc_agg


def _mlp_body(p0_ref, p1_ref, W1_ref, b1_ref, W2_ref, b2_ref,
              g1_ref, be1_ref, g2_ref, be2_ref, out_ref):
    agg = p0_ref[...] + p1_ref[...]
    h = jnp.dot(agg, W1_ref[...], preferred_element_type=jnp.float32)
    h = h + b1_ref[...][None, :]
    mu = jnp.mean(h, axis=0, keepdims=True)
    var = jnp.mean((h - mu) ** 2, axis=0, keepdims=True)
    h = g1_ref[...][None, :] * (h - mu) / jnp.sqrt(var + 1e-5) + be1_ref[...][None, :]
    h = jnp.maximum(h, 0.0)
    h = jnp.dot(h, W2_ref[...], preferred_element_type=jnp.float32)
    h = h + b2_ref[...][None, :]
    mu2 = jnp.mean(h, axis=0, keepdims=True)
    var2 = jnp.mean((h - mu2) ** 2, axis=0, keepdims=True)
    h = g2_ref[...][None, :] * (h - mu2) / jnp.sqrt(var2 + 1e-5) + be2_ref[...][None, :]
    out_ref[...] = jnp.maximum(h, 0.0)


def kernel(x, edge_index, edge_weight, W1, b1, W2, b2, g1, be1, g2, be2):
    N, D = x.shape
    E = edge_weight.shape[0]
    CH = -(-E // (_NW * _C * 2 * _RB)) * 2 * _RB
    pad = _NW * _C * CH - E

    src = edge_index[0]
    dst = edge_index[1]
    w = edge_weight
    if pad:
        src = jnp.concatenate([src, jnp.zeros((pad,), src.dtype)])
        dst = jnp.concatenate([dst, jnp.zeros((pad,), dst.dtype)])
        w = jnp.concatenate([w, jnp.zeros((pad,), w.dtype)])
    src = src.reshape(_NW, CH, _C)
    dst = dst.reshape(_NW, CH, _C)
    w = w.reshape(_NW, CH, _C)

    rpt = -(-N // (_NS * _C)) * _C
    N_pad = rpt * _NS
    partials = _make_sc_agg(N, N_pad, D, CH)(x, src, dst, w)

    return pl.pallas_call(
        _mlp_body,
        out_shape=jax.ShapeDtypeStruct((N, D), jnp.float32),
    )(partials[0, :N], partials[1, :N], W1, b1, W2, b2, g1, be1, g2, be2)

# --- scband reference (transcript-rebuilt; emitter-appended) ---
"""Pipeline reference for scband-graph-encoder-18528488914973 (READ-ONLY COPY).

The authoritative reference and input builder live on the scoring server;
editing this copy changes nothing except your own understanding.
"""

import jax, jax.numpy as jnp
import numpy as np

N, D, E = 10000, 128, 320000


def _batchnorm(h, g, b, eps=1e-5):
    mu = h.mean(axis=0)
    var = h.var(axis=0)  # biased variance, matching torch BatchNorm1d normalization
    return g * (h - mu) / jnp.sqrt(var + eps) + b


def setup_inputs(seed: int = 0) -> dict:
    key = jax.random.key(seed)
    ks = jax.random.split(key, 10)
    x = jax.random.normal(ks[0], (N, D), dtype=jnp.float32)
    edge_index = jax.random.randint(ks[1], (2, E), 0, N, dtype=jnp.int32)
    edge_weight = jax.random.uniform(ks[2], (E,), dtype=jnp.float32)
    W1 = jax.random.normal(ks[3], (D, D), dtype=jnp.float32) * (1.0 / np.sqrt(D))
    b1 = jnp.zeros((D,), dtype=jnp.float32)
    W2 = jax.random.normal(ks[4], (D, D), dtype=jnp.float32) * (1.0 / np.sqrt(D))
    b2 = jnp.zeros((D,), dtype=jnp.float32)
    g1 = jnp.ones((D,), dtype=jnp.float32)
    be1 = jnp.zeros((D,), dtype=jnp.float32)
    g2 = jnp.ones((D,), dtype=jnp.float32)
    be2 = jnp.zeros((D,), dtype=jnp.float32)
    return {"x": x, "edge_index": edge_index, "edge_weight": edge_weight,
            "W1": W1, "b1": b1, "W2": W2, "b2": b2,
            "g1": g1, "be1": be1, "g2": g2, "be2": be2}


def reference(x, edge_index, edge_weight, W1, b1, W2, b2, g1, be1, g2, be2):
    src = edge_index[0]
    dst = edge_index[1]
    # message: edge_weight * x_j (x_j = source node features)
    msg = edge_weight[:, None] * jnp.take(x, src, axis=0)
    # aggr='add': scatter-add messages onto destination nodes
    agg = jnp.zeros((N, D), dtype=x.dtype).at[dst].add(msg)
    # update: MLP = Linear -> BatchNorm1d -> ReLU -> Linear
    h = agg @ W1 + b1
    h = _batchnorm(h, g1, be1)
    h = jax.nn.relu(h)
    h = h @ W2 + b2
    # outer BatchNorm1d, dropout(p=0.0) = identity, activation = relu
    h = _batchnorm(h, g2, be2)
    h = jax.nn.relu(h)
    return h

if __name__ == "__main__":
    import jax
    _d = setup_inputs()
    print(jax.jit(kernel)(*tuple(_d.values())))

</pallas_src>

<mosaic_0001>
#map = affine_map<(d0, d1) -> (0, 0)>
#map1 = affine_map<(d0, d1) -> (0, 0, 0)>
module attributes {stable_mosaic.version = 14 : i64} {
  func.func @sc_agg(%arg0: i32, %arg1: i32, %arg2: memref<10000x128xf32, #tpu.memory_space<hbm>>, %arg3: memref<32x96x128xi32, #tpu.memory_space<hbm>>, %arg4: memref<32x96x128xi32, #tpu.memory_space<hbm>>, %arg5: memref<32x96x128xf32, #tpu.memory_space<hbm>>, %arg6: memref<2x10240x128xf32, #tpu.memory_space<hbm>>, %arg7: memref<16x128xi32, #tpu.memory_space<vmem>>, %arg8: memref<16x128xi32, #tpu.memory_space<vmem>>, %arg9: memref<16x128xf32, #tpu.memory_space<vmem>>, %arg10: memref<128x128xf32, #tpu.memory_space<vmem>>, %arg11: memref<128x128xf32, #tpu.memory_space<vmem>>, %arg12: memref<10240x128xf32, #tpu.memory_space<vmem_shared>>, %arg13: memref<!tpu.dma_semaphore, #tpu.memory_space<semaphore_mem>>, %arg14: memref<!tpu.dma_semaphore, #tpu.memory_space<semaphore_mem>>, %arg15: memref<!tpu.dma_semaphore, #tpu.memory_space<semaphore_mem>>, %arg16: memref<!tpu.dma_semaphore, #tpu.memory_space<semaphore_mem>>) attributes {dimension_semantics = [#tpu.dimension_semantics<core_parallel>, #tpu.dimension_semantics<subcore_parallel>], iteration_bounds = array<i64: 2, 16>, scalar_prefetch = 0 : i64, scratch_operands = 10 : i64, tpu.core_type = #tpu.core_type<sc_vector_subcore>, window_params = [{transform_indices = #map}, {transform_indices = #map1}, {transform_indices = #map1}, {transform_indices = #map1}, {transform_indices = #map1}]} {
    %mul3A = arith.constant 16 : i32
    %mul3A_0 = arith.muli %arg0, %mul3A : i32
    %add3A = arith.addi %mul3A_0, %arg1 : i32
    %broadcast_in_dim3A = arith.constant 0.000000e+00 : f32
    %broadcast_in_dim3A_1 = vector.broadcast %broadcast_in_dim3A : f32 to vector<16xf32>
    %scan3A = arith.constant 0 : i32
    %scan3A_2 = arith.constant 0 : i32
    %scan3A_3 = arith.constant 128 : i32
    %scan3A_4 = arith.addi %scan3A_2, %scan3A_3 : i32
    %scan3A_5 = arith.constant 1 : i32
    %scan3A_6 = scf.for %scan3A_50 = %scan3A_2 to %scan3A_4 step %scan3A_5 iter_args(%scan3A_51 = %scan3A) -> (i32)  : i32 {
      %swap3A = arith.index_cast %scan3A_50 : i32 to index
      %swap3A_52 = arith.constant 0 : index
      %swap3A_53 = tpu.vector_load %arg10[%swap3A, %swap3A_52] {strides = array<i32>} : memref<128x128xf32, #tpu.memory_space<vmem>>, vector<1x16xf32>,
      %swap3A_54 = vector.shape_cast %swap3A_53 : vector<1x16xf32> to vector<16xf32>
      %swap3A_55 = vector.shape_cast %broadcast_in_dim3A_1 : vector<16xf32> to vector<1x16xf32>
      tpu.vector_store %arg10[%swap3A, %swap3A_52], %swap3A_55 {strides = array<i32>} : memref<128x128xf32, #tpu.memory_space<vmem>>, vector<1x16xf32>,
      %swap3A_56 = arith.index_cast %scan3A_50 : i32 to index
      %swap3A_57 = arith.constant 16 : index
      %swap3A_58 = tpu.vector_load %arg10[%swap3A_56, %swap3A_57] {strides = array<i32>} : memref<128x128xf32, #tpu.memory_space<vmem>>, vector<1x16xf32>,
      %swap3A_59 = vector.shape_cast %swap3A_58 : vector<1x16xf32> to vector<16xf32>
      %swap3A_60 = vector.shape_cast %broadcast_in_dim3A_1 : vector<16xf32> to vector<1x16xf32>
      tpu.vector_store %arg10[%swap3A_56, %swap3A_57], %swap3A_60 {strides = array<i32>} : memref<128x128xf32, #tpu.memory_space<vmem>>, vector<1x16xf32>,
      %swap3A_61 = arith.index_cast %scan3A_50 : i32 to index
      %swap3A_62 = arith.constant 32 : index
      %swap3A_63 = tpu.vector_load %arg10[%swap3A_61, %swap3A_62] {strides = array<i32>} : memref<128x128xf32, #tpu.memory_space<vmem>>, vector<1x16xf32>,
      %swap3A_64 = vector.shape_cast %swap3A_63 : vector<1x16xf32> to vector<16xf32>
      %swap3A_65 = vector.shape_cast %broadcast_in_dim3A_1 : vector<16xf32> to vector<1x16xf32>
      tpu.vector_store %arg10[%swap3A_61, %swap3A_62], %swap3A_65 {strides = array<i32>} : memref<128x128xf32, #tpu.memory_space<vmem>>, vector<1x16xf32>,
      %swap3A_66 = arith.index_cast %scan3A_50 : i32 to index
      %swap3A_67 = arith.constant 48 : index
      %swap3A_68 = tpu.vector_load %arg10[%swap3A_66, %swap3A_67] {strides = array<i32>} : memref<128x128xf32, #tpu.memory_space<vmem>>, vector<1x16xf32>,
      %swap3A_69 = vector.shape_cast %swap3A_68 : vector<1x16xf32> to vector<16xf32>
      %swap3A_70 = vector.shape_cast %broadcast_in_dim3A_1 : vector<16xf32> to vector<1x16xf32>
      tpu.vector_store %arg10[%swap3A_66, %swap3A_67], %swap3A_70 {strides = array<i32>} : memref<128x128xf32, #tpu.memory_space<vmem>>, vector<1x16xf32>,
      %swap3A_71 = arith.index_cast %scan3A_50 : i32 to index
      %swap3A_72 = arith.constant 64 : index
      %swap3A_73 = tpu.vector_load %arg10[%swap3A_71, %swap3A_72] {strides = array<i32>} : memref<128x128xf32, #tpu.memory_space<vmem>>, vector<1x16xf32>,
      %swap3A_74 = vector.shape_cast %swap3A_73 : vector<1x16xf32> to vector<16xf32>
      %swap3A_75 = vector.shape_cast %broadcast_in_dim3A_1 : vector<16xf32> to vector<1x16xf32>
      tpu.vector_store %arg10[%swap3A_71, %swap3A_72], %swap3A_75 {strides = array<i32>} : memref<128x128xf32, #tpu.memory_space<vmem>>, vector<1x16xf32>,
      %swap3A_76 = arith.index_cast %scan3A_50 : i32 to index
      %swap3A_77 = arith.constant 80 : index
      %swap3A_78 = tpu.vector_load %arg10[%swap3A_76, %swap3A_77] {strides = array<i32>} : memref<128x128xf32, #tpu.memory_space<vmem>>, vector<1x16xf32>,
      %swap3A_79 = vector.shape_cast %swap3A_78 : vector<1x16xf32> to vector<16xf32>
      %swap3A_80 = vector.shape_cast %broadcast_in_dim3A_1 : vector<16xf32> to vector<1x16xf32>
      tpu.vector_store %arg10[%swap3A_76, %swap3A_77], %swap3A_80 {strides = array<i32>} : memref<128x128xf32, #tpu.memory_space<vmem>>, vector<1x16xf32>,
      %swap3A_81 = arith.index_cast %scan3A_50 : i32 to index
      %swap3A_82 = arith.constant 96 : index
      %swap3A_83 = tpu.vector_load %arg10[%swap3A_81, %swap3A_82] {strides = array<i32>} : memref<128x128xf32, #tpu.memory_space<vmem>>, vector<1x16xf32>,
      %swap3A_84 = vector.shape_cast %swap3A_83 : vector<1x16xf32> to vector<16xf32>
      %swap3A_85 = vector.shape_cast %broadcast_in_dim3A_1 : vector<16xf32> to vector<1x16xf32>
      tpu.vector_store %arg10[%swap3A_81, %swap3A_82], %swap3A_85 {strides = array<i32>} : memref<128x128xf32, #tpu.memory_space<vmem>>, vector<1x16xf32>,
      %swap3A_86 = arith.index_cast %scan3A_50 : i32 to index
      %swap3A_87 = arith.constant 112 : index
      %swap3A_88 = tpu.vector_load %arg10[%swap3A_86, %swap3A_87] {strides = array<i32>} : memref<128x128xf32, #tpu.memory_space<vmem>>, vector<1x16xf32>,
      %swap3A_89 = vector.shape_cast %swap3A_88 : vector<1x16xf32> to vector<16xf32>
      %swap3A_90 = vector.shape_cast %broadcast_in_dim3A_1 : vector<16xf32> to vector<1x16xf32>
      tpu.vector_store %arg10[%swap3A_86, %swap3A_87], %swap3A_90 {strides = array<i32>} : memref<128x128xf32, #tpu.memory_space<vmem>>, vector<1x16xf32>,
      %scan3A_91 = arith.constant 0 : i32
      scf.yield %scan3A_91 : i32
    }
    %scan3A_7 = arith.constant 128 : i32
    %mul3A_8 = arith.constant 640 : i32
    %mul3A_9 = arith.muli %arg1, %mul3A_8 : i32
    %multiple_of3A = tpu.assume_multiple %mul3A_9, 128 : i32
    %add3A_10 = arith.constant 0 : i32
    %add3A_11 = arith.addi %multiple_of3A, %add3A_10 : i32
    "tpu.region"() ({
      %run_scoped3A = tpu.sem_alloc : memref<!tpu.dma_semaphore, #tpu.memory_space<semaphore_mem>>
      %dma_start3A_50 = arith.constant 0 : i32
      %dma_start3A_51 = tpu.memref_slice %arg12[%add3A_11, %dma_start3A_50] : memref<10240x128xf32, #tpu.memory_space<vmem_shared>> -> memref<128x128xf32, #tpu.memory_space<vmem_shared>>
      %dma_start3A_52 = arith.constant 0 : i32
      %dma_start3A_53 = tpu.memref_slice %arg12[%add3A_11, %dma_start3A_52] : memref<10240x128xf32, #tpu.memory_space<vmem_shared>> -> memref<128x128xf32, #tpu.memory_space<vmem_shared>>
      tpu.enqueue_dma source(%arg10 : memref<128x128xf32, #tpu.memory_space<vmem>>) target(%dma_start3A_53 : memref<128x128xf32, #tpu.memory_space<vmem_shared>>) target_semaphore(%run_scoped3A : memref<!tpu.dma_semaphore, #tpu.memory_space<semaphore_mem>>)
      %dma_wait3A_54 = arith.constant 0 : i32
      %dma_wait3A_55 = tpu.memref_slice %arg12[%add3A_11, %dma_wait3A_54] : memref<10240x128xf32, #tpu.memory_space<vmem_shared>> -> memref<128x128xf32, #tpu.memory_space<vmem_shared>>
      %dma_wait3A_56 = arith.constant 0 : i32
      %dma_wait3A_57 = tpu.memref_slice %arg12[%add3A_11, %dma_wait3A_56] : memref<10240x128xf32, #tpu.memory_space<vmem_shared>> -> memref<128x128xf32, #tpu.memory_space<vmem_shared>>
      tpu.wait_dma2 semaphore(%run_scoped3A : memref<!tpu.dma_semaphore, #tpu.memory_space<semaphore_mem>>) src(%arg10 : memref<128x128xf32, #tpu.memory_space<vmem>>) dst(%dma_wait3A_57 : memref<128x128xf32, #tpu.memory_space<vmem_shared>>)
      tpu.yield
    }) : () -> ()
    %add3A_12 = arith.constant 128 : i32
    %add3A_13 = arith.addi %multiple_of3A, %add3A_12 : i32
    "tpu.region"() ({
      %run_scoped3A = tpu.sem_alloc : memref<!tpu.dma_semaphore, #tpu.memory_space<semaphore_mem>>
      %dma_start3A_50 = arith.constant 0 : i32
      %dma_start3A_51 = tpu.memref_slice %arg12[%add3A_13, %dma_start3A_50] : memref<10240x128xf32, #tpu.memory_space<vmem_shared>> -> memref<128x128xf32, #tpu.memory_space<vmem_shared>>
      %dma_start3A_52 = arith.constant 0 : i32
      %dma_start3A_53 = tpu.memref_slice %arg12[%add3A_13, %dma_start3A_52] : memref<10240x128xf32, #tpu.memory_space<vmem_shared>> -> memref<128x128xf32, #tpu.memory_space<vmem_shared>>
      tpu.enqueue_dma source(%arg10 : memref<128x128xf32, #tpu.memory_space<vmem>>) target(%dma_start3A_53 : memref<128x128xf32, #tpu.memory_space<vmem_shared>>) target_semaphore(%run_scoped3A : memref<!tpu.dma_semaphore, #tpu.memory_space<semaphore_mem>>)
      %dma_wait3A_54 = arith.constant 0 : i32
      %dma_wait3A_55 = tpu.memref_slice %arg12[%add3A_13, %dma_wait3A_54] : memref<10240x128xf32, #tpu.memory_space<vmem_shared>> -> memref<128x128xf32, #tpu.memory_space<vmem_shared>>
      %dma_wait3A_56 = arith.constant 0 : i32
      %dma_wait3A_57 = tpu.memref_slice %arg12[%add3A_13, %dma_wait3A_56] : memref<10240x128xf32, #tpu.memory_space<vmem_shared>> -> memref<128x128xf32, #tpu.memory_space<vmem_shared>>
      tpu.wait_dma2 semaphore(%run_scoped3A : memref<!tpu.dma_semaphore, #tpu.memory_space<semaphore_mem>>) src(%arg10 : memref<128x128xf32, #tpu.memory_space<vmem>>) dst(%dma_wait3A_57 : memref<128x128xf32, #tpu.memory_space<vmem_shared>>)
      tpu.yield
    }) : () -> ()
    %add3A_14 = arith.constant 256 : i32
    %add3A_15 = arith.addi %multiple_of3A, %add3A_14 : i32
    "tpu.region"() ({
      %run_scoped3A = tpu.sem_alloc : memref<!tpu.dma_semaphore, #tpu.memory_space<semaphore_mem>>
      %dma_start3A_50 = arith.constant 0 : i32
      %dma_start3A_51 = tpu.memref_slice %arg12[%add3A_15, %dma_start3A_50] : memref<10240x128xf32, #tpu.memory_space<vmem_shared>> -> memref<128x128xf32, #tpu.memory_space<vmem_shared>>
      %dma_start3A_52 = arith.constant 0 : i32
      %dma_start3A_53 = tpu.memref_slice %arg12[%add3A_15, %dma_start3A_52] : memref<10240x128xf32, #tpu.memory_space<vmem_shared>> -> memref<128x128xf32, #tpu.memory_space<vmem_shared>>
      tpu.enqueue_dma source(%arg10 : memref<128x128xf32, #tpu.memory_space<vmem>>) target(%dma_start3A_53 : memref<128x128xf32, #tpu.memory_space<vmem_shared>>) target_semaphore(%run_scoped3A : memref<!tpu.dma_semaphore, #tpu.memory_space<semaphore_mem>>)
      %dma_wait3A_54 = arith.constant 0 : i32
      %dma_wait3A_55 = tpu.memref_slice %arg12[%add3A_15, %dma_wait3A_54] : memref<10240x128xf32, #tpu.memory_space<vmem_shared>> -> memref<128x128xf32, #tpu.memory_space<vmem_shared>>
      %dma_wait3A_56 = arith.constant 0 : i32
      %dma_wait3A_57 = tpu.memref_slice %arg12[%add3A_15, %dma_wait3A_56] : memref<10240x128xf32, #tpu.memory_space<vmem_shared>> -> memref<128x128xf32, #tpu.memory_space<vmem_shared>>
      tpu.wait_dma2 semaphore(%run_scoped3A : memref<!tpu.dma_semaphore, #tpu.memory_space<semaphore_mem>>) src(%arg10 : memref<128x128xf32, #tpu.memory_space<vmem>>) dst(%dma_wait3A_57 : memref<128x128xf32, #tpu.memory_space<vmem_shared>>)
      tpu.yield
    }) : () -> ()
    %add3A_16 = arith.constant 384 : i32
    %add3A_17 = arith.addi %multiple_of3A, %add3A_16 : i32
    "tpu.region"() ({
      %run_scoped3A = tpu.sem_alloc : memref<!tpu.dma_semaphore, #tpu.memory_space<semaphore_mem>>
      %dma_start3A_50 = arith.constant 0 : i32
      %dma_start3A_51 = tpu.memref_slice %arg12[%add3A_17, %dma_start3A_50] : memref<10240x128xf32, #tpu.memory_space<vmem_shared>> -> memref<128x128xf32, #tpu.memory_space<vmem_shared>>
      %dma_start3A_52 = arith.constant 0 : i32
      %dma_start3A_53 = tpu.memref_slice %arg12[%add3A_17, %dma_start3A_52] : memref<10240x128xf32, #tpu.memory_space<vmem_shared>> -> memref<128x128xf32, #tpu.memory_space<vmem_shared>>
      tpu.enqueue_dma source(%arg10 : memref<128x128xf32, #tpu.memory_space<vmem>>) target(%dma_start3A_53 : memref<128x128xf32, #tpu.memory_space<vmem_shared>>) target_semaphore(%run_scoped3A : memref<!tpu.dma_semaphore, #tpu.memory_space<semaphore_mem>>)
      %dma_wait3A_54 = arith.constant 0 : i32
      %dma_wait3A_55 = tpu.memref_slice %arg12[%add3A_17, %dma_wait3A_54] : memref<10240x128xf32, #tpu.memory_space<vmem_shared>> -> memref<128x128xf32, #tpu.memory_space<vmem_shared>>
      %dma_wait3A_56 = arith.constant 0 : i32
      %dma_wait3A_57 = tpu.memref_slice %arg12[%add3A_17, %dma_wait3A_56] : memref<10240x128xf32, #tpu.memory_space<vmem_shared>> -> memref<128x128xf32, #tpu.memory_space<vmem_shared>>
      tpu.wait_dma2 semaphore(%run_scoped3A : memref<!tpu.dma_semaphore, #tpu.memory_space<semaphore_mem>>) src(%arg10 : memref<128x128xf32, #tpu.memory_space<vmem>>) dst(%dma_wait3A_57 : memref<128x128xf32, #tpu.memory_space<vmem_shared>>)
      tpu.yield
    }) : () -> ()
    %add3A_18 = arith.constant 512 : i32
    %add3A_19 = arith.addi %multiple_of3A, %add3A_18 : i32
    "tpu.region"() ({
      %run_scoped3A = tpu.sem_alloc : memref<!tpu.dma_semaphore, #tpu.memory_space<semaphore_mem>>
      %dma_start3A_50 = arith.constant 0 : i32
      %dma_start3A_51 = tpu.memref_slice %arg12[%add3A_19, %dma_start3A_50] : memref<10240x128xf32, #tpu.memory_space<vmem_shared>> -> memref<128x128xf32, #tpu.memory_space<vmem_shared>>
      %dma_start3A_52 = arith.constant 0 : i32
      %dma_start3A_53 = tpu.memref_slice %arg12[%add3A_19, %dma_start3A_52] : memref<10240x128xf32, #tpu.memory_space<vmem_shared>> -> memref<128x128xf32, #tpu.memory_space<vmem_shared>>
      tpu.enqueue_dma source(%arg10 : memref<128x128xf32, #tpu.memory_space<vmem>>) target(%dma_start3A_53 : memref<128x128xf32, #tpu.memory_space<vmem_shared>>) target_semaphore(%run_scoped3A : memref<!tpu.dma_semaphore, #tpu.memory_space<semaphore_mem>>)
      %dma_wait3A_54 = arith.constant 0 : i32
      %dma_wait3A_55 = tpu.memref_slice %arg12[%add3A_19, %dma_wait3A_54] : memref<10240x128xf32, #tpu.memory_space<vmem_shared>> -> memref<128x128xf32, #tpu.memory_space<vmem_shared>>
      %dma_wait3A_56 = arith.constant 0 : i32
      %dma_wait3A_57 = tpu.memref_slice %arg12[%add3A_19, %dma_wait3A_56] : memref<10240x128xf32, #tpu.memory_space<vmem_shared>> -> memref<128x128xf32, #tpu.memory_space<vmem_shared>>
      tpu.wait_dma2 semaphore(%run_scoped3A : memref<!tpu.dma_semaphore, #tpu.memory_space<semaphore_mem>>) src(%arg10 : memref<128x128xf32, #tpu.memory_space<vmem>>) dst(%dma_wait3A_57 : memref<128x128xf32, #tpu.memory_space<vmem_shared>>)
      tpu.yield
    }) : () -> ()
    %barrier3A = arith.constant 0 : index
    tpu.barrier barrier_id(%barrier3A)
    "tpu.region"() ({
      %run_scoped3A = tpu.sem_alloc : memref<!tpu.dma_semaphore, #tpu.memory_space<semaphore_mem>>
      %dma_start3A_50 = arith.constant 0 : i32
      %dma_start3A_51 = arith.constant 0 : i32
      %dma_start3A_52 = tpu.memref_slice %arg3[%add3A, %dma_start3A_50, %dma_start3A_51] : memref<32x96x128xi32, #tpu.memory_space<hbm>> -> memref<1x16x128xi32, #tpu.memory_space<hbm>>
      %dma_start3A_53 = tpu.memref_squeeze %dma_start3A_52 : memref<1x16x128xi32, #tpu.memory_space<hbm>> -> memref<16x128xi32, #tpu.memory_space<hbm>>
      %dma_start3A_54 = arith.constant 0 : i32
      %dma_start3A_55 = arith.constant 0 : i32
      %dma_start3A_56 = tpu.memref_slice %arg3[%add3A, %dma_start3A_54, %dma_start3A_55] : memref<32x96x128xi32, #tpu.memory_space<hbm>> -> memref<1x16x128xi32, #tpu.memory_space<hbm>>
      %dma_start3A_57 = tpu.memref_squeeze %dma_start3A_56 : memref<1x16x128xi32, #tpu.memory_space<hbm>> -> memref<16x128xi32, #tpu.memory_space<hbm>>
      tpu.enqueue_dma source(%dma_start3A_57 : memref<16x128xi32, #tpu.memory_space<hbm>>) target(%arg7 : memref<16x128xi32, #tpu.memory_space<vmem>>) target_semaphore(%run_scoped3A : memref<!tpu.dma_semaphore, #tpu.memory_space<semaphore_mem>>)
      %dma_wait3A_58 = arith.constant 0 : i32
      %dma_wait3A_59 = arith.constant 0 : i32
      %dma_wait3A_60 = tpu.memref_slice %arg3[%add3A, %dma_wait3A_58, %dma_wait3A_59] : memref<32x96x128xi32, #tpu.memory_space<hbm>> -> memref<1x16x128xi32, #tpu.memory_space<hbm>>
      %dma_wait3A_61 = tpu.memref_squeeze %dma_wait3A_60 : memref<1x16x128xi32, #tpu.memory_space<hbm>> -> memref<16x128xi32, #tpu.memory_space<hbm>>
      %dma_wait3A_62 = arith.constant 0 : i32
      %dma_wait3A_63 = arith.constant 0 : i32
      %dma_wait3A_64 = tpu.memref_slice %arg3[%add3A, %dma_wait3A_62, %dma_wait3A_63] : memref<32x96x128xi32, #tpu.memory_space<hbm>> -> memref<1x16x128xi32, #tpu.memory_space<hbm>>
      %dma_wait3A_65 = tpu.memref_squeeze %dma_wait3A_64 : memref<1x16x128xi32, #tpu.memory_space<hbm>> -> memref<16x128xi32, #tpu.memory_space<hbm>>
      tpu.wait_dma2 semaphore(%run_scoped3A : memref<!tpu.dma_semaphore, #tpu.memory_space<semaphore_mem>>) src(%dma_wait3A_65 : memref<16x128xi32, #tpu.memory_space<hbm>>) dst(%arg7 : memref<16x128xi32, #tpu.memory_space<vmem>>)
      tpu.yield
    }) : () -> ()
    "tpu.region"() ({
      %run_scoped3A = tpu.sem_alloc : memref<!tpu.dma_semaphore, #tpu.memory_space<semaphore_mem>>
      %dma_start3A_50 = arith.constant 0 : i32
      %dma_start3A_51 = arith.constant 0 : i32
      %dma_start3A_52 = tpu.memref_slice %arg4[%add3A, %dma_start3A_50, %dma_start3A_51] : memref<32x96x128xi32, #tpu.memory_space<hbm>> -> memref<1x16x128xi32, #tpu.memory_space<hbm>>
      %dma_start3A_53 = tpu.memref_squeeze %dma_start3A_52 : memref<1x16x128xi32, #tpu.memory_space<hbm>> -> memref<16x128xi32, #tpu.memory_space<hbm>>
      %dma_start3A_54 = arith.constant 0 : i32
      %dma_start3A_55 = arith.constant 0 : i32
      %dma_start3A_56 = tpu.memref_slice %arg4[%add3A, %dma_start3A_54, %dma_start3A_55] : memref<32x96x128xi32, #tpu.memory_space<hbm>> -> memref<1x16x128xi32, #tpu.memory_space<hbm>>
      %dma_start3A_57 = tpu.memref_squeeze %dma_start3A_56 : memref<1x16x128xi32, #tpu.memory_space<hbm>> -> memref<16x128xi32, #tpu.memory_space<hbm>>
      tpu.enqueue_dma source(%dma_start3A_57 : memref<16x128xi32, #tpu.memory_space<hbm>>) target(%arg8 : memref<16x128xi32, #tpu.memory_space<vmem>>) target_semaphore(%run_scoped3A : memref<!tpu.dma_semaphore, #tpu.memory_space<semaphore_mem>>)
      %dma_wait3A_58 = arith.constant 0 : i32
      %dma_wait3A_59 = arith.constant 0 : i32
      %dma_wait3A_60 = tpu.memref_slice %arg4[%add3A, %dma_wait3A_58, %dma_wait3A_59] : memref<32x96x128xi32, #tpu.memory_space<hbm>> -> memref<1x16x128xi32, #tpu.memory_space<hbm>>
      %dma_wait3A_61 = tpu.memref_squeeze %dma_wait3A_60 : memref<1x16x128xi32, #tpu.memory_space<hbm>> -> memref<16x128xi32, #tpu.memory_space<hbm>>
      %dma_wait3A_62 = arith.constant 0 : i32
      %dma_wait3A_63 = arith.constant 0 : i32
      %dma_wait3A_64 = tpu.memref_slice %arg4[%add3A, %dma_wait3A_62, %dma_wait3A_63] : memref<32x96x128xi32, #tpu.memory_space<hbm>> -> memref<1x16x128xi32, #tpu.memory_space<hbm>>
      %dma_wait3A_65 = tpu.memref_squeeze %dma_wait3A_64 : memref<1x16x128xi32, #tpu.memory_space<hbm>> -> memref<16x128xi32, #tpu.memory_space<hbm>>
      tpu.wait_dma2 semaphore(%run_scoped3A : memref<!tpu.dma_semaphore, #tpu.memory_space<semaphore_mem>>) src(%dma_wait3A_65 : memref<16x128xi32, #tpu.memory_space<hbm>>) dst(%arg8 : memref<16x128xi32, #tpu.memory_space<vmem>>)
      tpu.yield
    }) : () -> ()
    "tpu.region"() ({
      %run_scoped3A = tpu.sem_alloc : memref<!tpu.dma_semaphore, #tpu.memory_space<semaphore_mem>>
      %dma_start3A_50 = arith.constant 0 : i32
      %dma_start3A_51 = arith.constant 0 : i32
      %dma_start3A_52 = tpu.memref_slice %arg5[%add3A, %dma_start3A_50, %dma_start3A_51] : memref<32x96x128xf32, #tpu.memory_space<hbm>> -> memref<1x16x128xf32, #tpu.memory_space<hbm>>
      %dma_start3A_53 = tpu.memref_squeeze %dma_start3A_52 : memref<1x16x128xf32, #tpu.memory_space<hbm>> -> memref<16x128xf32, #tpu.memory_space<hbm>>
      %dma_start3A_54 = arith.constant 0 : i32
      %dma_start3A_55 = arith.constant 0 : i32
      %dma_start3A_56 = tpu.memref_slice %arg5[%add3A, %dma_start3A_54, %dma_start3A_55] : memref<32x96x128xf32, #tpu.memory_space<hbm>> -> memref<1x16x128xf32, #tpu.memory_space<hbm>>
      %dma_start3A_57 = tpu.memref_squeeze %dma_start3A_56 : memref<1x16x128xf32, #tpu.memory_space<hbm>> -> memref<16x128xf32, #tpu.memory_space<hbm>>
      tpu.enqueue_dma source(%dma_start3A_57 : memref<16x128xf32, #tpu.memory_space<hbm>>) target(%arg9 : memref<16x128xf32, #tpu.memory_space<vmem>>) target_semaphore(%run_scoped3A : memref<!tpu.dma_semaphore, #tpu.memory_space<semaphore_mem>>)
      %dma_wait3A_58 = arith.constant 0 : i32
      %dma_wait3A_59 = arith.constant 0 : i32
      %dma_wait3A_60 = tpu.memref_slice %arg5[%add3A, %dma_wait3A_58, %dma_wait3A_59] : memref<32x96x128xf32, #tpu.memory_space<hbm>> -> memref<1x16x128xf32, #tpu.memory_space<hbm>>
      %dma_wait3A_61 = tpu.memref_squeeze %dma_wait3A_60 : memref<1x16x128xf32, #tpu.memory_space<hbm>> -> memref<16x128xf32, #tpu.memory_space<hbm>>
      %dma_wait3A_62 = arith.constant 0 : i32
      %dma_wait3A_63 = arith.constant 0 : i32
      %dma_wait3A_64 = tpu.memref_slice %arg5[%add3A, %dma_wait3A_62, %dma_wait3A_63] : memref<32x96x128xf32, #tpu.memory_space<hbm>> -> memref<1x16x128xf32, #tpu.memory_space<hbm>>
      %dma_wait3A_65 = tpu.memref_squeeze %dma_wait3A_64 : memref<1x16x128xf32, #tpu.memory_space<hbm>> -> memref<16x128xf32, #tpu.memory_space<hbm>>
      tpu.wait_dma2 semaphore(%run_scoped3A : memref<!tpu.dma_semaphore, #tpu.memory_space<semaphore_mem>>) src(%dma_wait3A_65 : memref<16x128xf32, #tpu.memory_space<hbm>>) dst(%arg9 : memref<16x128xf32, #tpu.memory_space<vmem>>)
      tpu.yield
    }) : () -> ()
    %dma_start3A = arith.constant 0 : i32
    %dma_start3A_20 = arith.constant 0 : i32
    %dma_start3A_21 = tpu.memref_slice %arg7[%dma_start3A, %dma_start3A_20] : memref<16x128xi32, #tpu.memory_space<vmem>> -> memref<1x128xi32, #tpu.memory_space<vmem>>
    %dma_start3A_22 = tpu.memref_squeeze %dma_start3A_21 : memref<1x128xi32, #tpu.memory_space<vmem>> -> memref<128xi32, #tpu.memory_space<vmem>>
    %dma_start3A_23 = arith.constant 0 : i32
    %dma_start3A_24 = arith.constant 0 : i32
    %dma_start3A_25 = tpu.memref_slice %arg2[%dma_start3A_23, %dma_start3A_24] : memref<10000x128xf32, #tpu.memory_space<hbm>> -> memref<10000x128xf32, #tpu.memory_space<hbm>>
    tpu.enqueue_indirect_dma source(%dma_start3A_25 : memref<10000x128xf32, #tpu.memory_space<hbm>>) target(%arg10 : memref<128x128xf32, #tpu.memory_space<vmem>>) offsets(%dma_start3A_22 : memref<128xi32, #tpu.memory_space<vmem>>) semaphore(%arg13 : memref<!tpu.dma_semaphore, #tpu.memory_space<semaphore_mem>>)
    %scan3A_26 = arith.constant 0 : i32
    %scan3A_27 = arith.constant 0 : i32
    %scan3A_28 = arith.constant 48 : i32
    %scan3A_29 = arith.addi %scan3A_27, %scan3A_28 : i32
    %scan3A_30 = arith.constant 1 : i32
    %scan3A_31 = scf.for %scan3A_50 = %scan3A_27 to %scan3A_29 step %scan3A_30 iter_args(%scan3A_51 = %scan3A_26) -> (i32)  : i32 {
      %mul3A_52 = arith.constant 2 : i32
      %mul3A_53 = arith.muli %scan3A_50, %mul3A_52 : i32
      %add3A_54 = arith.constant 0 : i32
      %add3A_55 = arith.addi %mul3A_53, %add3A_54 : i32
      %rem3A = arith.constant 16 : i32
      %rem3A_56 = arith.remsi %add3A_55, %rem3A : i32
      %add3A_57 = arith.constant 1 : i32
      %add3A_58 = arith.addi %add3A_55, %add3A_57 : i32
      %rem3A_59 = arith.constant 16 : i32
      %rem3A_60 = arith.remsi %add3A_58, %rem3A_59 : i32
      %dma_wait3A_61 = arith.constant 0 : i32
      %dma_wait3A_62 = tpu.memref_slice %arg7[%rem3A_56, %dma_wait3A_61] : memref<16x128xi32, #tpu.memory_space<vmem>> -> memref<1x128xi32, #tpu.memory_space<vmem>>
      %dma_wait3A_63 = tpu.memref_squeeze %dma_wait3A_62 : memref<1x128xi32, #tpu.memory_space<vmem>> -> memref<128xi32, #tpu.memory_space<vmem>>
      %dma_wait3A_64 = arith.constant 0 : i32
      %dma_wait3A_65 = arith.constant 0 : i32
      %dma_wait3A_66 = tpu.memref_slice %arg2[%dma_wait3A_64, %dma_wait3A_65] : memref<10000x128xf32, #tpu.memory_space<hbm>> -> memref<10000x128xf32, #tpu.memory_space<hbm>>
      tpu.wait_indirect_dma semaphore(%arg13 : memref<!tpu.dma_semaphore, #tpu.memory_space<semaphore_mem>>) src(%dma_wait3A_66 : memref<10000x128xf32, #tpu.memory_space<hbm>>) dst(%arg10 : memref<128x128xf32, #tpu.memory_space<vmem>>)
      %gt3A = arith.constant 0 : i32
      %gt3A_67 = arith.cmpi sgt, %add3A_55, %gt3A : i32
      %ne3A = arith.constant 0 : i32
      %ne3A_68 = arith.cmpi ne, %rem3A_56, %ne3A : i32
      %and3A = arith.andi %gt3A_67, %ne3A_68 : i1
      %convert_element_type3A = arith.extui %and3A : i1 to i32
      %cond3A = arith.constant 0 : i32
      %cond3A_69 = arith.cmpi ne, %convert_element_type3A, %cond3A : i32
      scf.if %cond3A_69 {
        %add3A_159 = arith.constant 16 : i32
        %add3A_160 = arith.addi %add3A_55, %add3A_159 : i32
        %sub3A = arith.constant 1 : i32
        %sub3A_161 = arith.subi %add3A_160, %sub3A : i32
        %rem3A_162 = arith.constant 16 : i32
        %rem3A_163 = arith.remsi %sub3A_161, %rem3A_162 : i32
        %dma_wait3A_164 = arith.constant 0 : i32
        %dma_wait3A_165 = tpu.memref_slice %arg8[%rem3A_163, %dma_wait3A_164] : memref<16x128xi32, #tpu.memory_space<vmem>> -> memref<1x128xi32, #tpu.memory_space<vmem>>
        %dma_wait3A_166 = tpu.memref_squeeze %dma_wait3A_165 : memref<1x128xi32, #tpu.memory_space<vmem>> -> memref<128xi32, #tpu.memory_space<vmem>>
        %dma_wait3A_167 = arith.constant 0 : i32
        %dma_wait3A_168 = arith.constant 0 : i32
        %dma_wait3A_169 = tpu.memref_slice %arg12[%dma_wait3A_167, %dma_wait3A_168] : memref<10240x128xf32, #tpu.memory_space<vmem_shared>> -> memref<10240x128xf32, #tpu.memory_space<vmem_shared>>
        tpu.wait_indirect_dma semaphore(%arg16 : memref<!tpu.dma_semaphore, #tpu.memory_space<semaphore_mem>>) src(%arg11 : memref<128x128xf32, #tpu.memory_space<vmem>>) dst(%dma_wait3A_169 : memref<10240x128xf32, #tpu.memory_space<vmem_shared>>)
      } else {
      }
      %add3A_70 = arith.constant 1 : i32
      %add3A_71 = arith.addi %add3A_55, %add3A_70 : i32
      %lt3A = arith.constant 96 : i32
      %lt3A_72 = arith.cmpi slt, %add3A_71, %lt3A : i32
      %ne3A_73 = arith.constant 0 : i32
      %ne3A_74 = arith.cmpi ne, %rem3A_60, %ne3A_73 : i32
      %and3A_75 = arith.andi %lt3A_72, %ne3A_74 : i1
      %convert_element_type3A_76 = arith.extui %and3A_75 : i1 to i32
      %cond3A_77 = arith.constant 0 : i32
      %cond3A_78 = arith.cmpi ne, %convert_element_type3A_76, %cond3A_77 : i32
      scf.if %cond3A_78 {
        %dma_start3A_159 = arith.constant 0 : i32
        %dma_start3A_160 = tpu.memref_slice %arg7[%rem3A_60, %dma_start3A_159] : memref<16x128xi32, #tpu.memory_space<vmem>> -> memref<1x128xi32, #tpu.memory_space<vmem>>
        %dma_start3A_161 = tpu.memref_squeeze %dma_start3A_160 : memref<1x128xi32, #tpu.memory_space<vmem>> -> memref<128xi32, #tpu.memory_space<vmem>>
        %dma_start3A_162 = arith.constant 0 : i32
        %dma_start3A_163 = arith.constant 0 : i32
        %dma_start3A_164 = tpu.memref_slice %arg2[%dma_start3A_162, %dma_start3A_163] : memref<10000x128xf32, #tpu.memory_space<hbm>> -> memref<10000x128xf32, #tpu.memory_space<hbm>>
        tpu.enqueue_indirect_dma source(%dma_start3A_164 : memref<10000x128xf32, #tpu.memory_space<hbm>>) target(%arg11 : memref<128x128xf32, #tpu.memory_space<vmem>>) offsets(%dma_start3A_161 : memref<128xi32, #tpu.memory_space<vmem>>) semaphore(%arg14 : memref<!tpu.dma_semaphore, #tpu.memory_space<semaphore_mem>>)
      } else {
      }
      %scan3A_79 = arith.constant 0 : i32
      %scan3A_80 = arith.constant 0 : i32
      %scan3A_81 = arith.constant 8 : i32
      %scan3A_82 = arith.addi %scan3A_80, %scan3A_81 : i32
      %scan3A_83 = arith.constant 1 : i32
      %scan3A_84 = scf.for %scan3A_159 = %scan3A_80 to %scan3A_82 step %scan3A_83 iter_args(%scan3A_160 = %scan3A_79) -> (i32)  : i32 {
        %mul3A_161 = arith.constant 16 : i32
        %mul3A_162 = arith.muli %scan3A_159, %mul3A_161 : i32
        %get3A = arith.index_cast %rem3A_56 : i32 to index
        %get3A_163 = arith.index_cast %mul3A_162 : i32 to index
        %get3A_164 = tpu.vector_load %arg9[%get3A, %get3A_163] {strides = array<i32>} : memref<16x128xf32, #tpu.memory_space<vmem>>, vector<1x16xf32>,
        %get3A_165 = vector.shape_cast %get3A_164 : vector<1x16xf32> to vector<16xf32>
        %slice3A = vector.extract_strided_slice %get3A_165 {offsets = [0], sizes = [1], strides = [1]} : vector<16xf32> to vector<1xf32>
        %squeeze3A = vector.extract %slice3A[0] : f32 from vector<1xf32>
        %mul3A_166 = arith.constant 16 : i32
        %mul3A_167 = arith.muli %scan3A_159, %mul3A_166 : i32
        %add3A_168 = arith.constant 0 : i32
        %add3A_169 = arith.addi %mul3A_167, %add3A_168 : i32
        %get3A_170 = arith.index_cast %add3A_169 : i32 to index
        %get3A_171 = arith.constant 0 : index
        %get3A_172 = tpu.vector_load %arg10[%get3A_170, %get3A_171] {strides = array<i32>} : memref<128x128xf32, #tpu.memory_space<vmem>>, vector<1x16xf32>,
        %get3A_173 = vector.shape_cast %get3A_172 : vector<1x16xf32> to vector<16xf32>
        %mul3A_174 = vector.broadcast %squeeze3A : f32 to vector<16xf32>
        %mul3A_175 = arith.mulf %get3A_173, %mul3A_174 : vector<16xf32>
        %swap3A = arith.index_cast %add3A_169 : i32 to index
        %swap3A_176 = arith.constant 0 : index
        %swap3A_177 = tpu.vector_load %arg10[%swap3A, %swap3A_176] {strides = array<i32>} : memref<128x128xf32, #tpu.memory_space<vmem>>, vector<1x16xf32>,
        %swap3A_178 = vector.shape_cast %swap3A_177 : vector<1x16xf32> to vector<16xf32>
        %swap3A_179 = vector.shape_cast %mul3A_175 : vector<16xf32> to vector<1x16xf32>
        tpu.vector_store %arg10[%swap3A, %swap3A_176], %swap3A_179 {strides = array<i32>} : memref<128x128xf32, #tpu.memory_space<vmem>>, vector<1x16xf32>,
        %get3A_180 = arith.index_cast %add3A_169 : i32 to index
        %get3A_181 = arith.constant 16 : index
        %get3A_182 = tpu.vector_load %arg10[%get3A_180, %get3A_181] {strides = array<i32>} : memref<128x128xf32, #tpu.memory_space<vmem>>, vector<1x16xf32>,
        %get3A_183 = vector.shape_cast %get3A_182 : vector<1x16xf32> to vector<16xf32>
        %mul3A_184 = vector.broadcast %squeeze3A : f32 to vector<16xf32>
        %mul3A_185 = arith.mulf %get3A_183, %mul3A_184 : vector<16xf32>
        %swap3A_186 = arith.index_cast %add3A_169 : i32 to index
        %swap3A_187 = arith.constant 16 : index
        %swap3A_188 = tpu.vector_load %arg10[%swap3A_186, %swap3A_187] {strides = array<i32>} : memref<128x128xf32, #tpu.memory_space<vmem>>, vector<1x16xf32>,
        %swap3A_189 = vector.shape_cast %swap3A_188 : vector<1x16xf32> to vector<16xf32>
        %swap3A_190 = vector.shape_cast %mul3A_185 : vector<16xf32> to vector<1x16xf32>
        tpu.vector_store %arg10[%swap3A_186, %swap3A_187], %swap3A_190 {strides = array<i32>} : memref<128x128xf32, #tpu.memory_space<vmem>>, vector<1x16xf32>,
        %get3A_191 = arith.index_cast %add3A_169 : i32 to index
        %get3A_192 = arith.constant 32 : index
        %get3A_193 = tpu.vector_load %arg10[%get3A_191, %get3A_192] {strides = array<i32>} : memref<128x128xf32, #tpu.memory_space<vmem>>, vector<1x16xf32>,
        %get3A_194 = vector.shape_cast %get3A_193 : vector<1x16xf32> to vector<16xf32>
        %mul3A_195 = vector.broadcast %squeeze3A : f32 to vector<16xf32>
        %mul3A_196 = arith.mulf %get3A_194, %mul3A_195 : vector<16xf32>
        %swap3A_197 = arith.index_cast %add3A_169 : i32 to index
        %swap3A_198 = arith.constant 32 : index
        %swap3A_199 = tpu.vector_load %arg10[%swap3A_197, %swap3A_198] {strides = array<i32>} : memref<128x128xf32, #tpu.memory_space<vmem>>, vector<1x16xf32>,
        %swap3A_200 = vector.shape_cast %swap3A_199 : vector<1x16xf32> to vector<16xf32>
        %swap3A_201 = vector.shape_cast %mul3A_196 : vector<16xf32> to vector<1x16xf32>
        tpu.vector_store %arg10[%swap3A_197, %swap3A_198], %swap3A_201 {strides = array<i32>} : memref<128x128xf32, #tpu.memory_space<vmem>>, vector<1x16xf32>,
        %get3A_202 = arith.index_cast %add3A_169 : i32 to index
        %get3A_203 = arith.constant 48 : index
        %get3A_204 = tpu.vector_load %arg10[%get3A_202, %get3A_203] {strides = array<i32>} : memref<128x128xf32, #tpu.memory_space<vmem>>, vector<1x16xf32>,
        %get3A_205 = vector.shape_cast %get3A_204 : vector<1x16xf32> to vector<16xf32>
        %mul3A_206 = vector.broadcast %squeeze3A : f32 to vector<16xf32>
        %mul3A_207 = arith.mulf %get3A_205, %mul3A_206 : vector<16xf32>
        %swap3A_208 = arith.index_cast %add3A_169 : i32 to index
        %swap3A_209 = arith.constant 48 : index
        %swap3A_210 = tpu.vector_load %arg10[%swap3A_208, %swap3A_209] {strides = array<i32>} : memref<128x128xf32, #tpu.memory_space<vmem>>, vector<1x16xf32>,
        %swap3A_211 = vector.shape_cast %swap3A_210 : vector<1x16xf32> to vector<16xf32>
        %swap3A_212 = vector.shape_cast %mul3A_207 : vector<16xf32> to vector<1x16xf32>
        tpu.vector_store %arg10[%swap3A_208, %swap3A_209], %swap3A_212 {strides = array<i32>} : memref<128x128xf32, #tpu.memory_space<vmem>>, vector<1x16xf32>,
        %get3A_213 = arith.index_cast %add3A_169 : i32 to index
        %get3A_214 = arith.constant 64 : index
        %get3A_215 = tpu.vector_load %arg10[%get3A_213, %get3A_214] {strides = array<i32>} : memref<128x128xf32, #tpu.memory_space<vmem>>, vector<1x16xf32>,
        %get3A_216 = vector.shape_cast %get3A_215 : vector<1x16xf32> to vector<16xf32>
        %mul3A_217 = vector.broadcast %squeeze3A : f32 to vector<16xf32>
        %mul3A_218 = arith.mulf %get3A_216, %mul3A_217 : vector<16xf32>
        %swap3A_219 = arith.index_cast %add3A_169 : i32 to index
        %swap3A_220 = arith.constant 64 : index
        %swap3A_221 = tpu.vector_load %arg10[%swap3A_219, %swap3A_220] {strides = array<i32>} : memref<128x128xf32, #tpu.memory_space<vmem>>, vector<1x16xf32>,
        %swap3A_222 = vector.shape_cast %swap3A_221 : vector<1x16xf32> to vector<16xf32>
        %swap3A_223 = vector.shape_cast %mul3A_218 : vector<16xf32> to vector<1x16xf32>
        tpu.vector_store %arg10[%swap3A_219, %swap3A_220], %swap3A_223 {strides = array<i32>} : memref<128x128xf32, #tpu.memory_space<vmem>>, vector<1x16xf32>,
        %get3A_224 = arith.index_cast %add3A_169 : i32 to index
        %get3A_225 = arith.constant 80 : index
        %get3A_226 = tpu.vector_load %arg10[%get3A_224, %get3A_225] {strides = array<i32>} : memref<128x128xf32, #tpu.memory_space<vmem>>, vector<1x16xf32>,
        %get3A_227 = vector.shape_cast %get3A_226 : vector<1x16xf32> to vector<16xf32>
        %mul3A_228 = vector.broadcast %squeeze3A : f32 to vector<16xf32>
        %mul3A_229 = arith.mulf %get3A_227, %mul3A_228 : vector<16xf32>
        %swap3A_230 = arith.index_cast %add3A_169 : i32 to index
        %swap3A_231 = arith.constant 80 : index
        %swap3A_232 = tpu.vector_load %arg10[%swap3A_230, %swap3A_231] {strides = array<i32>} : memref<128x128xf32, #tpu.memory_space<vmem>>, vector<1x16xf32>,
        %swap3A_233 = vector.shape_cast %swap3A_232 : vector<1x16xf32> to vector<16xf32>
        %swap3A_234 = vector.shape_cast %mul3A_229 : vector<16xf32> to vector<1x16xf32>
        tpu.vector_store %arg10[%swap3A_230, %swap3A_231], %swap3A_234 {strides = array<i32>} : memref<128x128xf32, #tpu.memory_space<vmem>>, vector<1x16xf32>,
        %get3A_235 = arith.index_cast %add3A_169 : i32 to index
        %get3A_236 = arith.constant 96 : index
        %get3A_237 = tpu.vector_load %arg10[%get3A_235, %get3A_236] {strides = array<i32>} : memref<128x128xf32, #tpu.memory_space<vmem>>, vector<1x16xf32>,
        %get3A_238 = vector.shape_cast %get3A_237 : vector<1x16xf32> to vector<16xf32>
        %mul3A_239 = vector.broadcast %squeeze3A : f32 to vector<16xf32>
        %mul3A_240 = arith.mulf %get3A_238, %mul3A_239 : vector<16xf32>
        %swap3A_241 = arith.index_cast %add3A_169 : i32 to index
        %swap3A_242 = arith.constant 96 : index
        %swap3A_243 = tpu.vector_load %arg10[%swap3A_241, %swap3A_242] {strides = array<i32>} : memref<128x128xf32, #tpu.memory_space<vmem>>, vector<1x16xf32>,
        %swap3A_244 = vector.shape_cast %swap3A_243 : vector<1x16xf32> to vector<16xf32>
        %swap3A_245 = vector.shape_cast %mul3A_240 : vector<16xf32> to vector<1x16xf32>
        tpu.vector_store %arg10[%swap3A_241, %swap3A_242], %swap3A_245 {strides = array<i32>} : memref<128x128xf32, #tpu.memory_space<vmem>>, vector<1x16xf32>,
        %get3A_246 = arith.index_cast %add3A_169 : i32 to index
        %get3A_247 = arith.constant 112 : index
        %get3A_248 = tpu.vector_load %arg10[%get3A_246, %get3A_247] {strides = array<i32>} : memref<128x128xf32, #tpu.memory_space<vmem>>, vector<1x16xf32>,
        %get3A_249 = vector.shape_cast %get3A_248 : vector<1x16xf32> to vector<16xf32>
        %mul3A_250 = vector.broadcast %squeeze3A : f32 to vector<16xf32>
        %mul3A_251 = arith.mulf %get3A_249, %mul3A_250 : vector<16xf32>
        %swap3A_252 = arith.index_cast %add3A_169 : i32 to index
        %swap3A_253 = arith.constant 112 : index
        %swap3A_254 = tpu.vector_load %arg10[%swap3A_252, %swap3A_253] {strides = array<i32>} : memref<128x128xf32, #tpu.memory_space<vmem>>, vector<1x16xf32>,
        %swap3A_255 = vector.shape_cast %swap3A_254 : vector<1x16xf32> to vector<16xf32>
        %swap3A_256 = vector.shape_cast %mul3A_251 : vector<16xf32> to vector<1x16xf32>
        tpu.vector_store %arg10[%swap3A_252, %swap3A_253], %swap3A_256 {strides = array<i32>} : memref<128x128xf32, #tpu.memory_space<vmem>>, vector<1x16xf32>,
        %slice3A_257 = vector.extract_strided_slice %get3A_165 {offsets = [1], sizes = [1], strides = [1]} : vector<16xf32> to vector<1xf32>
        %squeeze3A_258 = vector.extract %slice3A_257[0] : f32 from vector<1xf32>
        %mul3A_259 = arith.constant 16 : i32
        %mul3A_260 = arith.muli %scan3A_159, %mul3A_259 : i32
        %add3A_261 = arith.constant 1 : i32
        %add3A_262 = arith.addi %mul3A_260, %add3A_261 : i32
        %get3A_263 = arith.index_cast %add3A_262 : i32 to index
        %get3A_264 = arith.constant 0 : index
        %get3A_265 = tpu.vector_load %arg10[%get3A_263, %get3A_264] {strides = array<i32>} : memref<128x128xf32, #tpu.memory_space<vmem>>, vector<1x16xf32>,
        %get3A_266 = vector.shape_cast %get3A_265 : vector<1x16xf32> to vector<16xf32>
        %mul3A_267 = vector.broadcast %squeeze3A_258 : f32 to vector<16xf32>
        %mul3A_268 = arith.mulf %get3A_266, %mul3A_267 : vector<16xf32>
        %swap3A_269 = arith.index_cast %add3A_262 : i32 to index
        %swap3A_270 = arith.constant 0 : index
        %swap3A_271 = tpu.vector_load %arg10[%swap3A_269, %swap3A_270] {strides = array<i32>} : memref<128x128xf32, #tpu.memory_space<vmem>>, vector<1x16xf32>,
        %swap3A_272 = vector.shape_cast %swap3A_271 : vector<1x16xf32> to vector<16xf32>
        %swap3A_273 = vector.shape_cast %mul3A_268 : vector<16xf32> to vector<1x16xf32>
        tpu.vector_store %arg10[%swap3A_269, %swap3A_270], %swap3A_273 {strides = array<i32>} : memref<128x128xf32, #tpu.memory_space<vmem>>, vector<1x16xf32>,
        %get3A_274 = arith.index_cast %add3A_262 : i32 to index
        %get3A_275 = arith.constant 16 : index
        %get3A_276 = tpu.vector_load %arg10[%get3A_274, %get3A_275] {strides = array<i32>} : memref<128x128xf32, #tpu.memory_space<vmem>>, vector<1x16xf32>,
        %get3A_277 = vector.shape_cast %get3A_276 : vector<1x16xf32> to vector<16xf32>
        %mul3A_278 = vector.broadcast %squeeze3A_258 : f32 to vector<16xf32>
        %mul3A_279 = arith.mulf %get3A_277, %mul3A_278 : vector<16xf32>
        %swap3A_280 = arith.index_cast %add3A_262 : i32 to index
        %swap3A_281 = arith.constant 16 : index
        %swap3A_282 = tpu.vector_load %arg10[%swap3A_280, %swap3A_281] {strides = array<i32>} : memref<128x128xf32, #tpu.memory_space<vmem>>, vector<1x16xf32>,
        %swap3A_283 = vector.shape_cast %swap3A_282 : vector<1x16xf32> to vector<16xf32>
        %swap3A_284 = vector.shape_cast %mul3A_279 : vector<16xf32> to vector<1x16xf32>
        tpu.vector_store %arg10[%swap3A_280, %swap3A_281], %swap3A_284 {strides = array<i32>} : memref<128x128xf32, #tpu.memory_space<vmem>>, vector<1x16xf32>,
        %get3A_285 = arith.index_cast %add3A_262 : i32 to index
        %get3A_286 = arith.constant 32 : index
        %get3A_287 = tpu.vector_load %arg10[%get3A_285, %get3A_286] {strides = array<i32>} : memref<128x128xf32, #tpu.memory_space<vmem>>, vector<1x16xf32>,
        %get3A_288 = vector.shape_cast %get3A_287 : vector<1x16xf32> to vector<16xf32>
        %mul3A_289 = vector.broadcast %squeeze3A_258 : f32 to vector<16xf32>
        %mul3A_290 = arith.mulf %get3A_288, %mul3A_289 : vector<16xf32>
        %swap3A_291 = arith.index_cast %add3A_262 : i32 to index
        %swap3A_292 = arith.constant 32 : index
        %swap3A_293 = tpu.vector_load %arg10[%swap3A_291, %swap3A_292] {strides = array<i32>} : memref<128x128xf32, #tpu.memory_space<vmem>>, vector<1x16xf32>,
        %swap3A_294 = vector.shape_cast %swap3A_293 : vector<1x16xf32> to vector<16xf32>
        %swap3A_295 = vector.shape_cast %mul3A_290 : vector<16xf32> to vector<1x16xf32>
        tpu.vector_store %arg10[%swap3A_291, %swap3A_292], %swap3A_295 {strides = array<i32>} : memref<128x128xf32, #tpu.memory_space<vmem>>, vector<1x16xf32>,
        %get3A_296 = arith.index_cast %add3A_262 : i32 to index
        %get3A_297 = arith.constant 48 : index
        %get3A_298 = tpu.vector_load %arg10[%get3A_296, %get3A_297] {strides = array<i32>} : memref<128x128xf32, #tpu.memory_space<vmem>>, vector<1x16xf32>,
        %get3A_299 = vector.shape_cast %get3A_298 : vector<1x16xf32> to vector<16xf32>
        %mul3A_300 = vector.broadcast %squeeze3A_258 : f32 to vector<16xf32>
        %mul3A_301 = arith.mulf %get3A_299, %mul3A_300 : vector<16xf32>
        %swap3A_302 = arith.index_cast %add3A_262 : i32 to index
        %swap3A_303 = arith.constant 48 : index
        %swap3A_304 = tpu.vector_load %arg10[%swap3A_302, %swap3A_303] {strides = array<i32>} : memref<128x128xf32, #tpu.memory_space<vmem>>, vector<1x16xf32>,
        %swap3A_305 = vector.shape_cast %swap3A_304 : vector<1x16xf32> to vector<16xf32>
        %swap3A_306 = vector.shape_cast %mul3A_301 : vector<16xf32> to vector<1x16xf32>
        tpu.vector_store %arg10[%swap3A_302, %swap3A_303], %swap3A_306 {strides = array<i32>} : memref<128x128xf32, #tpu.memory_space<vmem>>, vector<1x16xf32>,
        %get3A_307 = arith.index_cast %add3A_262 : i32 to index
        %get3A_308 = arith.constant 64 : index
        %get3A_309 = tpu.vector_load %arg10[%get3A_307, %get3A_308] {strides = array<i32>} : memref<128x128xf32, #tpu.memory_space<vmem>>, vector<1x16xf32>,
        %get3A_310 = vector.shape_cast %get3A_309 : vector<1x16xf32> to vector<16xf32>
        %mul3A_311 = vector.broadcast %squeeze3A_258 : f32 to vector<16xf32>
        %mul3A_312 = arith.mulf %get3A_310, %mul3A_311 : vector<16xf32>
        %swap3A_313 = arith.index_cast %add3A_262 : i32 to index
        %swap3A_314 = arith.constant 64 : index
        %swap3A_315 = tpu.vector_load %arg10[%swap3A_313, %swap3A_314] {strides = array<i32>} : memref<128x128xf32, #tpu.memory_space<vmem>>, vector<1x16xf32>,
        %swap3A_316 = vector.shape_cast %swap3A_315 : vector<1x16xf32> to vector<16xf32>
        %swap3A_317 = vector.shape_cast %mul3A_312 : vector<16xf32> to vector<1x16xf32>
        tpu.vector_store %arg10[%swap3A_313, %swap3A_314], %swap3A_317 {strides = array<i32>} : memref<128x128xf32, #tpu.memory_space<vmem>>, vector<1x16xf32>,
        %get3A_318 = arith.index_cast %add3A_262 : i32 to index
        %get3A_319 = arith.constant 80 : index
        %get3A_320 = tpu.vector_load %arg10[%get3A_318, %get3A_319] {strides = array<i32>} : memref<128x128xf32, #tpu.memory_space<vmem>>, vector<1x16xf32>,
        %get3A_321 = vector.shape_cast %get3A_320 : vector<1x16xf32> to vector<16xf32>
        %mul3A_322 = vector.broadcast %squeeze3A_258 : f32 to vector<16xf32>
        %mul3A_323 = arith.mulf %get3A_321, %mul3A_322 : vector<16xf32>
        %swap3A_324 = arith.index_cast %add3A_262 : i32 to index
        %swap3A_325 = arith.constant 80 : index
        %swap3A_326 = tpu.vector_load %arg10[%swap3A_324, %swap3A_325] {strides = array<i32>} : memref<128x128xf32, #tpu.memory_space<vmem>>, vector<1x16xf32>,
        %swap3A_327 = vector.shape_cast %swap3A_326 : vector<1x16xf32> to vector<16xf32>
        %swap3A_328 = vector.shape_cast %mul3A_323 : vector<16xf32> to vector<1x16xf32>
        tpu.vector_store %arg10[%swap3A_324, %swap3A_325], %swap3A_328 {strides = array<i32>} : memref<128x128xf32, #tpu.memory_space<vmem>>, vector<1x16xf32>,
        %get3A_329 = arith.index_cast %add3A_262 : i32 to index
        %get3A_330 = arith.constant 96 : index
        %get3A_331 = tpu.vector_load %arg10[%get3A_329, %get3A_330] {strides = array<i32>} : memref<128x128xf32, #tpu.memory_space<vmem>>, vector<1x16xf32>,
        %get3A_332 = vector.shape_cast %get3A_331 : vector<1x16xf32> to vector<16xf32>
        %mul3A_333 = vector.broadcast %squeeze3A_258 : f32 to vector<16xf32>
        %mul3A_334 = arith.mulf %get3A_332, %mul3A_333 : vector<16xf32>
        %swap3A_335 = arith.index_cast %add3A_262 : i32 to index
        %swap3A_336 = arith.constant 96 : index
        %swap3A_337 = tpu.vector_load %arg10[%swap3A_335, %swap3A_336] {strides = array<i32>} : memref<128x128xf32, #tpu.memory_space<vmem>>, vector<1x16xf32>,
        %swap3A_338 = vector.shape_cast %swap3A_337 : vector<1x16xf32> to vector<16xf32>
        %swap3A_339 = vector.shape_cast %mul3A_334 : vector<16xf32> to vector<1x16xf32>
        tpu.vector_store %arg10[%swap3A_335, %swap3A_336], %swap3A_339 {strides = array<i32>} : memref<128x128xf32, #tpu.memory_space<vmem>>, vector<1x16xf32>,
        %get3A_340 = arith.index_cast %add3A_262 : i32 to index
        %get3A_341 = arith.constant 112 : index
        %get3A_342 = tpu.vector_load %arg10[%get3A_340, %get3A_341] {strides = array<i32>} : memref<128x128xf32, #tpu.memory_space<vmem>>, vector<1x16xf32>,
        %get3A_343 = vector.shape_cast %get3A_342 : vector<1x16xf32> to vector<16xf32>
        %mul3A_344 = vector.broadcast %squeeze3A_258 : f32 to vector<16xf32>
        %mul3A_345 = arith.mulf %get3A_343, %mul3A_344 : vector<16xf32>
        %swap3A_346 = arith.index_cast %add3A_262 : i32 to index
        %swap3A_347 = arith.constant 112 : index
        %swap3A_348 = tpu.vector_load %arg10[%swap3A_346, %swap3A_347] {strides = array<i32>} : memref<128x128xf32, #tpu.memory_space<vmem>>, vector<1x16xf32>,
        %swap3A_349 = vector.shape_cast %swap3A_348 : vector<1x16xf32> to vector<16xf32>
        %swap3A_350 = vector.shape_cast %mul3A_345 : vector<16xf32> to vector<1x16xf32>
        tpu.vector_store %arg10[%swap3A_346, %swap3A_347], %swap3A_350 {strides = array<i32>} : memref<128x128xf32, #tpu.memory_space<vmem>>, vector<1x16xf32>,
        %slice3A_351 = vector.extract_strided_slice %get3A_165 {offsets = [2], sizes = [1], strides = [1]} : vector<16xf32> to vector<1xf32>
        %squeeze3A_352 = vector.extract %slice3A_351[0] : f32 from vector<1xf32>
        %mul3A_353 = arith.constant 16 : i32
        %mul3A_354 = arith.muli %scan3A_159, %mul3A_353 : i32
        %add3A_355 = arith.constant 2 : i32
        %add3A_356 = arith.addi %mul3A_354, %add3A_355 : i32
        %get3A_357 = arith.index_cast %add3A_356 : i32 to index
        %get3A_358 = arith.constant 0 : index
        %get3A_359 = tpu.vector_load %arg10[%get3A_357, %get3A_358] {strides = array<i32>} : memref<128x128xf32, #tpu.memory_space<vmem>>, vector<1x16xf32>,
        %get3A_360 = vector.shape_cast %get3A_359 : vector<1x16xf32> to vector<16xf32>
        %mul3A_361 = vector.broadcast %squeeze3A_352 : f32 to vector<16xf32>
        %mul3A_362 = arith.mulf %get3A_360, %mul3A_361 : vector<16xf32>
        %swap3A_363 = arith.index_cast %add3A_356 : i32 to index
        %swap3A_364 = arith.constant 0 : index
        %swap3A_365 = tpu.vector_load %arg10[%swap3A_363, %swap3A_364] {strides = array<i32>} : memref<128x128xf32, #tpu.memory_space<vmem>>, vector<1x16xf32>,
        %swap3A_366 = vector.shape_cast %swap3A_365 : vector<1x16xf32> to vector<16xf32>
        %swap3A_367 = vector.shape_cast %mul3A_362 : vector<16xf32> to vector<1x16xf32>
        tpu.vector_store %arg10[%swap3A_363, %swap3A_364], %swap3A_367 {strides = array<i32>} : memref<128x128xf32, #tpu.memory_space<vmem>>, vector<1x16xf32>,
        %get3A_368 = arith.index_cast %add3A_356 : i32 to index
        %get3A_369 = arith.constant 16 : index
        %get3A_370 = tpu.vector_load %arg10[%get3A_368, %get3A_369] {strides = array<i32>} : memref<128x128xf32, #tpu.memory_space<vmem>>, vector<1x16xf32>,
        %get3A_371 = vector.shape_cast %get3A_370 : vector<1x16xf32> to vector<16xf32>
        %mul3A_372 = vector.broadcast %squeeze3A_352 : f32 to vector<16xf32>
        %mul3A_373 = arith.mulf %get3A_371, %mul3A_372 : vector<16xf32>
        %swap3A_374 = arith.index_cast %add3A_356 : i32 to index
        %swap3A_375 = arith.constant 16 : index
        %swap3A_376 = tpu.vector_load %arg10[%swap3A_374, %swap3A_375] {strides = array<i32>} : memref<128x128xf32, #tpu.memory_space<vmem>>, vector<1x16xf32>,
        %swap3A_377 = vector.shape_cast %swap3A_376 : vector<1x16xf32> to vector<16xf32>
        %swap3A_378 = vector.shape_cast %mul3A_373 : vector<16xf32> to vector<1x16xf32>
        tpu.vector_store %arg10[%swap3A_374, %swap3A_375], %swap3A_378 {strides = array<i32>} : memref<128x128xf32, #tpu.memory_space<vmem>>, vector<1x16xf32>,
        %get3A_379 = arith.index_cast %add3A_356 : i32 to index
        %get3A_380 = arith.constant 32 : index
        %get3A_381 = tpu.vector_load %arg10[%get3A_379, %get3A_380] {strides = array<i32>} : memref<128x128xf32, #tpu.memory_space<vmem>>, vector<1x16xf32>,
        %get3A_382 = vector.shape_cast %get3A_381 : vector<1x16xf32> to vector<16xf32>
        %mul3A_383 = vector.broadcast %squeeze3A_352 : f32 to vector<16xf32>
        %mul3A_384 = arith.mulf %get3A_382, %mul3A_383 : vector<16xf32>
        %swap3A_385 = arith.index_cast %add3A_356 : i32 to index
        %swap3A_386 = arith.constant 32 : index
        %swap3A_387 = tpu.vector_load %arg10[%swap3A_385, %swap3A_386] {strides = array<i32>} : memref<128x128xf32, #tpu.memory_space<vmem>>, vector<1x16xf32>,
        %swap3A_388 = vector.shape_cast %swap3A_387 : vector<1x16xf32> to vector<16xf32>
        %swap3A_389 = vector.shape_cast %mul3A_384 : vector<16xf32> to vector<1x16xf32>
        tpu.vector_store %arg10[%swap3A_385, %swap3A_386], %swap3A_389 {strides = array<i32>} : memref<128x128xf32, #tpu.memory_space<vmem>>, vector<1x16xf32>,
        %get3A_390 = arith.index_cast %add3A_356 : i32 to index
        %get3A_391 = arith.constant 48 : index
        %get3A_392 = tpu.vector_load %arg10[%get3A_390, %get3A_391] {strides = array<i32>} : memref<128x128xf32, #tpu.memory_space<vmem>>, vector<1x16xf32>,
        %get3A_393 = vector.shape_cast %get3A_392 : vector<1x16xf32> to vector<16xf32>
        %mul3A_394 = vector.broadcast %squeeze3A_352 : f32 to vector<16xf32>
        %mul3A_395 = arith.mulf %get3A_393, %mul3A_394 : vector<16xf32>
        %swap3A_396 = arith.index_cast %add3A_356 : i32 to index
        %swap3A_397 = arith.constant 48 : index
        %swap3A_398 = tpu.vector_load %arg10[%swap3A_396, %swap3A_397] {strides = array<i32>} : memref<128x128xf32, #tpu.memory_space<vmem>>, vector<1x16xf32>,
        %swap3A_399 = vector.shape_cast %swap3A_398 : vector<1x16xf32> to vector<16xf32>
        %swap3A_400 = vector.shape_cast %mul3A_395 : vector<16xf32> to vector<1x16xf32>
        tpu.vector_store %arg10[%swap3A_396, %swap3A_397], %swap3A_400 {strides = array<i32>} : memref<128x128xf32, #tpu.memory_space<vmem>>, vector<1x16xf32>,
        %get3A_401 = arith.index_cast %add3A_356 : i32 to index
        %get3A_402 = arith.constant 64 : index
        %get3A_403 = tpu.vector_load %arg10[%get3A_401, %get3A_402] {strides = array<i32>} : memref<128x128xf32, #tpu.memory_space<vmem>>, vector<1x16xf32>,
        %get3A_404 = vector.shape_cast %get3A_403 : vector<1x16xf32> to vector<16xf32>
        %mul3A_405 = vector.broadcast %squeeze3A_352 : f32 to vector<16xf32>
        %mul3A_406 = arith.mulf %get3A_404, %mul3A_405 : vector<16xf32>
        %swap3A_407 = arith.index_cast %add3A_356 : i32 to index
        %swap3A_408 = arith.constant 64 : index
        %swap3A_409 = tpu.vector_load %arg10[%swap3A_407, %swap3A_408] {strides = array<i32>} : memref<128x128xf32, #tpu.memory_space<vmem>>, vector<1x16xf32>,
        %swap3A_410 = vector.shape_cast %swap3A_409 : vector<1x16xf32> to vector<16xf32>
        %swap3A_411 = vector.shape_cast %mul3A_406 : vector<16xf32> to vector<1x16xf32>
        tpu.vector_store %arg10[%swap3A_407, %swap3A_408], %swap3A_411 {strides = array<i32>} : memref<128x128xf32, #tpu.memory_space<vmem>>, vector<1x16xf32>,
        %get3A_412 = arith.index_cast %add3A_356 : i32 to index
        %get3A_413 = arith.constant 80 : index
        %get3A_414 = tpu.vector_load %arg10[%get3A_412, %get3A_413] {strides = array<i32>} : memref<128x128xf32, #tpu.memory_space<vmem>>, vector<1x16xf32>,
        %get3A_415 = vector.shape_cast %get3A_414 : vector<1x16xf32> to vector<16xf32>
        %mul3A_416 = vector.broadcast %squeeze3A_352 : f32 to vector<16xf32>
        %mul3A_417 = arith.mulf %get3A_415, %mul3A_416 : vector<16xf32>
        %swap3A_418 = arith.index_cast %add3A_356 : i32 to index
        %swap3A_419 = arith.constant 80 : index
        %swap3A_420 = tpu.vector_load %arg10[%swap3A_418, %swap3A_419] {strides = array<i32>} : memref<128x128xf32, #tpu.memory_space<vmem>>, vector<1x16xf32>,
        %swap3A_421 = vector.shape_cast %swap3A_420 : vector<1x16xf32> to vector<16xf32>
        %swap3A_422 = vector.shape_cast %mul3A_417 : vector<16xf32> to vector<1x16xf32>
        tpu.vector_store %arg10[%swap3A_418, %swap3A_419], %swap3A_422 {strides = array<i32>} : memref<128x128xf32, #tpu.memory_space<vmem>>, vector<1x16xf32>,
        %get3A_423 = arith.index_cast %add3A_356 : i32 to index
        %get3A_424 = arith.constant 96 : index
        %get3A_425 = tpu.vector_load %arg10[%get3A_423, %get3A_424] {strides = array<i32>} : memref<128x128xf32, #tpu.memory_space<vmem>>, vector<1x16xf32>,
        %get3A_426 = vector.shape_cast %get3A_425 : vector<1x16xf32> to vector<16xf32>
        %mul3A_427 = vector.broadcast %squeeze3A_352 : f32 to vector<16xf32>
        %mul3A_428 = arith.mulf %get3A_426, %mul3A_427 : vector<16xf32>
        %swap3A_429 = arith.index_cast %add3A_356 : i32 to index
        %swap3A_430 = arith.constant 96 : index
        %swap3A_431 = tpu.vector_load %arg10[%swap3A_429, %swap3A_430] {strides = array<i32>} : memref<128x128xf32, #tpu.memory_space<vmem>>, vector<1x16xf32>,
        %swap3A_432 = vector.shape_cast %swap3A_431 : vector<1x16xf32> to vector<16xf32>
        %swap3A_433 = vector.shape_cast %mul3A_428 : vector<16xf32> to vector<1x16xf32>
        tpu.vector_store %arg10[%swap3A_429, %swap3A_430], %swap3A_433 {strides = array<i32>} : memref<128x128xf32, #tpu.memory_space<vmem>>, vector<1x16xf32>,
        %get3A_434 = arith.index_cast %add3A_356 : i32 to index
        %get3A_435 = arith.constant 112 : index
        %get3A_436 = tpu.vector_load %arg10[%get3A_434, %get3A_435] {strides = array<i32>} : memref<128x128xf32, #tpu.memory_space<vmem>>, vector<1x16xf32>,
        %get3A_437 = vector.shape_cast %get3A_436 : vector<1x16xf32> to vector<16xf32>
        %mul3A_438 = vector.broadcast %squeeze3A_352 : f32 to vector<16xf32>
        %mul3A_439 = arith.mulf %get3A_437, %mul3A_438 : vector<16xf32>
        %swap3A_440 = arith.index_cast %add3A_356 : i32 to index
        %swap3A_441 = arith.constant 112 : index
        %swap3A_442 = tpu.vector_load %arg10[%swap3A_440, %swap3A_441] {strides = array<i32>} : memref<128x128xf32, #tpu.memory_space<vmem>>, vector<1x16xf32>,
        %swap3A_443 = vector.shape_cast %swap3A_442 : vector<1x16xf32> to vector<16xf32>
        %swap3A_444 = vector.shape_cast %mul3A_439 : vector<16xf32> to vector<1x16xf32>
        tpu.vector_store %arg10[%swap3A_440, %swap3A_441], %swap3A_444 {strides = array<i32>} : memref<128x128xf32, #tpu.memory_space<vmem>>, vector<1x16xf32>,
        %slice3A_445 = vector.extract_strided_slice %get3A_165 {offsets = [3], sizes = [1], strides = [1]} : vector<16xf32> to vector<1xf32>
        %squeeze3A_446 = vector.extract %slice3A_445[0] : f32 from vector<1xf32>
        %mul3A_447 = arith.constant 16 : i32
        %mul3A_448 = arith.muli %scan3A_159, %mul3A_447 : i32
        %add3A_449 = arith.constant 3 : i32
        %add3A_450 = arith.addi %mul3A_448, %add3A_449 : i32
        %get3A_451 = arith.index_cast %add3A_450 : i32 to index
        %get3A_452 = arith.constant 0 : index
        %get3A_453 = tpu.vector_load %arg10[%get3A_451, %get3A_452] {strides = array<i32>} : memref<128x128xf32, #tpu.memory_space<vmem>>, vector<1x16xf32>,
        %get3A_454 = vector.shape_cast %get3A_453 : vector<1x16xf32> to vector<16xf32>
        %mul3A_455 = vector.broadcast %squeeze3A_446 : f32 to vector<16xf32>
        %mul3A_456 = arith.mulf %get3A_454, %mul3A_455 : vector<16xf32>
        %swap3A_457 = arith.index_cast %add3A_450 : i32 to index
        %swap3A_458 = arith.constant 0 : index
        %swap3A_459 = tpu.vector_load %arg10[%swap3A_457, %swap3A_458] {strides = array<i32>} : memref<128x128xf32, #tpu.memory_space<vmem>>, vector<1x16xf32>,
        %swap3A_460 = vector.shape_cast %swap3A_459 : vector<1x16xf32> to vector<16xf32>
        %swap3A_461 = vector.shape_cast %mul3A_456 : vector<16xf32> to vector<1x16xf32>
        tpu.vector_store %arg10[%swap3A_457, %swap3A_458], %swap3A_461 {strides = array<i32>} : memref<128x128xf32, #tpu.memory_space<vmem>>, vector<1x16xf32>,
        %get3A_462 = arith.index_cast %add3A_450 : i32 to index
        %get3A_463 = arith.constant 16 : index
        %get3A_464 = tpu.vector_load %arg10[%get3A_462, %get3A_463] {strides = array<i32>} : memref<128x128xf32, #tpu.memory_space<vmem>>, vector<1x16xf32>,
        %get3A_465 = vector.shape_cast %get3A_464 : vector<1x16xf32> to vector<16xf32>
        %mul3A_466 = vector.broadcast %squeeze3A_446 : f32 to vector<16xf32>
        %mul3A_467 = arith.mulf %get3A_465, %mul3A_466 : vector<16xf32>
        %swap3A_468 = arith.index_cast %add3A_450 : i32 to index
        %swap3A_469 = arith.constant 16 : index
        %swap3A_470 = tpu.vector_load %arg10[%swap3A_468, %swap3A_469] {strides = array<i32>} : memref<128x128xf32, #tpu.memory_space<vmem>>, vector<1x16xf32>,
        %swap3A_471 = vector.shape_cast %swap3A_470 : vector<1x16xf32> to vector<16xf32>
        %swap3A_472 = vector.shape_cast %mul3A_467 : vector<16xf32> to vector<1x16xf32>
        tpu.vector_store %arg10[%swap3A_468, %swap3A_469], %swap3A_472 {strides = array<i32>} : memref<128x128xf32, #tpu.memory_space<vmem>>, vector<1x16xf32>,
        %get3A_473 = arith.index_cast %add3A_450 : i32 to index
        %get3A_474 = arith.constant 32 : index
        %get3A_475 = tpu.vector_load %arg10[%get3A_473, %get3A_474] {strides = array<i32>} : memref<128x128xf32, #tpu.memory_space<vmem>>, vector<1x16xf32>,
        %get3A_476 = vector.shape_cast %get3A_475 : vector<1x16xf32> to vector<16xf32>
        %mul3A_477 = vector.broadcast %squeeze3A_446 : f32 to vector<16xf32>
        %mul3A_478 = arith.mulf %get3A_476, %mul3A_477 : vector<16xf32>
        %swap3A_479 = arith.index_cast %add3A_450 : i32 to index
        %swap3A_480 = arith.constant 32 : index
        %swap3A_481 = tpu.vector_load %arg10[%swap3A_479, %swap3A_480] {strides = array<i32>} : memref<128x128xf32, #tpu.memory_space<vmem>>, vector<1x16xf32>,
        %swap3A_482 = vector.shape_cast %swap3A_481 : vector<1x16xf32> to vector<16xf32>
        %swap3A_483 = vector.shape_cast %mul3A_478 : vector<16xf32> to vector<1x16xf32>
        tpu.vector_store %arg10[%swap3A_479, %swap3A_480], %swap3A_483 {strides = array<i32>} : memref<128x128xf32, #tpu.memory_space<vmem>>, vector<1x16xf32>,
        %get3A_484 = arith.index_cast %add3A_450 : i32 to index
        %get3A_485 = arith.constant 48 : index
        %get3A_486 = tpu.vector_load %arg10[%get3A_484, %get3A_485] {strides = array<i32>} : memref<128x128xf32, #tpu.memory_space<vmem>>, vector<1x16xf32>,
        %get3A_487 = vector.shape_cast %get3A_486 : vector<1x16xf32> to vector<16xf32>
        %mul3A_488 = vector.broadcast %squeeze3A_446 : f32 to vector<16xf32>
        %mul3A_489 = arith.mulf %get3A_487, %mul3A_488 : vector<16xf32>
        %swap3A_490 = arith.index_cast %add3A_450 : i32 to index
        %swap3A_491 = arith.constant 48 : index
        %swap3A_492 = tpu.vector_load %arg10[%swap3A_490, %swap3A_491] {strides = array<i32>} : memref<128x128xf32, #tpu.memory_space<vmem>>, vector<1x16xf32>,
        %swap3A_493 = vector.shape_cast %swap3A_492 : vector<1x16xf32> to vector<16xf32>
        %swap3A_494 = vector.shape_cast %mul3A_489 : vector<16xf32> to vector<1x16xf32>
        tpu.vector_store %arg10[%swap3A_490, %swap3A_491], %swap3A_494 {strides = array<i32>} : memref<128x128xf32, #tpu.memory_space<vmem>>, vector<1x16xf32>,
        %get3A_495 = arith.index_cast %add3A_450 : i32 to index
        %get3A_496 = arith.constant 64 : index
        %get3A_497 = tpu.vector_load %arg10[%get3A_495, %get3A_496] {strides = array<i32>} : memref<128x128xf32, #tpu.memory_space<vmem>>, vector<1x16xf32>,
        %get3A_498 = vector.shape_cast %get3A_497 : vector<1x16xf32> to vector<16xf32>
        %mul3A_499 = vector.broadcast %squeeze3A_446 : f32 to vector<16xf32>
        %mul3A_500 = arith.mulf %get3A_498, %mul3A_499 : vector<16xf32>
        %swap3A_501 = arith.index_cast %add3A_450 : i32 to index
        %swap3A_502 = arith.constant 64 : index
        %swap3A_503 = tpu.vector_load %arg10[%swap3A_501, %swap3A_502] {strides = array<i32>} : memref<128x128xf32, #tpu.memory_space<vmem>>, vector<1x16xf32>,
        %swap3A_504 = vector.shape_cast %swap3A_503 : vector<1x16xf32> to vector<16xf32>
        %swap3A_505 = vector.shape_cast %mul3A_500 : vector<16xf32> to vector<1x16xf32>
        tpu.vector_store %arg10[%swap3A_501, %swap3A_502], %swap3A_505 {strides = array<i32>} : memref<128x128xf32, #tpu.memory_space<vmem>>, vector<1x16xf32>,
        %get3A_506 = arith.index_cast %add3A_450 : i32 to index
        %get3A_507 = arith.constant 80 : index
        %get3A_508 = tpu.vector_load %arg10[%get3A_506, %get3A_507] {strides = array<i32>} : memref<128x128xf32, #tpu.memory_space<vmem>>, vector<1x16xf32>,
        %get3A_509 = vector.shape_cast %get3A_508 : vector<1x16xf32> to vector<16xf32>
        %mul3A_510 = vector.broadcast %squeeze3A_446 : f32 to vector<16xf32>
        %mul3A_511 = arith.mulf %get3A_509, %mul3A_510 : vector<16xf32>
        %swap3A_512 = arith.index_cast %add3A_450 : i32 to index
        %swap3A_513 = arith.constant 80 : index
        %swap3A_514 = tpu.vector_load %arg10[%swap3A_512, %swap3A_513] {strides = array<i32>} : memref<128x128xf32, #tpu.memory_space<vmem>>, vector<1x16xf32>,
        %swap3A_515 = vector.shape_cast %swap3A_514 : vector<1x16xf32> to vector<16xf32>
        %swap3A_516 = vector.shape_cast %mul3A_511 : vector<16xf32> to vector<1x16xf32>
        tpu.vector_store %arg10[%swap3A_512, %swap3A_513], %swap3A_516 {strides = array<i32>} : memref<128x128xf32, #tpu.memory_space<vmem>>, vector<1x16xf32>,
        %get3A_517 = arith.index_cast %add3A_450 : i32 to index
        %get3A_518 = arith.constant 96 : index
        %get3A_519 = tpu.vector_load %arg10[%get3A_517, %get3A_518] {strides = array<i32>} : memref<128x128xf32, #tpu.memory_space<vmem>>, vector<1x16xf32>,
        %get3A_520 = vector.shape_cast %get3A_519 : vector<1x16xf32> to vector<16xf32>
        %mul3A_521 = vector.broadcast %squeeze3A_446 : f32 to vector<16xf32>
        %mul3A_522 = arith.mulf %get3A_520, %mul3A_521 : vector<16xf32>
        %swap3A_523 = arith.index_cast %add3A_450 : i32 to index
        %swap3A_524 = arith.constant 96 : index
        %swap3A_525 = tpu.vector_load %arg10[%swap3A_523, %swap3A_524] {strides = array<i32>} : memref<128x128xf32, #tpu.memory_space<vmem>>, vector<1x16xf32>,
        %swap3A_526 = vector.shape_cast %swap3A_525 : vector<1x16xf32> to vector<16xf32>
        %swap3A_527 = vector.shape_cast %mul3A_522 : vector<16xf32> to vector<1x16xf32>
        tpu.vector_store %arg10[%swap3A_523, %swap3A_524], %swap3A_527 {strides = array<i32>} : memref<128x128xf32, #tpu.memory_space<vmem>>, vector<1x16xf32>,
        %get3A_528 = arith.index_cast %add3A_450 : i32 to index
        %get3A_529 = arith.constant 112 : index
        %get3A_530 = tpu.vector_load %arg10[%get3A_528, %get3A_529] {strides = array<i32>} : memref<128x128xf32, #tpu.memory_space<vmem>>, vector<1x16xf32>,
        %get3A_531 = vector.shape_cast %get3A_530 : vector<1x16xf32> to vector<16xf32>
        %mul3A_532 = vector.broadcast %squeeze3A_446 : f32 to vector<16xf32>
        %mul3A_533 = arith.mulf %get3A_531, %mul3A_532 : vector<16xf32>
        %swap3A_534 = arith.index_cast %add3A_450 : i32 to index
        %swap3A_535 = arith.constant 112 : index
        %swap3A_536 = tpu.vector_load %arg10[%swap3A_534, %swap3A_535] {strides = array<i32>} : memref<128x128xf32, #tpu.memory_space<vmem>>, vector<1x16xf32>,
        %swap3A_537 = vector.shape_cast %swap3A_536 : vector<1x16xf32> to vector<16xf32>
        %swap3A_538 = vector.shape_cast %mul3A_533 : vector<16xf32> to vector<1x16xf32>
        tpu.vector_store %arg10[%swap3A_534, %swap3A_535], %swap3A_538 {strides = array<i32>} : memref<128x128xf32, #tpu.memory_space<vmem>>, vector<1x16xf32>,
        %slice3A_539 = vector.extract_strided_slice %get3A_165 {offsets = [4], sizes = [1], strides = [1]} : vector<16xf32> to vector<1xf32>
        %squeeze3A_540 = vector.extract %slice3A_539[0] : f32 from vector<1xf32>
        %mul3A_541 = arith.constant 16 : i32
        %mul3A_542 = arith.muli %scan3A_159, %mul3A_541 : i32
        %add3A_543 = arith.constant 4 : i32
        %add3A_544 = arith.addi %mul3A_542, %add3A_543 : i32
        %get3A_545 = arith.index_cast %add3A_544 : i32 to index
        %get3A_546 = arith.constant 0 : index
        %get3A_547 = tpu.vector_load %arg10[%get3A_545, %get3A_546] {strides = array<i32>} : memref<128x128xf32, #tpu.memory_space<vmem>>, vector<1x16xf32>,
        %get3A_548 = vector.shape_cast %get3A_547 : vector<1x16xf32> to vector<16xf32>
        %mul3A_549 = vector.broadcast %squeeze3A_540 : f32 to vector<16xf32>
        %mul3A_550 = arith.mulf %get3A_548, %mul3A_549 : vector<16xf32>
        %swap3A_551 = arith.index_cast %add3A_544 : i32 to index
        %swap3A_552 = arith.constant 0 : index
        %swap3A_553 = tpu.vector_load %arg10[%swap3A_551, %swap3A_552] {strides = array<i32>} : memref<128x128xf32, #tpu.memory_space<vmem>>, vector<1x16xf32>,
        %swap3A_554 = vector.shape_cast %swap3A_553 : vector<1x16xf32> to vector<16xf32>
        %swap3A_555 = vector.shape_cast %mul3A_550 : vector<16xf32> to vector<1x16xf32>
        tpu.vector_store %arg10[%swap3A_551, %swap3A_552], %swap3A_555 {strides = array<i32>} : memref<128x128xf32, #tpu.memory_space<vmem>>, vector<1x16xf32>,
        %get3A_556 = arith.index_cast %add3A_544 : i32 to index
        %get3A_557 = arith.constant 16 : index
        %get3A_558 = tpu.vector_load %arg10[%get3A_556, %get3A_557] {strides = array<i32>} : memref<128x128xf32, #tpu.memory_space<vmem>>, vector<1x16xf32>,
        %get3A_559 = vector.shape_cast %get3A_558 : vector<1x16xf32> to vector<16xf32>
        %mul3A_560 = vector.broadcast %squeeze3A_540 : f32 to vector<16xf32>
        %mul3A_561 = arith.mulf %get3A_559, %mul3A_560 : vector<16xf32>
        %swap3A_562 = arith.index_cast %add3A_544 : i32 to index
        %swap3A_563 = arith.constant 16 : index
        %swap3A_564 = tpu.vector_load %arg10[%swap3A_562, %swap3A_563] {strides = array<i32>} : memref<128x128xf32, #tpu.memory_space<vmem>>, vector<1x16xf32>,
        %swap3A_565 = vector.shape_cast %swap3A_564 : vector<1x16xf32> to vector<16xf32>
        %swap3A_566 = vector.shape_cast %mul3A_561 : vector<16xf32> to vector<1x16xf32>
        tpu.vector_store %arg10[%swap3A_562, %swap3A_563], %swap3A_566 {strides = array<i32>} : memref<128x128xf32, #tpu.memory_space<vmem>>, vector<1x16xf32>,
        %get3A_567 = arith.index_cast %add3A_544 : i32 to index
        %get3A_568 = arith.constant 32 : index
        %get3A_569 = tpu.vector_load %arg10[%get3A_567, %get3A_568] {strides = array<i32>} : memref<128x128xf32, #tpu.memory_space<vmem>>, vector<1x16xf32>,
        %get3A_570 = vector.shape_cast %get3A_569 : vector<1x16xf32> to vector<16xf32>
        %mul3A_571 = vector.broadcast %squeeze3A_540 : f32 to vector<16xf32>
        %mul3A_572 = arith.mulf %get3A_570, %mul3A_571 : vector<16xf32>
        %swap3A_573 = arith.index_cast %add3A_544 : i32 to index
        %swap3A_574 = arith.constant 32 : index
        %swap3A_575 = tpu.vector_load %arg10[%swap3A_573, %swap3A_574] {strides = array<i32>} : memref<128x128xf32, #tpu.memory_space<vmem>>, vector<1x16xf32>,
        %swap3A_576 = vector.shape_cast %swap3A_575 : vector<1x16xf32> to vector<16xf32>
        %swap3A_577 = vector.shape_cast %mul3A_572 : vector<16xf32> to vector<1x16xf32>
        tpu.vector_store %arg10[%swap3A_573, %swap3A_574], %swap3A_577 {strides = array<i32>} : memref<128x128xf32, #tpu.memory_space<vmem>>, vector<1x16xf32>,
        %get3A_578 = arith.index_cast %add3A_544 : i32 to index
        %get3A_579 = arith.constant 48 : index
        %get3A_580 = tpu.vector_load %arg10[%get3A_578, %get3A_579] {strides = array<i32>} : memref<128x128xf32, #tpu.memory_space<vmem>>, vector<1x16xf32>,
        %get3A_581 = vector.shape_cast %get3A_580 : vector<1x16xf32> to vector<16xf32>
        %mul3A_582 = vector.broadcast %squeeze3A_540 : f32 to vector<16xf32>
        %mul3A_583 = arith.mulf %get3A_581, %mul3A_582 : vector<16xf32>
        %swap3A_584 = arith.index_cast %add3A_544 : i32 to index
        %swap3A_585 = arith.constant 48 : index
        %swap3A_586 = tpu.vector_load %arg10[%swap3A_584, %swap3A_585] {strides = array<i32>} : memref<128x128xf32, #tpu.memory_space<vmem>>, vector<1x16xf32>,
        %swap3A_587 = vector.shape_cast %swap3A_586 : vector<1x16xf32> to vector<16xf32>
        %swap3A_588 = vector.shape_cast %mul3A_583 : vector<16xf32> to vector<1x16xf32>
        tpu.vector_store %arg10[%swap3A_584, %swap3A_585], %swap3A_588 {strides = array<i32>} : memref<128x128xf32, #tpu.memory_space<vmem>>, vector<1x16xf32>,
        %get3A_589 = arith.index_cast %add3A_544 : i32 to index
        %get3A_590 = arith.constant 64 : index
        %get3A_591 = tpu.vector_load %arg10[%get3A_589, %get3A_590] {strides = array<i32>} : memref<128x128xf32, #tpu.memory_space<vmem>>, vector<1x16xf32>,
        %get3A_592 = vector.shape_cast %get3A_591 : vector<1x16xf32> to vector<16xf32>
        %mul3A_593 = vector.broadcast %squeeze3A_540 : f32 to vector<16xf32>
        %mul3A_594 = arith.mulf %get3A_592, %mul3A_593 : vector<16xf32>
        %swap3A_595 = arith.index_cast %add3A_544 : i32 to index
        %swap3A_596 = arith.constant 64 : index
        %swap3A_597 = tpu.vector_load %arg10[%swap3A_595, %swap3A_596] {strides = array<i32>} : memref<128x128xf32, #tpu.memory_space<vmem>>, vector<1x16xf32>,
        %swap3A_598 = vector.shape_cast %swap3A_597 : vector<1x16xf32> to vector<16xf32>
        %swap3A_599 = vector.shape_cast %mul3A_594 : vector<16xf32> to vector<1x16xf32>
        tpu.vector_store %arg10[%swap3A_595, %swap3A_596], %swap3A_599 {strides = array<i32>} : memref<128x128xf32, #tpu.memory_space<vmem>>, vector<1x16xf32>,
        %get3A_600 = arith.index_cast %add3A_544 : i32 to index
        %get3A_601 = arith.constant 80 : index
        %get3A_602 = tpu.vector_load %arg10[%get3A_600, %get3A_601] {strides = array<i32>} : memref<128x128xf32, #tpu.memory_space<vmem>>, vector<1x16xf32>,
        %get3A_603 = vector.shape_cast %get3A_602 : vector<1x16xf32> to vector<16xf32>
        %mul3A_604 = vector.broadcast %squeeze3A_540 : f32 to vector<16xf32>
        %mul3A_605 = arith.mulf %get3A_603, %mul3A_604 : vector<16xf32>
        %swap3A_606 = arith.index_cast %add3A_544 : i32 to index
        %swap3A_607 = arith.constant 80 : index
        %swap3A_608 = tpu.vector_load %arg10[%swap3A_606, %swap3A_607] {strides = array<i32>} : memref<128x128xf32, #tpu.memory_space<vmem>>, vector<1x16xf32>,
        %swap3A_609 = vector.shape_cast %swap3A_608 : vector<1x16xf32> to vector<16xf32>
        %swap3A_610 = vector.shape_cast %mul3A_605 : vector<16xf32> to vector<1x16xf32>
        tpu.vector_store %arg10[%swap3A_606, %swap3A_607], %swap3A_610 {strides = array<i32>} : memref<128x128xf32, #tpu.memory_space<vmem>>, vector<1x16xf32>,
        %get3A_611 = arith.index_cast %add3A_544 : i32 to index
        %get3A_612 = arith.constant 96 : index
        %get3A_613 = tpu.vector_load %arg10[%get3A_611, %get3A_612] {strides = array<i32>} : memref<128x128xf32, #tpu.memory_space<vmem>>, vector<1x16xf32>,
        %get3A_614 = vector.shape_cast %get3A_613 : vector<1x16xf32> to vector<16xf32>
        %mul3A_615 = vector.broadcast %squeeze3A_540 : f32 to vector<16xf32>
        %mul3A_616 = arith.mulf %get3A_614, %mul3A_615 : vector<16xf32>
        %swap3A_617 = arith.index_cast %add3A_544 : i32 to index
        %swap3A_618 = arith.constant 96 : index
        %swap3A_619 = tpu.vector_load %arg10[%swap3A_617, %swap3A_618] {strides = array<i32>} : memref<128x128xf32, #tpu.memory_space<vmem>>, vector<1x16xf32>,
        %swap3A_620 = vector.shape_cast %swap3A_619 : vector<1x16xf32> to vector<16xf32>
        %swap3A_621 = vector.shape_cast %mul3A_616 : vector<16xf32> to vector<1x16xf32>
        tpu.vector_store %arg10[%swap3A_617, %swap3A_618], %swap3A_621 {strides = array<i32>} : memref<128x128xf32, #tpu.memory_space<vmem>>, vector<1x16xf32>,
        %get3A_622 = arith.index_cast %add3A_544 : i32 to index
        %get3A_623 = arith.constant 112 : index
        %get3A_624 = tpu.vector_load %arg10[%get3A_622, %get3A_623] {strides = array<i32>} : memref<128x128xf32, #tpu.memory_space<vmem>>, vector<1x16xf32>,
        %get3A_625 = vector.shape_cast %get3A_624 : vector<1x16xf32> to vector<16xf32>
        %mul3A_626 = vector.broadcast %squeeze3A_540 : f32 to vector<16xf32>
        %mul3A_627 = arith.mulf %get3A_625, %mul3A_626 : vector<16xf32>
        %swap3A_628 = arith.index_cast %add3A_544 : i32 to index
        %swap3A_629 = arith.constant 112 : index
        %swap3A_630 = tpu.vector_load %arg10[%swap3A_628, %swap3A_629] {strides = array<i32>} : memref<128x128xf32, #tpu.memory_space<vmem>>, vector<1x16xf32>,
        %swap3A_631 = vector.shape_cast %swap3A_630 : vector<1x16xf32> to vector<16xf32>
        %swap3A_632 = vector.shape_cast %mul3A_627 : vector<16xf32> to vector<1x16xf32>
        tpu.vector_store %arg10[%swap3A_628, %swap3A_629], %swap3A_632 {strides = array<i32>} : memref<128x128xf32, #tpu.memory_space<vmem>>, vector<1x16xf32>,
        %slice3A_633 = vector.extract_strided_slice %get3A_165 {offsets = [5], sizes = [1], strides = [1]} : vector<16xf32> to vector<1xf32>
        %squeeze3A_634 = vector.extract %slice3A_633[0] : f32 from vector<1xf32>
        %mul3A_635 = arith.constant 16 : i32
        %mul3A_636 = arith.muli %scan3A_159, %mul3A_635 : i32
        %add3A_637 = arith.constant 5 : i32
        %add3A_638 = arith.addi %mul3A_636, %add3A_637 : i32
        %get3A_639 = arith.index_cast %add3A_638 : i32 to index
        %get3A_640 = arith.constant 0 : index
        %get3A_641 = tpu.vector_load %arg10[%get3A_639, %get3A_640] {strides = array<i32>} : memref<128x128xf32, #tpu.memory_space<vmem>>, vector<1x16xf32>,
        %get3A_642 = vector.shape_cast %get3A_641 : vector<1x16xf32> to vector<16xf32>
        %mul3A_643 = vector.broadcast %squeeze3A_634 : f32 to vector<16xf32>
        %mul3A_644 = arith.mulf %get3A_642, %mul3A_643 : vector<16xf32>
        %swap3A_645 = arith.index_cast %add3A_638 : i32 to index
        %swap3A_646 = arith.constant 0 : index
        %swap3A_647 = tpu.vector_load %arg10[%swap3A_645, %swap3A_646] {strides = array<i32>} : memref<128x128xf32, #tpu.memory_space<vmem>>, vector<1x16xf32>,
        %swap3A_648 = vector.shape_cast %swap3A_647 : vector<1x16xf32> to vector<16xf32>
        %swap3A_649 = vector.shape_cast %mul3A_644 : vector<16xf32> to vector<1x16xf32>
        tpu.vector_store %arg10[%swap3A_645, %swap3A_646], %swap3A_649 {strides = array<i32>} : memref<128x128xf32, #tpu.memory_space<vmem>>, vector<1x16xf32>,
        %get3A_650 = arith.index_cast %add3A_638 : i32 to index
        %get3A_651 = arith.constant 16 : index
        %get3A_652 = tpu.vector_load %arg10[%get3A_650, %get3A_651] {strides = array<i32>} : memref<128x128xf32, #tpu.memory_space<vmem>>, vector<1x16xf32>,
        %get3A_653 = vector.shape_cast %get3A_652 : vector<1x16xf32> to vector<16xf32>
        %mul3A_654 = vector.broadcast %squeeze3A_634 : f32 to vector<16xf32>
        %mul3A_655 = arith.mulf %get3A_653, %mul3A_654 : vector<16xf32>
        %swap3A_656 = arith.index_cast %add3A_638 : i32 to index
        %swap3A_657 = arith.constant 16 : index
        %swap3A_658 = tpu.vector_load %arg10[%swap3A_656, %swap3A_657] {strides = array<i32>} : memref<128x128xf32, #tpu.memory_space<vmem>>, vector<1x16xf32>,
        %swap3A_659 = vector.shape_cast %swap3A_658 : vector<1x16xf32> to vector<16xf32>
        %swap3A_660 = vector.shape_cast %mul3A_655 : vector<16xf32> to vector<1x16xf32>
        tpu.vector_store %arg10[%swap3A_656, %swap3A_657], %swap3A_660 {strides = array<i32>} : memref<128x128xf32, #tpu.memory_space<vmem>>, vector<1x16xf32>,
        %get3A_661 = arith.index_cast %add3A_638 : i32 to index
        %get3A_662 = arith.constant 32 : index
        %get3A_663 = tpu.vector_load %arg10[%get3A_661, %get3A_662] {strides = array<i32>} : memref<128x128xf32, #tpu.memory_space<vmem>>, vector<1x16xf32>,
        %get3A_664 = vector.shape_cast %get3A_663 : vector<1x16xf32> to vector<16xf32>
        %mul3A_665 = vector.broadcast %squeeze3A_634 : f32 to vector<16xf32>
        %mul3A_666 = arith.mulf %get3A_664, %mul3A_665 : vector<16xf32>
        %swap3A_667 = arith.index_cast %add3A_638 : i32 to index
        %swap3A_668 = arith.constant 32 : index
        %swap3A_669 = tpu.vector_load %arg10[%swap3A_667, %swap3A_668] {strides = array<i32>} : memref<128x128xf32, #tpu.memory_space<vmem>>, vector<1x16xf32>,
        %swap3A_670 = vector.shape_cast %swap3A_669 : vector<1x16xf32> to vector<16xf32>
        %swap3A_671 = vector.shape_cast %mul3A_666 : vector<16xf32> to vector<1x16xf32>
        tpu.vector_store %arg10[%swap3A_667, %swap3A_668], %swap3A_671 {strides = array<i32>} : memref<128x128xf32, #tpu.memory_space<vmem>>, vector<1x16xf32>,
        %get3A_672 = arith.index_cast %add3A_638 : i32 to index
        %get3A_673 = arith.constant 48 : index
        %get3A_674 = tpu.vector_load %arg10[%get3A_672, %get3A_673] {strides = array<i32>} : memref<128x128xf32, #tpu.memory_space<vmem>>, vector<1x16xf32>,
        %get3A_675 = vector.shape_cast %get3A_674 : vector<1x16xf32> to vector<16xf32>
        %mul3A_676 = vector.broadcast %squeeze3A_634 : f32 to vector<16xf32>
        %mul3A_677 = arith.mulf %get3A_675, %mul3A_676 : vector<16xf32>
        %swap3A_678 = arith.index_cast %add3A_638 : i32 to index
        %swap3A_679 = arith.constant 48 : index
        %swap3A_680 = tpu.vector_load %arg10[%swap3A_678, %swap3A_679] {strides = array<i32>} : memref<128x128xf32, #tpu.memory_space<vmem>>, vector<1x16xf32>,
        %swap3A_681 = vector.shape_cast %swap3A_680 : vector<1x16xf32> to vector<16xf32>
        %swap3A_682 = vector.shape_cast %mul3A_677 : vector<16xf32> to vector<1x16xf32>
        tpu.vector_store %arg10[%swap3A_678, %swap3A_679], %swap3A_682 {strides = array<i32>} : memref<128x128xf32, #tpu.memory_space<vmem>>, vector<1x16xf32>,
        %get3A_683 = arith.index_cast %add3A_638 : i32 to index
        %get3A_684 = arith.constant 64 : index
        %get3A_685 = tpu.vector_load %arg10[%get3A_683, %get3A_684] {strides = array<i32>} : memref<128x128xf32, #tpu.memory_space<vmem>>, vector<1x16xf32>,
        %get3A_686 = vector.shape_cast %get3A_685 : vector<1x16xf32> to vector<16xf32>
        %mul3A_687 = vector.broadcast %squeeze3A_634 : f32 to vector<16xf32>
        %mul3A_688 = arith.mulf %get3A_686, %mul3A_687 : vector<16xf32>
        %swap3A_689 = arith.index_cast %add3A_638 : i32 to index
        %swap3A_690 = arith.constant 64 : index
        %swap3A_691 = tpu.vector_load %arg10[%swap3A_689, %swap3A_690] {strides = array<i32>} : memref<128x128xf32, #tpu.memory_space<vmem>>, vector<1x16xf32>,
        %swap3A_692 = vector.shape_cast %swap3A_691 : vector<1x16xf32> to vector<16xf32>
        %swap3A_693 = vector.shape_cast %mul3A_688 : vector<16xf32> to vector<1x16xf32>
        tpu.vector_store %arg10[%swap3A_689, %swap3A_690], %swap3A_693 {strides = array<i32>} : memref<128x128xf32, #tpu.memory_space<vmem>>, vector<1x16xf32>,
        %get3A_694 = arith.index_cast %add3A_638 : i32 to index
        %get3A_695 = arith.constant 80 : index
        %get3A_696 = tpu.vector_load %arg10[%get3A_694, %get3A_695] {strides = array<i32>} : memref<128x128xf32, #tpu.memory_space<vmem>>, vector<1x16xf32>,
        %get3A_697 = vector.shape_cast %get3A_696 : vector<1x16xf32> to vector<16xf32>
        %mul3A_698 = vector.broadcast %squeeze3A_634 : f32 to vector<16xf32>
        %mul3A_699 = arith.mulf %get3A_697, %mul3A_698 : vector<16xf32>
        %swap3A_700 = arith.index_cast %add3A_638 : i32 to index
        %swap3A_701 = arith.constant 80 : index
        %swap3A_702 = tpu.vector_load %arg10[%swap3A_700, %swap3A_701] {strides = array<i32>} : memref<128x128xf32, #tpu.memory_space<vmem>>, vector<1x16xf32>,
        %swap3A_703 = vector.shape_cast %swap3A_702 : vector<1x16xf32> to vector<16xf32>
        %swap3A_704 = vector.shape_cast %mul3A_699 : vector<16xf32> to vector<1x16xf32>
        tpu.vector_store %arg10[%swap3A_700, %swap3A_701], %swap3A_704 {strides = array<i32>} : memref<128x128xf32, #tpu.memory_space<vmem>>, vector<1x16xf32>,
        %get3A_705 = arith.index_cast %add3A_638 : i32 to index
        %get3A_706 = arith.constant 96 : index
        %get3A_707 = tpu.vector_load %arg10[%get3A_705, %get3A_706] {strides = array<i32>} : memref<128x128xf32, #tpu.memory_space<vmem>>, vector<1x16xf32>,
        %get3A_708 = vector.shape_cast %get3A_707 : vector<1x16xf32> to vector<16xf32>
        %mul3A_709 = vector.broadcast %squeeze3A_634 : f32 to vector<16xf32>
        %mul3A_710 = arith.mulf %get3A_708, %mul3A_709 : vector<16xf32>
        %swap3A_711 = arith.index_cast %add3A_638 : i32 to index
        %swap3A_712 = arith.constant 96 : index
        %swap3A_713 = tpu.vector_load %arg10[%swap3A_711, %swap3A_712] {strides = array<i32>} : memref<128x128xf32, #tpu.memory_space<vmem>>, vector<1x16xf32>,
        %swap3A_714 = vector.shape_cast %swap3A_713 : vector<1x16xf32> to vector<16xf32>
        %swap3A_715 = vector.shape_cast %mul3A_710 : vector<16xf32> to vector<1x16xf32>
        tpu.vector_store %arg10[%swap3A_711, %swap3A_712], %swap3A_715 {strides = array<i32>} : memref<128x128xf32, #tpu.memory_space<vmem>>, vector<1x16xf32>,
        %get3A_716 = arith.index_cast %add3A_638 : i32 to index
        %get3A_717 = arith.constant 112 : index
        %get3A_718 = tpu.vector_load %arg10[%get3A_716, %get3A_717] {strides = array<i32>} : memref<128x128xf32, #tpu.memory_space<vmem>>, vector<1x16xf32>,
        %get3A_719 = vector.shape_cast %get3A_718 : vector<1x16xf32> to vector<16xf32>
        %mul3A_720 = vector.broadcast %squeeze3A_634 : f32 to vector<16xf32>
        %mul3A_721 = arith.mulf %get3A_719, %mul3A_720 : vector<16xf32>
        %swap3A_722 = arith.index_cast %add3A_638 : i32 to index
        %swap3A_723 = arith.constant 112 : index
        %swap3A_724 = tpu.vector_load %arg10[%swap3A_722, %swap3A_723] {strides = array<i32>} : memref<128x128xf32, #tpu.memory_space<vmem>>, vector<1x16xf32>,
        %swap3A_725 = vector.shape_cast %swap3A_724 : vector<1x16xf32> to vector<16xf32>
        %swap3A_726 = vector.shape_cast %mul3A_721 : vector<16xf32> to vector<1x16xf32>
        tpu.vector_store %arg10[%swap3A_722, %swap3A_723], %swap3A_726 {strides = array<i32>} : memref<128x128xf32, #tpu.memory_space<vmem>>, vector<1x16xf32>,
        %slice3A_727 = vector.extract_strided_slice %get3A_165 {offsets = [6], sizes = [1], strides = [1]} : vector<16xf32> to vector<1xf32>
        %squeeze3A_728 = vector.extract %slice3A_727[0] : f32 from vector<1xf32>
        %mul3A_729 = arith.constant 16 : i32
        %mul3A_730 = arith.muli %scan3A_159, %mul3A_729 : i32
        %add3A_731 = arith.constant 6 : i32
        %add3A_732 = arith.addi %mul3A_730, %add3A_731 : i32
        %get3A_733 = arith.index_cast %add3A_732 : i32 to index
        %get3A_734 = arith.constant 0 : index
        %get3A_735 = tpu.vector_load %arg10[%get3A_733, %get3A_734] {strides = array<i32>} : memref<128x128xf32, #tpu.memory_space<vmem>>, vector<1x16xf32>,
        %get3A_736 = vector.shape_cast %get3A_735 : vector<1x16xf32> to vector<16xf32>
        %mul3A_737 = vector.broadcast %squeeze3A_728 : f32 to vector<16xf32>
        %mul3A_738 = arith.mulf %get3A_736, %mul3A_737 : vector<16xf32>
        %swap3A_739 = arith.index_cast %add3A_732 : i32 to index
        %swap3A_740 = arith.constant 0 : index
        %swap3A_741 = tpu.vector_load %arg10[%swap3A_739, %swap3A_740] {strides = array<i32>} : memref<128x128xf32, #tpu.memory_space<vmem>>, vector<1x16xf32>,
        %swap3A_742 = vector.shape_cast %swap3A_741 : vector<1x16xf32> to vector<16xf32>
        %swap3A_743 = vector.shape_cast %mul3A_738 : vector<16xf32> to vector<1x16xf32>
        tpu.vector_store %arg10[%swap3A_739, %swap3A_740], %swap3A_743 {strides = array<i32>} : memref<128x128xf32, #tpu.memory_space<vmem>>, vector<1x16xf32>,
        %get3A_744 = arith.index_cast %add3A_732 : i32 to index
        %get3A_745 = arith.constant 16 : index
        %get3A_746 = tpu.vector_load %arg10[%get3A_744, %get3A_745] {strides = array<i32>} : memref<128x128xf32, #tpu.memory_space<vmem>>, vector<1x16xf32>,
        %get3A_747 = vector.shape_cast %get3A_746 : vector<1x16xf32> to vector<16xf32>
        %mul3A_748 = vector.broadcast %squeeze3A_728 : f32 to vector<16xf32>
        %mul3A_749 = arith.mulf %get3A_747, %mul3A_748 : vector<16xf32>
        %swap3A_750 = arith.index_cast %add3A_732 : i32 to index
        %swap3A_751 = arith.constant 16 : index
        %swap3A_752 = tpu.vector_load %arg10[%swap3A_750, %swap3A_751] {strides = array<i32>} : memref<128x128xf32, #tpu.memory_space<vmem>>, vector<1x16xf32>,
        %swap3A_753 = vector.shape_cast %swap3A_752 : vector<1x16xf32> to vector<16xf32>
        %swap3A_754 = vector.shape_cast %mul3A_749 : vector<16xf32> to vector<1x16xf32>
        tpu.vector_store %arg10[%swap3A_750, %swap3A_751], %swap3A_754 {strides = array<i32>} : memref<128x128xf32, #tpu.memory_space<vmem>>, vector<1x16xf32>,
        %get3A_755 = arith.index_cast %add3A_732 : i32 to index
        %get3A_756 = arith.constant 32 : index
        %get3A_757 = tpu.vector_load %arg10[%get3A_755, %get3A_756] {strides = array<i32>} : memref<128x128xf32, #tpu.memory_space<vmem>>, vector<1x16xf32>,
        %get3A_758 = vector.shape_cast %get3A_757 : vector<1x16xf32> to vector<16xf32>
        %mul3A_759 = vector.broadcast %squeeze3A_728 : f32 to vector<16xf32>
        %mul3A_760 = arith.mulf %get3A_758, %mul3A_759 : vector<16xf32>
        %swap3A_761 = arith.index_cast %add3A_732 : i32 to index
        %swap3A_762 = arith.constant 32 : index
        %swap3A_763 = tpu.vector_load %arg10[%swap3A_761, %swap3A_762] {strides = array<i32>} : memref<128x128xf32, #tpu.memory_space<vmem>>, vector<1x16xf32>,
        %swap3A_764 = vector.shape_cast %swap3A_763 : vector<1x16xf32> to vector<16xf32>
        %swap3A_765 = vector.shape_cast %mul3A_760 : vector<16xf32> to vector<1x16xf32>
        tpu.vector_store %arg10[%swap3A_761, %swap3A_762], %swap3A_765 {strides = array<i32>} : memref<128x128xf32, #tpu.memory_space<vmem>>, vector<1x16xf32>,
        %get3A_766 = arith.index_cast %add3A_732 : i32 to index
        %get3A_767 = arith.constant 48 : index
        %get3A_768 = tpu.vector_load %arg10[%get3A_766, %get3A_767] {strides = array<i32>} : memref<128x128xf32, #tpu.memory_space<vmem>>, vector<1x16xf32>,
        %get3A_769 = vector.shape_cast %get3A_768 : vector<1x16xf32> to vector<16xf32>
        %mul3A_770 = vector.broadcast %squeeze3A_728 : f32 to vector<16xf32>
        %mul3A_771 = arith.mulf %get3A_769, %mul3A_770 : vector<16xf32>
        %swap3A_772 = arith.index_cast %add3A_732 : i32 to index
        %swap3A_773 = arith.constant 48 : index
        %swap3A_774 = tpu.vector_load %arg10[%swap3A_772, %swap3A_773] {strides = array<i32>} : memref<128x128xf32, #tpu.memory_space<vmem>>, vector<1x16xf32>,
        %swap3A_775 = vector.shape_cast %swap3A_774 : vector<1x16xf32> to vector<16xf32>
        %swap3A_776 = vector.shape_cast %mul3A_771 : vector<16xf32> to vector<1x16xf32>
        tpu.vector_store %arg10[%swap3A_772, %swap3A_773], %swap3A_776 {strides = array<i32>} : memref<128x128xf32, #tpu.memory_space<vmem>>, vector<1x16xf32>,
        %get3A_777 = arith.index_cast %add3A_732 : i32 to index
        %get3A_778 = arith.constant 64 : index
        %get3A_779 = tpu.vector_load %arg10[%get3A_777, %get3A_778] {strides = array<i32>} : memref<128x128xf32, #tpu.memory_space<vmem>>, vector<1x16xf32>,
        %get3A_780 = vector.shape_cast %get3A_779 : vector<1x16xf32> to vector<16xf32>
        %mul3A_781 = vector.broadcast %squeeze3A_728 : f32 to vector<16xf32>
        %mul3A_782 = arith.mulf %get3A_780, %mul3A_781 : vector<16xf32>
        %swap3A_783 = arith.index_cast %add3A_732 : i32 to index
        %swap3A_784 = arith.constant 64 : index
        %swap3A_785 = tpu.vector_load %arg10[%swap3A_783, %swap3A_784] {strides = array<i32>} : memref<128x128xf32, #tpu.memory_space<vmem>>, vector<1x16xf32>,
        %swap3A_786 = vector.shape_cast %swap3A_785 : vector<1x16xf32> to vector<16xf32>
        %swap3A_787 = vector.shape_cast %mul3A_782 : vector<16xf32> to vector<1x16xf32>
        tpu.vector_store %arg10[%swap3A_783, %swap3A_784], %swap3A_787 {strides = array<i32>} : memref<128x128xf32, #tpu.memory_space<vmem>>, vector<1x16xf32>,
        %get3A_788 = arith.index_cast %add3A_732 : i32 to index
        %get3A_789 = arith.constant 80 : index
        %get3A_790 = tpu.vector_load %arg10[%get3A_788, %get3A_789] {strides = array<i32>} : memref<128x128xf32, #tpu.memory_space<vmem>>, vector<1x16xf32>,
        %get3A_791 = vector.shape_cast %get3A_790 : vector<1x16xf32> to vector<16xf32>
        %mul3A_792 = vector.broadcast %squeeze3A_728 : f32 to vector<16xf32>
        %mul3A_793 = arith.mulf %get3A_791, %mul3A_792 : vector<16xf32>
        %swap3A_794 = arith.index_cast %add3A_732 : i32 to index
        %swap3A_795 = arith.constant 80 : index
        %swap3A_796 = tpu.vector_load %arg10[%swap3A_794, %swap3A_795] {strides = array<i32>} : memref<128x128xf32, #tpu.memory_space<vmem>>, vector<1x16xf32>,
        %swap3A_797 = vector.shape_cast %swap3A_796 : vector<1x16xf32> to vector<16xf32>
        %swap3A_798 = vector.shape_cast %mul3A_793 : vector<16xf32> to vector<1x16xf32>
        tpu.vector_store %arg10[%swap3A_794, %swap3A_795], %swap3A_798 {strides = array<i32>} : memref<128x128xf32, #tpu.memory_space<vmem>>, vector<1x16xf32>,
        %get3A_799 = arith.index_cast %add3A_732 : i32 to index
        %get3A_800 = arith.constant 96 : index
        %get3A_801 = tpu.vector_load %arg10[%get3A_799, %get3A_800] {strides = array<i32>} : memref<128x128xf32, #tpu.memory_space<vmem>>, vector<1x16xf32>,
        %get3A_802 = vector.shape_cast %get3A_801 : vector<1x16xf32> to vector<16xf32>
        %mul3A_803 = vector.broadcast %squeeze3A_728 : f32 to vector<16xf32>
        %mul3A_804 = arith.mulf %get3A_802, %mul3A_803 : vector<16xf32>
        %swap3A_805 = arith.index_cast %add3A_732 : i32 to index
        %swap3A_806 = arith.constant 96 : index
        %swap3A_807 = tpu.vector_load %arg10[%swap3A_805, %swap3A_806] {strides = array<i32>} : memref<128x128xf32, #tpu.memory_space<vmem>>, vector<1x16xf32>,
        %swap3A_808 = vector.shape_cast %swap3A_807 : vector<1x16xf32> to vector<16xf32>
        %swap3A_809 = vector.shape_cast %mul3A_804 : vector<16xf32> to vector<1x16xf32>
        tpu.vector_store %arg10[%swap3A_805, %swap3A_806], %swap3A_809 {strides = array<i32>} : memref<128x128xf32, #tpu.memory_space<vmem>>, vector<1x16xf32>,
        %get3A_810 = arith.index_cast %add3A_732 : i32 to index
        %get3A_811 = arith.constant 112 : index
        %get3A_812 = tpu.vector_load %arg10[%get3A_810, %get3A_811] {strides = array<i32>} : memref<128x128xf32, #tpu.memory_space<vmem>>, vector<1x16xf32>,
        %get3A_813 = vector.shape_cast %get3A_812 : vector<1x16xf32> to vector<16xf32>
        %mul3A_814 = vector.broadcast %squeeze3A_728 : f32 to vector<16xf32>
        %mul3A_815 = arith.mulf %get3A_813, %mul3A_814 : vector<16xf32>
        %swap3A_816 = arith.index_cast %add3A_732 : i32 to index
        %swap3A_817 = arith.constant 112 : index
        %swap3A_818 = tpu.vector_load %arg10[%swap3A_816, %swap3A_817] {strides = array<i32>} : memref<128x128xf32, #tpu.memory_space<vmem>>, vector<1x16xf32>,
        %swap3A_819 = vector.shape_cast %swap3A_818 : vector<1x16xf32> to vector<16xf32>
        %swap3A_820 = vector.shape_cast %mul3A_815 : vector<16xf32> to vector<1x16xf32>
        tpu.vector_store %arg10[%swap3A_816, %swap3A_817], %swap3A_820 {strides = array<i32>} : memref<128x128xf32, #tpu.memory_space<vmem>>, vector<1x16xf32>,
        %slice3A_821 = vector.extract_strided_slice %get3A_165 {offsets = [7], sizes = [1], strides = [1]} : vector<16xf32> to vector<1xf32>
        %squeeze3A_822 = vector.extract %slice3A_821[0] : f32 from vector<1xf32>
        %mul3A_823 = arith.constant 16 : i32
        %mul3A_824 = arith.muli %scan3A_159, %mul3A_823 : i32
        %add3A_825 = arith.constant 7 : i32
        %add3A_826 = arith.addi %mul3A_824, %add3A_825 : i32
        %get3A_827 = arith.index_cast %add3A_826 : i32 to index
        %get3A_828 = arith.constant 0 : index
        %get3A_829 = tpu.vector_load %arg10[%get3A_827, %get3A_828] {strides = array<i32>} : memref<128x128xf32, #tpu.memory_space<vmem>>, vector<1x16xf32>,
        %get3A_830 = vector.shape_cast %get3A_829 : vector<1x16xf32> to vector<16xf32>
        %mul3A_831 = vector.broadcast %squeeze3A_822 : f32 to vector<16xf32>
        %mul3A_832 = arith.mulf %get3A_830, %mul3A_831 : vector<16xf32>
        %swap3A_833 = arith.index_cast %add3A_826 : i32 to index
        %swap3A_834 = arith.constant 0 : index
        %swap3A_835 = tpu.vector_load %arg10[%swap3A_833, %swap3A_834] {strides = array<i32>} : memref<128x128xf32, #tpu.memory_space<vmem>>, vector<1x16xf32>,
        %swap3A_836 = vector.shape_cast %swap3A_835 : vector<1x16xf32> to vector<16xf32>
        %swap3A_837 = vector.shape_cast %mul3A_832 : vector<16xf32> to vector<1x16xf32>
        tpu.vector_store %arg10[%swap3A_833, %swap3A_834], %swap3A_837 {strides = array<i32>} : memref<128x128xf32, #tpu.memory_space<vmem>>, vector<1x16xf32>,
        %get3A_838 = arith.index_cast %add3A_826 : i32 to index
        %get3A_839 = arith.constant 16 : index
        %get3A_840 = tpu.vector_load %arg10[%get3A_838, %get3A_839] {strides = array<i32>} : memref<128x128xf32, #tpu.memory_space<vmem>>, vector<1x16xf32>,
        %get3A_841 = vector.shape_cast %get3A_840 : vector<1x16xf32> to vector<16xf32>
        %mul3A_842 = vector.broadcast %squeeze3A_822 : f32 to vector<16xf32>
        %mul3A_843 = arith.mulf %get3A_841, %mul3A_842 : vector<16xf32>
        %swap3A_844 = arith.index_cast %add3A_826 : i32 to index
        %swap3A_845 = arith.constant 16 : index
        %swap3A_846 = tpu.vector_load %arg10[%swap3A_844, %swap3A_845] {strides = array<i32>} : memref<128x128xf32, #tpu.memory_space<vmem>>, vector<1x16xf32>,
        %swap3A_847 = vector.shape_cast %swap3A_846 : vector<1x16xf32> to vector<16xf32>
        %swap3A_848 = vector.shape_cast %mul3A_843 : vector<16xf32> to vector<1x16xf32>
        tpu.vector_store %arg10[%swap3A_844, %swap3A_845], %swap3A_848 {strides = array<i32>} : memref<128x128xf32, #tpu.memory_space<vmem>>, vector<1x16xf32>,
        %get3A_849 = arith.index_cast %add3A_826 : i32 to index
        %get3A_850 = arith.constant 32 : index
        %get3A_851 = tpu.vector_load %arg10[%get3A_849, %get3A_850] {strides = array<i32>} : memref<128x128xf32, #tpu.memory_space<vmem>>, vector<1x16xf32>,
        %get3A_852 = vector.shape_cast %get3A_851 : vector<1x16xf32> to vector<16xf32>
        %mul3A_853 = vector.broadcast %squeeze3A_822 : f32 to vector<16xf32>
        %mul3A_854 = arith.mulf %get3A_852, %mul3A_853 : vector<16xf32>
        %swap3A_855 = arith.index_cast %add3A_826 : i32 to index
        %swap3A_856 = arith.constant 32 : index
        %swap3A_857 = tpu.vector_load %arg10[%swap3A_855, %swap3A_856] {strides = array<i32>} : memref<128x128xf32, #tpu.memory_space<vmem>>, vector<1x16xf32>,
        %swap3A_858 = vector.shape_cast %swap3A_857 : vector<1x16xf32> to vector<16xf32>
        %swap3A_859 = vector.shape_cast %mul3A_854 : vector<16xf32> to vector<1x16xf32>
        tpu.vector_store %arg10[%swap3A_855, %swap3A_856], %swap3A_859 {strides = array<i32>} : memref<128x128xf32, #tpu.memory_space<vmem>>, vector<1x16xf32>,
        %get3A_860 = arith.index_cast %add3A_826 : i32 to index
        %get3A_861 = arith.constant 48 : index
        %get3A_862 = tpu.vector_load %arg10[%get3A_860, %get3A_861] {strides = array<i32>} : memref<128x128xf32, #tpu.memory_space<vmem>>, vector<1x16xf32>,
        %get3A_863 = vector.shape_cast %get3A_862 : vector<1x16xf32> to vector<16xf32>
        %mul3A_864 = vector.broadcast %squeeze3A_822 : f32 to vector<16xf32>
        %mul3A_865 = arith.mulf %get3A_863, %mul3A_864 : vector<16xf32>
        %swap3A_866 = arith.index_cast %add3A_826 : i32 to index
        %swap3A_867 = arith.constant 48 : index
        %swap3A_868 = tpu.vector_load %arg10[%swap3A_866, %swap3A_867] {strides = array<i32>} : memref<128x128xf32, #tpu.memory_space<vmem>>, vector<1x16xf32>,
        %swap3A_869 = vector.shape_cast %swap3A_868 : vector<1x16xf32> to vector<16xf32>
        %swap3A_870 = vector.shape_cast %mul3A_865 : vector<16xf32> to vector<1x16xf32>
        tpu.vector_store %arg10[%swap3A_866, %swap3A_867], %swap3A_870 {strides = array<i32>} : memref<128x128xf32, #tpu.memory_space<vmem>>, vector<1x16xf32>,
        %get3A_871 = arith.index_cast %add3A_826 : i32 to index
        %get3A_872 = arith.constant 64 : index
        %get3A_873 = tpu.vector_load %arg10[%get3A_871, %get3A_872] {strides = array<i32>} : memref<128x128xf32, #tpu.memory_space<vmem>>, vector<1x16xf32>,
        %get3A_874 = vector.shape_cast %get3A_873 : vector<1x16xf32> to vector<16xf32>
        %mul3A_875 = vector.broadcast %squeeze3A_822 : f32 to vector<16xf32>
        %mul3A_876 = arith.mulf %get3A_874, %mul3A_875 : vector<16xf32>
        %swap3A_877 = arith.index_cast %add3A_826 : i32 to index
        %swap3A_878 = arith.constant 64 : index
        %swap3A_879 = tpu.vector_load %arg10[%swap3A_877, %swap3A_878] {strides = array<i32>} : memref<128x128xf32, #tpu.memory_space<vmem>>, vector<1x16xf32>,
        %swap3A_880 = vector.shape_cast %swap3A_879 : vector<1x16xf32> to vector<16xf32>
        %swap3A_881 = vector.shape_cast %mul3A_876 : vector<16xf32> to vector<1x16xf32>
        tpu.vector_store %arg10[%swap3A_877, %swap3A_878], %swap3A_881 {strides = array<i32>} : memref<128x128xf32, #tpu.memory_space<vmem>>, vector<1x16xf32>,
        %get3A_882 = arith.index_cast %add3A_826 : i32 to index
        %get3A_883 = arith.constant 80 : index
        %get3A_884 = tpu.vector_load %arg10[%get3A_882, %get3A_883] {strides = array<i32>} : memref<128x128xf32, #tpu.memory_space<vmem>>, vector<1x16xf32>,
        %get3A_885 = vector.shape_cast %get3A_884 : vector<1x16xf32> to vector<16xf32>
        %mul3A_886 = vector.broadcast %squeeze3A_822 : f32 to vector<16xf32>
        %mul3A_887 = arith.mulf %get3A_885, %mul3A_886 : vector<16xf32>
        %swap3A_888 = arith.index_cast %add3A_826 : i32 to index
        %swap3A_889 = arith.constant 80 : index
        %swap3A_890 = tpu.vector_load %arg10[%swap3A_888, %swap3A_889] {strides = array<i32>} : memref<128x128xf32, #tpu.memory_space<vmem>>, vector<1x16xf32>,
        %swap3A_891 = vector.shape_cast %swap3A_890 : vector<1x16xf32> to vector<16xf32>
        %swap3A_892 = vector.shape_cast %mul3A_887 : vector<16xf32> to vector<1x16xf32>
        tpu.vector_store %arg10[%swap3A_888, %swap3A_889], %swap3A_892 {strides = array<i32>} : memref<128x128xf32, #tpu.memory_space<vmem>>, vector<1x16xf32>,
        %get3A_893 = arith.index_cast %add3A_826 : i32 to index
        %get3A_894 = arith.constant 96 : index
        %get3A_895 = tpu.vector_load %arg10[%get3A_893, %get3A_894] {strides = array<i32>} : memref<128x128xf32, #tpu.memory_space<vmem>>, vector<1x16xf32>,
        %get3A_896 = vector.shape_cast %get3A_895 : vector<1x16xf32> to vector<16xf32>
        %mul3A_897 = vector.broadcast %squeeze3A_822 : f32 to vector<16xf32>
        %mul3A_898 = arith.mulf %get3A_896, %mul3A_897 : vector<16xf32>
        %swap3A_899 = arith.index_cast %add3A_826 : i32 to index
        %swap3A_900 = arith.constant 96 : index
        %swap3A_901 = tpu.vector_load %arg10[%swap3A_899, %swap3A_900] {strides = array<i32>} : memref<128x128xf32, #tpu.memory_space<vmem>>, vector<1x16xf32>,
        %swap3A_902 = vector.shape_cast %swap3A_901 : vector<1x16xf32> to vector<16xf32>
        %swap3A_903 = vector.shape_cast %mul3A_898 : vector<16xf32> to vector<1x16xf32>
        tpu.vector_store %arg10[%swap3A_899, %swap3A_900], %swap3A_903 {strides = array<i32>} : memref<128x128xf32, #tpu.memory_space<vmem>>, vector<1x16xf32>,
        %get3A_904 = arith.index_cast %add3A_826 : i32 to index
        %get3A_905 = arith.constant 112 : index
        %get3A_906 = tpu.vector_load %arg10[%get3A_904, %get3A_905] {strides = array<i32>} : memref<128x128xf32, #tpu.memory_space<vmem>>, vector<1x16xf32>,
        %get3A_907 = vector.shape_cast %get3A_906 : vector<1x16xf32> to vector<16xf32>
        %mul3A_908 = vector.broadcast %squeeze3A_822 : f32 to vector<16xf32>
        %mul3A_909 = arith.mulf %get3A_907, %mul3A_908 : vector<16xf32>
        %swap3A_910 = arith.index_cast %add3A_826 : i32 to index
        %swap3A_911 = arith.constant 112 : index
        %swap3A_912 = tpu.vector_load %arg10[%swap3A_910, %swap3A_911] {strides = array<i32>} : memref<128x128xf32, #tpu.memory_space<vmem>>, vector<1x16xf32>,
        %swap3A_913 = vector.shape_cast %swap3A_912 : vector<1x16xf32> to vector<16xf32>
        %swap3A_914 = vector.shape_cast %mul3A_909 : vector<16xf32> to vector<1x16xf32>
        tpu.vector_store %arg10[%swap3A_910, %swap3A_911], %swap3A_914 {strides = array<i32>} : memref<128x128xf32, #tpu.memory_space<vmem>>, vector<1x16xf32>,
        %slice3A_915 = vector.extract_strided_slice %get3A_165 {offsets = [8], sizes = [1], strides = [1]} : vector<16xf32> to vector<1xf32>
        %squeeze3A_916 = vector.extract %slice3A_915[0] : f32 from vector<1xf32>
        %mul3A_917 = arith.constant 16 : i32
        %mul3A_918 = arith.muli %scan3A_159, %mul3A_917 : i32
        %add3A_919 = arith.constant 8 : i32
        %add3A_920 = arith.addi %mul3A_918, %add3A_919 : i32
        %get3A_921 = arith.index_cast %add3A_920 : i32 to index
        %get3A_922 = arith.constant 0 : index
        %get3A_923 = tpu.vector_load %arg10[%get3A_921, %get3A_922] {strides = array<i32>} : memref<128x128xf32, #tpu.memory_space<vmem>>, vector<1x16xf32>,
        %get3A_924 = vector.shape_cast %get3A_923 : vector<1x16xf32> to vector<16xf32>
        %mul3A_925 = vector.broadcast %squeeze3A_916 : f32 to vector<16xf32>
        %mul3A_926 = arith.mulf %get3A_924, %mul3A_925 : vector<16xf32>
        %swap3A_927 = arith.index_cast %add3A_920 : i32 to index
        %swap3A_928 = arith.constant 0 : index
        %swap3A_929 = tpu.vector_load %arg10[%swap3A_927, %swap3A_928] {strides = array<i32>} : memref<128x128xf32, #tpu.memory_space<vmem>>, vector<1x16xf32>,
        %swap3A_930 = vector.shape_cast %swap3A_929 : vector<1x16xf32> to vector<16xf32>
        %swap3A_931 = vector.shape_cast %mul3A_926 : vector<16xf32> to vector<1x16xf32>
        tpu.vector_store %arg10[%swap3A_927, %swap3A_928], %swap3A_931 {strides = array<i32>} : memref<128x128xf32, #tpu.memory_space<vmem>>, vector<1x16xf32>,
        %get3A_932 = arith.index_cast %add3A_920 : i32 to index
        %get3A_933 = arith.constant 16 : index
        %get3A_934 = tpu.vector_load %arg10[%get3A_932, %get3A_933] {strides = array<i32>} : memref<128x128xf32, #tpu.memory_space<vmem>>, vector<1x16xf32>,
        %get3A_935 = vector.shape_cast %get3A_934 : vector<1x16xf32> to vector<16xf32>
        %mul3A_936 = vector.broadcast %squeeze3A_916 : f32 to vector<16xf32>
        %mul3A_937 = arith.mulf %get3A_935, %mul3A_936 : vector<16xf32>
        %swap3A_938 = arith.index_cast %add3A_920 : i32 to index
        %swap3A_939 = arith.constant 16 : index
        %swap3A_940 = tpu.vector_load %arg10[%swap3A_938, %swap3A_939] {strides = array<i32>} : memref<128x128xf32, #tpu.memory_space<vmem>>, vector<1x16xf32>,
        %swap3A_941 = vector.shape_cast %swap3A_940 : vector<1x16xf32> to vector<16xf32>
        %swap3A_942 = vector.shape_cast %mul3A_937 : vector<16xf32> to vector<1x16xf32>
        tpu.vector_store %arg10[%swap3A_938, %swap3A_939], %swap3A_942 {strides = array<i32>} : memref<128x128xf32, #tpu.memory_space<vmem>>, vector<1x16xf32>,
        %get3A_943 = arith.index_cast %add3A_920 : i32 to index
        %get3A_944 = arith.constant 32 : index
        %get3A_945 = tpu.vector_load %arg10[%get3A_943, %get3A_944] {strides = array<i32>} : memref<128x128xf32, #tpu.memory_space<vmem>>, vector<1x16xf32>,
        %get3A_946 = vector.shape_cast %get3A_945 : vector<1x16xf32> to vector<16xf32>
        %mul3A_947 = vector.broadcast %squeeze3A_916 : f32 to vector<16xf32>
        %mul3A_948 = arith.mulf %get3A_946, %mul3A_947 : vector<16xf32>
        %swap3A_949 = arith.index_cast %add3A_920 : i32 to index
        %swap3A_950 = arith.constant 32 : index
        %swap3A_951 = tpu.vector_load %arg10[%swap3A_949, %swap3A_950] {strides = array<i32>} : memref<128x128xf32, #tpu.memory_space<vmem>>, vector<1x16xf32>,
        %swap3A_952 = vector.shape_cast %swap3A_951 : vector<1x16xf32> to vector<16xf32>
        %swap3A_953 = vector.shape_cast %mul3A_948 : vector<16xf32> to vector<1x16xf32>
        tpu.vector_store %arg10[%swap3A_949, %swap3A_950], %swap3A_953 {strides = array<i32>} : memref<128x128xf32, #tpu.memory_space<vmem>>, vector<1x16xf32>,
        %get3A_954 = arith.index_cast %add3A_920 : i32 to index
        %get3A_955 = arith.constant 48 : index
        %get3A_956 = tpu.vector_load %arg10[%get3A_954, %get3A_955] {strides = array<i32>} : memref<128x128xf32, #tpu.memory_space<vmem>>, vector<1x16xf32>,
        %get3A_957 = vector.shape_cast %get3A_956 : vector<1x16xf32> to vector<16xf32>
        %mul3A_958 = vector.broadcast %squeeze3A_916 : f32 to vector<16xf32>
        %mul3A_959 = arith.mulf %get3A_957, %mul3A_958 : vector<16xf32>
        %swap3A_960 = arith.index_cast %add3A_920 : i32 to index
        %swap3A_961 = arith.constant 48 : index
        %swap3A_962 = tpu.vector_load %arg10[%swap3A_960, %swap3A_961] {strides = array<i32>} : memref<128x128xf32, #tpu.memory_space<vmem>>, vector<1x16xf32>,
        %swap3A_963 = vector.shape_cast %swap3A_962 : vector<1x16xf32> to vector<16xf32>
        %swap3A_964 = vector.shape_cast %mul3A_959 : vector<16xf32> to vector<1x16xf32>
        tpu.vector_store %arg10[%swap3A_960, %swap3A_961], %swap3A_964 {strides = array<i32>} : memref<128x128xf32, #tpu.memory_space<vmem>>, vector<1x16xf32>,
        %get3A_965 = arith.index_cast %add3A_920 : i32 to index
        %get3A_966 = arith.constant 64 : index
        %get3A_967 = tpu.vector_load %arg10[%get3A_965, %get3A_966] {strides = array<i32>} : memref<128x128xf32, #tpu.memory_space<vmem>>, vector<1x16xf32>,
        %get3A_968 = vector.shape_cast %get3A_967 : vector<1x16xf32> to vector<16xf32>
        %mul3A_969 = vector.broadcast %squeeze3A_916 : f32 to vector<16xf32>
        %mul3A_970 = arith.mulf %get3A_968, %mul3A_969 : vector<16xf32>
        %swap3A_971 = arith.index_cast %add3A_920 : i32 to index
        %swap3A_972 = arith.constant 64 : index
        %swap3A_973 = tpu.vector_load %arg10[%swap3A_971, %swap3A_972] {strides = array<i32>} : memref<128x128xf32, #tpu.memory_space<vmem>>, vector<1x16xf32>,
        %swap3A_974 = vector.shape_cast %swap3A_973 : vector<1x16xf32> to vector<16xf32>
        %swap3A_975 = vector.shape_cast %mul3A_970 : vector<16xf32> to vector<1x16xf32>
        tpu.vector_store %arg10[%swap3A_971, %swap3A_972], %swap3A_975 {strides = array<i32>} : memref<128x128xf32, #tpu.memory_space<vmem>>, vector<1x16xf32>,
        %get3A_976 = arith.index_cast %add3A_920 : i32 to index
        %get3A_977 = arith.constant 80 : index
        %get3A_978 = tpu.vector_load %arg10[%get3A_976, %get3A_977] {strides = array<i32>} : memref<128x128xf32, #tpu.memory_space<vmem>>, vector<1x16xf32>,
        %get3A_979 = vector.shape_cast %get3A_978 : vector<1x16xf32> to vector<16xf32>
        %mul3A_980 = vector.broadcast %squeeze3A_916 : f32 to vector<16xf32>
        %mul3A_981 = arith.mulf %get3A_979, %mul3A_980 : vector<16xf32>
        %swap3A_982 = arith.index_cast %add3A_920 : i32 to index
        %swap3A_983 = arith.constant 80 : index
        %swap3A_984 = tpu.vector_load %arg10[%swap3A_982, %swap3A_983] {strides = array<i32>} : memref<128x128xf32, #tpu.memory_space<vmem>>, vector<1x16xf32>,
        %swap3A_985 = vector.shape_cast %swap3A_984 : vector<1x16xf32> to vector<16xf32>
        %swap3A_986 = vector.shape_cast %mul3A_981 : vector<16xf32> to vector<1x16xf32>
        tpu.vector_store %arg10[%swap3A_982, %swap3A_983], %swap3A_986 {strides = array<i32>} : memref<128x128xf32, #tpu.memory_space<vmem>>, vector<1x16xf32>,
        %get3A_987 = arith.index_cast %add3A_920 : i32 to index
        %get3A_988 = arith.constant 96 : index
        %get3A_989 = tpu.vector_load %arg10[%get3A_987, %get3A_988] {strides = array<i32>} : memref<128x128xf32, #tpu.memory_space<vmem>>, vector<1x16xf32>,
        %get3A_990 = vector.shape_cast %get3A_989 : vector<1x16xf32> to vector<16xf32>
        %mul3A_991 = vector.broadcast %squeeze3A_916 : f32 to vector<16xf32>
        %mul3A_992 = arith.mulf %get3A_990, %mul3A_991 : vector<16xf32>
        %swap3A_993 = arith.index_cast %add3A_920 : i32 to index
        %swap3A_994 = arith.constant 96 : index
        %swap3A_995 = tpu.vector_load %arg10[%swap3A_993, %swap3A_994] {strides = array<i32>} : memref<128x128xf32, #tpu.memory_space<vmem>>, vector<1x16xf32>,
        %swap3A_996 = vector.shape_cast %swap3A_995 : vector<1x16xf32> to vector<16xf32>
        %swap3A_997 = vector.shape_cast %mul3A_992 : vector<16xf32> to vector<1x16xf32>
        tpu.vector_store %arg10[%swap3A_993, %swap3A_994], %swap3A_997 {strides = array<i32>} : memref<128x128xf32, #tpu.memory_space<vmem>>, vector<1x16xf32>,
        %get3A_998 = arith.index_cast %add3A_920 : i32 to index
        %get3A_999 = arith.constant 112 : index
        %get3A_1000 = tpu.vector_load %arg10[%get3A_998, %get3A_999] {strides = array<i32>} : memref<128x128xf32, #tpu.memory_space<vmem>>, vector<1x16xf32>,
        %get3A_1001 = vector.shape_cast %get3A_1000 : vector<1x16xf32> to vector<16xf32>
        %mul3A_1002 = vector.broadcast %squeeze3A_916 : f32 to vector<16xf32>
        %mul3A_1003 = arith.mulf %get3A_1001, %mul3A_1002 : vector<16xf32>
        %swap3A_1004 = arith.index_cast %add3A_920 : i32 to index
        %swap3A_1005 = arith.constant 112 : index
        %swap3A_1006 = tpu.vector_load %arg10[%swap3A_1004, %swap3A_1005] {strides = array<i32>} : memref<128x128xf32, #tpu.memory_space<vmem>>, vector<1x16xf32>,
        %swap3A_1007 = vector.shape_cast %swap3A_1006 : vector<1x16xf32> to vector<16xf32>
        %swap3A_1008 = vector.shape_cast %mul3A_1003 : vector<16xf32> to vector<1x16xf32>
        tpu.vector_store %arg10[%swap3A_1004, %swap3A_1005], %swap3A_1008 {strides = array<i32>} : memref<128x128xf32, #tpu.memory_space<vmem>>, vector<1x16xf32>,
        %slice3A_1009 = vector.extract_strided_slice %get3A_165 {offsets = [9], sizes = [1], strides = [1]} : vector<16xf32> to vector<1xf32>
        %squeeze3A_1010 = vector.extract %slice3A_1009[0] : f32 from vector<1xf32>
        %mul3A_1011 = arith.constant 16 : i32
        %mul3A_1012 = arith.muli %scan3A_159, %mul3A_1011 : i32
        %add3A_1013 = arith.constant 9 : i32
        %add3A_1014 = arith.addi %mul3A_1012, %add3A_1013 : i32
        %get3A_1015 = arith.index_cast %add3A_1014 : i32 to index
        %get3A_1016 = arith.constant 0 : index
        %get3A_1017 = tpu.vector_load %arg10[%get3A_1015, %get3A_1016] {strides = array<i32>} : memref<128x128xf32, #tpu.memory_space<vmem>>, vector<1x16xf32>,
        %get3A_1018 = vector.shape_cast %get3A_1017 : vector<1x16xf32> to vector<16xf32>
        %mul3A_1019 = vector.broadcast %squeeze3A_1010 : f32 to vector<16xf32>
        %mul3A_1020 = arith.mulf %get3A_1018, %mul3A_1019 : vector<16xf32>
        %swap3A_1021 = arith.index_cast %add3A_1014 : i32 to index
        %swap3A_1022 = arith.constant 0 : index
        %swap3A_1023 = tpu.vector_load %arg10[%swap3A_1021, %swap3A_1022] {strides = array<i32>} : memref<128x128xf32, #tpu.memory_space<vmem>>, vector<1x16xf32>,
        %swap3A_1024 = vector.shape_cast %swap3A_1023 : vector<1x16xf32> to vector<16xf32>
        %swap3A_1025 = vector.shape_cast %mul3A_1020 : vector<16xf32> to vector<1x16xf32>
        tpu.vector_store %arg10[%swap3A_1021, %swap3A_1022], %swap3A_1025 {strides = array<i32>} : memref<128x128xf32, #tpu.memory_space<vmem>>, vector<1x16xf32>,
        %get3A_1026 = arith.index_cast %add3A_1014 : i32 to index
        %get3A_1027 = arith.constant 16 : index
        %get3A_1028 = tpu.vector_load %arg10[%get3A_1026, %get3A_1027] {strides = array<i32>} : memref<128x128xf32, #tpu.memory_space<vmem>>, vector<1x16xf32>,
        %get3A_1029 = vector.shape_cast %get3A_1028 : vector<1x16xf32> to vector<16xf32>
        %mul3A_1030 = vector.broadcast %squeeze3A_1010 : f32 to vector<16xf32>
        %mul3A_1031 = arith.mulf %get3A_1029, %mul3A_1030 : vector<16xf32>
        %swap3A_1032 = arith.index_cast %add3A_1014 : i32 to index
        %swap3A_1033 = arith.constant 16 : index
        %swap3A_1034 = tpu.vector_load %arg10[%swap3A_1032, %swap3A_1033] {strides = array<i32>} : memref<128x128xf32, #tpu.memory_space<vmem>>, vector<1x16xf32>,
        %swap3A_1035 = vector.shape_cast %swap3A_1034 : vector<1x16xf32> to vector<16xf32>
        %swap3A_1036 = vector.shape_cast %mul3A_1031 : vector<16xf32> to vector<1x16xf32>
        tpu.vector_store %arg10[%swap3A_1032, %swap3A_1033], %swap3A_1036 {strides = array<i32>} : memref<128x128xf32, #tpu.memory_space<vmem>>, vector<1x16xf32>,
        %get3A_1037 = arith.index_cast %add3A_1014 : i32 to index
        %get3A_1038 = arith.constant 32 : index
        %get3A_1039 = tpu.vector_load %arg10[%get3A_1037, %get3A_1038] {strides = array<i32>} : memref<128x128xf32, #tpu.memory_space<vmem>>, vector<1x16xf32>,
        %get3A_1040 = vector.shape_cast %get3A_1039 : vector<1x16xf32> to vector<16xf32>
        %mul3A_1041 = vector.broadcast %squeeze3A_1010 : f32 to vector<16xf32>
        %mul3A_1042 = arith.mulf %get3A_1040, %mul3A_1041 : vector<16xf32>
        %swap3A_1043 = arith.index_cast %add3A_1014 : i32 to index
        %swap3A_1044 = arith.constant 32 : index
        %swap3A_1045 = tpu.vector_load %arg10[%swap3A_1043, %swap3A_1044] {strides = array<i32>} : memref<128x128xf32, #tpu.memory_space<vmem>>, vector<1x16xf32>,
        %swap3A_1046 = vector.shape_cast %swap3A_1045 : vector<1x16xf32> to vector<16xf32>
        %swap3A_1047 = vector.shape_cast %mul3A_1042 : vector<16xf32> to vector<1x16xf32>
        tpu.vector_store %arg10[%swap3A_1043, %swap3A_1044], %swap3A_1047 {strides = array<i32>} : memref<128x128xf32, #tpu.memory_space<vmem>>, vector<1x16xf32>,
        %get3A_1048 = arith.index_cast %add3A_1014 : i32 to index
        %get3A_1049 = arith.constant 48 : index
        %get3A_1050 = tpu.vector_load %arg10[%get3A_1048, %get3A_1049] {strides = array<i32>} : memref<128x128xf32, #tpu.memory_space<vmem>>, vector<1x16xf32>,
        %get3A_1051 = vector.shape_cast %get3A_1050 : vector<1x16xf32> to vector<16xf32>
        %mul3A_1052 = vector.broadcast %squeeze3A_1010 : f32 to vector<16xf32>
        %mul3A_1053 = arith.mulf %get3A_1051, %mul3A_1052 : vector<16xf32>
        %swap3A_1054 = arith.index_cast %add3A_1014 : i32 to index
        %swap3A_1055 = arith.constant 48 : index
        %swap3A_1056 = tpu.vector_load %arg10[%swap3A_1054, %swap3A_1055] {strides = array<i32>} : memref<128x128xf32, #tpu.memory_space<vmem>>, vector<1x16xf32>,
        %swap3A_1057 = vector.shape_cast %swap3A_1056 : vector<1x16xf32> to vector<16xf32>
        %swap3A_1058 = vector.shape_cast %mul3A_1053 : vector<16xf32> to vector<1x16xf32>
        tpu.vector_store %arg10[%swap3A_1054, %swap3A_1055], %swap3A_1058 {strides = array<i32>} : memref<128x128xf32, #tpu.memory_space<vmem>>, vector<1x16xf32>,
        %get3A_1059 = arith.index_cast %add3A_1014 : i32 to index
        %get3A_1060 = arith.constant 64 : index
        %get3A_1061 = tpu.vector_load %arg10[%get3A_1059, %get3A_1060] {strides = array<i32>} : memref<128x128xf32, #tpu.memory_space<vmem>>, vector<1x16xf32>,
        %get3A_1062 = vector.shape_cast %get3A_1061 : vector<1x16xf32> to vector<16xf32>
        %mul3A_1063 = vector.broadcast %squeeze3A_1010 : f32 to vector<16xf32>
        %mul3A_1064 = arith.mulf %get3A_1062, %mul3A_1063 : vector<16xf32>
        %swap3A_1065 = arith.index_cast %add3A_1014 : i32 to index
        %swap3A_1066 = arith.constant 64 : index
        %swap3A_1067 = tpu.vector_load %arg10[%swap3A_1065, %swap3A_1066] {strides = array<i32>} : memref<128x128xf32, #tpu.memory_space<vmem>>, vector<1x16xf32>,
        %swap3A_1068 = vector.shape_cast %swap3A_1067 : vector<1x16xf32> to vector<16xf32>
        %swap3A_1069 = vector.shape_cast %mul3A_1064 : vector<16xf32> to vector<1x16xf32>
        tpu.vector_store %arg10[%swap3A_1065, %swap3A_1066], %swap3A_1069 {strides = array<i32>} : memref<128x128xf32, #tpu.memory_space<vmem>>, vector<1x16xf32>,
        %get3A_1070 = arith.index_cast %add3A_1014 : i32 to index
        %get3A_1071 = arith.constant 80 : index
        %get3A_1072 = tpu.vector_load %arg10[%get3A_1070, %get3A_1071] {strides = array<i32>} : memref<128x128xf32, #tpu.memory_space<vmem>>, vector<1x16xf32>,
        %get3A_1073 = vector.shape_cast %get3A_1072 : vector<1x16xf32> to vector<16xf32>
        %mul3A_1074 = vector.broadcast %squeeze3A_1010 : f32 to vector<16xf32>
        %mul3A_1075 = arith.mulf %get3A_1073, %mul3A_1074 : vector<16xf32>
        %swap3A_1076 = arith.index_cast %add3A_1014 : i32 to index
        %swap3A_1077 = arith.constant 80 : index
        %swap3A_1078 = tpu.vector_load %arg10[%swap3A_1076, %swap3A_1077] {strides = array<i32>} : memref<128x128xf32, #tpu.memory_space<vmem>>, vector<1x16xf32>,
        %swap3A_1079 = vector.shape_cast %swap3A_1078 : vector<1x16xf32> to vector<16xf32>
        %swap3A_1080 = vector.shape_cast %mul3A_1075 : vector<16xf32> to vector<1x16xf32>
        tpu.vector_store %arg10[%swap3A_1076, %swap3A_1077], %swap3A_1080 {strides = array<i32>} : memref<128x128xf32, #tpu.memory_space<vmem>>, vector<1x16xf32>,
        %get3A_1081 = arith.index_cast %add3A_1014 : i32 to index
        %get3A_1082 = arith.constant 96 : index
        %get3A_1083 = tpu.vector_load %arg10[%get3A_1081, %get3A_1082] {strides = array<i32>} : memref<128x128xf32, #tpu.memory_space<vmem>>, vector<1x16xf32>,
        %get3A_1084 = vector.shape_cast %get3A_1083 : vector<1x16xf32> to vector<16xf32>
        %mul3A_1085 = vector.broadcast %squeeze3A_1010 : f32 to vector<16xf32>
        %mul3A_1086 = arith.mulf %get3A_1084, %mul3A_1085 : vector<16xf32>
        %swap3A_1087 = arith.index_cast %add3A_1014 : i32 to index
        %swap3A_1088 = arith.constant 96 : index
        %swap3A_1089 = tpu.vector_load %arg10[%swap3A_1087, %swap3A_1088] {strides = array<i32>} : memref<128x128xf32, #tpu.memory_space<vmem>>, vector<1x16xf32>,
        %swap3A_1090 = vector.shape_cast %swap3A_1089 : vector<1x16xf32> to vector<16xf32>
        %swap3A_1091 = vector.shape_cast %mul3A_1086 : vector<16xf32> to vector<1x16xf32>
        tpu.vector_store %arg10[%swap3A_1087, %swap3A_1088], %swap3A_1091 {strides = array<i32>} : memref<128x128xf32, #tpu.memory_space<vmem>>, vector<1x16xf32>,
        %get3A_1092 = arith.index_cast %add3A_1014 : i32 to index
        %get3A_1093 = arith.constant 112 : index
        %get3A_1094 = tpu.vector_load %arg10[%get3A_1092, %get3A_1093] {strides = array<i32>} : memref<128x128xf32, #tpu.memory_space<vmem>>, vector<1x16xf32>,
        %get3A_1095 = vector.shape_cast %get3A_1094 : vector<1x16xf32> to vector<16xf32>
        %mul3A_1096 = vector.broadcast %squeeze3A_1010 : f32 to vector<16xf32>
        %mul3A_1097 = arith.mulf %get3A_1095, %mul3A_1096 : vector<16xf32>
        %swap3A_1098 = arith.index_cast %add3A_1014 : i32 to index
        %swap3A_1099 = arith.constant 112 : index
        %swap3A_1100 = tpu.vector_load %arg10[%swap3A_1098, %swap3A_1099] {strides = array<i32>} : memref<128x128xf32, #tpu.memory_space<vmem>>, vector<1x16xf32>,
        %swap3A_1101 = vector.shape_cast %swap3A_1100 : vector<1x16xf32> to vector<16xf32>
        %swap3A_1102 = vector.shape_cast %mul3A_1097 : vector<16xf32> to vector<1x16xf32>
        tpu.vector_store %arg10[%swap3A_1098, %swap3A_1099], %swap3A_1102 {strides = array<i32>} : memref<128x128xf32, #tpu.memory_space<vmem>>, vector<1x16xf32>,
        %slice3A_1103 = vector.extract_strided_slice %get3A_165 {offsets = [10], sizes = [1], strides = [1]} : vector<16xf32> to vector<1xf32>
        %squeeze3A_1104 = vector.extract %slice3A_1103[0] : f32 from vector<1xf32>
        %mul3A_1105 = arith.constant 16 : i32
        %mul3A_1106 = arith.muli %scan3A_159, %mul3A_1105 : i32
        %add3A_1107 = arith.constant 10 : i32
        %add3A_1108 = arith.addi %mul3A_1106, %add3A_1107 : i32
        %get3A_1109 = arith.index_cast %add3A_1108 : i32 to index
        %get3A_1110 = arith.constant 0 : index
        %get3A_1111 = tpu.vector_load %arg10[%get3A_1109, %get3A_1110] {strides = array<i32>} : memref<128x128xf32, #tpu.memory_space<vmem>>, vector<1x16xf32>,
        %get3A_1112 = vector.shape_cast %get3A_1111 : vector<1x16xf32> to vector<16xf32>
        %mul3A_1113 = vector.broadcast %squeeze3A_1104 : f32 to vector<16xf32>
        %mul3A_1114 = arith.mulf %get3A_1112, %mul3A_1113 : vector<16xf32>
        %swap3A_1115 = arith.index_cast %add3A_1108 : i32 to index
        %swap3A_1116 = arith.constant 0 : index
        %swap3A_1117 = tpu.vector_load %arg10[%swap3A_1115, %swap3A_1116] {strides = array<i32>} : memref<128x128xf32, #tpu.memory_space<vmem>>, vector<1x16xf32>,
        %swap3A_1118 = vector.shape_cast %swap3A_1117 : vector<1x16xf32> to vector<16xf32>
        %swap3A_1119 = vector.shape_cast %mul3A_1114 : vector<16xf32> to vector<1x16xf32>
        tpu.vector_store %arg10[%swap3A_1115, %swap3A_1116], %swap3A_1119 {strides = array<i32>} : memref<128x128xf32, #tpu.memory_space<vmem>>, vector<1x16xf32>,
        %get3A_1120 = arith.index_cast %add3A_1108 : i32 to index
        %get3A_1121 = arith.constant 16 : index
        %get3A_1122 = tpu.vector_load %arg10[%get3A_1120, %get3A_1121] {strides = array<i32>} : memref<128x128xf32, #tpu.memory_space<vmem>>, vector<1x16xf32>,
        %get3A_1123 = vector.shape_cast %get3A_1122 : vector<1x16xf32> to vector<16xf32>
        %mul3A_1124 = vector.broadcast %squeeze3A_1104 : f32 to vector<16xf32>
        %mul3A_1125 = arith.mulf %get3A_1123, %mul3A_1124 : vector<16xf32>
        %swap3A_1126 = arith.index_cast %add3A_1108 : i32 to index
        %swap3A_1127 = arith.constant 16 : index
        %swap3A_1128 = tpu.vector_load %arg10[%swap3A_1126, %swap3A_1127] {strides = array<i32>} : memref<128x128xf32, #tpu.memory_space<vmem>>, vector<1x16xf32>,
        %swap3A_1129 = vector.shape_cast %swap3A_1128 : vector<1x16xf32> to vector<16xf32>
        %swap3A_1130 = vector.shape_cast %mul3A_1125 : vector<16xf32> to vector<1x16xf32>
        tpu.vector_store %arg10[%swap3A_1126, %swap3A_1127], %swap3A_1130 {strides = array<i32>} : memref<128x128xf32, #tpu.memory_space<vmem>>, vector<1x16xf32>,
        %get3A_1131 = arith.index_cast %add3A_1108 : i32 to index
        %get3A_1132 = arith.constant 32 : index
        %get3A_1133 = tpu.vector_load %arg10[%get3A_1131, %get3A_1132] {strides = array<i32>} : memref<128x128xf32, #tpu.memory_space<vmem>>, vector<1x16xf32>,
        %get3A_1134 = vector.shape_cast %get3A_1133 : vector<1x16xf32> to vector<16xf32>
        %mul3A_1135 = vector.broadcast %squeeze3A_1104 : f32 to vector<16xf32>
        %mul3A_1136 = arith.mulf %get3A_1134, %mul3A_1135 : vector<16xf32>
        %swap3A_1137 = arith.index_cast %add3A_1108 : i32 to index
        %swap3A_1138 = arith.constant 32 : index
        %swap3A_1139 = tpu.vector_load %arg10[%swap3A_1137, %swap3A_1138] {strides = array<i32>} : memref<128x128xf32, #tpu.memory_space<vmem>>, vector<1x16xf32>,
        %swap3A_1140 = vector.shape_cast %swap3A_1139 : vector<1x16xf32> to vector<16xf32>
        %swap3A_1141 = vector.shape_cast %mul3A_1136 : vector<16xf32> to vector<1x16xf32>
        tpu.vector_store %arg10[%swap3A_1137, %swap3A_1138], %swap3A_1141 {strides = array<i32>} : memref<128x128xf32, #tpu.memory_space<vmem>>, vector<1x16xf32>,
        %get3A_1142 = arith.index_cast %add3A_1108 : i32 to index
        %get3A_1143 = arith.constant 48 : index
        %get3A_1144 = tpu.vector_load %arg10[%get3A_1142, %get3A_1143] {strides = array<i32>} : memref<128x128xf32, #tpu.memory_space<vmem>>, vector<1x16xf32>,
        %get3A_1145 = vector.shape_cast %get3A_1144 : vector<1x16xf32> to vector<16xf32>
        %mul3A_1146 = vector.broadcast %squeeze3A_1104 : f32 to vector<16xf32>
        %mul3A_1147 = arith.mulf %get3A_1145, %mul3A_1146 : vector<16xf32>
        %swap3A_1148 = arith.index_cast %add3A_1108 : i32 to index
        %swap3A_1149 = arith.constant 48 : index
        %swap3A_1150 = tpu.vector_load %arg10[%swap3A_1148, %swap3A_1149] {strides = array<i32>} : memref<128x128xf32, #tpu.memory_space<vmem>>, vector<1x16xf32>,
        %swap3A_1151 = vector.shape_cast %swap3A_1150 : vector<1x16xf32> to vector<16xf32>
        %swap3A_1152 = vector.shape_cast %mul3A_1147 : vector<16xf32> to vector<1x16xf32>
        tpu.vector_store %arg10[%swap3A_1148, %swap3A_1149], %swap3A_1152 {strides = array<i32>} : memref<128x128xf32, #tpu.memory_space<vmem>>, vector<1x16xf32>,
        %get3A_1153 = arith.index_cast %add3A_1108 : i32 to index
        %get3A_1154 = arith.constant 64 : index
        %get3A_1155 = tpu.vector_load %arg10[%get3A_1153, %get3A_1154] {strides = array<i32>} : memref<128x128xf32, #tpu.memory_space<vmem>>, vector<1x16xf32>,
        %get3A_1156 = vector.shape_cast %get3A_1155 : vector<1x16xf32> to vector<16xf32>
        %mul3A_1157 = vector.broadcast %squeeze3A_1104 : f32 to vector<16xf32>
        %mul3A_1158 = arith.mulf %get3A_1156, %mul3A_1157 : vector<16xf32>
        %swap3A_1159 = arith.index_cast %add3A_1108 : i32 to index
        %swap3A_1160 = arith.constant 64 : index
        %swap3A_1161 = tpu.vector_load %arg10[%swap3A_1159, %swap3A_1160] {strides = array<i32>} : memref<128x128xf32, #tpu.memory_space<vmem>>, vector<1x16xf32>,
        %swap3A_1162 = vector.shape_cast %swap3A_1161 : vector<1x16xf32> to vector<16xf32>
        %swap3A_1163 = vector.shape_cast %mul3A_1158 : vector<16xf32> to vector<1x16xf32>
        tpu.vector_store %arg10[%swap3A_1159, %swap3A_1160], %swap3A_1163 {strides = array<i32>} : memref<128x128xf32, #tpu.memory_space<vmem>>, vector<1x16xf32>,
        %get3A_1164 = arith.index_cast %add3A_1108 : i32 to index
        %get3A_1165 = arith.constant 80 : index
        %get3A_1166 = tpu.vector_load %arg10[%get3A_1164, %get3A_1165] {strides = array<i32>} : memref<128x128xf32, #tpu.memory_space<vmem>>, vector<1x16xf32>,
        %get3A_1167 = vector.shape_cast %get3A_1166 : vector<1x16xf32> to vector<16xf32>
        %mul3A_1168 = vector.broadcast %squeeze3A_1104 : f32 to vector<16xf32>
        %mul3A_1169 = arith.mulf %get3A_1167, %mul3A_1168 : vector<16xf32>
        %swap3A_1170 = arith.index_cast %add3A_1108 : i32 to index
        %swap3A_1171 = arith.constant 80 : index
        %swap3A_1172 = tpu.vector_load %arg10[%swap3A_1170, %swap3A_1171] {strides = array<i32>} : memref<128x128xf32, #tpu.memory_space<vmem>>, vector<1x16xf32>,
        %swap3A_1173 = vector.shape_cast %swap3A_1172 : vector<1x16xf32> to vector<16xf32>
        %swap3A_1174 = vector.shape_cast %mul3A_1169 : vector<16xf32> to vector<1x16xf32>
        tpu.vector_store %arg10[%swap3A_1170, %swap3A_1171], %swap3A_1174 {strides = array<i32>} : memref<128x128xf32, #tpu.memory_space<vmem>>, vector<1x16xf32>,
        %get3A_1175 = arith.index_cast %add3A_1108 : i32 to index
        %get3A_1176 = arith.constant 96 : index
        %get3A_1177 = tpu.vector_load %arg10[%get3A_1175, %get3A_1176] {strides = array<i32>} : memref<128x128xf32, #tpu.memory_space<vmem>>, vector<1x16xf32>,
        %get3A_1178 = vector.shape_cast %get3A_1177 : vector<1x16xf32> to vector<16xf32>
        %mul3A_1179 = vector.broadcast %squeeze3A_1104 : f32 to vector<16xf32>
        %mul3A_1180 = arith.mulf %get3A_1178, %mul3A_1179 : vector<16xf32>
        %swap3A_1181 = arith.index_cast %add3A_1108 : i32 to index
        %swap3A_1182 = arith.constant 96 : index
        %swap3A_1183 = tpu.vector_load %arg10[%swap3A_1181, %swap3A_1182] {strides = array<i32>} : memref<128x128xf32, #tpu.memory_space<vmem>>, vector<1x16xf32>,
        %swap3A_1184 = vector.shape_cast %swap3A_1183 : vector<1x16xf32> to vector<16xf32>
        %swap3A_1185 = vector.shape_cast %mul3A_1180 : vector<16xf32> to vector<1x16xf32>
        tpu.vector_store %arg10[%swap3A_1181, %swap3A_1182], %swap3A_1185 {strides = array<i32>} : memref<128x128xf32, #tpu.memory_space<vmem>>, vector<1x16xf32>,
        %get3A_1186 = arith.index_cast %add3A_1108 : i32 to index
        %get3A_1187 = arith.constant 112 : index
        %get3A_1188 = tpu.vector_load %arg10[%get3A_1186, %get3A_1187] {strides = array<i32>} : memref<128x128xf32, #tpu.memory_space<vmem>>, vector<1x16xf32>,
        %get3A_1189 = vector.shape_cast %get3A_1188 : vector<1x16xf32> to vector<16xf32>
        %mul3A_1190 = vector.broadcast %squeeze3A_1104 : f32 to vector<16xf32>
        %mul3A_1191 = arith.mulf %get3A_1189, %mul3A_1190 : vector<16xf32>
        %swap3A_1192 = arith.index_cast %add3A_1108 : i32 to index
        %swap3A_1193 = arith.constant 112 : index
        %swap3A_1194 = tpu.vector_load %arg10[%swap3A_1192, %swap3A_1193] {strides = array<i32>} : memref<128x128xf32, #tpu.memory_space<vmem>>, vector<1x16xf32>,
        %swap3A_1195 = vector.shape_cast %swap3A_1194 : vector<1x16xf32> to vector<16xf32>
        %swap3A_1196 = vector.shape_cast %mul3A_1191 : vector<16xf32> to vector<1x16xf32>
        tpu.vector_store %arg10[%swap3A_1192, %swap3A_1193], %swap3A_1196 {strides = array<i32>} : memref<128x128xf32, #tpu.memory_space<vmem>>, vector<1x16xf32>,
        %slice3A_1197 = vector.extract_strided_slice %get3A_165 {offsets = [11], sizes = [1], strides = [1]} : vector<16xf32> to vector<1xf32>
        %squeeze3A_1198 = vector.extract %slice3A_1197[0] : f32 from vector<1xf32>
        %mul3A_1199 = arith.constant 16 : i32
        %mul3A_1200 = arith.muli %scan3A_159, %mul3A_1199 : i32
        %add3A_1201 = arith.constant 11 : i32
        %add3A_1202 = arith.addi %mul3A_1200, %add3A_1201 : i32
        %get3A_1203 = arith.index_cast %add3A_1202 : i32 to index
        %get3A_1204 = arith.constant 0 : index
        %get3A_1205 = tpu.vector_load %arg10[%get3A_1203, %get3A_1204] {strides = array<i32>} : memref<128x128xf32, #tpu.memory_space<vmem>>, vector<1x16xf32>,
        %get3A_1206 = vector.shape_cast %get3A_1205 : vector<1x16xf32> to vector<16xf32>
        %mul3A_1207 = vector.broadcast %squeeze3A_1198 : f32 to vector<16xf32>
        %mul3A_1208 = arith.mulf %get3A_1206, %mul3A_1207 : vector<16xf32>
        %swap3A_1209 = arith.index_cast %add3A_1202 : i32 to index
        %swap3A_1210 = arith.constant 0 : index
        %swap3A_1211 = tpu.vector_load %arg10[%swap3A_1209, %swap3A_1210] {strides = array<i32>} : memref<128x128xf32, #tpu.memory_space<vmem>>, vector<1x16xf32>,
        %swap3A_1212 = vector.shape_cast %swap3A_1211 : vector<1x16xf32> to vector<16xf32>
        %swap3A_1213 = vector.shape_cast %mul3A_1208 : vector<16xf32> to vector<1x16xf32>
        tpu.vector_store %arg10[%swap3A_1209, %swap3A_1210], %swap3A_1213 {strides = array<i32>} : memref<128x128xf32, #tpu.memory_space<vmem>>, vector<1x16xf32>,
        %get3A_1214 = arith.index_cast %add3A_1202 : i32 to index
        %get3A_1215 = arith.constant 16 : index
        %get3A_1216 = tpu.vector_load %arg10[%get3A_1214, %get3A_1215] {strides = array<i32>} : memref<128x128xf32, #tpu.memory_space<vmem>>, vector<1x16xf32>,
        %get3A_1217 = vector.shape_cast %get3A_1216 : vector<1x16xf32> to vector<16xf32>
        %mul3A_1218 = vector.broadcast %squeeze3A_1198 : f32 to vector<16xf32>
        %mul3A_1219 = arith.mulf %get3A_1217, %mul3A_1218 : vector<16xf32>
        %swap3A_1220 = arith.index_cast %add3A_1202 : i32 to index
        %swap3A_1221 = arith.constant 16 : index
        %swap3A_1222 = tpu.vector_load %arg10[%swap3A_1220, %swap3A_1221] {strides = array<i32>} : memref<128x128xf32, #tpu.memory_space<vmem>>, vector<1x16xf32>,
        %swap3A_1223 = vector.shape_cast %swap3A_1222 : vector<1x16xf32> to vector<16xf32>
        %swap3A_1224 = vector.shape_cast %mul3A_1219 : vector<16xf32> to vector<1x16xf32>
        tpu.vector_store %arg10[%swap3A_1220, %swap3A_1221], %swap3A_1224 {strides = array<i32>} : memref<128x128xf32, #tpu.memory_space<vmem>>, vector<1x16xf32>,
        %get3A_1225 = arith.index_cast %add3A_1202 : i32 to index
        %get3A_1226 = arith.constant 32 : index
        %get3A_1227 = tpu.vector_load %arg10[%get3A_1225, %get3A_1226] {strides = array<i32>} : memref<128x128xf32, #tpu.memory_space<vmem>>, vector<1x16xf32>,
        %get3A_1228 = vector.shape_cast %get3A_1227 : vector<1x16xf32> to vector<16xf32>
        %mul3A_1229 = vector.broadcast %squeeze3A_1198 : f32 to vector<16xf32>
        %mul3A_1230 = arith.mulf %get3A_1228, %mul3A_1229 : vector<16xf32>
        %swap3A_1231 = arith.index_cast %add3A_1202 : i32 to index
        %swap3A_1232 = arith.constant 32 : index
        %swap3A_1233 = tpu.vector_load %arg10[%swap3A_1231, %swap3A_1232] {strides = array<i32>} : memref<128x128xf32, #tpu.memory_space<vmem>>, vector<1x16xf32>,
        %swap3A_1234 = vector.shape_cast %swap3A_1233 : vector<1x16xf32> to vector<16xf32>
        %swap3A_1235 = vector.shape_cast %mul3A_1230 : vector<16xf32> to vector<1x16xf32>
        tpu.vector_store %arg10[%swap3A_1231, %swap3A_1232], %swap3A_1235 {strides = array<i32>} : memref<128x128xf32, #tpu.memory_space<vmem>>, vector<1x16xf32>,
        %get3A_1236 = arith.index_cast %add3A_1202 : i32 to index
        %get3A_1237 = arith.constant 48 : index
        %get3A_1238 = tpu.vector_load %arg10[%get3A_1236, %get3A_1237] {strides = array<i32>} : memref<128x128xf32, #tpu.memory_space<vmem>>, vector<1x16xf32>,
        %get3A_1239 = vector.shape_cast %get3A_1238 : vector<1x16xf32> to vector<16xf32>
        %mul3A_1240 = vector.broadcast %squeeze3A_1198 : f32 to vector<16xf32>
        %mul3A_1241 = arith.mulf %get3A_1239, %mul3A_1240 : vector<16xf32>
        %swap3A_1242 = arith.index_cast %add3A_1202 : i32 to index
        %swap3A_1243 = arith.constant 48 : index
        %swap3A_1244 = tpu.vector_load %arg10[%swap3A_1242, %swap3A_1243] {strides = array<i32>} : memref<128x128xf32, #tpu.memory_space<vmem>>, vector<1x16xf32>,
        %swap3A_1245 = vector.shape_cast %swap3A_1244 : vector<1x16xf32> to vector<16xf32>
        %swap3A_1246 = vector.shape_cast %mul3A_1241 : vector<16xf32> to vector<1x16xf32>
        tpu.vector_store %arg10[%swap3A_1242, %swap3A_1243], %swap3A_1246 {strides = array<i32>} : memref<128x128xf32, #tpu.memory_space<vmem>>, vector<1x16xf32>,
        %get3A_1247 = arith.index_cast %add3A_1202 : i32 to index
        %get3A_1248 = arith.constant 64 : index
        %get3A_1249 = tpu.vector_load %arg10[%get3A_1247, %get3A_1248] {strides = array<i32>} : memref<128x128xf32, #tpu.memory_space<vmem>>, vector<1x16xf32>,
        %get3A_1250 = vector.shape_cast %get3A_1249 : vector<1x16xf32> to vector<16xf32>
        %mul3A_1251 = vector.broadcast %squeeze3A_1198 : f32 to vector<16xf32>
        %mul3A_1252 = arith.mulf %get3A_1250, %mul3A_1251 : vector<16xf32>
        %swap3A_1253 = arith.index_cast %add3A_1202 : i32 to index
        %swap3A_1254 = arith.constant 64 : index
        %swap3A_1255 = tpu.vector_load %arg10[%swap3A_1253, %swap3A_1254] {strides = array<i32>} : memref<128x128xf32, #tpu.memory_space<vmem>>, vector<1x16xf32>,
        %swap3A_1256 = vector.shape_cast %swap3A_1255 : vector<1x16xf32> to vector<16xf32>
        %swap3A_1257 = vector.shape_cast %mul3A_1252 : vector<16xf32> to vector<1x16xf32>
        tpu.vector_store %arg10[%swap3A_1253, %swap3A_1254], %swap3A_1257 {strides = array<i32>} : memref<128x128xf32, #tpu.memory_space<vmem>>, vector<1x16xf32>,
        %get3A_1258 = arith.index_cast %add3A_1202 : i32 to index
        %get3A_1259 = arith.constant 80 : index
        %get3A_1260 = tpu.vector_load %arg10[%get3A_1258, %get3A_1259] {strides = array<i32>} : memref<128x128xf32, #tpu.memory_space<vmem>>, vector<1x16xf32>,
        %get3A_1261 = vector.shape_cast %get3A_1260 : vector<1x16xf32> to vector<16xf32>
        %mul3A_1262 = vector.broadcast %squeeze3A_1198 : f32 to vector<16xf32>
        %mul3A_1263 = arith.mulf %get3A_1261, %mul3A_1262 : vector<16xf32>
        %swap3A_1264 = arith.index_cast %add3A_1202 : i32 to index
        %swap3A_1265 = arith.constant 80 : index
        %swap3A_1266 = tpu.vector_load %arg10[%swap3A_1264, %swap3A_1265] {strides = array<i32>} : memref<128x128xf32, #tpu.memory_space<vmem>>, vector<1x16xf32>,
        %swap3A_1267 = vector.shape_cast %swap3A_1266 : vector<1x16xf32> to vector<16xf32>
        %swap3A_1268 = vector.shape_cast %mul3A_1263 : vector<16xf32> to vector<1x16xf32>
        tpu.vector_store %arg10[%swap3A_1264, %swap3A_1265], %swap3A_1268 {strides = array<i32>} : memref<128x128xf32, #tpu.memory_space<vmem>>, vector<1x16xf32>,
        %get3A_1269 = arith.index_cast %add3A_1202 : i32 to index
        %get3A_1270 = arith.constant 96 : index
        %get3A_1271 = tpu.vector_load %arg10[%get3A_1269, %get3A_1270] {strides = array<i32>} : memref<128x128xf32, #tpu.memory_space<vmem>>, vector<1x16xf32>,
        %get3A_1272 = vector.shape_cast %get3A_1271 : vector<1x16xf32> to vector<16xf32>
        %mul3A_1273 = vector.broadcast %squeeze3A_1198 : f32 to vector<16xf32>
        %mul3A_1274 = arith.mulf %get3A_1272, %mul3A_1273 : vector<16xf32>
        %swap3A_1275 = arith.index_cast %add3A_1202 : i32 to index
        %swap3A_1276 = arith.constant 96 : index
        %swap3A_1277 = tpu.vector_load %arg10[%swap3A_1275, %swap3A_1276] {strides = array<i32>} : memref<128x128xf32, #tpu.memory_space<vmem>>, vector<1x16xf32>,
        %swap3A_1278 = vector.shape_cast %swap3A_1277 : vector<1x16xf32> to vector<16xf32>
        %swap3A_1279 = vector.shape_cast %mul3A_1274 : vector<16xf32> to vector<1x16xf32>
        tpu.vector_store %arg10[%swap3A_1275, %swap3A_1276], %swap3A_1279 {strides = array<i32>} : memref<128x128xf32, #tpu.memory_space<vmem>>, vector<1x16xf32>,
        %get3A_1280 = arith.index_cast %add3A_1202 : i32 to index
        %get3A_1281 = arith.constant 112 : index
        %get3A_1282 = tpu.vector_load %arg10[%get3A_1280, %get3A_1281] {strides = array<i32>} : memref<128x128xf32, #tpu.memory_space<vmem>>, vector<1x16xf32>,
        %get3A_1283 = vector.shape_cast %get3A_1282 : vector<1x16xf32> to vector<16xf32>
        %mul3A_1284 = vector.broadcast %squeeze3A_1198 : f32 to vector<16xf32>
        %mul3A_1285 = arith.mulf %get3A_1283, %mul3A_1284 : vector<16xf32>
        %swap3A_1286 = arith.index_cast %add3A_1202 : i32 to index
        %swap3A_1287 = arith.constant 112 : index
        %swap3A_1288 = tpu.vector_load %arg10[%swap3A_1286, %swap3A_1287] {strides = array<i32>} : memref<128x128xf32, #tpu.memory_space<vmem>>, vector<1x16xf32>,
        %swap3A_1289 = vector.shape_cast %swap3A_1288 : vector<1x16xf32> to vector<16xf32>
        %swap3A_1290 = vector.shape_cast %mul3A_1285 : vector<16xf32> to vector<1x16xf32>
        tpu.vector_store %arg10[%swap3A_1286, %swap3A_1287], %swap3A_1290 {strides = array<i32>} : memref<128x128xf32, #tpu.memory_space<vmem>>, vector<1x16xf32>,
        %slice3A_1291 = vector.extract_strided_slice %get3A_165 {offsets = [12], sizes = [1], strides = [1]} : vector<16xf32> to vector<1xf32>
        %squeeze3A_1292 = vector.extract %slice3A_1291[0] : f32 from vector<1xf32>
        %mul3A_1293 = arith.constant 16 : i32
        %mul3A_1294 = arith.muli %scan3A_159, %mul3A_1293 : i32
        %add3A_1295 = arith.constant 12 : i32
        %add3A_1296 = arith.addi %mul3A_1294, %add3A_1295 : i32
        %get3A_1297 = arith.index_cast %add3A_1296 : i32 to index
        %get3A_1298 = arith.constant 0 : index
        %get3A_1299 = tpu.vector_load %arg10[%get3A_1297, %get3A_1298] {strides = array<i32>} : memref<128x128xf32, #tpu.memory_space<vmem>>, vector<1x16xf32>,
        %get3A_1300 = vector.shape_cast %get3A_1299 : vector<1x16xf32> to vector<16xf32>
        %mul3A_1301 = vector.broadcast %squeeze3A_1292 : f32 to vector<16xf32>
        %mul3A_1302 = arith.mulf %get3A_1300, %mul3A_1301 : vector<16xf32>
        %swap3A_1303 = arith.index_cast %add3A_1296 : i32 to index
        %swap3A_1304 = arith.constant 0 : index
        %swap3A_1305 = tpu.vector_load %arg10[%swap3A_1303, %swap3A_1304] {strides = array<i32>} : memref<128x128xf32, #tpu.memory_space<vmem>>, vector<1x16xf32>,
        %swap3A_1306 = vector.shape_cast %swap3A_1305 : vector<1x16xf32> to vector<16xf32>
        %swap3A_1307 = vector.shape_cast %mul3A_1302 : vector<16xf32> to vector<1x16xf32>
        tpu.vector_store %arg10[%swap3A_1303, %swap3A_1304], %swap3A_1307 {strides = array<i32>} : memref<128x128xf32, #tpu.memory_space<vmem>>, vector<1x16xf32>,
        %get3A_1308 = arith.index_cast %add3A_1296 : i32 to index
        %get3A_1309 = arith.constant 16 : index
        %get3A_1310 = tpu.vector_load %arg10[%get3A_1308, %get3A_1309] {strides = array<i32>} : memref<128x128xf32, #tpu.memory_space<vmem>>, vector<1x16xf32>,
        %get3A_1311 = vector.shape_cast %get3A_1310 : vector<1x16xf32> to vector<16xf32>
        %mul3A_1312 = vector.broadcast %squeeze3A_1292 : f32 to vector<16xf32>
        %mul3A_1313 = arith.mulf %get3A_1311, %mul3A_1312 : vector<16xf32>
        %swap3A_1314 = arith.index_cast %add3A_1296 : i32 to index
        %swap3A_1315 = arith.constant 16 : index
        %swap3A_1316 = tpu.vector_load %arg10[%swap3A_1314, %swap3A_1315] {strides = array<i32>} : memref<128x128xf32, #tpu.memory_space<vmem>>, vector<1x16xf32>,
        %swap3A_1317 = vector.shape_cast %swap3A_1316 : vector<1x16xf32> to vector<16xf32>
        %swap3A_1318 = vector.shape_cast %mul3A_1313 : vector<16xf32> to vector<1x16xf32>
        tpu.vector_store %arg10[%swap3A_1314, %swap3A_1315], %swap3A_1318 {strides = array<i32>} : memref<128x128xf32, #tpu.memory_space<vmem>>, vector<1x16xf32>,
        %get3A_1319 = arith.index_cast %add3A_1296 : i32 to index
        %get3A_1320 = arith.constant 32 : index
        %get3A_1321 = tpu.vector_load %arg10[%get3A_1319, %get3A_1320] {strides = array<i32>} : memref<128x128xf32, #tpu.memory_space<vmem>>, vector<1x16xf32>,
        %get3A_1322 = vector.shape_cast %get3A_1321 : vector<1x16xf32> to vector<16xf32>
        %mul3A_1323 = vector.broadcast %squeeze3A_1292 : f32 to vector<16xf32>
        %mul3A_1324 = arith.mulf %get3A_1322, %mul3A_1323 : vector<16xf32>
        %swap3A_1325 = arith.index_cast %add3A_1296 : i32 to index
        %swap3A_1326 = arith.constant 32 : index
        %swap3A_1327 = tpu.vector_load %arg10[%swap3A_1325, %swap3A_1326] {strides = array<i32>} : memref<128x128xf32, #tpu.memory_space<vmem>>, vector<1x16xf32>,
        %swap3A_1328 = vector.shape_cast %swap3A_1327 : vector<1x16xf32> to vector<16xf32>
        %swap3A_1329 = vector.shape_cast %mul3A_1324 : vector<16xf32> to vector<1x16xf32>
        tpu.vector_store %arg10[%swap3A_1325, %swap3A_1326], %swap3A_1329 {strides = array<i32>} : memref<128x128xf32, #tpu.memory_space<vmem>>, vector<1x16xf32>,
        %get3A_1330 = arith.index_cast %add3A_1296 : i32 to index
        %get3A_1331 = arith.constant 48 : index
        %get3A_1332 = tpu.vector_load %arg10[%get3A_1330, %get3A_1331] {strides = array<i32>} : memref<128x128xf32, #tpu.memory_space<vmem>>, vector<1x16xf32>,
        %get3A_1333 = vector.shape_cast %get3A_1332 : vector<1x16xf32> to vector<16xf32>
        %mul3A_1334 = vector.broadcast %squeeze3A_1292 : f32 to vector<16xf32>
        %mul3A_1335 = arith.mulf %get3A_1333, %mul3A_1334 : vector<16xf32>
        %swap3A_1336 = arith.index_cast %add3A_1296 : i32 to index
        %swap3A_1337 = arith.constant 48 : index
        %swap3A_1338 = tpu.vector_load %arg10[%swap3A_1336, %swap3A_1337] {strides = array<i32>} : memref<128x128xf32, #tpu.memory_space<vmem>>, vector<1x16xf32>,
        %swap3A_1339 = vector.shape_cast %swap3A_1338 : vector<1x16xf32> to vector<16xf32>
        %swap3A_1340 = vector.shape_cast %mul3A_1335 : vector<16xf32> to vector<1x16xf32>
        tpu.vector_store %arg10[%swap3A_1336, %swap3A_1337], %swap3A_1340 {strides = array<i32>} : memref<128x128xf32, #tpu.memory_space<vmem>>, vector<1x16xf32>,
        %get3A_1341 = arith.index_cast %add3A_1296 : i32 to index
        %get3A_1342 = arith.constant 64 : index
        %get3A_1343 = tpu.vector_load %arg10[%get3A_1341, %get3A_1342] {strides = array<i32>} : memref<128x128xf32, #tpu.memory_space<vmem>>, vector<1x16xf32>,
        %get3A_1344 = vector.shape_cast %get3A_1343 : vector<1x16xf32> to vector<16xf32>
        %mul3A_1345 = vector.broadcast %squeeze3A_1292 : f32 to vector<16xf32>
        %mul3A_1346 = arith.mulf %get3A_1344, %mul3A_1345 : vector<16xf32>
        %swap3A_1347 = arith.index_cast %add3A_1296 : i32 to index
        %swap3A_1348 = arith.constant 64 : index
        %swap3A_1349 = tpu.vector_load %arg10[%swap3A_1347, %swap3A_1348] {strides = array<i32>} : memref<128x128xf32, #tpu.memory_space<vmem>>, vector<1x16xf32>,
        %swap3A_1350 = vector.shape_cast %swap3A_1349 : vector<1x16xf32> to vector<16xf32>
        %swap3A_1351 = vector.shape_cast %mul3A_1346 : vector<16xf32> to vector<1x16xf32>
        tpu.vector_store %arg10[%swap3A_1347, %swap3A_1348], %swap3A_1351 {strides = array<i32>} : memref<128x128xf32, #tpu.memory_space<vmem>>, vector<1x16xf32>,
        %get3A_1352 = arith.index_cast %add3A_1296 : i32 to index
        %get3A_1353 = arith.constant 80 : index
        %get3A_1354 = tpu.vector_load %arg10[%get3A_1352, %get3A_1353] {strides = array<i32>} : memref<128x128xf32, #tpu.memory_space<vmem>>, vector<1x16xf32>,
        %get3A_1355 = vector.shape_cast %get3A_1354 : vector<1x16xf32> to vector<16xf32>
        %mul3A_1356 = vector.broadcast %squeeze3A_1292 : f32 to vector<16xf32>
        %mul3A_1357 = arith.mulf %get3A_1355, %mul3A_1356 : vector<16xf32>
        %swap3A_1358 = arith.index_cast %add3A_1296 : i32 to index
        %swap3A_1359 = arith.constant 80 : index
        %swap3A_1360 = tpu.vector_load %arg10[%swap3A_1358, %swap3A_1359] {strides = array<i32>} : memref<128x128xf32, #tpu.memory_space<vmem>>, vector<1x16xf32>,
        %swap3A_1361 = vector.shape_cast %swap3A_1360 : vector<1x16xf32> to vector<16xf32>
        %swap3A_1362 = vector.shape_cast %mul3A_1357 : vector<16xf32> to vector<1x16xf32>
        tpu.vector_store %arg10[%swap3A_1358, %swap3A_1359], %swap3A_1362 {strides = array<i32>} : memref<128x128xf32, #tpu.memory_space<vmem>>, vector<1x16xf32>,
        %get3A_1363 = arith.index_cast %add3A_1296 : i32 to index
        %get3A_1364 = arith.constant 96 : index
        %get3A_1365 = tpu.vector_load %arg10[%get3A_1363, %get3A_1364] {strides = array<i32>} : memref<128x128xf32, #tpu.memory_space<vmem>>, vector<1x16xf32>,
        %get3A_1366 = vector.shape_cast %get3A_1365 : vector<1x16xf32> to vector<16xf32>
        %mul3A_1367 = vector.broadcast %squeeze3A_1292 : f32 to vector<16xf32>
        %mul3A_1368 = arith.mulf %get3A_1366, %mul3A_1367 : vector<16xf32>
        %swap3A_1369 = arith.index_cast %add3A_1296 : i32 to index
        %swap3A_1370 = arith.constant 96 : index
        %swap3A_1371 = tpu.vector_load %arg10[%swap3A_1369, %swap3A_1370] {strides = array<i32>} : memref<128x128xf32, #tpu.memory_space<vmem>>, vector<1x16xf32>,
        %swap3A_1372 = vector.shape_cast %swap3A_1371 : vector<1x16xf32> to vector<16xf32>
        %swap3A_1373 = vector.shape_cast %mul3A_1368 : vector<16xf32> to vector<1x16xf32>
        tpu.vector_store %arg10[%swap3A_1369, %swap3A_1370], %swap3A_1373 {strides = array<i32>} : memref<128x128xf32, #tpu.memory_space<vmem>>, vector<1x16xf32>,
        %get3A_1374 = arith.index_cast %add3A_1296 : i32 to index
        %get3A_1375 = arith.constant 112 : index
        %get3A_1376 = tpu.vector_load %arg10[%get3A_1374, %get3A_1375] {strides = array<i32>} : memref<128x128xf32, #tpu.memory_space<vmem>>, vector<1x16xf32>,
        %get3A_1377 = vector.shape_cast %get3A_1376 : vector<1x16xf32> to vector<16xf32>
        %mul3A_1378 = vector.broadcast %squeeze3A_1292 : f32 to vector<16xf32>
        %mul3A_1379 = arith.mulf %get3A_1377, %mul3A_1378 : vector<16xf32>
        %swap3A_1380 = arith.index_cast %add3A_1296 : i32 to index
        %swap3A_1381 = arith.constant 112 : index
        %swap3A_1382 = tpu.vector_load %arg10[%swap3A_1380, %swap3A_1381] {strides = array<i32>} : memref<128x128xf32, #tpu.memory_space<vmem>>, vector<1x16xf32>,
        %swap3A_1383 = vector.shape_cast %swap3A_1382 : vector<1x16xf32> to vector<16xf32>
        %swap3A_1384 = vector.shape_cast %mul3A_1379 : vector<16xf32> to vector<1x16xf32>
        tpu.vector_store %arg10[%swap3A_1380, %swap3A_1381], %swap3A_1384 {strides = array<i32>} : memref<128x128xf32, #tpu.memory_space<vmem>>, vector<1x16xf32>,
        %slice3A_1385 = vector.extract_strided_slice %get3A_165 {offsets = [13], sizes = [1], strides = [1]} : vector<16xf32> to vector<1xf32>
        %squeeze3A_1386 = vector.extract %slice3A_1385[0] : f32 from vector<1xf32>
        %mul3A_1387 = arith.constant 16 : i32
        %mul3A_1388 = arith.muli %scan3A_159, %mul3A_1387 : i32
        %add3A_1389 = arith.constant 13 : i32
        %add3A_1390 = arith.addi %mul3A_1388, %add3A_1389 : i32
        %get3A_1391 = arith.index_cast %add3A_1390 : i32 to index
        %get3A_1392 = arith.constant 0 : index
        %get3A_1393 = tpu.vector_load %arg10[%get3A_1391, %get3A_1392] {strides = array<i32>} : memref<128x128xf32, #tpu.memory_space<vmem>>, vector<1x16xf32>,
        %get3A_1394 = vector.shape_cast %get3A_1393 : vector<1x16xf32> to vector<16xf32>
        %mul3A_1395 = vector.broadcast %squeeze3A_1386 : f32 to vector<16xf32>
        %mul3A_1396 = arith.mulf %get3A_1394, %mul3A_1395 : vector<16xf32>
        %swap3A_1397 = arith.index_cast %add3A_1390 : i32 to index
        %swap3A_1398 = arith.constant 0 : index
        %swap3A_1399 = tpu.vector_load %arg10[%swap3A_1397, %swap3A_1398] {strides = array<i32>} : memref<128x128xf32, #tpu.memory_space<vmem>>, vector<1x16xf32>,
        %swap3A_1400 = vector.shape_cast %swap3A_1399 : vector<1x16xf32> to vector<16xf32>
        %swap3A_1401 = vector.shape_cast %mul3A_1396 : vector<16xf32> to vector<1x16xf32>
        tpu.vector_store %arg10[%swap3A_1397, %swap3A_1398], %swap3A_1401 {strides = array<i32>} : memref<128x128xf32, #tpu.memory_space<vmem>>, vector<1x16xf32>,
        %get3A_1402 = arith.index_cast %add3A_1390 : i32 to index
        %get3A_1403 = arith.constant 16 : index
        %get3A_1404 = tpu.vector_load %arg10[%get3A_1402, %get3A_1403] {strides = array<i32>} : memref<128x128xf32, #tpu.memory_space<vmem>>, vector<1x16xf32>,
        %get3A_1405 = vector.shape_cast %get3A_1404 : vector<1x16xf32> to vector<16xf32>
        %mul3A_1406 = vector.broadcast %squeeze3A_1386 : f32 to vector<16xf32>
        %mul3A_1407 = arith.mulf %get3A_1405, %mul3A_1406 : vector<16xf32>
        %swap3A_1408 = arith.index_cast %add3A_1390 : i32 to index
        %swap3A_1409 = arith.constant 16 : index
        %swap3A_1410 = tpu.vector_load %arg10[%swap3A_1408, %swap3A_1409] {strides = array<i32>} : memref<128x128xf32, #tpu.memory_space<vmem>>, vector<1x16xf32>,
        %swap3A_1411 = vector.shape_cast %swap3A_1410 : vector<1x16xf32> to vector<16xf32>
        %swap3A_1412 = vector.shape_cast %mul3A_1407 : vector<16xf32> to vector<1x16xf32>
        tpu.vector_store %arg10[%swap3A_1408, %swap3A_1409], %swap3A_1412 {strides = array<i32>} : memref<128x128xf32, #tpu.memory_space<vmem>>, vector<1x16xf32>,
        %get3A_1413 = arith.index_cast %add3A_1390 : i32 to index
        %get3A_1414 = arith.constant 32 : index
        %get3A_1415 = tpu.vector_load %arg10[%get3A_1413, %get3A_1414] {strides = array<i32>} : memref<128x128xf32, #tpu.memory_space<vmem>>, vector<1x16xf32>,
        %get3A_1416 = vector.shape_cast %get3A_1415 : vector<1x16xf32> to vector<16xf32>
        %mul3A_1417 = vector.broadcast %squeeze3A_1386 : f32 to vector<16xf32>
        %mul3A_1418 = arith.mulf %get3A_1416, %mul3A_1417 : vector<16xf32>
        %swap3A_1419 = arith.index_cast %add3A_1390 : i32 to index
        %swap3A_1420 = arith.constant 32 : index
        %swap3A_1421 = tpu.vector_load %arg10[%swap3A_1419, %swap3A_1420] {strides = array<i32>} : memref<128x128xf32, #tpu.memory_space<vmem>>, vector<1x16xf32>,
        %swap3A_1422 = vector.shape_cast %swap3A_1421 : vector<1x16xf32> to vector<16xf32>
        %swap3A_1423 = vector.shape_cast %mul3A_1418 : vector<16xf32> to vector<1x16xf32>
        tpu.vector_store %arg10[%swap3A_1419, %swap3A_1420], %swap3A_1423 {strides = array<i32>} : memref<128x128xf32, #tpu.memory_space<vmem>>, vector<1x16xf32>,
        %get3A_1424 = arith.index_cast %add3A_1390 : i32 to index
        %get3A_1425 = arith.constant 48 : index
        %get3A_1426 = tpu.vector_load %arg10[%get3A_1424, %get3A_1425] {strides = array<i32>} : memref<128x128xf32, #tpu.memory_space<vmem>>, vector<1x16xf32>,
        %get3A_1427 = vector.shape_cast %get3A_1426 : vector<1x16xf32> to vector<16xf32>
        %mul3A_1428 = vector.broadcast %squeeze3A_1386 : f32 to vector<16xf32>
        %mul3A_1429 = arith.mulf %get3A_1427, %mul3A_1428 : vector<16xf32>
        %swap3A_1430 = arith.index_cast %add3A_1390 : i32 to index
        %swap3A_1431 = arith.constant 48 : index
        %swap3A_1432 = tpu.vector_load %arg10[%swap3A_1430, %swap3A_1431] {strides = array<i32>} : memref<128x128xf32, #tpu.memory_space<vmem>>, vector<1x16xf32>,
        %swap3A_1433 = vector.shape_cast %swap3A_1432 : vector<1x16xf32> to vector<16xf32>
        %swap3A_1434 = vector.shape_cast %mul3A_1429 : vector<16xf32> to vector<1x16xf32>
        tpu.vector_store %arg10[%swap3A_1430, %swap3A_1431], %swap3A_1434 {strides = array<i32>} : memref<128x128xf32, #tpu.memory_space<vmem>>, vector<1x16xf32>,
        %get3A_1435 = arith.index_cast %add3A_1390 : i32 to index
        %get3A_1436 = arith.constant 64 : index
        %get3A_1437 = tpu.vector_load %arg10[%get3A_1435, %get3A_1436] {strides = array<i32>} : memref<128x128xf32, #tpu.memory_space<vmem>>, vector<1x16xf32>,
        %get3A_1438 = vector.shape_cast %get3A_1437 : vector<1x16xf32> to vector<16xf32>
        %mul3A_1439 = vector.broadcast %squeeze3A_1386 : f32 to vector<16xf32>
        %mul3A_1440 = arith.mulf %get3A_1438, %mul3A_1439 : vector<16xf32>
        %swap3A_1441 = arith.index_cast %add3A_1390 : i32 to index
        %swap3A_1442 = arith.constant 64 : index
        %swap3A_1443 = tpu.vector_load %arg10[%swap3A_1441, %swap3A_1442] {strides = array<i32>} : memref<128x128xf32, #tpu.memory_space<vmem>>, vector<1x16xf32>,
        %swap3A_1444 = vector.shape_cast %swap3A_1443 : vector<1x16xf32> to vector<16xf32>
        %swap3A_1445 = vector.shape_cast %mul3A_1440 : vector<16xf32> to vector<1x16xf32>
        tpu.vector_store %arg10[%swap3A_1441, %swap3A_1442], %swap3A_1445 {strides = array<i32>} : memref<128x128xf32, #tpu.memory_space<vmem>>, vector<1x16xf32>,
        %get3A_1446 = arith.index_cast %add3A_1390 : i32 to index
        %get3A_1447 = arith.constant 80 : index
        %get3A_1448 = tpu.vector_load %arg10[%get3A_1446, %get3A_1447] {strides = array<i32>} : memref<128x128xf32, #tpu.memory_space<vmem>>, vector<1x16xf32>,
        %get3A_1449 = vector.shape_cast %get3A_1448 : vector<1x16xf32> to vector<16xf32>
        %mul3A_1450 = vector.broadcast %squeeze3A_1386 : f32 to vector<16xf32>
        %mul3A_1451 = arith.mulf %get3A_1449, %mul3A_1450 : vector<16xf32>
        %swap3A_1452 = arith.index_cast %add3A_1390 : i32 to index
        %swap3A_1453 = arith.constant 80 : index
        %swap3A_1454 = tpu.vector_load %arg10[%swap3A_1452, %swap3A_1453] {strides = array<i32>} : memref<128x128xf32, #tpu.memory_space<vmem>>, vector<1x16xf32>,
        %swap3A_1455 = vector.shape_cast %swap3A_1454 : vector<1x16xf32> to vector<16xf32>
        %swap3A_1456 = vector.shape_cast %mul3A_1451 : vector<16xf32> to vector<1x16xf32>
        tpu.vector_store %arg10[%swap3A_1452, %swap3A_1453], %swap3A_1456 {strides = array<i32>} : memref<128x128xf32, #tpu.memory_space<vmem>>, vector<1x16xf32>,
        %get3A_1457 = arith.index_cast %add3A_1390 : i32 to index
        %get3A_1458 = arith.constant 96 : index
        %get3A_1459 = tpu.vector_load %arg10[%get3A_1457, %get3A_1458] {strides = array<i32>} : memref<128x128xf32, #tpu.memory_space<vmem>>, vector<1x16xf32>,
        %get3A_1460 = vector.shape_cast %get3A_1459 : vector<1x16xf32> to vector<16xf32>
        %mul3A_1461 = vector.broadcast %squeeze3A_1386 : f32 to vector<16xf32>
        %mul3A_1462 = arith.mulf %get3A_1460, %mul3A_1461 : vector<16xf32>
        %swap3A_1463 = arith.index_cast %add3A_1390 : i32 to index
        %swap3A_1464 = arith.constant 96 : index
        %swap3A_1465 = tpu.vector_load %arg10[%swap3A_1463, %swap3A_1464] {strides = array<i32>} : memref<128x128xf32, #tpu.memory_space<vmem>>, vector<1x16xf32>,
        %swap3A_1466 = vector.shape_cast %swap3A_1465 : vector<1x16xf32> to vector<16xf32>
        %swap3A_1467 = vector.shape_cast %mul3A_1462 : vector<16xf32> to vector<1x16xf32>
        tpu.vector_store %arg10[%swap3A_1463, %swap3A_1464], %swap3A_1467 {strides = array<i32>} : memref<128x128xf32, #tpu.memory_space<vmem>>, vector<1x16xf32>,
        %get3A_1468 = arith.index_cast %add3A_1390 : i32 to index
        %get3A_1469 = arith.constant 112 : index
        %get3A_1470 = tpu.vector_load %arg10[%get3A_1468, %get3A_1469] {strides = array<i32>} : memref<128x128xf32, #tpu.memory_space<vmem>>, vector<1x16xf32>,
        %get3A_1471 = vector.shape_cast %get3A_1470 : vector<1x16xf32> to vector<16xf32>
        %mul3A_1472 = vector.broadcast %squeeze3A_1386 : f32 to vector<16xf32>
        %mul3A_1473 = arith.mulf %get3A_1471, %mul3A_1472 : vector<16xf32>
        %swap3A_1474 = arith.index_cast %add3A_1390 : i32 to index
        %swap3A_1475 = arith.constant 112 : index
        %swap3A_1476 = tpu.vector_load %arg10[%swap3A_1474, %swap3A_1475] {strides = array<i32>} : memref<128x128xf32, #tpu.memory_space<vmem>>, vector<1x16xf32>,
        %swap3A_1477 = vector.shape_cast %swap3A_1476 : vector<1x16xf32> to vector<16xf32>
        %swap3A_1478 = vector.shape_cast %mul3A_1473 : vector<16xf32> to vector<1x16xf32>
        tpu.vector_store %arg10[%swap3A_1474, %swap3A_1475], %swap3A_1478 {strides = array<i32>} : memref<128x128xf32, #tpu.memory_space<vmem>>, vector<1x16xf32>,
        %slice3A_1479 = vector.extract_strided_slice %get3A_165 {offsets = [14], sizes = [1], strides = [1]} : vector<16xf32> to vector<1xf32>
        %squeeze3A_1480 = vector.extract %slice3A_1479[0] : f32 from vector<1xf32>
        %mul3A_1481 = arith.constant 16 : i32
        %mul3A_1482 = arith.muli %scan3A_159, %mul3A_1481 : i32
        %add3A_1483 = arith.constant 14 : i32
        %add3A_1484 = arith.addi %mul3A_1482, %add3A_1483 : i32
        %get3A_1485 = arith.index_cast %add3A_1484 : i32 to index
        %get3A_1486 = arith.constant 0 : index
        %get3A_1487 = tpu.vector_load %arg10[%get3A_1485, %get3A_1486] {strides = array<i32>} : memref<128x128xf32, #tpu.memory_space<vmem>>, vector<1x16xf32>,
        %get3A_1488 = vector.shape_cast %get3A_1487 : vector<1x16xf32> to vector<16xf32>
        %mul3A_1489 = vector.broadcast %squeeze3A_1480 : f32 to vector<16xf32>
        %mul3A_1490 = arith.mulf %get3A_1488, %mul3A_1489 : vector<16xf32>
        %swap3A_1491 = arith.index_cast %add3A_1484 : i32 to index
        %swap3A_1492 = arith.constant 0 : index
        %swap3A_1493 = tpu.vector_load %arg10[%swap3A_1491, %swap3A_1492] {strides = array<i32>} : memref<128x128xf32, #tpu.memory_space<vmem>>, vector<1x16xf32>,
        %swap3A_1494 = vector.shape_cast %swap3A_1493 : vector<1x16xf32> to vector<16xf32>
        %swap3A_1495 = vector.shape_cast %mul3A_1490 : vector<16xf32> to vector<1x16xf32>
        tpu.vector_store %arg10[%swap3A_1491, %swap3A_1492], %swap3A_1495 {strides = array<i32>} : memref<128x128xf32, #tpu.memory_space<vmem>>, vector<1x16xf32>,
        %get3A_1496 = arith.index_cast %add3A_1484 : i32 to index
        %get3A_1497 = arith.constant 16 : index
        %get3A_1498 = tpu.vector_load %arg10[%get3A_1496, %get3A_1497] {strides = array<i32>} : memref<128x128xf32, #tpu.memory_space<vmem>>, vector<1x16xf32>,
        %get3A_1499 = vector.shape_cast %get3A_1498 : vector<1x16xf32> to vector<16xf32>
        %mul3A_1500 = vector.broadcast %squeeze3A_1480 : f32 to vector<16xf32>
        %mul3A_1501 = arith.mulf %get3A_1499, %mul3A_1500 : vector<16xf32>
        %swap3A_1502 = arith.index_cast %add3A_1484 : i32 to index
        %swap3A_1503 = arith.constant 16 : index
        %swap3A_1504 = tpu.vector_load %arg10[%swap3A_1502, %swap3A_1503] {strides = array<i32>} : memref<128x128xf32, #tpu.memory_space<vmem>>, vector<1x16xf32>,
        %swap3A_1505 = vector.shape_cast %swap3A_1504 : vector<1x16xf32> to vector<16xf32>
        %swap3A_1506 = vector.shape_cast %mul3A_1501 : vector<16xf32> to vector<1x16xf32>
        tpu.vector_store %arg10[%swap3A_1502, %swap3A_1503], %swap3A_1506 {strides = array<i32>} : memref<128x128xf32, #tpu.memory_space<vmem>>, vector<1x16xf32>,
        %get3A_1507 = arith.index_cast %add3A_1484 : i32 to index
        %get3A_1508 = arith.constant 32 : index
        %get3A_1509 = tpu.vector_load %arg10[%get3A_1507, %get3A_1508] {strides = array<i32>} : memref<128x128xf32, #tpu.memory_space<vmem>>, vector<1x16xf32>,
        %get3A_1510 = vector.shape_cast %get3A_1509 : vector<1x16xf32> to vector<16xf32>
        %mul3A_1511 = vector.broadcast %squeeze3A_1480 : f32 to vector<16xf32>
        %mul3A_1512 = arith.mulf %get3A_1510, %mul3A_1511 : vector<16xf32>
        %swap3A_1513 = arith.index_cast %add3A_1484 : i32 to index
        %swap3A_1514 = arith.constant 32 : index
        %swap3A_1515 = tpu.vector_load %arg10[%swap3A_1513, %swap3A_1514] {strides = array<i32>} : memref<128x128xf32, #tpu.memory_space<vmem>>, vector<1x16xf32>,
        %swap3A_1516 = vector.shape_cast %swap3A_1515 : vector<1x16xf32> to vector<16xf32>
        %swap3A_1517 = vector.shape_cast %mul3A_1512 : vector<16xf32> to vector<1x16xf32>
        tpu.vector_store %arg10[%swap3A_1513, %swap3A_1514], %swap3A_1517 {strides = array<i32>} : memref<128x128xf32, #tpu.memory_space<vmem>>, vector<1x16xf32>,
        %get3A_1518 = arith.index_cast %add3A_1484 : i32 to index
        %get3A_1519 = arith.constant 48 : index
        %get3A_1520 = tpu.vector_load %arg10[%get3A_1518, %get3A_1519] {strides = array<i32>} : memref<128x128xf32, #tpu.memory_space<vmem>>, vector<1x16xf32>,
        %get3A_1521 = vector.shape_cast %get3A_1520 : vector<1x16xf32> to vector<16xf32>
        %mul3A_1522 = vector.broadcast %squeeze3A_1480 : f32 to vector<16xf32>
        %mul3A_1523 = arith.mulf %get3A_1521, %mul3A_1522 : vector<16xf32>
        %swap3A_1524 = arith.index_cast %add3A_1484 : i32 to index
        %swap3A_1525 = arith.constant 48 : index
        %swap3A_1526 = tpu.vector_load %arg10[%swap3A_1524, %swap3A_1525] {strides = array<i32>} : memref<128x128xf32, #tpu.memory_space<vmem>>, vector<1x16xf32>,
        %swap3A_1527 = vector.shape_cast %swap3A_1526 : vector<1x16xf32> to vector<16xf32>
        %swap3A_1528 = vector.shape_cast %mul3A_1523 : vector<16xf32> to vector<1x16xf32>
        tpu.vector_store %arg10[%swap3A_1524, %swap3A_1525], %swap3A_1528 {strides = array<i32>} : memref<128x128xf32, #tpu.memory_space<vmem>>, vector<1x16xf32>,
        %get3A_1529 = arith.index_cast %add3A_1484 : i32 to index
        %get3A_1530 = arith.constant 64 : index
        %get3A_1531 = tpu.vector_load %arg10[%get3A_1529, %get3A_1530] {strides = array<i32>} : memref<128x128xf32, #tpu.memory_space<vmem>>, vector<1x16xf32>,
        %get3A_1532 = vector.shape_cast %get3A_1531 : vector<1x16xf32> to vector<16xf32>
        %mul3A_1533 = vector.broadcast %squeeze3A_1480 : f32 to vector<16xf32>
        %mul3A_1534 = arith.mulf %get3A_1532, %mul3A_1533 : vector<16xf32>
        %swap3A_1535 = arith.index_cast %add3A_1484 : i32 to index
        %swap3A_1536 = arith.constant 64 : index
        %swap3A_1537 = tpu.vector_load %arg10[%swap3A_1535, %swap3A_1536] {strides = array<i32>} : memref<128x128xf32, #tpu.memory_space<vmem>>, vector<1x16xf32>,
        %swap3A_1538 = vector.shape_cast %swap3A_1537 : vector<1x16xf32> to vector<16xf32>
        %swap3A_1539 = vector.shape_cast %mul3A_1534 : vector<16xf32> to vector<1x16xf32>
        tpu.vector_store %arg10[%swap3A_1535, %swap3A_1536], %swap3A_1539 {strides = array<i32>} : memref<128x128xf32, #tpu.memory_space<vmem>>, vector<1x16xf32>,
        %get3A_1540 = arith.index_cast %add3A_1484 : i32 to index
        %get3A_1541 = arith.constant 80 : index
        %get3A_1542 = tpu.vector_load %arg10[%get3A_1540, %get3A_1541] {strides = array<i32>} : memref<128x128xf32, #tpu.memory_space<vmem>>, vector<1x16xf32>,
        %get3A_1543 = vector.shape_cast %get3A_1542 : vector<1x16xf32> to vector<16xf32>
        %mul3A_1544 = vector.broadcast %squeeze3A_1480 : f32 to vector<16xf32>
        %mul3A_1545 = arith.mulf %get3A_1543, %mul3A_1544 : vector<16xf32>
        %swap3A_1546 = arith.index_cast %add3A_1484 : i32 to index
        %swap3A_1547 = arith.constant 80 : index
        %swap3A_1548 = tpu.vector_load %arg10[%swap3A_1546, %swap3A_1547] {strides = array<i32>} : memref<128x128xf32, #tpu.memory_space<vmem>>, vector<1x16xf32>,
        %swap3A_1549 = vector.shape_cast %swap3A_1548 : vector<1x16xf32> to vector<16xf32>
        %swap3A_1550 = vector.shape_cast %mul3A_1545 : vector<16xf32> to vector<1x16xf32>
        tpu.vector_store %arg10[%swap3A_1546, %swap3A_1547], %swap3A_1550 {strides = array<i32>} : memref<128x128xf32, #tpu.memory_space<vmem>>, vector<1x16xf32>,
        %get3A_1551 = arith.index_cast %add3A_1484 : i32 to index
        %get3A_1552 = arith.constant 96 : index
        %get3A_1553 = tpu.vector_load %arg10[%get3A_1551, %get3A_1552] {strides = array<i32>} : memref<128x128xf32, #tpu.memory_space<vmem>>, vector<1x16xf32>,
        %get3A_1554 = vector.shape_cast %get3A_1553 : vector<1x16xf32> to vector<16xf32>
        %mul3A_1555 = vector.broadcast %squeeze3A_1480 : f32 to vector<16xf32>
        %mul3A_1556 = arith.mulf %get3A_1554, %mul3A_1555 : vector<16xf32>
        %swap3A_1557 = arith.index_cast %add3A_1484 : i32 to index
        %swap3A_1558 = arith.constant 96 : index
        %swap3A_1559 = tpu.vector_load %arg10[%swap3A_1557, %swap3A_1558] {strides = array<i32>} : memref<128x128xf32, #tpu.memory_space<vmem>>, vector<1x16xf32>,
        %swap3A_1560 = vector.shape_cast %swap3A_1559 : vector<1x16xf32> to vector<16xf32>
        %swap3A_1561 = vector.shape_cast %mul3A_1556 : vector<16xf32> to vector<1x16xf32>
        tpu.vector_store %arg10[%swap3A_1557, %swap3A_1558], %swap3A_1561 {strides = array<i32>} : memref<128x128xf32, #tpu.memory_space<vmem>>, vector<1x16xf32>,
        %get3A_1562 = arith.index_cast %add3A_1484 : i32 to index
        %get3A_1563 = arith.constant 112 : index
        %get3A_1564 = tpu.vector_load %arg10[%get3A_1562, %get3A_1563] {strides = array<i32>} : memref<128x128xf32, #tpu.memory_space<vmem>>, vector<1x16xf32>,
        %get3A_1565 = vector.shape_cast %get3A_1564 : vector<1x16xf32> to vector<16xf32>
        %mul3A_1566 = vector.broadcast %squeeze3A_1480 : f32 to vector<16xf32>
        %mul3A_1567 = arith.mulf %get3A_1565, %mul3A_1566 : vector<16xf32>
        %swap3A_1568 = arith.index_cast %add3A_1484 : i32 to index
        %swap3A_1569 = arith.constant 112 : index
        %swap3A_1570 = tpu.vector_load %arg10[%swap3A_1568, %swap3A_1569] {strides = array<i32>} : memref<128x128xf32, #tpu.memory_space<vmem>>, vector<1x16xf32>,
        %swap3A_1571 = vector.shape_cast %swap3A_1570 : vector<1x16xf32> to vector<16xf32>
        %swap3A_1572 = vector.shape_cast %mul3A_1567 : vector<16xf32> to vector<1x16xf32>
        tpu.vector_store %arg10[%swap3A_1568, %swap3A_1569], %swap3A_1572 {strides = array<i32>} : memref<128x128xf32, #tpu.memory_space<vmem>>, vector<1x16xf32>,
        %slice3A_1573 = vector.extract_strided_slice %get3A_165 {offsets = [15], sizes = [1], strides = [1]} : vector<16xf32> to vector<1xf32>
        %squeeze3A_1574 = vector.extract %slice3A_1573[0] : f32 from vector<1xf32>
        %mul3A_1575 = arith.constant 16 : i32
        %mul3A_1576 = arith.muli %scan3A_159, %mul3A_1575 : i32
        %add3A_1577 = arith.constant 15 : i32
        %add3A_1578 = arith.addi %mul3A_1576, %add3A_1577 : i32
        %get3A_1579 = arith.index_cast %add3A_1578 : i32 to index
        %get3A_1580 = arith.constant 0 : index
        %get3A_1581 = tpu.vector_load %arg10[%get3A_1579, %get3A_1580] {strides = array<i32>} : memref<128x128xf32, #tpu.memory_space<vmem>>, vector<1x16xf32>,
        %get3A_1582 = vector.shape_cast %get3A_1581 : vector<1x16xf32> to vector<16xf32>
        %mul3A_1583 = vector.broadcast %squeeze3A_1574 : f32 to vector<16xf32>
        %mul3A_1584 = arith.mulf %get3A_1582, %mul3A_1583 : vector<16xf32>
        %swap3A_1585 = arith.index_cast %add3A_1578 : i32 to index
        %swap3A_1586 = arith.constant 0 : index
        %swap3A_1587 = tpu.vector_load %arg10[%swap3A_1585, %swap3A_1586] {strides = array<i32>} : memref<128x128xf32, #tpu.memory_space<vmem>>, vector<1x16xf32>,
        %swap3A_1588 = vector.shape_cast %swap3A_1587 : vector<1x16xf32> to vector<16xf32>
        %swap3A_1589 = vector.shape_cast %mul3A_1584 : vector<16xf32> to vector<1x16xf32>
        tpu.vector_store %arg10[%swap3A_1585, %swap3A_1586], %swap3A_1589 {strides = array<i32>} : memref<128x128xf32, #tpu.memory_space<vmem>>, vector<1x16xf32>,
        %get3A_1590 = arith.index_cast %add3A_1578 : i32 to index
        %get3A_1591 = arith.constant 16 : index
        %get3A_1592 = tpu.vector_load %arg10[%get3A_1590, %get3A_1591] {strides = array<i32>} : memref<128x128xf32, #tpu.memory_space<vmem>>, vector<1x16xf32>,
        %get3A_1593 = vector.shape_cast %get3A_1592 : vector<1x16xf32> to vector<16xf32>
        %mul3A_1594 = vector.broadcast %squeeze3A_1574 : f32 to vector<16xf32>
        %mul3A_1595 = arith.mulf %get3A_1593, %mul3A_1594 : vector<16xf32>
        %swap3A_1596 = arith.index_cast %add3A_1578 : i32 to index
        %swap3A_1597 = arith.constant 16 : index
        %swap3A_1598 = tpu.vector_load %arg10[%swap3A_1596, %swap3A_1597] {strides = array<i32>} : memref<128x128xf32, #tpu.memory_space<vmem>>, vector<1x16xf32>,
        %swap3A_1599 = vector.shape_cast %swap3A_1598 : vector<1x16xf32> to vector<16xf32>
        %swap3A_1600 = vector.shape_cast %mul3A_1595 : vector<16xf32> to vector<1x16xf32>
        tpu.vector_store %arg10[%swap3A_1596, %swap3A_1597], %swap3A_1600 {strides = array<i32>} : memref<128x128xf32, #tpu.memory_space<vmem>>, vector<1x16xf32>,
        %get3A_1601 = arith.index_cast %add3A_1578 : i32 to index
        %get3A_1602 = arith.constant 32 : index
        %get3A_1603 = tpu.vector_load %arg10[%get3A_1601, %get3A_1602] {strides = array<i32>} : memref<128x128xf32, #tpu.memory_space<vmem>>, vector<1x16xf32>,
        %get3A_1604 = vector.shape_cast %get3A_1603 : vector<1x16xf32> to vector<16xf32>
        %mul3A_1605 = vector.broadcast %squeeze3A_1574 : f32 to vector<16xf32>
        %mul3A_1606 = arith.mulf %get3A_1604, %mul3A_1605 : vector<16xf32>
        %swap3A_1607 = arith.index_cast %add3A_1578 : i32 to index
        %swap3A_1608 = arith.constant 32 : index
        %swap3A_1609 = tpu.vector_load %arg10[%swap3A_1607, %swap3A_1608] {strides = array<i32>} : memref<128x128xf32, #tpu.memory_space<vmem>>, vector<1x16xf32>,
        %swap3A_1610 = vector.shape_cast %swap3A_1609 : vector<1x16xf32> to vector<16xf32>
        %swap3A_1611 = vector.shape_cast %mul3A_1606 : vector<16xf32> to vector<1x16xf32>
        tpu.vector_store %arg10[%swap3A_1607, %swap3A_1608], %swap3A_1611 {strides = array<i32>} : memref<128x128xf32, #tpu.memory_space<vmem>>, vector<1x16xf32>,
        %get3A_1612 = arith.index_cast %add3A_1578 : i32 to index
        %get3A_1613 = arith.constant 48 : index
        %get3A_1614 = tpu.vector_load %arg10[%get3A_1612, %get3A_1613] {strides = array<i32>} : memref<128x128xf32, #tpu.memory_space<vmem>>, vector<1x16xf32>,
        %get3A_1615 = vector.shape_cast %get3A_1614 : vector<1x16xf32> to vector<16xf32>
        %mul3A_1616 = vector.broadcast %squeeze3A_1574 : f32 to vector<16xf32>
        %mul3A_1617 = arith.mulf %get3A_1615, %mul3A_1616 : vector<16xf32>
        %swap3A_1618 = arith.index_cast %add3A_1578 : i32 to index
        %swap3A_1619 = arith.constant 48 : index
        %swap3A_1620 = tpu.vector_load %arg10[%swap3A_1618, %swap3A_1619] {strides = array<i32>} : memref<128x128xf32, #tpu.memory_space<vmem>>, vector<1x16xf32>,
        %swap3A_1621 = vector.shape_cast %swap3A_1620 : vector<1x16xf32> to vector<16xf32>
        %swap3A_1622 = vector.shape_cast %mul3A_1617 : vector<16xf32> to vector<1x16xf32>
        tpu.vector_store %arg10[%swap3A_1618, %swap3A_1619], %swap3A_1622 {strides = array<i32>} : memref<128x128xf32, #tpu.memory_space<vmem>>, vector<1x16xf32>,
        %get3A_1623 = arith.index_cast %add3A_1578 : i32 to index
        %get3A_1624 = arith.constant 64 : index
        %get3A_1625 = tpu.vector_load %arg10[%get3A_1623, %get3A_1624] {strides = array<i32>} : memref<128x128xf32, #tpu.memory_space<vmem>>, vector<1x16xf32>,
        %get3A_1626 = vector.shape_cast %get3A_1625 : vector<1x16xf32> to vector<16xf32>
        %mul3A_1627 = vector.broadcast %squeeze3A_1574 : f32 to vector<16xf32>
        %mul3A_1628 = arith.mulf %get3A_1626, %mul3A_1627 : vector<16xf32>
        %swap3A_1629 = arith.index_cast %add3A_1578 : i32 to index
        %swap3A_1630 = arith.constant 64 : index
        %swap3A_1631 = tpu.vector_load %arg10[%swap3A_1629, %swap3A_1630] {strides = array<i32>} : memref<128x128xf32, #tpu.memory_space<vmem>>, vector<1x16xf32>,
        %swap3A_1632 = vector.shape_cast %swap3A_1631 : vector<1x16xf32> to vector<16xf32>
        %swap3A_1633 = vector.shape_cast %mul3A_1628 : vector<16xf32> to vector<1x16xf32>
        tpu.vector_store %arg10[%swap3A_1629, %swap3A_1630], %swap3A_1633 {strides = array<i32>} : memref<128x128xf32, #tpu.memory_space<vmem>>, vector<1x16xf32>,
        %get3A_1634 = arith.index_cast %add3A_1578 : i32 to index
        %get3A_1635 = arith.constant 80 : index
        %get3A_1636 = tpu.vector_load %arg10[%get3A_1634, %get3A_1635] {strides = array<i32>} : memref<128x128xf32, #tpu.memory_space<vmem>>, vector<1x16xf32>,
        %get3A_1637 = vector.shape_cast %get3A_1636 : vector<1x16xf32> to vector<16xf32>
        %mul3A_1638 = vector.broadcast %squeeze3A_1574 : f32 to vector<16xf32>
        %mul3A_1639 = arith.mulf %get3A_1637, %mul3A_1638 : vector<16xf32>
        %swap3A_1640 = arith.index_cast %add3A_1578 : i32 to index
        %swap3A_1641 = arith.constant 80 : index
        %swap3A_1642 = tpu.vector_load %arg10[%swap3A_1640, %swap3A_1641] {strides = array<i32>} : memref<128x128xf32, #tpu.memory_space<vmem>>, vector<1x16xf32>,
        %swap3A_1643 = vector.shape_cast %swap3A_1642 : vector<1x16xf32> to vector<16xf32>
        %swap3A_1644 = vector.shape_cast %mul3A_1639 : vector<16xf32> to vector<1x16xf32>
        tpu.vector_store %arg10[%swap3A_1640, %swap3A_1641], %swap3A_1644 {strides = array<i32>} : memref<128x128xf32, #tpu.memory_space<vmem>>, vector<1x16xf32>,
        %get3A_1645 = arith.index_cast %add3A_1578 : i32 to index
        %get3A_1646 = arith.constant 96 : index
        %get3A_1647 = tpu.vector_load %arg10[%get3A_1645, %get3A_1646] {strides = array<i32>} : memref<128x128xf32, #tpu.memory_space<vmem>>, vector<1x16xf32>,
        %get3A_1648 = vector.shape_cast %get3A_1647 : vector<1x16xf32> to vector<16xf32>
        %mul3A_1649 = vector.broadcast %squeeze3A_1574 : f32 to vector<16xf32>
        %mul3A_1650 = arith.mulf %get3A_1648, %mul3A_1649 : vector<16xf32>
        %swap3A_1651 = arith.index_cast %add3A_1578 : i32 to index
        %swap3A_1652 = arith.constant 96 : index
        %swap3A_1653 = tpu.vector_load %arg10[%swap3A_1651, %swap3A_1652] {strides = array<i32>} : memref<128x128xf32, #tpu.memory_space<vmem>>, vector<1x16xf32>,
        %swap3A_1654 = vector.shape_cast %swap3A_1653 : vector<1x16xf32> to vector<16xf32>
        %swap3A_1655 = vector.shape_cast %mul3A_1650 : vector<16xf32> to vector<1x16xf32>
        tpu.vector_store %arg10[%swap3A_1651, %swap3A_1652], %swap3A_1655 {strides = array<i32>} : memref<128x128xf32, #tpu.memory_space<vmem>>, vector<1x16xf32>,
        %get3A_1656 = arith.index_cast %add3A_1578 : i32 to index
        %get3A_1657 = arith.constant 112 : index
        %get3A_1658 = tpu.vector_load %arg10[%get3A_1656, %get3A_1657] {strides = array<i32>} : memref<128x128xf32, #tpu.memory_space<vmem>>, vector<1x16xf32>,
        %get3A_1659 = vector.shape_cast %get3A_1658 : vector<1x16xf32> to vector<16xf32>
        %mul3A_1660 = vector.broadcast %squeeze3A_1574 : f32 to vector<16xf32>
        %mul3A_1661 = arith.mulf %get3A_1659, %mul3A_1660 : vector<16xf32>
        %swap3A_1662 = arith.index_cast %add3A_1578 : i32 to index
        %swap3A_1663 = arith.constant 112 : index
        %swap3A_1664 = tpu.vector_load %arg10[%swap3A_1662, %swap3A_1663] {strides = array<i32>} : memref<128x128xf32, #tpu.memory_space<vmem>>, vector<1x16xf32>,
        %swap3A_1665 = vector.shape_cast %swap3A_1664 : vector<1x16xf32> to vector<16xf32>
        %swap3A_1666 = vector.shape_cast %mul3A_1661 : vector<16xf32> to vector<1x16xf32>
        tpu.vector_store %arg10[%swap3A_1662, %swap3A_1663], %swap3A_1666 {strides = array<i32>} : memref<128x128xf32, #tpu.memory_space<vmem>>, vector<1x16xf32>,
        %scan3A_1667 = arith.constant 0 : i32
        scf.yield %scan3A_1667 : i32
      }
      %scan3A_85 = arith.constant 8 : i32
      %dma_start3A_86 = arith.constant 0 : i32
      %dma_start3A_87 = tpu.memref_slice %arg8[%rem3A_56, %dma_start3A_86] : memref<16x128xi32, #tpu.memory_space<vmem>> -> memref<1x128xi32, #tpu.memory_space<vmem>>
      %dma_start3A_88 = tpu.memref_squeeze %dma_start3A_87 : memref<1x128xi32, #tpu.memory_space<vmem>> -> memref<128xi32, #tpu.memory_space<vmem>>
      %dma_start3A_89 = arith.constant 0 : i32
      %dma_start3A_90 = arith.constant 0 : i32
      %dma_start3A_91 = tpu.memref_slice %arg12[%dma_start3A_89, %dma_start3A_90] : memref<10240x128xf32, #tpu.memory_space<vmem_shared>> -> memref<10240x128xf32, #tpu.memory_space<vmem_shared>>
      tpu.enqueue_indirect_dma source(%arg10 : memref<128x128xf32, #tpu.memory_space<vmem>>) target(%dma_start3A_91 : memref<10240x128xf32, #tpu.memory_space<vmem_shared>>) offsets(%dma_start3A_88 : memref<128xi32, #tpu.memory_space<vmem>>) semaphore(%arg15 : memref<!tpu.dma_semaphore, #tpu.memory_space<semaphore_mem>>) {add = true}
      %add3A_92 = arith.constant 1 : i32
      %add3A_93 = arith.addi %add3A_55, %add3A_92 : i32
      %lt3A_94 = arith.constant 96 : i32
      %lt3A_95 = arith.cmpi slt, %add3A_93, %lt3A_94 : i32
      %eq3A = arith.constant 0 : i32
      %eq3A_96 = arith.cmpi eq, %rem3A_60, %eq3A : i32
      %and3A_97 = arith.andi %lt3A_95, %eq3A_96 : i1
      %convert_element_type3A_98 = arith.extui %and3A_97 : i1 to i32
      %cond3A_99 = arith.constant 0 : i32
      %cond3A_100 = arith.cmpi ne, %convert_element_type3A_98, %cond3A_99 : i32
      scf.if %cond3A_100 {
        %dma_wait3A_159 = arith.constant 0 : i32
        %dma_wait3A_160 = tpu.memref_slice %arg8[%rem3A_56, %dma_wait3A_159] : memref<16x128xi32, #tpu.memory_space<vmem>> -> memref<1x128xi32, #tpu.memory_space<vmem>>
        %dma_wait3A_161 = tpu.memref_squeeze %dma_wait3A_160 : memref<1x128xi32, #tpu.memory_space<vmem>> -> memref<128xi32, #tpu.memory_space<vmem>>
        %dma_wait3A_162 = arith.constant 0 : i32
        %dma_wait3A_163 = arith.constant 0 : i32
        %dma_wait3A_164 = tpu.memref_slice %arg12[%dma_wait3A_162, %dma_wait3A_163] : memref<10240x128xf32, #tpu.memory_space<vmem_shared>> -> memref<10240x128xf32, #tpu.memory_space<vmem_shared>>
        tpu.wait_indirect_dma semaphore(%arg15 : memref<!tpu.dma_semaphore, #tpu.memory_space<semaphore_mem>>) src(%arg10 : memref<128x128xf32, #tpu.memory_space<vmem>>) dst(%dma_wait3A_164 : memref<10240x128xf32, #tpu.memory_space<vmem_shared>>)
        %add3A_165 = arith.constant 1 : i32
        %add3A_166 = arith.addi %add3A_55, %add3A_165 : i32
        %multiple_of3A_167 = tpu.assume_multiple %add3A_166, 16 : i32
        "tpu.region"() ({
          %run_scoped3A = tpu.sem_alloc : memref<!tpu.dma_semaphore, #tpu.memory_space<semaphore_mem>>
          %dma_start3A_175 = arith.constant 0 : i32
          %dma_start3A_176 = tpu.memref_slice %arg3[%add3A, %multiple_of3A_167, %dma_start3A_175] : memref<32x96x128xi32, #tpu.memory_space<hbm>> -> memref<1x16x128xi32, #tpu.memory_space<hbm>>
          %dma_start3A_177 = tpu.memref_squeeze %dma_start3A_176 : memref<1x16x128xi32, #tpu.memory_space<hbm>> -> memref<16x128xi32, #tpu.memory_space<hbm>>
          %dma_start3A_178 = arith.constant 0 : i32
          %dma_start3A_179 = tpu.memref_slice %arg3[%add3A, %multiple_of3A_167, %dma_start3A_178] : memref<32x96x128xi32, #tpu.memory_space<hbm>> -> memref<1x16x128xi32, #tpu.memory_space<hbm>>
          %dma_start3A_180 = tpu.memref_squeeze %dma_start3A_179 : memref<1x16x128xi32, #tpu.memory_space<hbm>> -> memref<16x128xi32, #tpu.memory_space<hbm>>
          tpu.enqueue_dma source(%dma_start3A_180 : memref<16x128xi32, #tpu.memory_space<hbm>>) target(%arg7 : memref<16x128xi32, #tpu.memory_space<vmem>>) target_semaphore(%run_scoped3A : memref<!tpu.dma_semaphore, #tpu.memory_space<semaphore_mem>>)
          %dma_wait3A_181 = arith.constant 0 : i32
          %dma_wait3A_182 = tpu.memref_slice %arg3[%add3A, %multiple_of3A_167, %dma_wait3A_181] : memref<32x96x128xi32, #tpu.memory_space<hbm>> -> memref<1x16x128xi32, #tpu.memory_space<hbm>>
          %dma_wait3A_183 = tpu.memref_squeeze %dma_wait3A_182 : memref<1x16x128xi32, #tpu.memory_space<hbm>> -> memref<16x128xi32, #tpu.memory_space<hbm>>
          %dma_wait3A_184 = arith.constant 0 : i32
          %dma_wait3A_185 = tpu.memref_slice %arg3[%add3A, %multiple_of3A_167, %dma_wait3A_184] : memref<32x96x128xi32, #tpu.memory_space<hbm>> -> memref<1x16x128xi32, #tpu.memory_space<hbm>>
          %dma_wait3A_186 = tpu.memref_squeeze %dma_wait3A_185 : memref<1x16x128xi32, #tpu.memory_space<hbm>> -> memref<16x128xi32, #tpu.memory_space<hbm>>
          tpu.wait_dma2 semaphore(%run_scoped3A : memref<!tpu.dma_semaphore, #tpu.memory_space<semaphore_mem>>) src(%dma_wait3A_186 : memref<16x128xi32, #tpu.memory_space<hbm>>) dst(%arg7 : memref<16x128xi32, #tpu.memory_space<vmem>>)
          tpu.yield
        }) : () -> ()
        "tpu.region"() ({
          %run_scoped3A = tpu.sem_alloc : memref<!tpu.dma_semaphore, #tpu.memory_space<semaphore_mem>>
          %dma_start3A_175 = arith.constant 0 : i32
          %dma_start3A_176 = tpu.memref_slice %arg4[%add3A, %multiple_of3A_167, %dma_start3A_175] : memref<32x96x128xi32, #tpu.memory_space<hbm>> -> memref<1x16x128xi32, #tpu.memory_space<hbm>>
          %dma_start3A_177 = tpu.memref_squeeze %dma_start3A_176 : memref<1x16x128xi32, #tpu.memory_space<hbm>> -> memref<16x128xi32, #tpu.memory_space<hbm>>
          %dma_start3A_178 = arith.constant 0 : i32
          %dma_start3A_179 = tpu.memref_slice %arg4[%add3A, %multiple_of3A_167, %dma_start3A_178] : memref<32x96x128xi32, #tpu.memory_space<hbm>> -> memref<1x16x128xi32, #tpu.memory_space<hbm>>
          %dma_start3A_180 = tpu.memref_squeeze %dma_start3A_179 : memref<1x16x128xi32, #tpu.memory_space<hbm>> -> memref<16x128xi32, #tpu.memory_space<hbm>>
          tpu.enqueue_dma source(%dma_start3A_180 : memref<16x128xi32, #tpu.memory_space<hbm>>) target(%arg8 : memref<16x128xi32, #tpu.memory_space<vmem>>) target_semaphore(%run_scoped3A : memref<!tpu.dma_semaphore, #tpu.memory_space<semaphore_mem>>)
          %dma_wait3A_181 = arith.constant 0 : i32
          %dma_wait3A_182 = tpu.memref_slice %arg4[%add3A, %multiple_of3A_167, %dma_wait3A_181] : memref<32x96x128xi32, #tpu.memory_space<hbm>> -> memref<1x16x128xi32, #tpu.memory_space<hbm>>
          %dma_wait3A_183 = tpu.memref_squeeze %dma_wait3A_182 : memref<1x16x128xi32, #tpu.memory_space<hbm>> -> memref<16x128xi32, #tpu.memory_space<hbm>>
          %dma_wait3A_184 = arith.constant 0 : i32
          %dma_wait3A_185 = tpu.memref_slice %arg4[%add3A, %multiple_of3A_167, %dma_wait3A_184] : memref<32x96x128xi32, #tpu.memory_space<hbm>> -> memref<1x16x128xi32, #tpu.memory_space<hbm>>
          %dma_wait3A_186 = tpu.memref_squeeze %dma_wait3A_185 : memref<1x16x128xi32, #tpu.memory_space<hbm>> -> memref<16x128xi32, #tpu.memory_space<hbm>>
          tpu.wait_dma2 semaphore(%run_scoped3A : memref<!tpu.dma_semaphore, #tpu.memory_space<semaphore_mem>>) src(%dma_wait3A_186 : memref<16x128xi32, #tpu.memory_space<hbm>>) dst(%arg8 : memref<16x128xi32, #tpu.memory_space<vmem>>)
          tpu.yield
        }) : () -> ()
        "tpu.region"() ({
          %run_scoped3A = tpu.sem_alloc : memref<!tpu.dma_semaphore, #tpu.memory_space<semaphore_mem>>
          %dma_start3A_175 = arith.constant 0 : i32
          %dma_start3A_176 = tpu.memref_slice %arg5[%add3A, %multiple_of3A_167, %dma_start3A_175] : memref<32x96x128xf32, #tpu.memory_space<hbm>> -> memref<1x16x128xf32, #tpu.memory_space<hbm>>
          %dma_start3A_177 = tpu.memref_squeeze %dma_start3A_176 : memref<1x16x128xf32, #tpu.memory_space<hbm>> -> memref<16x128xf32, #tpu.memory_space<hbm>>
          %dma_start3A_178 = arith.constant 0 : i32
          %dma_start3A_179 = tpu.memref_slice %arg5[%add3A, %multiple_of3A_167, %dma_start3A_178] : memref<32x96x128xf32, #tpu.memory_space<hbm>> -> memref<1x16x128xf32, #tpu.memory_space<hbm>>
          %dma_start3A_180 = tpu.memref_squeeze %dma_start3A_179 : memref<1x16x128xf32, #tpu.memory_space<hbm>> -> memref<16x128xf32, #tpu.memory_space<hbm>>
          tpu.enqueue_dma source(%dma_start3A_180 : memref<16x128xf32, #tpu.memory_space<hbm>>) target(%arg9 : memref<16x128xf32, #tpu.memory_space<vmem>>) target_semaphore(%run_scoped3A : memref<!tpu.dma_semaphore, #tpu.memory_space<semaphore_mem>>)
          %dma_wait3A_181 = arith.constant 0 : i32
          %dma_wait3A_182 = tpu.memref_slice %arg5[%add3A, %multiple_of3A_167, %dma_wait3A_181] : memref<32x96x128xf32, #tpu.memory_space<hbm>> -> memref<1x16x128xf32, #tpu.memory_space<hbm>>
          %dma_wait3A_183 = tpu.memref_squeeze %dma_wait3A_182 : memref<1x16x128xf32, #tpu.memory_space<hbm>> -> memref<16x128xf32, #tpu.memory_space<hbm>>
          %dma_wait3A_184 = arith.constant 0 : i32
          %dma_wait3A_185 = tpu.memref_slice %arg5[%add3A, %multiple_of3A_167, %dma_wait3A_184] : memref<32x96x128xf32, #tpu.memory_space<hbm>> -> memref<1x16x128xf32, #tpu.memory_space<hbm>>
          %dma_wait3A_186 = tpu.memref_squeeze %dma_wait3A_185 : memref<1x16x128xf32, #tpu.memory_space<hbm>> -> memref<16x128xf32, #tpu.memory_space<hbm>>
          tpu.wait_dma2 semaphore(%run_scoped3A : memref<!tpu.dma_semaphore, #tpu.memory_space<semaphore_mem>>) src(%dma_wait3A_186 : memref<16x128xf32, #tpu.memory_space<hbm>>) dst(%arg9 : memref<16x128xf32, #tpu.memory_space<vmem>>)
          tpu.yield
        }) : () -> ()
        %dma_start3A_168 = arith.constant 0 : i32
        %dma_start3A_169 = arith.constant 0 : i32
        %dma_start3A_170 = tpu.memref_slice %arg7[%dma_start3A_168, %dma_start3A_169] : memref<16x128xi32, #tpu.memory_space<vmem>> -> memref<1x128xi32, #tpu.memory_space<vmem>>
        %dma_start3A_171 = tpu.memref_squeeze %dma_start3A_170 : memref<1x128xi32, #tpu.memory_space<vmem>> -> memref<128xi32, #tpu.memory_space<vmem>>
        %dma_start3A_172 = arith.constant 0 : i32
        %dma_start3A_173 = arith.constant 0 : i32
        %dma_start3A_174 = tpu.memref_slice %arg2[%dma_start3A_172, %dma_start3A_173] : memref<10000x128xf32, #tpu.memory_space<hbm>> -> memref<10000x128xf32, #tpu.memory_space<hbm>>
        tpu.enqueue_indirect_dma source(%dma_start3A_174 : memref<10000x128xf32, #tpu.memory_space<hbm>>) target(%arg11 : memref<128x128xf32, #tpu.memory_space<vmem>>) offsets(%dma_start3A_171 : memref<128xi32, #tpu.memory_space<vmem>>) semaphore(%arg14 : memref<!tpu.dma_semaphore, #tpu.memory_space<semaphore_mem>>)
      } else {
      }
      %mul3A_101 = arith.constant 2 : i32
      %mul3A_102 = arith.muli %scan3A_50, %mul3A_101 : i32
      %add3A_103 = arith.constant 1 : i32
      %add3A_104 = arith.addi %mul3A_102, %add3A_103 : i32
      %rem3A_105 = arith.constant 16 : i32
      %rem3A_106 = arith.remsi %add3A_104, %rem3A_105 : i32
      %add3A_107 = arith.constant 1 : i32
      %add3A_108 = arith.addi %add3A_104, %add3A_107 : i32
      %rem3A_109 = arith.constant 16 : i32
      %rem3A_110 = arith.remsi %add3A_108, %rem3A_109 : i32
      %dma_wait3A_111 = arith.constant 0 : i32
      %dma_wait3A_112 = tpu.memref_slice %arg7[%rem3A_106, %dma_wait3A_111] : memref<16x128xi32, #tpu.memory_space<vmem>> -> memref<1x128xi32, #tpu.memory_space<vmem>>
      %dma_wait3A_113 = tpu.memref_squeeze %dma_wait3A_112 : memref<1x128xi32, #tpu.memory_space<vmem>> -> memref<128xi32, #tpu.memory_space<vmem>>
      %dma_wait3A_114 = arith.constant 0 : i32
      %dma_wait3A_115 = arith.constant 0 : i32
      %dma_wait3A_116 = tpu.memref_slice %arg2[%dma_wait3A_114, %dma_wait3A_115] : memref<10000x128xf32, #tpu.memory_space<hbm>> -> memref<10000x128xf32, #tpu.memory_space<hbm>>
      tpu.wait_indirect_dma semaphore(%arg14 : memref<!tpu.dma_semaphore, #tpu.memory_space<semaphore_mem>>) src(%dma_wait3A_116 : memref<10000x128xf32, #tpu.memory_space<hbm>>) dst(%arg11 : memref<128x128xf32, #tpu.memory_space<vmem>>)
      %gt3A_117 = arith.constant 0 : i32
      %gt3A_118 = arith.cmpi sgt, %add3A_104, %gt3A_117 : i32
      %ne3A_119 = arith.constant 0 : i32
      %ne3A_120 = arith.cmpi ne, %rem3A_106, %ne3A_119 : i32
      %and3A_121 = arith.andi %gt3A_118, %ne3A_120 : i1
      %convert_element_type3A_122 = arith.extui %and3A_121 : i1 to i32
      %cond3A_123 = arith.constant 0 : i32
      %cond3A_124 = arith.cmpi ne, %convert_element_type3A_122, %cond3A_123 : i32
      scf.if %cond3A_124 {
        %add3A_159 = arith.constant 16 : i32
        %add3A_160 = arith.addi %add3A_104, %add3A_159 : i32
        %sub3A = arith.constant 1 : i32
        %sub3A_161 = arith.subi %add3A_160, %sub3A : i32
        %rem3A_162 = arith.constant 16 : i32
        %rem3A_163 = arith.remsi %sub3A_161, %rem3A_162 : i32
        %dma_wait3A_164 = arith.constant 0 : i32
        %dma_wait3A_165 = tpu.memref_slice %arg8[%rem3A_163, %dma_wait3A_164] : memref<16x128xi32, #tpu.memory_space<vmem>> -> memref<1x128xi32, #tpu.memory_space<vmem>>
        %dma_wait3A_166 = tpu.memref_squeeze %dma_wait3A_165 : memref<1x128xi32, #tpu.memory_space<vmem>> -> memref<128xi32, #tpu.memory_space<vmem>>
        %dma_wait3A_167 = arith.constant 0 : i32
        %dma_wait3A_168 = arith.constant 0 : i32
        %dma_wait3A_169 = tpu.memref_slice %arg12[%dma_wait3A_167, %dma_wait3A_168] : memref<10240x128xf32, #tpu.memory_space<vmem_shared>> -> memref<10240x128xf32, #tpu.memory_space<vmem_shared>>
        tpu.wait_indirect_dma semaphore(%arg15 : memref<!tpu.dma_semaphore, #tpu.memory_space<semaphore_mem>>) src(%arg10 : memref<128x128xf32, #tpu.memory_space<vmem>>) dst(%dma_wait3A_169 : memref<10240x128xf32, #tpu.memory_space<vmem_shared>>)
      } else {
      }
      %add3A_125 = arith.constant 1 : i32
      %add3A_126 = arith.addi %add3A_104, %add3A_125 : i32
      %lt3A_127 = arith.constant 96 : i32
      %lt3A_128 = arith.cmpi slt, %add3A_126, %lt3A_127 : i32
      %ne3A_129 = arith.constant 0 : i32
      %ne3A_130 = arith.cmpi ne, %rem3A_110, %ne3A_129 : i32
      %and3A_131 = arith.andi %lt3A_128, %ne3A_130 : i1
      %convert_element_type3A_132 = arith.extui %and3A_131 : i1 to i32
      %cond3A_133 = arith.constant 0 : i32
      %cond3A_134 = arith.cmpi ne, %convert_element_type3A_132, %cond3A_133 : i32
      scf.if %cond3A_134 {
        %dma_start3A_159 = arith.constant 0 : i32
        %dma_start3A_160 = tpu.memref_slice %arg7[%rem3A_110, %dma_start3A_159] : memref<16x128xi32, #tpu.memory_space<vmem>> -> memref<1x128xi32, #tpu.memory_space<vmem>>
        %dma_start3A_161 = tpu.memref_squeeze %dma_start3A_160 : memref<1x128xi32, #tpu.memory_space<vmem>> -> memref<128xi32, #tpu.memory_space<vmem>>
        %dma_start3A_162 = arith.constant 0 : i32
        %dma_start3A_163 = arith.constant 0 : i32
        %dma_start3A_164 = tpu.memref_slice %arg2[%dma_start3A_162, %dma_start3A_163] : memref<10000x128xf32, #tpu.memory_space<hbm>> -> memref<10000x128xf32, #tpu.memory_space<hbm>>
        tpu.enqueue_indirect_dma source(%dma_start3A_164 : memref<10000x128xf32, #tpu.memory_space<hbm>>) target(%arg10 : memref<128x128xf32, #tpu.memory_space<vmem>>) offsets(%dma_start3A_161 : memref<128xi32, #tpu.memory_space<vmem>>) semaphore(%arg13 : memref<!tpu.dma_semaphore, #tpu.memory_space<semaphore_mem>>)
      } else {
      }
      %scan3A_135 = arith.constant 0 : i32
      %scan3A_136 = arith.constant 0 : i32
      %scan3A_137 = arith.constant 8 : i32
      %scan3A_138 = arith.addi %scan3A_136, %scan3A_137 : i32
      %scan3A_139 = arith.constant 1 : i32
      %scan3A_140 = scf.for %scan3A_159 = %scan3A_136 to %scan3A_138 step %scan3A_139 iter_args(%scan3A_160 = %scan3A_135) -> (i32)  : i32 {
        %mul3A_161 = arith.constant 16 : i32
        %mul3A_162 = arith.muli %scan3A_159, %mul3A_161 : i32
        %get3A = arith.index_cast %rem3A_106 : i32 to index
        %get3A_163 = arith.index_cast %mul3A_162 : i32 to index
        %get3A_164 = tpu.vector_load %arg9[%get3A, %get3A_163] {strides = array<i32>} : memref<16x128xf32, #tpu.memory_space<vmem>>, vector<1x16xf32>,
        %get3A_165 = vector.shape_cast %get3A_164 : vector<1x16xf32> to vector<16xf32>
        %slice3A = vector.extract_strided_slice %get3A_165 {offsets = [0], sizes = [1], strides = [1]} : vector<16xf32> to vector<1xf32>
        %squeeze3A = vector.extract %slice3A[0] : f32 from vector<1xf32>
        %mul3A_166 = arith.constant 16 : i32
        %mul3A_167 = arith.muli %scan3A_159, %mul3A_166 : i32
        %add3A_168 = arith.constant 0 : i32
        %add3A_169 = arith.addi %mul3A_167, %add3A_168 : i32
        %get3A_170 = arith.index_cast %add3A_169 : i32 to index
        %get3A_171 = arith.constant 0 : index
        %get3A_172 = tpu.vector_load %arg11[%get3A_170, %get3A_171] {strides = array<i32>} : memref<128x128xf32, #tpu.memory_space<vmem>>, vector<1x16xf32>,
        %get3A_173 = vector.shape_cast %get3A_172 : vector<1x16xf32> to vector<16xf32>
        %mul3A_174 = vector.broadcast %squeeze3A : f32 to vector<16xf32>
        %mul3A_175 = arith.mulf %get3A_173, %mul3A_174 : vector<16xf32>
        %swap3A = arith.index_cast %add3A_169 : i32 to index
        %swap3A_176 = arith.constant 0 : index
        %swap3A_177 = tpu.vector_load %arg11[%swap3A, %swap3A_176] {strides = array<i32>} : memref<128x128xf32, #tpu.memory_space<vmem>>, vector<1x16xf32>,
        %swap3A_178 = vector.shape_cast %swap3A_177 : vector<1x16xf32> to vector<16xf32>
        %swap3A_179 = vector.shape_cast %mul3A_175 : vector<16xf32> to vector<1x16xf32>
        tpu.vector_store %arg11[%swap3A, %swap3A_176], %swap3A_179 {strides = array<i32>} : memref<128x128xf32, #tpu.memory_space<vmem>>, vector<1x16xf32>,
        %get3A_180 = arith.index_cast %add3A_169 : i32 to index
        %get3A_181 = arith.constant 16 : index
        %get3A_182 = tpu.vector_load %arg11[%get3A_180, %get3A_181] {strides = array<i32>} : memref<128x128xf32, #tpu.memory_space<vmem>>, vector<1x16xf32>,
        %get3A_183 = vector.shape_cast %get3A_182 : vector<1x16xf32> to vector<16xf32>
        %mul3A_184 = vector.broadcast %squeeze3A : f32 to vector<16xf32>
        %mul3A_185 = arith.mulf %get3A_183, %mul3A_184 : vector<16xf32>
        %swap3A_186 = arith.index_cast %add3A_169 : i32 to index
        %swap3A_187 = arith.constant 16 : index
        %swap3A_188 = tpu.vector_load %arg11[%swap3A_186, %swap3A_187] {strides = array<i32>} : memref<128x128xf32, #tpu.memory_space<vmem>>, vector<1x16xf32>,
        %swap3A_189 = vector.shape_cast %swap3A_188 : vector<1x16xf32> to vector<16xf32>
        %swap3A_190 = vector.shape_cast %mul3A_185 : vector<16xf32> to vector<1x16xf32>
        tpu.vector_store %arg11[%swap3A_186, %swap3A_187], %swap3A_190 {strides = array<i32>} : memref<128x128xf32, #tpu.memory_space<vmem>>, vector<1x16xf32>,
        %get3A_191 = arith.index_cast %add3A_169 : i32 to index
        %get3A_192 = arith.constant 32 : index
        %get3A_193 = tpu.vector_load %arg11[%get3A_191, %get3A_192] {strides = array<i32>} : memref<128x128xf32, #tpu.memory_space<vmem>>, vector<1x16xf32>,
        %get3A_194 = vector.shape_cast %get3A_193 : vector<1x16xf32> to vector<16xf32>
        %mul3A_195 = vector.broadcast %squeeze3A : f32 to vector<16xf32>
        %mul3A_196 = arith.mulf %get3A_194, %mul3A_195 : vector<16xf32>
        %swap3A_197 = arith.index_cast %add3A_169 : i32 to index
        %swap3A_198 = arith.constant 32 : index
        %swap3A_199 = tpu.vector_load %arg11[%swap3A_197, %swap3A_198] {strides = array<i32>} : memref<128x128xf32, #tpu.memory_space<vmem>>, vector<1x16xf32>,
        %swap3A_200 = vector.shape_cast %swap3A_199 : vector<1x16xf32> to vector<16xf32>
        %swap3A_201 = vector.shape_cast %mul3A_196 : vector<16xf32> to vector<1x16xf32>
        tpu.vector_store %arg11[%swap3A_197, %swap3A_198], %swap3A_201 {strides = array<i32>} : memref<128x128xf32, #tpu.memory_space<vmem>>, vector<1x16xf32>,
        %get3A_202 = arith.index_cast %add3A_169 : i32 to index
        %get3A_203 = arith.constant 48 : index
        %get3A_204 = tpu.vector_load %arg11[%get3A_202, %get3A_203] {strides = array<i32>} : memref<128x128xf32, #tpu.memory_space<vmem>>, vector<1x16xf32>,
        %get3A_205 = vector.shape_cast %get3A_204 : vector<1x16xf32> to vector<16xf32>
        %mul3A_206 = vector.broadcast %squeeze3A : f32 to vector<16xf32>
        %mul3A_207 = arith.mulf %get3A_205, %mul3A_206 : vector<16xf32>
        %swap3A_208 = arith.index_cast %add3A_169 : i32 to index
        %swap3A_209 = arith.constant 48 : index
        %swap3A_210 = tpu.vector_load %arg11[%swap3A_208, %swap3A_209] {strides = array<i32>} : memref<128x128xf32, #tpu.memory_space<vmem>>, vector<1x16xf32>,
        %swap3A_211 = vector.shape_cast %swap3A_210 : vector<1x16xf32> to vector<16xf32>
        %swap3A_212 = vector.shape_cast %mul3A_207 : vector<16xf32> to vector<1x16xf32>
        tpu.vector_store %arg11[%swap3A_208, %swap3A_209], %swap3A_212 {strides = array<i32>} : memref<128x128xf32, #tpu.memory_space<vmem>>, vector<1x16xf32>,
        %get3A_213 = arith.index_cast %add3A_169 : i32 to index
        %get3A_214 = arith.constant 64 : index
        %get3A_215 = tpu.vector_load %arg11[%get3A_213, %get3A_214] {strides = array<i32>} : memref<128x128xf32, #tpu.memory_space<vmem>>, vector<1x16xf32>,
        %get3A_216 = vector.shape_cast %get3A_215 : vector<1x16xf32> to vector<16xf32>
        %mul3A_217 = vector.broadcast %squeeze3A : f32 to vector<16xf32>
        %mul3A_218 = arith.mulf %get3A_216, %mul3A_217 : vector<16xf32>
        %swap3A_219 = arith.index_cast %add3A_169 : i32 to index
        %swap3A_220 = arith.constant 64 : index
        %swap3A_221 = tpu.vector_load %arg11[%swap3A_219, %swap3A_220] {strides = array<i32>} : memref<128x128xf32, #tpu.memory_space<vmem>>, vector<1x16xf32>,
        %swap3A_222 = vector.shape_cast %swap3A_221 : vector<1x16xf32> to vector<16xf32>
        %swap3A_223 = vector.shape_cast %mul3A_218 : vector<16xf32> to vector<1x16xf32>
        tpu.vector_store %arg11[%swap3A_219, %swap3A_220], %swap3A_223 {strides = array<i32>} : memref<128x128xf32, #tpu.memory_space<vmem>>, vector<1x16xf32>,
        %get3A_224 = arith.index_cast %add3A_169 : i32 to index
        %get3A_225 = arith.constant 80 : index
        %get3A_226 = tpu.vector_load %arg11[%get3A_224, %get3A_225] {strides = array<i32>} : memref<128x128xf32, #tpu.memory_space<vmem>>, vector<1x16xf32>,
        %get3A_227 = vector.shape_cast %get3A_226 : vector<1x16xf32> to vector<16xf32>
        %mul3A_228 = vector.broadcast %squeeze3A : f32 to vector<16xf32>
        %mul3A_229 = arith.mulf %get3A_227, %mul3A_228 : vector<16xf32>
        %swap3A_230 = arith.index_cast %add3A_169 : i32 to index
        %swap3A_231 = arith.constant 80 : index
        %swap3A_232 = tpu.vector_load %arg11[%swap3A_230, %swap3A_231] {strides = array<i32>} : memref<128x128xf32, #tpu.memory_space<vmem>>, vector<1x16xf32>,
        %swap3A_233 = vector.shape_cast %swap3A_232 : vector<1x16xf32> to vector<16xf32>
        %swap3A_234 = vector.shape_cast %mul3A_229 : vector<16xf32> to vector<1x16xf32>
        tpu.vector_store %arg11[%swap3A_230, %swap3A_231], %swap3A_234 {strides = array<i32>} : memref<128x128xf32, #tpu.memory_space<vmem>>, vector<1x16xf32>,
        %get3A_235 = arith.index_cast %add3A_169 : i32 to index
        %get3A_236 = arith.constant 96 : index
        %get3A_237 = tpu.vector_load %arg11[%get3A_235, %get3A_236] {strides = array<i32>} : memref<128x128xf32, #tpu.memory_space<vmem>>, vector<1x16xf32>,
        %get3A_238 = vector.shape_cast %get3A_237 : vector<1x16xf32> to vector<16xf32>
        %mul3A_239 = vector.broadcast %squeeze3A : f32 to vector<16xf32>
        %mul3A_240 = arith.mulf %get3A_238, %mul3A_239 : vector<16xf32>
        %swap3A_241 = arith.index_cast %add3A_169 : i32 to index
        %swap3A_242 = arith.constant 96 : index
        %swap3A_243 = tpu.vector_load %arg11[%swap3A_241, %swap3A_242] {strides = array<i32>} : memref<128x128xf32, #tpu.memory_space<vmem>>, vector<1x16xf32>,
        %swap3A_244 = vector.shape_cast %swap3A_243 : vector<1x16xf32> to vector<16xf32>
        %swap3A_245 = vector.shape_cast %mul3A_240 : vector<16xf32> to vector<1x16xf32>
        tpu.vector_store %arg11[%swap3A_241, %swap3A_242], %swap3A_245 {strides = array<i32>} : memref<128x128xf32, #tpu.memory_space<vmem>>, vector<1x16xf32>,
        %get3A_246 = arith.index_cast %add3A_169 : i32 to index
        %get3A_247 = arith.constant 112 : index
        %get3A_248 = tpu.vector_load %arg11[%get3A_246, %get3A_247] {strides = array<i32>} : memref<128x128xf32, #tpu.memory_space<vmem>>, vector<1x16xf32>,
        %get3A_249 = vector.shape_cast %get3A_248 : vector<1x16xf32> to vector<16xf32>
        %mul3A_250 = vector.broadcast %squeeze3A : f32 to vector<16xf32>
        %mul3A_251 = arith.mulf %get3A_249, %mul3A_250 : vector<16xf32>
        %swap3A_252 = arith.index_cast %add3A_169 : i32 to index
        %swap3A_253 = arith.constant 112 : index
        %swap3A_254 = tpu.vector_load %arg11[%swap3A_252, %swap3A_253] {strides = array<i32>} : memref<128x128xf32, #tpu.memory_space<vmem>>, vector<1x16xf32>,
        %swap3A_255 = vector.shape_cast %swap3A_254 : vector<1x16xf32> to vector<16xf32>
        %swap3A_256 = vector.shape_cast %mul3A_251 : vector<16xf32> to vector<1x16xf32>
        tpu.vector_store %arg11[%swap3A_252, %swap3A_253], %swap3A_256 {strides = array<i32>} : memref<128x128xf32, #tpu.memory_space<vmem>>, vector<1x16xf32>,
        %slice3A_257 = vector.extract_strided_slice %get3A_165 {offsets = [1], sizes = [1], strides = [1]} : vector<16xf32> to vector<1xf32>
        %squeeze3A_258 = vector.extract %slice3A_257[0] : f32 from vector<1xf32>
        %mul3A_259 = arith.constant 16 : i32
        %mul3A_260 = arith.muli %scan3A_159, %mul3A_259 : i32
        %add3A_261 = arith.constant 1 : i32
        %add3A_262 = arith.addi %mul3A_260, %add3A_261 : i32
        %get3A_263 = arith.index_cast %add3A_262 : i32 to index
        %get3A_264 = arith.constant 0 : index
        %get3A_265 = tpu.vector_load %arg11[%get3A_263, %get3A_264] {strides = array<i32>} : memref<128x128xf32, #tpu.memory_space<vmem>>, vector<1x16xf32>,
        %get3A_266 = vector.shape_cast %get3A_265 : vector<1x16xf32> to vector<16xf32>
        %mul3A_267 = vector.broadcast %squeeze3A_258 : f32 to vector<16xf32>
        %mul3A_268 = arith.mulf %get3A_266, %mul3A_267 : vector<16xf32>
        %swap3A_269 = arith.index_cast %add3A_262 : i32 to index
        %swap3A_270 = arith.constant 0 : index
        %swap3A_271 = tpu.vector_load %arg11[%swap3A_269, %swap3A_270] {strides = array<i32>} : memref<128x128xf32, #tpu.memory_space<vmem>>, vector<1x16xf32>,
        %swap3A_272 = vector.shape_cast %swap3A_271 : vector<1x16xf32> to vector<16xf32>
        %swap3A_273 = vector.shape_cast %mul3A_268 : vector<16xf32> to vector<1x16xf32>
        tpu.vector_store %arg11[%swap3A_269, %swap3A_270], %swap3A_273 {strides = array<i32>} : memref<128x128xf32, #tpu.memory_space<vmem>>, vector<1x16xf32>,
        %get3A_274 = arith.index_cast %add3A_262 : i32 to index
        %get3A_275 = arith.constant 16 : index
        %get3A_276 = tpu.vector_load %arg11[%get3A_274, %get3A_275] {strides = array<i32>} : memref<128x128xf32, #tpu.memory_space<vmem>>, vector<1x16xf32>,
        %get3A_277 = vector.shape_cast %get3A_276 : vector<1x16xf32> to vector<16xf32>
        %mul3A_278 = vector.broadcast %squeeze3A_258 : f32 to vector<16xf32>
        %mul3A_279 = arith.mulf %get3A_277, %mul3A_278 : vector<16xf32>
        %swap3A_280 = arith.index_cast %add3A_262 : i32 to index
        %swap3A_281 = arith.constant 16 : index
        %swap3A_282 = tpu.vector_load %arg11[%swap3A_280, %swap3A_281] {strides = array<i32>} : memref<128x128xf32, #tpu.memory_space<vmem>>, vector<1x16xf32>,
        %swap3A_283 = vector.shape_cast %swap3A_282 : vector<1x16xf32> to vector<16xf32>
        %swap3A_284 = vector.shape_cast %mul3A_279 : vector<16xf32> to vector<1x16xf32>
        tpu.vector_store %arg11[%swap3A_280, %swap3A_281], %swap3A_284 {strides = array<i32>} : memref<128x128xf32, #tpu.memory_space<vmem>>, vector<1x16xf32>,
        %get3A_285 = arith.index_cast %add3A_262 : i32 to index
        %get3A_286 = arith.constant 32 : index
        %get3A_287 = tpu.vector_load %arg11[%get3A_285, %get3A_286] {strides = array<i32>} : memref<128x128xf32, #tpu.memory_space<vmem>>, vector<1x16xf32>,
        %get3A_288 = vector.shape_cast %get3A_287 : vector<1x16xf32> to vector<16xf32>
        %mul3A_289 = vector.broadcast %squeeze3A_258 : f32 to vector<16xf32>
        %mul3A_290 = arith.mulf %get3A_288, %mul3A_289 : vector<16xf32>
        %swap3A_291 = arith.index_cast %add3A_262 : i32 to index
        %swap3A_292 = arith.constant 32 : index
        %swap3A_293 = tpu.vector_load %arg11[%swap3A_291, %swap3A_292] {strides = array<i32>} : memref<128x128xf32, #tpu.memory_space<vmem>>, vector<1x16xf32>,
        %swap3A_294 = vector.shape_cast %swap3A_293 : vector<1x16xf32> to vector<16xf32>
        %swap3A_295 = vector.shape_cast %mul3A_290 : vector<16xf32> to vector<1x16xf32>
        tpu.vector_store %arg11[%swap3A_291, %swap3A_292], %swap3A_295 {strides = array<i32>} : memref<128x128xf32, #tpu.memory_space<vmem>>, vector<1x16xf32>,
        %get3A_296 = arith.index_cast %add3A_262 : i32 to index
        %get3A_297 = arith.constant 48 : index
        %get3A_298 = tpu.vector_load %arg11[%get3A_296, %get3A_297] {strides = array<i32>} : memref<128x128xf32, #tpu.memory_space<vmem>>, vector<1x16xf32>,
        %get3A_299 = vector.shape_cast %get3A_298 : vector<1x16xf32> to vector<16xf32>
        %mul3A_300 = vector.broadcast %squeeze3A_258 : f32 to vector<16xf32>
        %mul3A_301 = arith.mulf %get3A_299, %mul3A_300 : vector<16xf32>
        %swap3A_302 = arith.index_cast %add3A_262 : i32 to index
        %swap3A_303 = arith.constant 48 : index
        %swap3A_304 = tpu.vector_load %arg11[%swap3A_302, %swap3A_303] {strides = array<i32>} : memref<128x128xf32, #tpu.memory_space<vmem>>, vector<1x16xf32>,
        %swap3A_305 = vector.shape_cast %swap3A_304 : vector<1x16xf32> to vector<16xf32>
        %swap3A_306 = vector.shape_cast %mul3A_301 : vector<16xf32> to vector<1x16xf32>
        tpu.vector_store %arg11[%swap3A_302, %swap3A_303], %swap3A_306 {strides = array<i32>} : memref<128x128xf32, #tpu.memory_space<vmem>>, vector<1x16xf32>,
        %get3A_307 = arith.index_cast %add3A_262 : i32 to index
        %get3A_308 = arith.constant 64 : index
        %get3A_309 = tpu.vector_load %arg11[%get3A_307, %get3A_308] {strides = array<i32>} : memref<128x128xf32, #tpu.memory_space<vmem>>, vector<1x16xf32>,
        %get3A_310 = vector.shape_cast %get3A_309 : vector<1x16xf32> to vector<16xf32>
        %mul3A_311 = vector.broadcast %squeeze3A_258 : f32 to vector<16xf32>
        %mul3A_312 = arith.mulf %get3A_310, %mul3A_311 : vector<16xf32>
        %swap3A_313 = arith.index_cast %add3A_262 : i32 to index
        %swap3A_314 = arith.constant 64 : index
        %swap3A_315 = tpu.vector_load %arg11[%swap3A_313, %swap3A_314] {strides = array<i32>} : memref<128x128xf32, #tpu.memory_space<vmem>>, vector<1x16xf32>,
        %swap3A_316 = vector.shape_cast %swap3A_315 : vector<1x16xf32> to vector<16xf32>
        %swap3A_317 = vector.shape_cast %mul3A_312 : vector<16xf32> to vector<1x16xf32>
        tpu.vector_store %arg11[%swap3A_313, %swap3A_314], %swap3A_317 {strides = array<i32>} : memref<128x128xf32, #tpu.memory_space<vmem>>, vector<1x16xf32>,
        %get3A_318 = arith.index_cast %add3A_262 : i32 to index
        %get3A_319 = arith.constant 80 : index
        %get3A_320 = tpu.vector_load %arg11[%get3A_318, %get3A_319] {strides = array<i32>} : memref<128x128xf32, #tpu.memory_space<vmem>>, vector<1x16xf32>,
        %get3A_321 = vector.shape_cast %get3A_320 : vector<1x16xf32> to vector<16xf32>
        %mul3A_322 = vector.broadcast %squeeze3A_258 : f32 to vector<16xf32>
        %mul3A_323 = arith.mulf %get3A_321, %mul3A_322 : vector<16xf32>
        %swap3A_324 = arith.index_cast %add3A_262 : i32 to index
        %swap3A_325 = arith.constant 80 : index
        %swap3A_326 = tpu.vector_load %arg11[%swap3A_324, %swap3A_325] {strides = array<i32>} : memref<128x128xf32, #tpu.memory_space<vmem>>, vector<1x16xf32>,
        %swap3A_327 = vector.shape_cast %swap3A_326 : vector<1x16xf32> to vector<16xf32>
        %swap3A_328 = vector.shape_cast %mul3A_323 : vector<16xf32> to vector<1x16xf32>
        tpu.vector_store %arg11[%swap3A_324, %swap3A_325], %swap3A_328 {strides = array<i32>} : memref<128x128xf32, #tpu.memory_space<vmem>>, vector<1x16xf32>,
        %get3A_329 = arith.index_cast %add3A_262 : i32 to index
        %get3A_330 = arith.constant 96 : index
        %get3A_331 = tpu.vector_load %arg11[%get3A_329, %get3A_330] {strides = array<i32>} : memref<128x128xf32, #tpu.memory_space<vmem>>, vector<1x16xf32>,
        %get3A_332 = vector.shape_cast %get3A_331 : vector<1x16xf32> to vector<16xf32>
        %mul3A_333 = vector.broadcast %squeeze3A_258 : f32 to vector<16xf32>
        %mul3A_334 = arith.mulf %get3A_332, %mul3A_333 : vector<16xf32>
        %swap3A_335 = arith.index_cast %add3A_262 : i32 to index
        %swap3A_336 = arith.constant 96 : index
        %swap3A_337 = tpu.vector_load %arg11[%swap3A_335, %swap3A_336] {strides = array<i32>} : memref<128x128xf32, #tpu.memory_space<vmem>>, vector<1x16xf32>,
        %swap3A_338 = vector.shape_cast %swap3A_337 : vector<1x16xf32> to vector<16xf32>
        %swap3A_339 = vector.shape_cast %mul3A_334 : vector<16xf32> to vector<1x16xf32>
        tpu.vector_store %arg11[%swap3A_335, %swap3A_336], %swap3A_339 {strides = array<i32>} : memref<128x128xf32, #tpu.memory_space<vmem>>, vector<1x16xf32>,
        %get3A_340 = arith.index_cast %add3A_262 : i32 to index
        %get3A_341 = arith.constant 112 : index
        %get3A_342 = tpu.vector_load %arg11[%get3A_340, %get3A_341] {strides = array<i32>} : memref<128x128xf32, #tpu.memory_space<vmem>>, vector<1x16xf32>,
        %get3A_343 = vector.shape_cast %get3A_342 : vector<1x16xf32> to vector<16xf32>
        %mul3A_344 = vector.broadcast %squeeze3A_258 : f32 to vector<16xf32>
        %mul3A_345 = arith.mulf %get3A_343, %mul3A_344 : vector<16xf32>
        %swap3A_346 = arith.index_cast %add3A_262 : i32 to index
        %swap3A_347 = arith.constant 112 : index
        %swap3A_348 = tpu.vector_load %arg11[%swap3A_346, %swap3A_347] {strides = array<i32>} : memref<128x128xf32, #tpu.memory_space<vmem>>, vector<1x16xf32>,
        %swap3A_349 = vector.shape_cast %swap3A_348 : vector<1x16xf32> to vector<16xf32>
        %swap3A_350 = vector.shape_cast %mul3A_345 : vector<16xf32> to vector<1x16xf32>
        tpu.vector_store %arg11[%swap3A_346, %swap3A_347], %swap3A_350 {strides = array<i32>} : memref<128x128xf32, #tpu.memory_space<vmem>>, vector<1x16xf32>,
        %slice3A_351 = vector.extract_strided_slice %get3A_165 {offsets = [2], sizes = [1], strides = [1]} : vector<16xf32> to vector<1xf32>
        %squeeze3A_352 = vector.extract %slice3A_351[0] : f32 from vector<1xf32>
        %mul3A_353 = arith.constant 16 : i32
        %mul3A_354 = arith.muli %scan3A_159, %mul3A_353 : i32
        %add3A_355 = arith.constant 2 : i32
        %add3A_356 = arith.addi %mul3A_354, %add3A_355 : i32
        %get3A_357 = arith.index_cast %add3A_356 : i32 to index
        %get3A_358 = arith.constant 0 : index
        %get3A_359 = tpu.vector_load %arg11[%get3A_357, %get3A_358] {strides = array<i32>} : memref<128x128xf32, #tpu.memory_space<vmem>>, vector<1x16xf32>,
        %get3A_360 = vector.shape_cast %get3A_359 : vector<1x16xf32> to vector<16xf32>
        %mul3A_361 = vector.broadcast %squeeze3A_352 : f32 to vector<16xf32>
        %mul3A_362 = arith.mulf %get3A_360, %mul3A_361 : vector<16xf32>
        %swap3A_363 = arith.index_cast %add3A_356 : i32 to index
        %swap3A_364 = arith.constant 0 : index
        %swap3A_365 = tpu.vector_load %arg11[%swap3A_363, %swap3A_364] {strides = array<i32>} : memref<128x128xf32, #tpu.memory_space<vmem>>, vector<1x16xf32>,
        %swap3A_366 = vector.shape_cast %swap3A_365 : vector<1x16xf32> to vector<16xf32>
        %swap3A_367 = vector.shape_cast %mul3A_362 : vector<16xf32> to vector<1x16xf32>
        tpu.vector_store %arg11[%swap3A_363, %swap3A_364], %swap3A_367 {strides = array<i32>} : memref<128x128xf32, #tpu.memory_space<vmem>>, vector<1x16xf32>,
        %get3A_368 = arith.index_cast %add3A_356 : i32 to index
        %get3A_369 = arith.constant 16 : index
        %get3A_370 = tpu.vector_load %arg11[%get3A_368, %get3A_369] {strides = array<i32>} : memref<128x128xf32, #tpu.memory_space<vmem>>, vector<1x16xf32>,
        %get3A_371 = vector.shape_cast %get3A_370 : vector<1x16xf32> to vector<16xf32>
        %mul3A_372 = vector.broadcast %squeeze3A_352 : f32 to vector<16xf32>
        %mul3A_373 = arith.mulf %get3A_371, %mul3A_372 : vector<16xf32>
        %swap3A_374 = arith.index_cast %add3A_356 : i32 to index
        %swap3A_375 = arith.constant 16 : index
        %swap3A_376 = tpu.vector_load %arg11[%swap3A_374, %swap3A_375] {strides = array<i32>} : memref<128x128xf32, #tpu.memory_space<vmem>>, vector<1x16xf32>,
        %swap3A_377 = vector.shape_cast %swap3A_376 : vector<1x16xf32> to vector<16xf32>
        %swap3A_378 = vector.shape_cast %mul3A_373 : vector<16xf32> to vector<1x16xf32>
        tpu.vector_store %arg11[%swap3A_374, %swap3A_375], %swap3A_378 {strides = array<i32>} : memref<128x128xf32, #tpu.memory_space<vmem>>, vector<1x16xf32>,
        %get3A_379 = arith.index_cast %add3A_356 : i32 to index
        %get3A_380 = arith.constant 32 : index
        %get3A_381 = tpu.vector_load %arg11[%get3A_379, %get3A_380] {strides = array<i32>} : memref<128x128xf32, #tpu.memory_space<vmem>>, vector<1x16xf32>,
        %get3A_382 = vector.shape_cast %get3A_381 : vector<1x16xf32> to vector<16xf32>
        %mul3A_383 = vector.broadcast %squeeze3A_352 : f32 to vector<16xf32>
        %mul3A_384 = arith.mulf %get3A_382, %mul3A_383 : vector<16xf32>
        %swap3A_385 = arith.index_cast %add3A_356 : i32 to index
        %swap3A_386 = arith.constant 32 : index
        %swap3A_387 = tpu.vector_load %arg11[%swap3A_385, %swap3A_386] {strides = array<i32>} : memref<128x128xf32, #tpu.memory_space<vmem>>, vector<1x16xf32>,
        %swap3A_388 = vector.shape_cast %swap3A_387 : vector<1x16xf32> to vector<16xf32>
        %swap3A_389 = vector.shape_cast %mul3A_384 : vector<16xf32> to vector<1x16xf32>
        tpu.vector_store %arg11[%swap3A_385, %swap3A_386], %swap3A_389 {strides = array<i32>} : memref<128x128xf32, #tpu.memory_space<vmem>>, vector<1x16xf32>,
        %get3A_390 = arith.index_cast %add3A_356 : i32 to index
        %get3A_391 = arith.constant 48 : index
        %get3A_392 = tpu.vector_load %arg11[%get3A_390, %get3A_391] {strides = array<i32>} : memref<128x128xf32, #tpu.memory_space<vmem>>, vector<1x16xf32>,
        %get3A_393 = vector.shape_cast %get3A_392 : vector<1x16xf32> to vector<16xf32>
        %mul3A_394 = vector.broadcast %squeeze3A_352 : f32 to vector<16xf32>
        %mul3A_395 = arith.mulf %get3A_393, %mul3A_394 : vector<16xf32>
        %swap3A_396 = arith.index_cast %add3A_356 : i32 to index
        %swap3A_397 = arith.constant 48 : index
        %swap3A_398 = tpu.vector_load %arg11[%swap3A_396, %swap3A_397] {strides = array<i32>} : memref<128x128xf32, #tpu.memory_space<vmem>>, vector<1x16xf32>,
        %swap3A_399 = vector.shape_cast %swap3A_398 : vector<1x16xf32> to vector<16xf32>
        %swap3A_400 = vector.shape_cast %mul3A_395 : vector<16xf32> to vector<1x16xf32>
        tpu.vector_store %arg11[%swap3A_396, %swap3A_397], %swap3A_400 {strides = array<i32>} : memref<128x128xf32, #tpu.memory_space<vmem>>, vector<1x16xf32>,
        %get3A_401 = arith.index_cast %add3A_356 : i32 to index
        %get3A_402 = arith.constant 64 : index
        %get3A_403 = tpu.vector_load %arg11[%get3A_401, %get3A_402] {strides = array<i32>} : memref<128x128xf32, #tpu.memory_space<vmem>>, vector<1x16xf32>,
        %get3A_404 = vector.shape_cast %get3A_403 : vector<1x16xf32> to vector<16xf32>
        %mul3A_405 = vector.broadcast %squeeze3A_352 : f32 to vector<16xf32>
        %mul3A_406 = arith.mulf %get3A_404, %mul3A_405 : vector<16xf32>
        %swap3A_407 = arith.index_cast %add3A_356 : i32 to index
        %swap3A_408 = arith.constant 64 : index
        %swap3A_409 = tpu.vector_load %arg11[%swap3A_407, %swap3A_408] {strides = array<i32>} : memref<128x128xf32, #tpu.memory_space<vmem>>, vector<1x16xf32>,
        %swap3A_410 = vector.shape_cast %swap3A_409 : vector<1x16xf32> to vector<16xf32>
        %swap3A_411 = vector.shape_cast %mul3A_406 : vector<16xf32> to vector<1x16xf32>
        tpu.vector_store %arg11[%swap3A_407, %swap3A_408], %swap3A_411 {strides = array<i32>} : memref<128x128xf32, #tpu.memory_space<vmem>>, vector<1x16xf32>,
        %get3A_412 = arith.index_cast %add3A_356 : i32 to index
        %get3A_413 = arith.constant 80 : index
        %get3A_414 = tpu.vector_load %arg11[%get3A_412, %get3A_413] {strides = array<i32>} : memref<128x128xf32, #tpu.memory_space<vmem>>, vector<1x16xf32>,
        %get3A_415 = vector.shape_cast %get3A_414 : vector<1x16xf32> to vector<16xf32>
        %mul3A_416 = vector.broadcast %squeeze3A_352 : f32 to vector<16xf32>
        %mul3A_417 = arith.mulf %get3A_415, %mul3A_416 : vector<16xf32>
        %swap3A_418 = arith.index_cast %add3A_356 : i32 to index
        %swap3A_419 = arith.constant 80 : index
        %swap3A_420 = tpu.vector_load %arg11[%swap3A_418, %swap3A_419] {strides = array<i32>} : memref<128x128xf32, #tpu.memory_space<vmem>>, vector<1x16xf32>,
        %swap3A_421 = vector.shape_cast %swap3A_420 : vector<1x16xf32> to vector<16xf32>
        %swap3A_422 = vector.shape_cast %mul3A_417 : vector<16xf32> to vector<1x16xf32>
        tpu.vector_store %arg11[%swap3A_418, %swap3A_419], %swap3A_422 {strides = array<i32>} : memref<128x128xf32, #tpu.memory_space<vmem>>, vector<1x16xf32>,
        %get3A_423 = arith.index_cast %add3A_356 : i32 to index
        %get3A_424 = arith.constant 96 : index
        %get3A_425 = tpu.vector_load %arg11[%get3A_423, %get3A_424] {strides = array<i32>} : memref<128x128xf32, #tpu.memory_space<vmem>>, vector<1x16xf32>,
        %get3A_426 = vector.shape_cast %get3A_425 : vector<1x16xf32> to vector<16xf32>
        %mul3A_427 = vector.broadcast %squeeze3A_352 : f32 to vector<16xf32>
        %mul3A_428 = arith.mulf %get3A_426, %mul3A_427 : vector<16xf32>
        %swap3A_429 = arith.index_cast %add3A_356 : i32 to index
        %swap3A_430 = arith.constant 96 : index
        %swap3A_431 = tpu.vector_load %arg11[%swap3A_429, %swap3A_430] {strides = array<i32>} : memref<128x128xf32, #tpu.memory_space<vmem>>, vector<1x16xf32>,
        %swap3A_432 = vector.shape_cast %swap3A_431 : vector<1x16xf32> to vector<16xf32>
        %swap3A_433 = vector.shape_cast %mul3A_428 : vector<16xf32> to vector<1x16xf32>
        tpu.vector_store %arg11[%swap3A_429, %swap3A_430], %swap3A_433 {strides = array<i32>} : memref<128x128xf32, #tpu.memory_space<vmem>>, vector<1x16xf32>,
        %get3A_434 = arith.index_cast %add3A_356 : i32 to index
        %get3A_435 = arith.constant 112 : index
        %get3A_436 = tpu.vector_load %arg11[%get3A_434, %get3A_435] {strides = array<i32>} : memref<128x128xf32, #tpu.memory_space<vmem>>, vector<1x16xf32>,
        %get3A_437 = vector.shape_cast %get3A_436 : vector<1x16xf32> to vector<16xf32>
        %mul3A_438 = vector.broadcast %squeeze3A_352 : f32 to vector<16xf32>
        %mul3A_439 = arith.mulf %get3A_437, %mul3A_438 : vector<16xf32>
        %swap3A_440 = arith.index_cast %add3A_356 : i32 to index
        %swap3A_441 = arith.constant 112 : index
        %swap3A_442 = tpu.vector_load %arg11[%swap3A_440, %swap3A_441] {strides = array<i32>} : memref<128x128xf32, #tpu.memory_space<vmem>>, vector<1x16xf32>,
        %swap3A_443 = vector.shape_cast %swap3A_442 : vector<1x16xf32> to vector<16xf32>
        %swap3A_444 = vector.shape_cast %mul3A_439 : vector<16xf32> to vector<1x16xf32>
        tpu.vector_store %arg11[%swap3A_440, %swap3A_441], %swap3A_444 {strides = array<i32>} : memref<128x128xf32, #tpu.memory_space<vmem>>, vector<1x16xf32>,
        %slice3A_445 = vector.extract_strided_slice %get3A_165 {offsets = [3], sizes = [1], strides = [1]} : vector<16xf32> to vector<1xf32>
        %squeeze3A_446 = vector.extract %slice3A_445[0] : f32 from vector<1xf32>
        %mul3A_447 = arith.constant 16 : i32
        %mul3A_448 = arith.muli %scan3A_159, %mul3A_447 : i32
        %add3A_449 = arith.constant 3 : i32
        %add3A_450 = arith.addi %mul3A_448, %add3A_449 : i32
        %get3A_451 = arith.index_cast %add3A_450 : i32 to index
        %get3A_452 = arith.constant 0 : index
        %get3A_453 = tpu.vector_load %arg11[%get3A_451, %get3A_452] {strides = array<i32>} : memref<128x128xf32, #tpu.memory_space<vmem>>, vector<1x16xf32>,
        %get3A_454 = vector.shape_cast %get3A_453 : vector<1x16xf32> to vector<16xf32>
        %mul3A_455 = vector.broadcast %squeeze3A_446 : f32 to vector<16xf32>
        %mul3A_456 = arith.mulf %get3A_454, %mul3A_455 : vector<16xf32>
        %swap3A_457 = arith.index_cast %add3A_450 : i32 to index
        %swap3A_458 = arith.constant 0 : index
        %swap3A_459 = tpu.vector_load %arg11[%swap3A_457, %swap3A_458] {strides = array<i32>} : memref<128x128xf32, #tpu.memory_space<vmem>>, vector<1x16xf32>,
        %swap3A_460 = vector.shape_cast %swap3A_459 : vector<1x16xf32> to vector<16xf32>
        %swap3A_461 = vector.shape_cast %mul3A_456 : vector<16xf32> to vector<1x16xf32>
        tpu.vector_store %arg11[%swap3A_457, %swap3A_458], %swap3A_461 {strides = array<i32>} : memref<128x128xf32, #tpu.memory_space<vmem>>, vector<1x16xf32>,
        %get3A_462 = arith.index_cast %add3A_450 : i32 to index
        %get3A_463 = arith.constant 16 : index
        %get3A_464 = tpu.vector_load %arg11[%get3A_462, %get3A_463] {strides = array<i32>} : memref<128x128xf32, #tpu.memory_space<vmem>>, vector<1x16xf32>,
        %get3A_465 = vector.shape_cast %get3A_464 : vector<1x16xf32> to vector<16xf32>
        %mul3A_466 = vector.broadcast %squeeze3A_446 : f32 to vector<16xf32>
        %mul3A_467 = arith.mulf %get3A_465, %mul3A_466 : vector<16xf32>
        %swap3A_468 = arith.index_cast %add3A_450 : i32 to index
        %swap3A_469 = arith.constant 16 : index
        %swap3A_470 = tpu.vector_load %arg11[%swap3A_468, %swap3A_469] {strides = array<i32>} : memref<128x128xf32, #tpu.memory_space<vmem>>, vector<1x16xf32>,
        %swap3A_471 = vector.shape_cast %swap3A_470 : vector<1x16xf32> to vector<16xf32>
        %swap3A_472 = vector.shape_cast %mul3A_467 : vector<16xf32> to vector<1x16xf32>
        tpu.vector_store %arg11[%swap3A_468, %swap3A_469], %swap3A_472 {strides = array<i32>} : memref<128x128xf32, #tpu.memory_space<vmem>>, vector<1x16xf32>,
        %get3A_473 = arith.index_cast %add3A_450 : i32 to index
        %get3A_474 = arith.constant 32 : index
        %get3A_475 = tpu.vector_load %arg11[%get3A_473, %get3A_474] {strides = array<i32>} : memref<128x128xf32, #tpu.memory_space<vmem>>, vector<1x16xf32>,
        %get3A_476 = vector.shape_cast %get3A_475 : vector<1x16xf32> to vector<16xf32>
        %mul3A_477 = vector.broadcast %squeeze3A_446 : f32 to vector<16xf32>
        %mul3A_478 = arith.mulf %get3A_476, %mul3A_477 : vector<16xf32>
        %swap3A_479 = arith.index_cast %add3A_450 : i32 to index
        %swap3A_480 = arith.constant 32 : index
        %swap3A_481 = tpu.vector_load %arg11[%swap3A_479, %swap3A_480] {strides = array<i32>} : memref<128x128xf32, #tpu.memory_space<vmem>>, vector<1x16xf32>,
        %swap3A_482 = vector.shape_cast %swap3A_481 : vector<1x16xf32> to vector<16xf32>
        %swap3A_483 = vector.shape_cast %mul3A_478 : vector<16xf32> to vector<1x16xf32>
        tpu.vector_store %arg11[%swap3A_479, %swap3A_480], %swap3A_483 {strides = array<i32>} : memref<128x128xf32, #tpu.memory_space<vmem>>, vector<1x16xf32>,
        %get3A_484 = arith.index_cast %add3A_450 : i32 to index
        %get3A_485 = arith.constant 48 : index
        %get3A_486 = tpu.vector_load %arg11[%get3A_484, %get3A_485] {strides = array<i32>} : memref<128x128xf32, #tpu.memory_space<vmem>>, vector<1x16xf32>,
        %get3A_487 = vector.shape_cast %get3A_486 : vector<1x16xf32> to vector<16xf32>
        %mul3A_488 = vector.broadcast %squeeze3A_446 : f32 to vector<16xf32>
        %mul3A_489 = arith.mulf %get3A_487, %mul3A_488 : vector<16xf32>
        %swap3A_490 = arith.index_cast %add3A_450 : i32 to index
        %swap3A_491 = arith.constant 48 : index
        %swap3A_492 = tpu.vector_load %arg11[%swap3A_490, %swap3A_491] {strides = array<i32>} : memref<128x128xf32, #tpu.memory_space<vmem>>, vector<1x16xf32>,
        %swap3A_493 = vector.shape_cast %swap3A_492 : vector<1x16xf32> to vector<16xf32>
        %swap3A_494 = vector.shape_cast %mul3A_489 : vector<16xf32> to vector<1x16xf32>
        tpu.vector_store %arg11[%swap3A_490, %swap3A_491], %swap3A_494 {strides = array<i32>} : memref<128x128xf32, #tpu.memory_space<vmem>>, vector<1x16xf32>,
        %get3A_495 = arith.index_cast %add3A_450 : i32 to index
        %get3A_496 = arith.constant 64 : index
        %get3A_497 = tpu.vector_load %arg11[%get3A_495, %get3A_496] {strides = array<i32>} : memref<128x128xf32, #tpu.memory_space<vmem>>, vector<1x16xf32>,
        %get3A_498 = vector.shape_cast %get3A_497 : vector<1x16xf32> to vector<16xf32>
        %mul3A_499 = vector.broadcast %squeeze3A_446 : f32 to vector<16xf32>
        %mul3A_500 = arith.mulf %get3A_498, %mul3A_499 : vector<16xf32>
        %swap3A_501 = arith.index_cast %add3A_450 : i32 to index
        %swap3A_502 = arith.constant 64 : index
        %swap3A_503 = tpu.vector_load %arg11[%swap3A_501, %swap3A_502] {strides = array<i32>} : memref<128x128xf32, #tpu.memory_space<vmem>>, vector<1x16xf32>,
        %swap3A_504 = vector.shape_cast %swap3A_503 : vector<1x16xf32> to vector<16xf32>
        %swap3A_505 = vector.shape_cast %mul3A_500 : vector<16xf32> to vector<1x16xf32>
        tpu.vector_store %arg11[%swap3A_501, %swap3A_502], %swap3A_505 {strides = array<i32>} : memref<128x128xf32, #tpu.memory_space<vmem>>, vector<1x16xf32>,
        %get3A_506 = arith.index_cast %add3A_450 : i32 to index
        %get3A_507 = arith.constant 80 : index
        %get3A_508 = tpu.vector_load %arg11[%get3A_506, %get3A_507] {strides = array<i32>} : memref<128x128xf32, #tpu.memory_space<vmem>>, vector<1x16xf32>,
        %get3A_509 = vector.shape_cast %get3A_508 : vector<1x16xf32> to vector<16xf32>
        %mul3A_510 = vector.broadcast %squeeze3A_446 : f32 to vector<16xf32>
        %mul3A_511 = arith.mulf %get3A_509, %mul3A_510 : vector<16xf32>
        %swap3A_512 = arith.index_cast %add3A_450 : i32 to index
        %swap3A_513 = arith.constant 80 : index
        %swap3A_514 = tpu.vector_load %arg11[%swap3A_512, %swap3A_513] {strides = array<i32>} : memref<128x128xf32, #tpu.memory_space<vmem>>, vector<1x16xf32>,
        %swap3A_515 = vector.shape_cast %swap3A_514 : vector<1x16xf32> to vector<16xf32>
        %swap3A_516 = vector.shape_cast %mul3A_511 : vector<16xf32> to vector<1x16xf32>
        tpu.vector_store %arg11[%swap3A_512, %swap3A_513], %swap3A_516 {strides = array<i32>} : memref<128x128xf32, #tpu.memory_space<vmem>>, vector<1x16xf32>,
        %get3A_517 = arith.index_cast %add3A_450 : i32 to index
        %get3A_518 = arith.constant 96 : index
        %get3A_519 = tpu.vector_load %arg11[%get3A_517, %get3A_518] {strides = array<i32>} : memref<128x128xf32, #tpu.memory_space<vmem>>, vector<1x16xf32>,
        %get3A_520 = vector.shape_cast %get3A_519 : vector<1x16xf32> to vector<16xf32>
        %mul3A_521 = vector.broadcast %squeeze3A_446 : f32 to vector<16xf32>
        %mul3A_522 = arith.mulf %get3A_520, %mul3A_521 : vector<16xf32>
        %swap3A_523 = arith.index_cast %add3A_450 : i32 to index
        %swap3A_524 = arith.constant 96 : index
        %swap3A_525 = tpu.vector_load %arg11[%swap3A_523, %swap3A_524] {strides = array<i32>} : memref<128x128xf32, #tpu.memory_space<vmem>>, vector<1x16xf32>,
        %swap3A_526 = vector.shape_cast %swap3A_525 : vector<1x16xf32> to vector<16xf32>
        %swap3A_527 = vector.shape_cast %mul3A_522 : vector<16xf32> to vector<1x16xf32>
        tpu.vector_store %arg11[%swap3A_523, %swap3A_524], %swap3A_527 {strides = array<i32>} : memref<128x128xf32, #tpu.memory_space<vmem>>, vector<1x16xf32>,
        %get3A_528 = arith.index_cast %add3A_450 : i32 to index
        %get3A_529 = arith.constant 112 : index
        %get3A_530 = tpu.vector_load %arg11[%get3A_528, %get3A_529] {strides = array<i32>} : memref<128x128xf32, #tpu.memory_space<vmem>>, vector<1x16xf32>,
        %get3A_531 = vector.shape_cast %get3A_530 : vector<1x16xf32> to vector<16xf32>
        %mul3A_532 = vector.broadcast %squeeze3A_446 : f32 to vector<16xf32>
        %mul3A_533 = arith.mulf %get3A_531, %mul3A_532 : vector<16xf32>
        %swap3A_534 = arith.index_cast %add3A_450 : i32 to index
        %swap3A_535 = arith.constant 112 : index
        %swap3A_536 = tpu.vector_load %arg11[%swap3A_534, %swap3A_535] {strides = array<i32>} : memref<128x128xf32, #tpu.memory_space<vmem>>, vector<1x16xf32>,
        %swap3A_537 = vector.shape_cast %swap3A_536 : vector<1x16xf32> to vector<16xf32>
        %swap3A_538 = vector.shape_cast %mul3A_533 : vector<16xf32> to vector<1x16xf32>
        tpu.vector_store %arg11[%swap3A_534, %swap3A_535], %swap3A_538 {strides = array<i32>} : memref<128x128xf32, #tpu.memory_space<vmem>>, vector<1x16xf32>,
        %slice3A_539 = vector.extract_strided_slice %get3A_165 {offsets = [4], sizes = [1], strides = [1]} : vector<16xf32> to vector<1xf32>
        %squeeze3A_540 = vector.extract %slice3A_539[0] : f32 from vector<1xf32>
        %mul3A_541 = arith.constant 16 : i32
        %mul3A_542 = arith.muli %scan3A_159, %mul3A_541 : i32
        %add3A_543 = arith.constant 4 : i32
        %add3A_544 = arith.addi %mul3A_542, %add3A_543 : i32
        %get3A_545 = arith.index_cast %add3A_544 : i32 to index
        %get3A_546 = arith.constant 0 : index
        %get3A_547 = tpu.vector_load %arg11[%get3A_545, %get3A_546] {strides = array<i32>} : memref<128x128xf32, #tpu.memory_space<vmem>>, vector<1x16xf32>,
        %get3A_548 = vector.shape_cast %get3A_547 : vector<1x16xf32> to vector<16xf32>
        %mul3A_549 = vector.broadcast %squeeze3A_540 : f32 to vector<16xf32>
        %mul3A_550 = arith.mulf %get3A_548, %mul3A_549 : vector<16xf32>
        %swap3A_551 = arith.index_cast %add3A_544 : i32 to index
        %swap3A_552 = arith.constant 0 : index
        %swap3A_553 = tpu.vector_load %arg11[%swap3A_551, %swap3A_552] {strides = array<i32>} : memref<128x128xf32, #tpu.memory_space<vmem>>, vector<1x16xf32>,
        %swap3A_554 = vector.shape_cast %swap3A_553 : vector<1x16xf32> to vector<16xf32>
        %swap3A_555 = vector.shape_cast %mul3A_550 : vector<16xf32> to vector<1x16xf32>
        tpu.vector_store %arg11[%swap3A_551, %swap3A_552], %swap3A_555 {strides = array<i32>} : memref<128x128xf32, #tpu.memory_space<vmem>>, vector<1x16xf32>,
        %get3A_556 = arith.index_cast %add3A_544 : i32 to index
        %get3A_557 = arith.constant 16 : index
        %get3A_558 = tpu.vector_load %arg11[%get3A_556, %get3A_557] {strides = array<i32>} : memref<128x128xf32, #tpu.memory_space<vmem>>, vector<1x16xf32>,
        %get3A_559 = vector.shape_cast %get3A_558 : vector<1x16xf32> to vector<16xf32>
        %mul3A_560 = vector.broadcast %squeeze3A_540 : f32 to vector<16xf32>
        %mul3A_561 = arith.mulf %get3A_559, %mul3A_560 : vector<16xf32>
        %swap3A_562 = arith.index_cast %add3A_544 : i32 to index
        %swap3A_563 = arith.constant 16 : index
        %swap3A_564 = tpu.vector_load %arg11[%swap3A_562, %swap3A_563] {strides = array<i32>} : memref<128x128xf32, #tpu.memory_space<vmem>>, vector<1x16xf32>,
        %swap3A_565 = vector.shape_cast %swap3A_564 : vector<1x16xf32> to vector<16xf32>
        %swap3A_566 = vector.shape_cast %mul3A_561 : vector<16xf32> to vector<1x16xf32>
        tpu.vector_store %arg11[%swap3A_562, %swap3A_563], %swap3A_566 {strides = array<i32>} : memref<128x128xf32, #tpu.memory_space<vmem>>, vector<1x16xf32>,
        %get3A_567 = arith.index_cast %add3A_544 : i32 to index
        %get3A_568 = arith.constant 32 : index
        %get3A_569 = tpu.vector_load %arg11[%get3A_567, %get3A_568] {strides = array<i32>} : memref<128x128xf32, #tpu.memory_space<vmem>>, vector<1x16xf32>,
        %get3A_570 = vector.shape_cast %get3A_569 : vector<1x16xf32> to vector<16xf32>
        %mul3A_571 = vector.broadcast %squeeze3A_540 : f32 to vector<16xf32>
        %mul3A_572 = arith.mulf %get3A_570, %mul3A_571 : vector<16xf32>
        %swap3A_573 = arith.index_cast %add3A_544 : i32 to index
        %swap3A_574 = arith.constant 32 : index
        %swap3A_575 = tpu.vector_load %arg11[%swap3A_573, %swap3A_574] {strides = array<i32>} : memref<128x128xf32, #tpu.memory_space<vmem>>, vector<1x16xf32>,
        %swap3A_576 = vector.shape_cast %swap3A_575 : vector<1x16xf32> to vector<16xf32>
        %swap3A_577 = vector.shape_cast %mul3A_572 : vector<16xf32> to vector<1x16xf32>
        tpu.vector_store %arg11[%swap3A_573, %swap3A_574], %swap3A_577 {strides = array<i32>} : memref<128x128xf32, #tpu.memory_space<vmem>>, vector<1x16xf32>,
        %get3A_578 = arith.index_cast %add3A_544 : i32 to index
        %get3A_579 = arith.constant 48 : index
        %get3A_580 = tpu.vector_load %arg11[%get3A_578, %get3A_579] {strides = array<i32>} : memref<128x128xf32, #tpu.memory_space<vmem>>, vector<1x16xf32>,
        %get3A_581 = vector.shape_cast %get3A_580 : vector<1x16xf32> to vector<16xf32>
        %mul3A_582 = vector.broadcast %squeeze3A_540 : f32 to vector<16xf32>
        %mul3A_583 = arith.mulf %get3A_581, %mul3A_582 : vector<16xf32>
        %swap3A_584 = arith.index_cast %add3A_544 : i32 to index
        %swap3A_585 = arith.constant 48 : index
        %swap3A_586 = tpu.vector_load %arg11[%swap3A_584, %swap3A_585] {strides = array<i32>} : memref<128x128xf32, #tpu.memory_space<vmem>>, vector<1x16xf32>,
        %swap3A_587 = vector.shape_cast %swap3A_586 : vector<1x16xf32> to vector<16xf32>
        %swap3A_588 = vector.shape_cast %mul3A_583 : vector<16xf32> to vector<1x16xf32>
        tpu.vector_store %arg11[%swap3A_584, %swap3A_585], %swap3A_588 {strides = array<i32>} : memref<128x128xf32, #tpu.memory_space<vmem>>, vector<1x16xf32>,
        %get3A_589 = arith.index_cast %add3A_544 : i32 to index
        %get3A_590 = arith.constant 64 : index
        %get3A_591 = tpu.vector_load %arg11[%get3A_589, %get3A_590] {strides = array<i32>} : memref<128x128xf32, #tpu.memory_space<vmem>>, vector<1x16xf32>,
        %get3A_592 = vector.shape_cast %get3A_591 : vector<1x16xf32> to vector<16xf32>
        %mul3A_593 = vector.broadcast %squeeze3A_540 : f32 to vector<16xf32>
        %mul3A_594 = arith.mulf %get3A_592, %mul3A_593 : vector<16xf32>
        %swap3A_595 = arith.index_cast %add3A_544 : i32 to index
        %swap3A_596 = arith.constant 64 : index
        %swap3A_597 = tpu.vector_load %arg11[%swap3A_595, %swap3A_596] {strides = array<i32>} : memref<128x128xf32, #tpu.memory_space<vmem>>, vector<1x16xf32>,
        %swap3A_598 = vector.shape_cast %swap3A_597 : vector<1x16xf32> to vector<16xf32>
        %swap3A_599 = vector.shape_cast %mul3A_594 : vector<16xf32> to vector<1x16xf32>
        tpu.vector_store %arg11[%swap3A_595, %swap3A_596], %swap3A_599 {strides = array<i32>} : memref<128x128xf32, #tpu.memory_space<vmem>>, vector<1x16xf32>,
        %get3A_600 = arith.index_cast %add3A_544 : i32 to index
        %get3A_601 = arith.constant 80 : index
        %get3A_602 = tpu.vector_load %arg11[%get3A_600, %get3A_601] {strides = array<i32>} : memref<128x128xf32, #tpu.memory_space<vmem>>, vector<1x16xf32>,
        %get3A_603 = vector.shape_cast %get3A_602 : vector<1x16xf32> to vector<16xf32>
        %mul3A_604 = vector.broadcast %squeeze3A_540 : f32 to vector<16xf32>
        %mul3A_605 = arith.mulf %get3A_603, %mul3A_604 : vector<16xf32>
        %swap3A_606 = arith.index_cast %add3A_544 : i32 to index
        %swap3A_607 = arith.constant 80 : index
        %swap3A_608 = tpu.vector_load %arg11[%swap3A_606, %swap3A_607] {strides = array<i32>} : memref<128x128xf32, #tpu.memory_space<vmem>>, vector<1x16xf32>,
        %swap3A_609 = vector.shape_cast %swap3A_608 : vector<1x16xf32> to vector<16xf32>
        %swap3A_610 = vector.shape_cast %mul3A_605 : vector<16xf32> to vector<1x16xf32>
        tpu.vector_store %arg11[%swap3A_606, %swap3A_607], %swap3A_610 {strides = array<i32>} : memref<128x128xf32, #tpu.memory_space<vmem>>, vector<1x16xf32>,
        %get3A_611 = arith.index_cast %add3A_544 : i32 to index
        %get3A_612 = arith.constant 96 : index
        %get3A_613 = tpu.vector_load %arg11[%get3A_611, %get3A_612] {strides = array<i32>} : memref<128x128xf32, #tpu.memory_space<vmem>>, vector<1x16xf32>,
        %get3A_614 = vector.shape_cast %get3A_613 : vector<1x16xf32> to vector<16xf32>
        %mul3A_615 = vector.broadcast %squeeze3A_540 : f32 to vector<16xf32>
        %mul3A_616 = arith.mulf %get3A_614, %mul3A_615 : vector<16xf32>
        %swap3A_617 = arith.index_cast %add3A_544 : i32 to index
        %swap3A_618 = arith.constant 96 : index
        %swap3A_619 = tpu.vector_load %arg11[%swap3A_617, %swap3A_618] {strides = array<i32>} : memref<128x128xf32, #tpu.memory_space<vmem>>, vector<1x16xf32>,
        %swap3A_620 = vector.shape_cast %swap3A_619 : vector<1x16xf32> to vector<16xf32>
        %swap3A_621 = vector.shape_cast %mul3A_616 : vector<16xf32> to vector<1x16xf32>
        tpu.vector_store %arg11[%swap3A_617, %swap3A_618], %swap3A_621 {strides = array<i32>} : memref<128x128xf32, #tpu.memory_space<vmem>>, vector<1x16xf32>,
        %get3A_622 = arith.index_cast %add3A_544 : i32 to index
        %get3A_623 = arith.constant 112 : index
        %get3A_624 = tpu.vector_load %arg11[%get3A_622, %get3A_623] {strides = array<i32>} : memref<128x128xf32, #tpu.memory_space<vmem>>, vector<1x16xf32>,
        %get3A_625 = vector.shape_cast %get3A_624 : vector<1x16xf32> to vector<16xf32>
        %mul3A_626 = vector.broadcast %squeeze3A_540 : f32 to vector<16xf32>
        %mul3A_627 = arith.mulf %get3A_625, %mul3A_626 : vector<16xf32>
        %swap3A_628 = arith.index_cast %add3A_544 : i32 to index
        %swap3A_629 = arith.constant 112 : index
        %swap3A_630 = tpu.vector_load %arg11[%swap3A_628, %swap3A_629] {strides = array<i32>} : memref<128x128xf32, #tpu.memory_space<vmem>>, vector<1x16xf32>,
        %swap3A_631 = vector.shape_cast %swap3A_630 : vector<1x16xf32> to vector<16xf32>
        %swap3A_632 = vector.shape_cast %mul3A_627 : vector<16xf32> to vector<1x16xf32>
        tpu.vector_store %arg11[%swap3A_628, %swap3A_629], %swap3A_632 {strides = array<i32>} : memref<128x128xf32, #tpu.memory_space<vmem>>, vector<1x16xf32>,
        %slice3A_633 = vector.extract_strided_slice %get3A_165 {offsets = [5], sizes = [1], strides = [1]} : vector<16xf32> to vector<1xf32>
        %squeeze3A_634 = vector.extract %slice3A_633[0] : f32 from vector<1xf32>
        %mul3A_635 = arith.constant 16 : i32
        %mul3A_636 = arith.muli %scan3A_159, %mul3A_635 : i32
        %add3A_637 = arith.constant 5 : i32
        %add3A_638 = arith.addi %mul3A_636, %add3A_637 : i32
        %get3A_639 = arith.index_cast %add3A_638 : i32 to index
        %get3A_640 = arith.constant 0 : index
        %get3A_641 = tpu.vector_load %arg11[%get3A_639, %get3A_640] {strides = array<i32>} : memref<128x128xf32, #tpu.memory_space<vmem>>, vector<1x16xf32>,
        %get3A_642 = vector.shape_cast %get3A_641 : vector<1x16xf32> to vector<16xf32>
        %mul3A_643 = vector.broadcast %squeeze3A_634 : f32 to vector<16xf32>
        %mul3A_644 = arith.mulf %get3A_642, %mul3A_643 : vector<16xf32>
        %swap3A_645 = arith.index_cast %add3A_638 : i32 to index
        %swap3A_646 = arith.constant 0 : index
        %swap3A_647 = tpu.vector_load %arg11[%swap3A_645, %swap3A_646] {strides = array<i32>} : memref<128x128xf32, #tpu.memory_space<vmem>>, vector<1x16xf32>,
        %swap3A_648 = vector.shape_cast %swap3A_647 : vector<1x16xf32> to vector<16xf32>
        %swap3A_649 = vector.shape_cast %mul3A_644 : vector<16xf32> to vector<1x16xf32>
        tpu.vector_store %arg11[%swap3A_645, %swap3A_646], %swap3A_649 {strides = array<i32>} : memref<128x128xf32, #tpu.memory_space<vmem>>, vector<1x16xf32>,
        %get3A_650 = arith.index_cast %add3A_638 : i32 to index
        %get3A_651 = arith.constant 16 : index
        %get3A_652 = tpu.vector_load %arg11[%get3A_650, %get3A_651] {strides = array<i32>} : memref<128x128xf32, #tpu.memory_space<vmem>>, vector<1x16xf32>,
        %get3A_653 = vector.shape_cast %get3A_652 : vector<1x16xf32> to vector<16xf32>
        %mul3A_654 = vector.broadcast %squeeze3A_634 : f32 to vector<16xf32>
        %mul3A_655 = arith.mulf %get3A_653, %mul3A_654 : vector<16xf32>
        %swap3A_656 = arith.index_cast %add3A_638 : i32 to index
        %swap3A_657 = arith.constant 16 : index
        %swap3A_658 = tpu.vector_load %arg11[%swap3A_656, %swap3A_657] {strides = array<i32>} : memref<128x128xf32, #tpu.memory_space<vmem>>, vector<1x16xf32>,
        %swap3A_659 = vector.shape_cast %swap3A_658 : vector<1x16xf32> to vector<16xf32>
        %swap3A_660 = vector.shape_cast %mul3A_655 : vector<16xf32> to vector<1x16xf32>
        tpu.vector_store %arg11[%swap3A_656, %swap3A_657], %swap3A_660 {strides = array<i32>} : memref<128x128xf32, #tpu.memory_space<vmem>>, vector<1x16xf32>,
        %get3A_661 = arith.index_cast %add3A_638 : i32 to index
        %get3A_662 = arith.constant 32 : index
        %get3A_663 = tpu.vector_load %arg11[%get3A_661, %get3A_662] {strides = array<i32>} : memref<128x128xf32, #tpu.memory_space<vmem>>, vector<1x16xf32>,
        %get3A_664 = vector.shape_cast %get3A_663 : vector<1x16xf32> to vector<16xf32>
        %mul3A_665 = vector.broadcast %squeeze3A_634 : f32 to vector<16xf32>
        %mul3A_666 = arith.mulf %get3A_664, %mul3A_665 : vector<16xf32>
        %swap3A_667 = arith.index_cast %add3A_638 : i32 to index
        %swap3A_668 = arith.constant 32 : index
        %swap3A_669 = tpu.vector_load %arg11[%swap3A_667, %swap3A_668] {strides = array<i32>} : memref<128x128xf32, #tpu.memory_space<vmem>>, vector<1x16xf32>,
        %swap3A_670 = vector.shape_cast %swap3A_669 : vector<1x16xf32> to vector<16xf32>
        %swap3A_671 = vector.shape_cast %mul3A_666 : vector<16xf32> to vector<1x16xf32>
        tpu.vector_store %arg11[%swap3A_667, %swap3A_668], %swap3A_671 {strides = array<i32>} : memref<128x128xf32, #tpu.memory_space<vmem>>, vector<1x16xf32>,
        %get3A_672 = arith.index_cast %add3A_638 : i32 to index
        %get3A_673 = arith.constant 48 : index
        %get3A_674 = tpu.vector_load %arg11[%get3A_672, %get3A_673] {strides = array<i32>} : memref<128x128xf32, #tpu.memory_space<vmem>>, vector<1x16xf32>,
        %get3A_675 = vector.shape_cast %get3A_674 : vector<1x16xf32> to vector<16xf32>
        %mul3A_676 = vector.broadcast %squeeze3A_634 : f32 to vector<16xf32>
        %mul3A_677 = arith.mulf %get3A_675, %mul3A_676 : vector<16xf32>
        %swap3A_678 = arith.index_cast %add3A_638 : i32 to index
        %swap3A_679 = arith.constant 48 : index
        %swap3A_680 = tpu.vector_load %arg11[%swap3A_678, %swap3A_679] {strides = array<i32>} : memref<128x128xf32, #tpu.memory_space<vmem>>, vector<1x16xf32>,
        %swap3A_681 = vector.shape_cast %swap3A_680 : vector<1x16xf32> to vector<16xf32>
        %swap3A_682 = vector.shape_cast %mul3A_677 : vector<16xf32> to vector<1x16xf32>
        tpu.vector_store %arg11[%swap3A_678, %swap3A_679], %swap3A_682 {strides = array<i32>} : memref<128x128xf32, #tpu.memory_space<vmem>>, vector<1x16xf32>,
        %get3A_683 = arith.index_cast %add3A_638 : i32 to index
        %get3A_684 = arith.constant 64 : index
        %get3A_685 = tpu.vector_load %arg11[%get3A_683, %get3A_684] {strides = array<i32>} : memref<128x128xf32, #tpu.memory_space<vmem>>, vector<1x16xf32>,
        %get3A_686 = vector.shape_cast %get3A_685 : vector<1x16xf32> to vector<16xf32>
        %mul3A_687 = vector.broadcast %squeeze3A_634 : f32 to vector<16xf32>
        %mul3A_688 = arith.mulf %get3A_686, %mul3A_687 : vector<16xf32>
        %swap3A_689 = arith.index_cast %add3A_638 : i32 to index
        %swap3A_690 = arith.constant 64 : index
        %swap3A_691 = tpu.vector_load %arg11[%swap3A_689, %swap3A_690] {strides = array<i32>} : memref<128x128xf32, #tpu.memory_space<vmem>>, vector<1x16xf32>,
        %swap3A_692 = vector.shape_cast %swap3A_691 : vector<1x16xf32> to vector<16xf32>
        %swap3A_693 = vector.shape_cast %mul3A_688 : vector<16xf32> to vector<1x16xf32>
        tpu.vector_store %arg11[%swap3A_689, %swap3A_690], %swap3A_693 {strides = array<i32>} : memref<128x128xf32, #tpu.memory_space<vmem>>, vector<1x16xf32>,
        %get3A_694 = arith.index_cast %add3A_638 : i32 to index
        %get3A_695 = arith.constant 80 : index
        %get3A_696 = tpu.vector_load %arg11[%get3A_694, %get3A_695] {strides = array<i32>} : memref<128x128xf32, #tpu.memory_space<vmem>>, vector<1x16xf32>,
        %get3A_697 = vector.shape_cast %get3A_696 : vector<1x16xf32> to vector<16xf32>
        %mul3A_698 = vector.broadcast %squeeze3A_634 : f32 to vector<16xf32>
        %mul3A_699 = arith.mulf %get3A_697, %mul3A_698 : vector<16xf32>
        %swap3A_700 = arith.index_cast %add3A_638 : i32 to index
        %swap3A_701 = arith.constant 80 : index
        %swap3A_702 = tpu.vector_load %arg11[%swap3A_700, %swap3A_701] {strides = array<i32>} : memref<128x128xf32, #tpu.memory_space<vmem>>, vector<1x16xf32>,
        %swap3A_703 = vector.shape_cast %swap3A_702 : vector<1x16xf32> to vector<16xf32>
        %swap3A_704 = vector.shape_cast %mul3A_699 : vector<16xf32> to vector<1x16xf32>
        tpu.vector_store %arg11[%swap3A_700, %swap3A_701], %swap3A_704 {strides = array<i32>} : memref<128x128xf32, #tpu.memory_space<vmem>>, vector<1x16xf32>,
        %get3A_705 = arith.index_cast %add3A_638 : i32 to index
        %get3A_706 = arith.constant 96 : index
        %get3A_707 = tpu.vector_load %arg11[%get3A_705, %get3A_706] {strides = array<i32>} : memref<128x128xf32, #tpu.memory_space<vmem>>, vector<1x16xf32>,
        %get3A_708 = vector.shape_cast %get3A_707 : vector<1x16xf32> to vector<16xf32>
        %mul3A_709 = vector.broadcast %squeeze3A_634 : f32 to vector<16xf32>
        %mul3A_710 = arith.mulf %get3A_708, %mul3A_709 : vector<16xf32>
        %swap3A_711 = arith.index_cast %add3A_638 : i32 to index
        %swap3A_712 = arith.constant 96 : index
        %swap3A_713 = tpu.vector_load %arg11[%swap3A_711, %swap3A_712] {strides = array<i32>} : memref<128x128xf32, #tpu.memory_space<vmem>>, vector<1x16xf32>,
        %swap3A_714 = vector.shape_cast %swap3A_713 : vector<1x16xf32> to vector<16xf32>
        %swap3A_715 = vector.shape_cast %mul3A_710 : vector<16xf32> to vector<1x16xf32>
        tpu.vector_store %arg11[%swap3A_711, %swap3A_712], %swap3A_715 {strides = array<i32>} : memref<128x128xf32, #tpu.memory_space<vmem>>, vector<1x16xf32>,
        %get3A_716 = arith.index_cast %add3A_638 : i32 to index
        %get3A_717 = arith.constant 112 : index
        %get3A_718 = tpu.vector_load %arg11[%get3A_716, %get3A_717] {strides = array<i32>} : memref<128x128xf32, #tpu.memory_space<vmem>>, vector<1x16xf32>,
        %get3A_719 = vector.shape_cast %get3A_718 : vector<1x16xf32> to vector<16xf32>
        %mul3A_720 = vector.broadcast %squeeze3A_634 : f32 to vector<16xf32>
        %mul3A_721 = arith.mulf %get3A_719, %mul3A_720 : vector<16xf32>
        %swap3A_722 = arith.index_cast %add3A_638 : i32 to index
        %swap3A_723 = arith.constant 112 : index
        %swap3A_724 = tpu.vector_load %arg11[%swap3A_722, %swap3A_723] {strides = array<i32>} : memref<128x128xf32, #tpu.memory_space<vmem>>, vector<1x16xf32>,
        %swap3A_725 = vector.shape_cast %swap3A_724 : vector<1x16xf32> to vector<16xf32>
        %swap3A_726 = vector.shape_cast %mul3A_721 : vector<16xf32> to vector<1x16xf32>
        tpu.vector_store %arg11[%swap3A_722, %swap3A_723], %swap3A_726 {strides = array<i32>} : memref<128x128xf32, #tpu.memory_space<vmem>>, vector<1x16xf32>,
        %slice3A_727 = vector.extract_strided_slice %get3A_165 {offsets = [6], sizes = [1], strides = [1]} : vector<16xf32> to vector<1xf32>
        %squeeze3A_728 = vector.extract %slice3A_727[0] : f32 from vector<1xf32>
        %mul3A_729 = arith.constant 16 : i32
        %mul3A_730 = arith.muli %scan3A_159, %mul3A_729 : i32
        %add3A_731 = arith.constant 6 : i32
        %add3A_732 = arith.addi %mul3A_730, %add3A_731 : i32
        %get3A_733 = arith.index_cast %add3A_732 : i32 to index
        %get3A_734 = arith.constant 0 : index
        %get3A_735 = tpu.vector_load %arg11[%get3A_733, %get3A_734] {strides = array<i32>} : memref<128x128xf32, #tpu.memory_space<vmem>>, vector<1x16xf32>,
        %get3A_736 = vector.shape_cast %get3A_735 : vector<1x16xf32> to vector<16xf32>
        %mul3A_737 = vector.broadcast %squeeze3A_728 : f32 to vector<16xf32>
        %mul3A_738 = arith.mulf %get3A_736, %mul3A_737 : vector<16xf32>
        %swap3A_739 = arith.index_cast %add3A_732 : i32 to index
        %swap3A_740 = arith.constant 0 : index
        %swap3A_741 = tpu.vector_load %arg11[%swap3A_739, %swap3A_740] {strides = array<i32>} : memref<128x128xf32, #tpu.memory_space<vmem>>, vector<1x16xf32>,
        %swap3A_742 = vector.shape_cast %swap3A_741 : vector<1x16xf32> to vector<16xf32>
        %swap3A_743 = vector.shape_cast %mul3A_738 : vector<16xf32> to vector<1x16xf32>
        tpu.vector_store %arg11[%swap3A_739, %swap3A_740], %swap3A_743 {strides = array<i32>} : memref<128x128xf32, #tpu.memory_space<vmem>>, vector<1x16xf32>,
        %get3A_744 = arith.index_cast %add3A_732 : i32 to index
        %get3A_745 = arith.constant 16 : index
        %get3A_746 = tpu.vector_load %arg11[%get3A_744, %get3A_745] {strides = array<i32>} : memref<128x128xf32, #tpu.memory_space<vmem>>, vector<1x16xf32>,
        %get3A_747 = vector.shape_cast %get3A_746 : vector<1x16xf32> to vector<16xf32>
        %mul3A_748 = vector.broadcast %squeeze3A_728 : f32 to vector<16xf32>
        %mul3A_749 = arith.mulf %get3A_747, %mul3A_748 : vector<16xf32>
        %swap3A_750 = arith.index_cast %add3A_732 : i32 to index
        %swap3A_751 = arith.constant 16 : index
        %swap3A_752 = tpu.vector_load %arg11[%swap3A_750, %swap3A_751] {strides = array<i32>} : memref<128x128xf32, #tpu.memory_space<vmem>>, vector<1x16xf32>,
        %swap3A_753 = vector.shape_cast %swap3A_752 : vector<1x16xf32> to vector<16xf32>
        %swap3A_754 = vector.shape_cast %mul3A_749 : vector<16xf32> to vector<1x16xf32>
        tpu.vector_store %arg11[%swap3A_750, %swap3A_751], %swap3A_754 {strides = array<i32>} : memref<128x128xf32, #tpu.memory_space<vmem>>, vector<1x16xf32>,
        %get3A_755 = arith.index_cast %add3A_732 : i32 to index
        %get3A_756 = arith.constant 32 : index
        %get3A_757 = tpu.vector_load %arg11[%get3A_755, %get3A_756] {strides = array<i32>} : memref<128x128xf32, #tpu.memory_space<vmem>>, vector<1x16xf32>,
        %get3A_758 = vector.shape_cast %get3A_757 : vector<1x16xf32> to vector<16xf32>
        %mul3A_759 = vector.broadcast %squeeze3A_728 : f32 to vector<16xf32>
        %mul3A_760 = arith.mulf %get3A_758, %mul3A_759 : vector<16xf32>
        %swap3A_761 = arith.index_cast %add3A_732 : i32 to index
        %swap3A_762 = arith.constant 32 : index
        %swap3A_763 = tpu.vector_load %arg11[%swap3A_761, %swap3A_762] {strides = array<i32>} : memref<128x128xf32, #tpu.memory_space<vmem>>, vector<1x16xf32>,
        %swap3A_764 = vector.shape_cast %swap3A_763 : vector<1x16xf32> to vector<16xf32>
        %swap3A_765 = vector.shape_cast %mul3A_760 : vector<16xf32> to vector<1x16xf32>
        tpu.vector_store %arg11[%swap3A_761, %swap3A_762], %swap3A_765 {strides = array<i32>} : memref<128x128xf32, #tpu.memory_space<vmem>>, vector<1x16xf32>,
        %get3A_766 = arith.index_cast %add3A_732 : i32 to index
        %get3A_767 = arith.constant 48 : index
        %get3A_768 = tpu.vector_load %arg11[%get3A_766, %get3A_767] {strides = array<i32>} : memref<128x128xf32, #tpu.memory_space<vmem>>, vector<1x16xf32>,
        %get3A_769 = vector.shape_cast %get3A_768 : vector<1x16xf32> to vector<16xf32>
        %mul3A_770 = vector.broadcast %squeeze3A_728 : f32 to vector<16xf32>
        %mul3A_771 = arith.mulf %get3A_769, %mul3A_770 : vector<16xf32>
        %swap3A_772 = arith.index_cast %add3A_732 : i32 to index
        %swap3A_773 = arith.constant 48 : index
        %swap3A_774 = tpu.vector_load %arg11[%swap3A_772, %swap3A_773] {strides = array<i32>} : memref<128x128xf32, #tpu.memory_space<vmem>>, vector<1x16xf32>,
        %swap3A_775 = vector.shape_cast %swap3A_774 : vector<1x16xf32> to vector<16xf32>
        %swap3A_776 = vector.shape_cast %mul3A_771 : vector<16xf32> to vector<1x16xf32>
        tpu.vector_store %arg11[%swap3A_772, %swap3A_773], %swap3A_776 {strides = array<i32>} : memref<128x128xf32, #tpu.memory_space<vmem>>, vector<1x16xf32>,
        %get3A_777 = arith.index_cast %add3A_732 : i32 to index
        %get3A_778 = arith.constant 64 : index
        %get3A_779 = tpu.vector_load %arg11[%get3A_777, %get3A_778] {strides = array<i32>} : memref<128x128xf32, #tpu.memory_space<vmem>>, vector<1x16xf32>,
        %get3A_780 = vector.shape_cast %get3A_779 : vector<1x16xf32> to vector<16xf32>
        %mul3A_781 = vector.broadcast %squeeze3A_728 : f32 to vector<16xf32>
        %mul3A_782 = arith.mulf %get3A_780, %mul3A_781 : vector<16xf32>
        %swap3A_783 = arith.index_cast %add3A_732 : i32 to index
        %swap3A_784 = arith.constant 64 : index
        %swap3A_785 = tpu.vector_load %arg11[%swap3A_783, %swap3A_784] {strides = array<i32>} : memref<128x128xf32, #tpu.memory_space<vmem>>, vector<1x16xf32>,
        %swap3A_786 = vector.shape_cast %swap3A_785 : vector<1x16xf32> to vector<16xf32>
        %swap3A_787 = vector.shape_cast %mul3A_782 : vector<16xf32> to vector<1x16xf32>
        tpu.vector_store %arg11[%swap3A_783, %swap3A_784], %swap3A_787 {strides = array<i32>} : memref<128x128xf32, #tpu.memory_space<vmem>>, vector<1x16xf32>,
        %get3A_788 = arith.index_cast %add3A_732 : i32 to index
        %get3A_789 = arith.constant 80 : index
        %get3A_790 = tpu.vector_load %arg11[%get3A_788, %get3A_789] {strides = array<i32>} : memref<128x128xf32, #tpu.memory_space<vmem>>, vector<1x16xf32>,
        %get3A_791 = vector.shape_cast %get3A_790 : vector<1x16xf32> to vector<16xf32>
        %mul3A_792 = vector.broadcast %squeeze3A_728 : f32 to vector<16xf32>
        %mul3A_793 = arith.mulf %get3A_791, %mul3A_792 : vector<16xf32>
        %swap3A_794 = arith.index_cast %add3A_732 : i32 to index
        %swap3A_795 = arith.constant 80 : index
        %swap3A_796 = tpu.vector_load %arg11[%swap3A_794, %swap3A_795] {strides = array<i32>} : memref<128x128xf32, #tpu.memory_space<vmem>>, vector<1x16xf32>,
        %swap3A_797 = vector.shape_cast %swap3A_796 : vector<1x16xf32> to vector<16xf32>
        %swap3A_798 = vector.shape_cast %mul3A_793 : vector<16xf32> to vector<1x16xf32>
        tpu.vector_store %arg11[%swap3A_794, %swap3A_795], %swap3A_798 {strides = array<i32>} : memref<128x128xf32, #tpu.memory_space<vmem>>, vector<1x16xf32>,
        %get3A_799 = arith.index_cast %add3A_732 : i32 to index
        %get3A_800 = arith.constant 96 : index
        %get3A_801 = tpu.vector_load %arg11[%get3A_799, %get3A_800] {strides = array<i32>} : memref<128x128xf32, #tpu.memory_space<vmem>>, vector<1x16xf32>,
        %get3A_802 = vector.shape_cast %get3A_801 : vector<1x16xf32> to vector<16xf32>
        %mul3A_803 = vector.broadcast %squeeze3A_728 : f32 to vector<16xf32>
        %mul3A_804 = arith.mulf %get3A_802, %mul3A_803 : vector<16xf32>
        %swap3A_805 = arith.index_cast %add3A_732 : i32 to index
        %swap3A_806 = arith.constant 96 : index
        %swap3A_807 = tpu.vector_load %arg11[%swap3A_805, %swap3A_806] {strides = array<i32>} : memref<128x128xf32, #tpu.memory_space<vmem>>, vector<1x16xf32>,
        %swap3A_808 = vector.shape_cast %swap3A_807 : vector<1x16xf32> to vector<16xf32>
        %swap3A_809 = vector.shape_cast %mul3A_804 : vector<16xf32> to vector<1x16xf32>
        tpu.vector_store %arg11[%swap3A_805, %swap3A_806], %swap3A_809 {strides = array<i32>} : memref<128x128xf32, #tpu.memory_space<vmem>>, vector<1x16xf32>,
        %get3A_810 = arith.index_cast %add3A_732 : i32 to index
        %get3A_811 = arith.constant 112 : index
        %get3A_812 = tpu.vector_load %arg11[%get3A_810, %get3A_811] {strides = array<i32>} : memref<128x128xf32, #tpu.memory_space<vmem>>, vector<1x16xf32>,
        %get3A_813 = vector.shape_cast %get3A_812 : vector<1x16xf32> to vector<16xf32>
        %mul3A_814 = vector.broadcast %squeeze3A_728 : f32 to vector<16xf32>
        %mul3A_815 = arith.mulf %get3A_813, %mul3A_814 : vector<16xf32>
        %swap3A_816 = arith.index_cast %add3A_732 : i32 to index
        %swap3A_817 = arith.constant 112 : index
        %swap3A_818 = tpu.vector_load %arg11[%swap3A_816, %swap3A_817] {strides = array<i32>} : memref<128x128xf32, #tpu.memory_space<vmem>>, vector<1x16xf32>,
        %swap3A_819 = vector.shape_cast %swap3A_818 : vector<1x16xf32> to vector<16xf32>
        %swap3A_820 = vector.shape_cast %mul3A_815 : vector<16xf32> to vector<1x16xf32>
        tpu.vector_store %arg11[%swap3A_816, %swap3A_817], %swap3A_820 {strides = array<i32>} : memref<128x128xf32, #tpu.memory_space<vmem>>, vector<1x16xf32>,
        %slice3A_821 = vector.extract_strided_slice %get3A_165 {offsets = [7], sizes = [1], strides = [1]} : vector<16xf32> to vector<1xf32>
        %squeeze3A_822 = vector.extract %slice3A_821[0] : f32 from vector<1xf32>
        %mul3A_823 = arith.constant 16 : i32
        %mul3A_824 = arith.muli %scan3A_159, %mul3A_823 : i32
        %add3A_825 = arith.constant 7 : i32
        %add3A_826 = arith.addi %mul3A_824, %add3A_825 : i32
        %get3A_827 = arith.index_cast %add3A_826 : i32 to index
        %get3A_828 = arith.constant 0 : index
        %get3A_829 = tpu.vector_load %arg11[%get3A_827, %get3A_828] {strides = array<i32>} : memref<128x128xf32, #tpu.memory_space<vmem>>, vector<1x16xf32>,
        %get3A_830 = vector.shape_cast %get3A_829 : vector<1x16xf32> to vector<16xf32>
        %mul3A_831 = vector.broadcast %squeeze3A_822 : f32 to vector<16xf32>
        %mul3A_832 = arith.mulf %get3A_830, %mul3A_831 : vector<16xf32>
        %swap3A_833 = arith.index_cast %add3A_826 : i32 to index
        %swap3A_834 = arith.constant 0 : index
        %swap3A_835 = tpu.vector_load %arg11[%swap3A_833, %swap3A_834] {strides = array<i32>} : memref<128x128xf32, #tpu.memory_space<vmem>>, vector<1x16xf32>,
        %swap3A_836 = vector.shape_cast %swap3A_835 : vector<1x16xf32> to vector<16xf32>
        %swap3A_837 = vector.shape_cast %mul3A_832 : vector<16xf32> to vector<1x16xf32>
        tpu.vector_store %arg11[%swap3A_833, %swap3A_834], %swap3A_837 {strides = array<i32>} : memref<128x128xf32, #tpu.memory_space<vmem>>, vector<1x16xf32>,
        %get3A_838 = arith.index_cast %add3A_826 : i32 to index
        %get3A_839 = arith.constant 16 : index
        %get3A_840 = tpu.vector_load %arg11[%get3A_838, %get3A_839] {strides = array<i32>} : memref<128x128xf32, #tpu.memory_space<vmem>>, vector<1x16xf32>,
        %get3A_841 = vector.shape_cast %get3A_840 : vector<1x16xf32> to vector<16xf32>
        %mul3A_842 = vector.broadcast %squeeze3A_822 : f32 to vector<16xf32>
        %mul3A_843 = arith.mulf %get3A_841, %mul3A_842 : vector<16xf32>
        %swap3A_844 = arith.index_cast %add3A_826 : i32 to index
        %swap3A_845 = arith.constant 16 : index
        %swap3A_846 = tpu.vector_load %arg11[%swap3A_844, %swap3A_845] {strides = array<i32>} : memref<128x128xf32, #tpu.memory_space<vmem>>, vector<1x16xf32>,
        %swap3A_847 = vector.shape_cast %swap3A_846 : vector<1x16xf32> to vector<16xf32>
        %swap3A_848 = vector.shape_cast %mul3A_843 : vector<16xf32> to vector<1x16xf32>
        tpu.vector_store %arg11[%swap3A_844, %swap3A_845], %swap3A_848 {strides = array<i32>} : memref<128x128xf32, #tpu.memory_space<vmem>>, vector<1x16xf32>,
        %get3A_849 = arith.index_cast %add3A_826 : i32 to index
        %get3A_850 = arith.constant 32 : index
        %get3A_851 = tpu.vector_load %arg11[%get3A_849, %get3A_850] {strides = array<i32>} : memref<128x128xf32, #tpu.memory_space<vmem>>, vector<1x16xf32>,
        %get3A_852 = vector.shape_cast %get3A_851 : vector<1x16xf32> to vector<16xf32>
        %mul3A_853 = vector.broadcast %squeeze3A_822 : f32 to vector<16xf32>
        %mul3A_854 = arith.mulf %get3A_852, %mul3A_853 : vector<16xf32>
        %swap3A_855 = arith.index_cast %add3A_826 : i32 to index
        %swap3A_856 = arith.constant 32 : index
        %swap3A_857 = tpu.vector_load %arg11[%swap3A_855, %swap3A_856] {strides = array<i32>} : memref<128x128xf32, #tpu.memory_space<vmem>>, vector<1x16xf32>,
        %swap3A_858 = vector.shape_cast %swap3A_857 : vector<1x16xf32> to vector<16xf32>
        %swap3A_859 = vector.shape_cast %mul3A_854 : vector<16xf32> to vector<1x16xf32>
        tpu.vector_store %arg11[%swap3A_855, %swap3A_856], %swap3A_859 {strides = array<i32>} : memref<128x128xf32, #tpu.memory_space<vmem>>, vector<1x16xf32>,
        %get3A_860 = arith.index_cast %add3A_826 : i32 to index
        %get3A_861 = arith.constant 48 : index
        %get3A_862 = tpu.vector_load %arg11[%get3A_860, %get3A_861] {strides = array<i32>} : memref<128x128xf32, #tpu.memory_space<vmem>>, vector<1x16xf32>,
        %get3A_863 = vector.shape_cast %get3A_862 : vector<1x16xf32> to vector<16xf32>
        %mul3A_864 = vector.broadcast %squeeze3A_822 : f32 to vector<16xf32>
        %mul3A_865 = arith.mulf %get3A_863, %mul3A_864 : vector<16xf32>
        %swap3A_866 = arith.index_cast %add3A_826 : i32 to index
        %swap3A_867 = arith.constant 48 : index
        %swap3A_868 = tpu.vector_load %arg11[%swap3A_866, %swap3A_867] {strides = array<i32>} : memref<128x128xf32, #tpu.memory_space<vmem>>, vector<1x16xf32>,
        %swap3A_869 = vector.shape_cast %swap3A_868 : vector<1x16xf32> to vector<16xf32>
        %swap3A_870 = vector.shape_cast %mul3A_865 : vector<16xf32> to vector<1x16xf32>
        tpu.vector_store %arg11[%swap3A_866, %swap3A_867], %swap3A_870 {strides = array<i32>} : memref<128x128xf32, #tpu.memory_space<vmem>>, vector<1x16xf32>,
        %get3A_871 = arith.index_cast %add3A_826 : i32 to index
        %get3A_872 = arith.constant 64 : index
        %get3A_873 = tpu.vector_load %arg11[%get3A_871, %get3A_872] {strides = array<i32>} : memref<128x128xf32, #tpu.memory_space<vmem>>, vector<1x16xf32>,
        %get3A_874 = vector.shape_cast %get3A_873 : vector<1x16xf32> to vector<16xf32>
        %mul3A_875 = vector.broadcast %squeeze3A_822 : f32 to vector<16xf32>
        %mul3A_876 = arith.mulf %get3A_874, %mul3A_875 : vector<16xf32>
        %swap3A_877 = arith.index_cast %add3A_826 : i32 to index
        %swap3A_878 = arith.constant 64 : index
        %swap3A_879 = tpu.vector_load %arg11[%swap3A_877, %swap3A_878] {strides = array<i32>} : memref<128x128xf32, #tpu.memory_space<vmem>>, vector<1x16xf32>,
        %swap3A_880 = vector.shape_cast %swap3A_879 : vector<1x16xf32> to vector<16xf32>
        %swap3A_881 = vector.shape_cast %mul3A_876 : vector<16xf32> to vector<1x16xf32>
        tpu.vector_store %arg11[%swap3A_877, %swap3A_878], %swap3A_881 {strides = array<i32>} : memref<128x128xf32, #tpu.memory_space<vmem>>, vector<1x16xf32>,
        %get3A_882 = arith.index_cast %add3A_826 : i32 to index
        %get3A_883 = arith.constant 80 : index
        %get3A_884 = tpu.vector_load %arg11[%get3A_882, %get3A_883] {strides = array<i32>} : memref<128x128xf32, #tpu.memory_space<vmem>>, vector<1x16xf32>,
        %get3A_885 = vector.shape_cast %get3A_884 : vector<1x16xf32> to vector<16xf32>
        %mul3A_886 = vector.broadcast %squeeze3A_822 : f32 to vector<16xf32>
        %mul3A_887 = arith.mulf %get3A_885, %mul3A_886 : vector<16xf32>
        %swap3A_888 = arith.index_cast %add3A_826 : i32 to index
        %swap3A_889 = arith.constant 80 : index
        %swap3A_890 = tpu.vector_load %arg11[%swap3A_888, %swap3A_889] {strides = array<i32>} : memref<128x128xf32, #tpu.memory_space<vmem>>, vector<1x16xf32>,
        %swap3A_891 = vector.shape_cast %swap3A_890 : vector<1x16xf32> to vector<16xf32>
        %swap3A_892 = vector.shape_cast %mul3A_887 : vector<16xf32> to vector<1x16xf32>
        tpu.vector_store %arg11[%swap3A_888, %swap3A_889], %swap3A_892 {strides = array<i32>} : memref<128x128xf32, #tpu.memory_space<vmem>>, vector<1x16xf32>,
        %get3A_893 = arith.index_cast %add3A_826 : i32 to index
        %get3A_894 = arith.constant 96 : index
        %get3A_895 = tpu.vector_load %arg11[%get3A_893, %get3A_894] {strides = array<i32>} : memref<128x128xf32, #tpu.memory_space<vmem>>, vector<1x16xf32>,
        %get3A_896 = vector.shape_cast %get3A_895 : vector<1x16xf32> to vector<16xf32>
        %mul3A_897 = vector.broadcast %squeeze3A_822 : f32 to vector<16xf32>
        %mul3A_898 = arith.mulf %get3A_896, %mul3A_897 : vector<16xf32>
        %swap3A_899 = arith.index_cast %add3A_826 : i32 to index
        %swap3A_900 = arith.constant 96 : index
        %swap3A_901 = tpu.vector_load %arg11[%swap3A_899, %swap3A_900] {strides = array<i32>} : memref<128x128xf32, #tpu.memory_space<vmem>>, vector<1x16xf32>,
        %swap3A_902 = vector.shape_cast %swap3A_901 : vector<1x16xf32> to vector<16xf32>
        %swap3A_903 = vector.shape_cast %mul3A_898 : vector<16xf32> to vector<1x16xf32>
        tpu.vector_store %arg11[%swap3A_899, %swap3A_900], %swap3A_903 {strides = array<i32>} : memref<128x128xf32, #tpu.memory_space<vmem>>, vector<1x16xf32>,
        %get3A_904 = arith.index_cast %add3A_826 : i32 to index
        %get3A_905 = arith.constant 112 : index
        %get3A_906 = tpu.vector_load %arg11[%get3A_904, %get3A_905] {strides = array<i32>} : memref<128x128xf32, #tpu.memory_space<vmem>>, vector<1x16xf32>,
        %get3A_907 = vector.shape_cast %get3A_906 : vector<1x16xf32> to vector<16xf32>
        %mul3A_908 = vector.broadcast %squeeze3A_822 : f32 to vector<16xf32>
        %mul3A_909 = arith.mulf %get3A_907, %mul3A_908 : vector<16xf32>
        %swap3A_910 = arith.index_cast %add3A_826 : i32 to index
        %swap3A_911 = arith.constant 112 : index
        %swap3A_912 = tpu.vector_load %arg11[%swap3A_910, %swap3A_911] {strides = array<i32>} : memref<128x128xf32, #tpu.memory_space<vmem>>, vector<1x16xf32>,
        %swap3A_913 = vector.shape_cast %swap3A_912 : vector<1x16xf32> to vector<16xf32>
        %swap3A_914 = vector.shape_cast %mul3A_909 : vector<16xf32> to vector<1x16xf32>
        tpu.vector_store %arg11[%swap3A_910, %swap3A_911], %swap3A_914 {strides = array<i32>} : memref<128x128xf32, #tpu.memory_space<vmem>>, vector<1x16xf32>,
        %slice3A_915 = vector.extract_strided_slice %get3A_165 {offsets = [8], sizes = [1], strides = [1]} : vector<16xf32> to vector<1xf32>
        %squeeze3A_916 = vector.extract %slice3A_915[0] : f32 from vector<1xf32>
        %mul3A_917 = arith.constant 16 : i32
        %mul3A_918 = arith.muli %scan3A_159, %mul3A_917 : i32
        %add3A_919 = arith.constant 8 : i32
        %add3A_920 = arith.addi %mul3A_918, %add3A_919 : i32
        %get3A_921 = arith.index_cast %add3A_920 : i32 to index
        %get3A_922 = arith.constant 0 : index
        %get3A_923 = tpu.vector_load %arg11[%get3A_921, %get3A_922] {strides = array<i32>} : memref<128x128xf32, #tpu.memory_space<vmem>>, vector<1x16xf32>,
        %get3A_924 = vector.shape_cast %get3A_923 : vector<1x16xf32> to vector<16xf32>
        %mul3A_925 = vector.broadcast %squeeze3A_916 : f32 to vector<16xf32>
        %mul3A_926 = arith.mulf %get3A_924, %mul3A_925 : vector<16xf32>
        %swap3A_927 = arith.index_cast %add3A_920 : i32 to index
        %swap3A_928 = arith.constant 0 : index
        %swap3A_929 = tpu.vector_load %arg11[%swap3A_927, %swap3A_928] {strides = array<i32>} : memref<128x128xf32, #tpu.memory_space<vmem>>, vector<1x16xf32>,
        %swap3A_930 = vector.shape_cast %swap3A_929 : vector<1x16xf32> to vector<16xf32>
        %swap3A_931 = vector.shape_cast %mul3A_926 : vector<16xf32> to vector<1x16xf32>
        tpu.vector_store %arg11[%swap3A_927, %swap3A_928], %swap3A_931 {strides = array<i32>} : memref<128x128xf32, #tpu.memory_space<vmem>>, vector<1x16xf32>,
        %get3A_932 = arith.index_cast %add3A_920 : i32 to index
        %get3A_933 = arith.constant 16 : index
        %get3A_934 = tpu.vector_load %arg11[%get3A_932, %get3A_933] {strides = array<i32>} : memref<128x128xf32, #tpu.memory_space<vmem>>, vector<1x16xf32>,
        %get3A_935 = vector.shape_cast %get3A_934 : vector<1x16xf32> to vector<16xf32>
        %mul3A_936 = vector.broadcast %squeeze3A_916 : f32 to vector<16xf32>
        %mul3A_937 = arith.mulf %get3A_935, %mul3A_936 : vector<16xf32>
        %swap3A_938 = arith.index_cast %add3A_920 : i32 to index
        %swap3A_939 = arith.constant 16 : index
        %swap3A_940 = tpu.vector_load %arg11[%swap3A_938, %swap3A_939] {strides = array<i32>} : memref<128x128xf32, #tpu.memory_space<vmem>>, vector<1x16xf32>,
        %swap3A_941 = vector.shape_cast %swap3A_940 : vector<1x16xf32> to vector<16xf32>
        %swap3A_942 = vector.shape_cast %mul3A_937 : vector<16xf32> to vector<1x16xf32>
        tpu.vector_store %arg11[%swap3A_938, %swap3A_939], %swap3A_942 {strides = array<i32>} : memref<128x128xf32, #tpu.memory_space<vmem>>, vector<1x16xf32>,
        %get3A_943 = arith.index_cast %add3A_920 : i32 to index
        %get3A_944 = arith.constant 32 : index
        %get3A_945 = tpu.vector_load %arg11[%get3A_943, %get3A_944] {strides = array<i32>} : memref<128x128xf32, #tpu.memory_space<vmem>>, vector<1x16xf32>,
        %get3A_946 = vector.shape_cast %get3A_945 : vector<1x16xf32> to vector<16xf32>
        %mul3A_947 = vector.broadcast %squeeze3A_916 : f32 to vector<16xf32>
        %mul3A_948 = arith.mulf %get3A_946, %mul3A_947 : vector<16xf32>
        %swap3A_949 = arith.index_cast %add3A_920 : i32 to index
        %swap3A_950 = arith.constant 32 : index
        %swap3A_951 = tpu.vector_load %arg11[%swap3A_949, %swap3A_950] {strides = array<i32>} : memref<128x128xf32, #tpu.memory_space<vmem>>, vector<1x16xf32>,
        %swap3A_952 = vector.shape_cast %swap3A_951 : vector<1x16xf32> to vector<16xf32>
        %swap3A_953 = vector.shape_cast %mul3A_948 : vector<16xf32> to vector<1x16xf32>
        tpu.vector_store %arg11[%swap3A_949, %swap3A_950], %swap3A_953 {strides = array<i32>} : memref<128x128xf32, #tpu.memory_space<vmem>>, vector<1x16xf32>,
        %get3A_954 = arith.index_cast %add3A_920 : i32 to index
        %get3A_955 = arith.constant 48 : index
        %get3A_956 = tpu.vector_load %arg11[%get3A_954, %get3A_955] {strides = array<i32>} : memref<128x128xf32, #tpu.memory_space<vmem>>, vector<1x16xf32>,
        %get3A_957 = vector.shape_cast %get3A_956 : vector<1x16xf32> to vector<16xf32>
        %mul3A_958 = vector.broadcast %squeeze3A_916 : f32 to vector<16xf32>
        %mul3A_959 = arith.mulf %get3A_957, %mul3A_958 : vector<16xf32>
        %swap3A_960 = arith.index_cast %add3A_920 : i32 to index
        %swap3A_961 = arith.constant 48 : index
        %swap3A_962 = tpu.vector_load %arg11[%swap3A_960, %swap3A_961] {strides = array<i32>} : memref<128x128xf32, #tpu.memory_space<vmem>>, vector<1x16xf32>,
        %swap3A_963 = vector.shape_cast %swap3A_962 : vector<1x16xf32> to vector<16xf32>
        %swap3A_964 = vector.shape_cast %mul3A_959 : vector<16xf32> to vector<1x16xf32>
        tpu.vector_store %arg11[%swap3A_960, %swap3A_961], %swap3A_964 {strides = array<i32>} : memref<128x128xf32, #tpu.memory_space<vmem>>, vector<1x16xf32>,
        %get3A_965 = arith.index_cast %add3A_920 : i32 to index
        %get3A_966 = arith.constant 64 : index
        %get3A_967 = tpu.vector_load %arg11[%get3A_965, %get3A_966] {strides = array<i32>} : memref<128x128xf32, #tpu.memory_space<vmem>>, vector<1x16xf32>,
        %get3A_968 = vector.shape_cast %get3A_967 : vector<1x16xf32> to vector<16xf32>
        %mul3A_969 = vector.broadcast %squeeze3A_916 : f32 to vector<16xf32>
        %mul3A_970 = arith.mulf %get3A_968, %mul3A_969 : vector<16xf32>
        %swap3A_971 = arith.index_cast %add3A_920 : i32 to index
        %swap3A_972 = arith.constant 64 : index
        %swap3A_973 = tpu.vector_load %arg11[%swap3A_971, %swap3A_972] {strides = array<i32>} : memref<128x128xf32, #tpu.memory_space<vmem>>, vector<1x16xf32>,
        %swap3A_974 = vector.shape_cast %swap3A_973 : vector<1x16xf32> to vector<16xf32>
        %swap3A_975 = vector.shape_cast %mul3A_970 : vector<16xf32> to vector<1x16xf32>
        tpu.vector_store %arg11[%swap3A_971, %swap3A_972], %swap3A_975 {strides = array<i32>} : memref<128x128xf32, #tpu.memory_space<vmem>>, vector<1x16xf32>,
        %get3A_976 = arith.index_cast %add3A_920 : i32 to index
        %get3A_977 = arith.constant 80 : index
        %get3A_978 = tpu.vector_load %arg11[%get3A_976, %get3A_977] {strides = array<i32>} : memref<128x128xf32, #tpu.memory_space<vmem>>, vector<1x16xf32>,
        %get3A_979 = vector.shape_cast %get3A_978 : vector<1x16xf32> to vector<16xf32>
        %mul3A_980 = vector.broadcast %squeeze3A_916 : f32 to vector<16xf32>
        %mul3A_981 = arith.mulf %get3A_979, %mul3A_980 : vector<16xf32>
        %swap3A_982 = arith.index_cast %add3A_920 : i32 to index
        %swap3A_983 = arith.constant 80 : index
        %swap3A_984 = tpu.vector_load %arg11[%swap3A_982, %swap3A_983] {strides = array<i32>} : memref<128x128xf32, #tpu.memory_space<vmem>>, vector<1x16xf32>,
        %swap3A_985 = vector.shape_cast %swap3A_984 : vector<1x16xf32> to vector<16xf32>
        %swap3A_986 = vector.shape_cast %mul3A_981 : vector<16xf32> to vector<1x16xf32>
        tpu.vector_store %arg11[%swap3A_982, %swap3A_983], %swap3A_986 {strides = array<i32>} : memref<128x128xf32, #tpu.memory_space<vmem>>, vector<1x16xf32>,
        %get3A_987 = arith.index_cast %add3A_920 : i32 to index
        %get3A_988 = arith.constant 96 : index
        %get3A_989 = tpu.vector_load %arg11[%get3A_987, %get3A_988] {strides = array<i32>} : memref<128x128xf32, #tpu.memory_space<vmem>>, vector<1x16xf32>,
        %get3A_990 = vector.shape_cast %get3A_989 : vector<1x16xf32> to vector<16xf32>
        %mul3A_991 = vector.broadcast %squeeze3A_916 : f32 to vector<16xf32>
        %mul3A_992 = arith.mulf %get3A_990, %mul3A_991 : vector<16xf32>
        %swap3A_993 = arith.index_cast %add3A_920 : i32 to index
        %swap3A_994 = arith.constant 96 : index
        %swap3A_995 = tpu.vector_load %arg11[%swap3A_993, %swap3A_994] {strides = array<i32>} : memref<128x128xf32, #tpu.memory_space<vmem>>, vector<1x16xf32>,
        %swap3A_996 = vector.shape_cast %swap3A_995 : vector<1x16xf32> to vector<16xf32>
        %swap3A_997 = vector.shape_cast %mul3A_992 : vector<16xf32> to vector<1x16xf32>
        tpu.vector_store %arg11[%swap3A_993, %swap3A_994], %swap3A_997 {strides = array<i32>} : memref<128x128xf32, #tpu.memory_space<vmem>>, vector<1x16xf32>,
        %get3A_998 = arith.index_cast %add3A_920 : i32 to index
        %get3A_999 = arith.constant 112 : index
        %get3A_1000 = tpu.vector_load %arg11[%get3A_998, %get3A_999] {strides = array<i32>} : memref<128x128xf32, #tpu.memory_space<vmem>>, vector<1x16xf32>,
        %get3A_1001 = vector.shape_cast %get3A_1000 : vector<1x16xf32> to vector<16xf32>
        %mul3A_1002 = vector.broadcast %squeeze3A_916 : f32 to vector<16xf32>
        %mul3A_1003 = arith.mulf %get3A_1001, %mul3A_1002 : vector<16xf32>
        %swap3A_1004 = arith.index_cast %add3A_920 : i32 to index
        %swap3A_1005 = arith.constant 112 : index
        %swap3A_1006 = tpu.vector_load %arg11[%swap3A_1004, %swap3A_1005] {strides = array<i32>} : memref<128x128xf32, #tpu.memory_space<vmem>>, vector<1x16xf32>,
        %swap3A_1007 = vector.shape_cast %swap3A_1006 : vector<1x16xf32> to vector<16xf32>
        %swap3A_1008 = vector.shape_cast %mul3A_1003 : vector<16xf32> to vector<1x16xf32>
        tpu.vector_store %arg11[%swap3A_1004, %swap3A_1005], %swap3A_1008 {strides = array<i32>} : memref<128x128xf32, #tpu.memory_space<vmem>>, vector<1x16xf32>,
        %slice3A_1009 = vector.extract_strided_slice %get3A_165 {offsets = [9], sizes = [1], strides = [1]} : vector<16xf32> to vector<1xf32>
        %squeeze3A_1010 = vector.extract %slice3A_1009[0] : f32 from vector<1xf32>
        %mul3A_1011 = arith.constant 16 : i32
        %mul3A_1012 = arith.muli %scan3A_159, %mul3A_1011 : i32
        %add3A_1013 = arith.constant 9 : i32
        %add3A_1014 = arith.addi %mul3A_1012, %add3A_1013 : i32
        %get3A_1015 = arith.index_cast %add3A_1014 : i32 to index
        %get3A_1016 = arith.constant 0 : index
        %get3A_1017 = tpu.vector_load %arg11[%get3A_1015, %get3A_1016] {strides = array<i32>} : memref<128x128xf32, #tpu.memory_space<vmem>>, vector<1x16xf32>,
        %get3A_1018 = vector.shape_cast %get3A_1017 : vector<1x16xf32> to vector<16xf32>
        %mul3A_1019 = vector.broadcast %squeeze3A_1010 : f32 to vector<16xf32>
        %mul3A_1020 = arith.mulf %get3A_1018, %mul3A_1019 : vector<16xf32>
        %swap3A_1021 = arith.index_cast %add3A_1014 : i32 to index
        %swap3A_1022 = arith.constant 0 : index
        %swap3A_1023 = tpu.vector_load %arg11[%swap3A_1021, %swap3A_1022] {strides = array<i32>} : memref<128x128xf32, #tpu.memory_space<vmem>>, vector<1x16xf32>,
        %swap3A_1024 = vector.shape_cast %swap3A_1023 : vector<1x16xf32> to vector<16xf32>
        %swap3A_1025 = vector.shape_cast %mul3A_1020 : vector<16xf32> to vector<1x16xf32>
        tpu.vector_store %arg11[%swap3A_1021, %swap3A_1022], %swap3A_1025 {strides = array<i32>} : memref<128x128xf32, #tpu.memory_space<vmem>>, vector<1x16xf32>,
        %get3A_1026 = arith.index_cast %add3A_1014 : i32 to index
        %get3A_1027 = arith.constant 16 : index
        %get3A_1028 = tpu.vector_load %arg11[%get3A_1026, %get3A_1027] {strides = array<i32>} : memref<128x128xf32, #tpu.memory_space<vmem>>, vector<1x16xf32>,
        %get3A_1029 = vector.shape_cast %get3A_1028 : vector<1x16xf32> to vector<16xf32>
        %mul3A_1030 = vector.broadcast %squeeze3A_1010 : f32 to vector<16xf32>
        %mul3A_1031 = arith.mulf %get3A_1029, %mul3A_1030 : vector<16xf32>
        %swap3A_1032 = arith.index_cast %add3A_1014 : i32 to index
        %swap3A_1033 = arith.constant 16 : index
        %swap3A_1034 = tpu.vector_load %arg11[%swap3A_1032, %swap3A_1033] {strides = array<i32>} : memref<128x128xf32, #tpu.memory_space<vmem>>, vector<1x16xf32>,
        %swap3A_1035 = vector.shape_cast %swap3A_1034 : vector<1x16xf32> to vector<16xf32>
        %swap3A_1036 = vector.shape_cast %mul3A_1031 : vector<16xf32> to vector<1x16xf32>
        tpu.vector_store %arg11[%swap3A_1032, %swap3A_1033], %swap3A_1036 {strides = array<i32>} : memref<128x128xf32, #tpu.memory_space<vmem>>, vector<1x16xf32>,
        %get3A_1037 = arith.index_cast %add3A_1014 : i32 to index
        %get3A_1038 = arith.constant 32 : index
        %get3A_1039 = tpu.vector_load %arg11[%get3A_1037, %get3A_1038] {strides = array<i32>} : memref<128x128xf32, #tpu.memory_space<vmem>>, vector<1x16xf32>,
        %get3A_1040 = vector.shape_cast %get3A_1039 : vector<1x16xf32> to vector<16xf32>
        %mul3A_1041 = vector.broadcast %squeeze3A_1010 : f32 to vector<16xf32>
        %mul3A_1042 = arith.mulf %get3A_1040, %mul3A_1041 : vector<16xf32>
        %swap3A_1043 = arith.index_cast %add3A_1014 : i32 to index
        %swap3A_1044 = arith.constant 32 : index
        %swap3A_1045 = tpu.vector_load %arg11[%swap3A_1043, %swap3A_1044] {strides = array<i32>} : memref<128x128xf32, #tpu.memory_space<vmem>>, vector<1x16xf32>,
        %swap3A_1046 = vector.shape_cast %swap3A_1045 : vector<1x16xf32> to vector<16xf32>
        %swap3A_1047 = vector.shape_cast %mul3A_1042 : vector<16xf32> to vector<1x16xf32>
        tpu.vector_store %arg11[%swap3A_1043, %swap3A_1044], %swap3A_1047 {strides = array<i32>} : memref<128x128xf32, #tpu.memory_space<vmem>>, vector<1x16xf32>,
        %get3A_1048 = arith.index_cast %add3A_1014 : i32 to index
        %get3A_1049 = arith.constant 48 : index
        %get3A_1050 = tpu.vector_load %arg11[%get3A_1048, %get3A_1049] {strides = array<i32>} : memref<128x128xf32, #tpu.memory_space<vmem>>, vector<1x16xf32>,
        %get3A_1051 = vector.shape_cast %get3A_1050 : vector<1x16xf32> to vector<16xf32>
        %mul3A_1052 = vector.broadcast %squeeze3A_1010 : f32 to vector<16xf32>
        %mul3A_1053 = arith.mulf %get3A_1051, %mul3A_1052 : vector<16xf32>
        %swap3A_1054 = arith.index_cast %add3A_1014 : i32 to index
        %swap3A_1055 = arith.constant 48 : index
        %swap3A_1056 = tpu.vector_load %arg11[%swap3A_1054, %swap3A_1055] {strides = array<i32>} : memref<128x128xf32, #tpu.memory_space<vmem>>, vector<1x16xf32>,
        %swap3A_1057 = vector.shape_cast %swap3A_1056 : vector<1x16xf32> to vector<16xf32>
        %swap3A_1058 = vector.shape_cast %mul3A_1053 : vector<16xf32> to vector<1x16xf32>
        tpu.vector_store %arg11[%swap3A_1054, %swap3A_1055], %swap3A_1058 {strides = array<i32>} : memref<128x128xf32, #tpu.memory_space<vmem>>, vector<1x16xf32>,
        %get3A_1059 = arith.index_cast %add3A_1014 : i32 to index
        %get3A_1060 = arith.constant 64 : index
        %get3A_1061 = tpu.vector_load %arg11[%get3A_1059, %get3A_1060] {strides = array<i32>} : memref<128x128xf32, #tpu.memory_space<vmem>>, vector<1x16xf32>,
        %get3A_1062 = vector.shape_cast %get3A_1061 : vector<1x16xf32> to vector<16xf32>
        %mul3A_1063 = vector.broadcast %squeeze3A_1010 : f32 to vector<16xf32>
        %mul3A_1064 = arith.mulf %get3A_1062, %mul3A_1063 : vector<16xf32>
        %swap3A_1065 = arith.index_cast %add3A_1014 : i32 to index
        %swap3A_1066 = arith.constant 64 : index
        %swap3A_1067 = tpu.vector_load %arg11[%swap3A_1065, %swap3A_1066] {strides = array<i32>} : memref<128x128xf32, #tpu.memory_space<vmem>>, vector<1x16xf32>,
        %swap3A_1068 = vector.shape_cast %swap3A_1067 : vector<1x16xf32> to vector<16xf32>
        %swap3A_1069 = vector.shape_cast %mul3A_1064 : vector<16xf32> to vector<1x16xf32>
        tpu.vector_store %arg11[%swap3A_1065, %swap3A_1066], %swap3A_1069 {strides = array<i32>} : memref<128x128xf32, #tpu.memory_space<vmem>>, vector<1x16xf32>,
        %get3A_1070 = arith.index_cast %add3A_1014 : i32 to index
        %get3A_1071 = arith.constant 80 : index
        %get3A_1072 = tpu.vector_load %arg11[%get3A_1070, %get3A_1071] {strides = array<i32>} : memref<128x128xf32, #tpu.memory_space<vmem>>, vector<1x16xf32>,
        %get3A_1073 = vector.shape_cast %get3A_1072 : vector<1x16xf32> to vector<16xf32>
        %mul3A_1074 = vector.broadcast %squeeze3A_1010 : f32 to vector<16xf32>
        %mul3A_1075 = arith.mulf %get3A_1073, %mul3A_1074 : vector<16xf32>
        %swap3A_1076 = arith.index_cast %add3A_1014 : i32 to index
        %swap3A_1077 = arith.constant 80 : index
        %swap3A_1078 = tpu.vector_load %arg11[%swap3A_1076, %swap3A_1077] {strides = array<i32>} : memref<128x128xf32, #tpu.memory_space<vmem>>, vector<1x16xf32>,
        %swap3A_1079 = vector.shape_cast %swap3A_1078 : vector<1x16xf32> to vector<16xf32>
        %swap3A_1080 = vector.shape_cast %mul3A_1075 : vector<16xf32> to vector<1x16xf32>
        tpu.vector_store %arg11[%swap3A_1076, %swap3A_1077], %swap3A_1080 {strides = array<i32>} : memref<128x128xf32, #tpu.memory_space<vmem>>, vector<1x16xf32>,
        %get3A_1081 = arith.index_cast %add3A_1014 : i32 to index
        %get3A_1082 = arith.constant 96 : index
        %get3A_1083 = tpu.vector_load %arg11[%get3A_1081, %get3A_1082] {strides = array<i32>} : memref<128x128xf32, #tpu.memory_space<vmem>>, vector<1x16xf32>,
        %get3A_1084 = vector.shape_cast %get3A_1083 : vector<1x16xf32> to vector<16xf32>
        %mul3A_1085 = vector.broadcast %squeeze3A_1010 : f32 to vector<16xf32>
        %mul3A_1086 = arith.mulf %get3A_1084, %mul3A_1085 : vector<16xf32>
        %swap3A_1087 = arith.index_cast %add3A_1014 : i32 to index
        %swap3A_1088 = arith.constant 96 : index
        %swap3A_1089 = tpu.vector_load %arg11[%swap3A_1087, %swap3A_1088] {strides = array<i32>} : memref<128x128xf32, #tpu.memory_space<vmem>>, vector<1x16xf32>,
        %swap3A_1090 = vector.shape_cast %swap3A_1089 : vector<1x16xf32> to vector<16xf32>
        %swap3A_1091 = vector.shape_cast %mul3A_1086 : vector<16xf32> to vector<1x16xf32>
        tpu.vector_store %arg11[%swap3A_1087, %swap3A_1088], %swap3A_1091 {strides = array<i32>} : memref<128x128xf32, #tpu.memory_space<vmem>>, vector<1x16xf32>,
        %get3A_1092 = arith.index_cast %add3A_1014 : i32 to index
        %get3A_1093 = arith.constant 112 : index
        %get3A_1094 = tpu.vector_load %arg11[%get3A_1092, %get3A_1093] {strides = array<i32>} : memref<128x128xf32, #tpu.memory_space<vmem>>, vector<1x16xf32>,
        %get3A_1095 = vector.shape_cast %get3A_1094 : vector<1x16xf32> to vector<16xf32>
        %mul3A_1096 = vector.broadcast %squeeze3A_1010 : f32 to vector<16xf32>
        %mul3A_1097 = arith.mulf %get3A_1095, %mul3A_1096 : vector<16xf32>
        %swap3A_1098 = arith.index_cast %add3A_1014 : i32 to index
        %swap3A_1099 = arith.constant 112 : index
        %swap3A_1100 = tpu.vector_load %arg11[%swap3A_1098, %swap3A_1099] {strides = array<i32>} : memref<128x128xf32, #tpu.memory_space<vmem>>, vector<1x16xf32>,
        %swap3A_1101 = vector.shape_cast %swap3A_1100 : vector<1x16xf32> to vector<16xf32>
        %swap3A_1102 = vector.shape_cast %mul3A_1097 : vector<16xf32> to vector<1x16xf32>
        tpu.vector_store %arg11[%swap3A_1098, %swap3A_1099], %swap3A_1102 {strides = array<i32>} : memref<128x128xf32, #tpu.memory_space<vmem>>, vector<1x16xf32>,
        %slice3A_1103 = vector.extract_strided_slice %get3A_165 {offsets = [10], sizes = [1], strides = [1]} : vector<16xf32> to vector<1xf32>
        %squeeze3A_1104 = vector.extract %slice3A_1103[0] : f32 from vector<1xf32>
        %mul3A_1105 = arith.constant 16 : i32
        %mul3A_1106 = arith.muli %scan3A_159, %mul3A_1105 : i32
        %add3A_1107 = arith.constant 10 : i32
        %add3A_1108 = arith.addi %mul3A_1106, %add3A_1107 : i32
        %get3A_1109 = arith.index_cast %add3A_1108 : i32 to index
        %get3A_1110 = arith.constant 0 : index
        %get3A_1111 = tpu.vector_load %arg11[%get3A_1109, %get3A_1110] {strides = array<i32>} : memref<128x128xf32, #tpu.memory_space<vmem>>, vector<1x16xf32>,
        %get3A_1112 = vector.shape_cast %get3A_1111 : vector<1x16xf32> to vector<16xf32>
        %mul3A_1113 = vector.broadcast %squeeze3A_1104 : f32 to vector<16xf32>
        %mul3A_1114 = arith.mulf %get3A_1112, %mul3A_1113 : vector<16xf32>
        %swap3A_1115 = arith.index_cast %add3A_1108 : i32 to index
        %swap3A_1116 = arith.constant 0 : index
        %swap3A_1117 = tpu.vector_load %arg11[%swap3A_1115, %swap3A_1116] {strides = array<i32>} : memref<128x128xf32, #tpu.memory_space<vmem>>, vector<1x16xf32>,
        %swap3A_1118 = vector.shape_cast %swap3A_1117 : vector<1x16xf32> to vector<16xf32>
        %swap3A_1119 = vector.shape_cast %mul3A_1114 : vector<16xf32> to vector<1x16xf32>
        tpu.vector_store %arg11[%swap3A_1115, %swap3A_1116], %swap3A_1119 {strides = array<i32>} : memref<128x128xf32, #tpu.memory_space<vmem>>, vector<1x16xf32>,
        %get3A_1120 = arith.index_cast %add3A_1108 : i32 to index
        %get3A_1121 = arith.constant 16 : index
        %get3A_1122 = tpu.vector_load %arg11[%get3A_1120, %get3A_1121] {strides = array<i32>} : memref<128x128xf32, #tpu.memory_space<vmem>>, vector<1x16xf32>,
        %get3A_1123 = vector.shape_cast %get3A_1122 : vector<1x16xf32> to vector<16xf32>
        %mul3A_1124 = vector.broadcast %squeeze3A_1104 : f32 to vector<16xf32>
        %mul3A_1125 = arith.mulf %get3A_1123, %mul3A_1124 : vector<16xf32>
        %swap3A_1126 = arith.index_cast %add3A_1108 : i32 to index
        %swap3A_1127 = arith.constant 16 : index
        %swap3A_1128 = tpu.vector_load %arg11[%swap3A_1126, %swap3A_1127] {strides = array<i32>} : memref<128x128xf32, #tpu.memory_space<vmem>>, vector<1x16xf32>,
        %swap3A_1129 = vector.shape_cast %swap3A_1128 : vector<1x16xf32> to vector<16xf32>
        %swap3A_1130 = vector.shape_cast %mul3A_1125 : vector<16xf32> to vector<1x16xf32>
        tpu.vector_store %arg11[%swap3A_1126, %swap3A_1127], %swap3A_1130 {strides = array<i32>} : memref<128x128xf32, #tpu.memory_space<vmem>>, vector<1x16xf32>,
        %get3A_1131 = arith.index_cast %add3A_1108 : i32 to index
        %get3A_1132 = arith.constant 32 : index
        %get3A_1133 = tpu.vector_load %arg11[%get3A_1131, %get3A_1132] {strides = array<i32>} : memref<128x128xf32, #tpu.memory_space<vmem>>, vector<1x16xf32>,
        %get3A_1134 = vector.shape_cast %get3A_1133 : vector<1x16xf32> to vector<16xf32>
        %mul3A_1135 = vector.broadcast %squeeze3A_1104 : f32 to vector<16xf32>
        %mul3A_1136 = arith.mulf %get3A_1134, %mul3A_1135 : vector<16xf32>
        %swap3A_1137 = arith.index_cast %add3A_1108 : i32 to index
        %swap3A_1138 = arith.constant 32 : index
        %swap3A_1139 = tpu.vector_load %arg11[%swap3A_1137, %swap3A_1138] {strides = array<i32>} : memref<128x128xf32, #tpu.memory_space<vmem>>, vector<1x16xf32>,
        %swap3A_1140 = vector.shape_cast %swap3A_1139 : vector<1x16xf32> to vector<16xf32>
        %swap3A_1141 = vector.shape_cast %mul3A_1136 : vector<16xf32> to vector<1x16xf32>
        tpu.vector_store %arg11[%swap3A_1137, %swap3A_1138], %swap3A_1141 {strides = array<i32>} : memref<128x128xf32, #tpu.memory_space<vmem>>, vector<1x16xf32>,
        %get3A_1142 = arith.index_cast %add3A_1108 : i32 to index
        %get3A_1143 = arith.constant 48 : index
        %get3A_1144 = tpu.vector_load %arg11[%get3A_1142, %get3A_1143] {strides = array<i32>} : memref<128x128xf32, #tpu.memory_space<vmem>>, vector<1x16xf32>,
        %get3A_1145 = vector.shape_cast %get3A_1144 : vector<1x16xf32> to vector<16xf32>
        %mul3A_1146 = vector.broadcast %squeeze3A_1104 : f32 to vector<16xf32>
        %mul3A_1147 = arith.mulf %get3A_1145, %mul3A_1146 : vector<16xf32>
        %swap3A_1148 = arith.index_cast %add3A_1108 : i32 to index
        %swap3A_1149 = arith.constant 48 : index
        %swap3A_1150 = tpu.vector_load %arg11[%swap3A_1148, %swap3A_1149] {strides = array<i32>} : memref<128x128xf32, #tpu.memory_space<vmem>>, vector<1x16xf32>,
        %swap3A_1151 = vector.shape_cast %swap3A_1150 : vector<1x16xf32> to vector<16xf32>
        %swap3A_1152 = vector.shape_cast %mul3A_1147 : vector<16xf32> to vector<1x16xf32>
        tpu.vector_store %arg11[%swap3A_1148, %swap3A_1149], %swap3A_1152 {strides = array<i32>} : memref<128x128xf32, #tpu.memory_space<vmem>>, vector<1x16xf32>,
        %get3A_1153 = arith.index_cast %add3A_1108 : i32 to index
        %get3A_1154 = arith.constant 64 : index
        %get3A_1155 = tpu.vector_load %arg11[%get3A_1153, %get3A_1154] {strides = array<i32>} : memref<128x128xf32, #tpu.memory_space<vmem>>, vector<1x16xf32>,
        %get3A_1156 = vector.shape_cast %get3A_1155 : vector<1x16xf32> to vector<16xf32>
        %mul3A_1157 = vector.broadcast %squeeze3A_1104 : f32 to vector<16xf32>
        %mul3A_1158 = arith.mulf %get3A_1156, %mul3A_1157 : vector<16xf32>
        %swap3A_1159 = arith.index_cast %add3A_1108 : i32 to index
        %swap3A_1160 = arith.constant 64 : index
        %swap3A_1161 = tpu.vector_load %arg11[%swap3A_1159, %swap3A_1160] {strides = array<i32>} : memref<128x128xf32, #tpu.memory_space<vmem>>, vector<1x16xf32>,
        %swap3A_1162 = vector.shape_cast %swap3A_1161 : vector<1x16xf32> to vector<16xf32>
        %swap3A_1163 = vector.shape_cast %mul3A_1158 : vector<16xf32> to vector<1x16xf32>
        tpu.vector_store %arg11[%swap3A_1159, %swap3A_1160], %swap3A_1163 {strides = array<i32>} : memref<128x128xf32, #tpu.memory_space<vmem>>, vector<1x16xf32>,
        %get3A_1164 = arith.index_cast %add3A_1108 : i32 to index
        %get3A_1165 = arith.constant 80 : index
        %get3A_1166 = tpu.vector_load %arg11[%get3A_1164, %get3A_1165] {strides = array<i32>} : memref<128x128xf32, #tpu.memory_space<vmem>>, vector<1x16xf32>,
        %get3A_1167 = vector.shape_cast %get3A_1166 : vector<1x16xf32> to vector<16xf32>
        %mul3A_1168 = vector.broadcast %squeeze3A_1104 : f32 to vector<16xf32>
        %mul3A_1169 = arith.mulf %get3A_1167, %mul3A_1168 : vector<16xf32>
        %swap3A_1170 = arith.index_cast %add3A_1108 : i32 to index
        %swap3A_1171 = arith.constant 80 : index
        %swap3A_1172 = tpu.vector_load %arg11[%swap3A_1170, %swap3A_1171] {strides = array<i32>} : memref<128x128xf32, #tpu.memory_space<vmem>>, vector<1x16xf32>,
        %swap3A_1173 = vector.shape_cast %swap3A_1172 : vector<1x16xf32> to vector<16xf32>
        %swap3A_1174 = vector.shape_cast %mul3A_1169 : vector<16xf32> to vector<1x16xf32>
        tpu.vector_store %arg11[%swap3A_1170, %swap3A_1171], %swap3A_1174 {strides = array<i32>} : memref<128x128xf32, #tpu.memory_space<vmem>>, vector<1x16xf32>,
        %get3A_1175 = arith.index_cast %add3A_1108 : i32 to index
        %get3A_1176 = arith.constant 96 : index
        %get3A_1177 = tpu.vector_load %arg11[%get3A_1175, %get3A_1176] {strides = array<i32>} : memref<128x128xf32, #tpu.memory_space<vmem>>, vector<1x16xf32>,
        %get3A_1178 = vector.shape_cast %get3A_1177 : vector<1x16xf32> to vector<16xf32>
        %mul3A_1179 = vector.broadcast %squeeze3A_1104 : f32 to vector<16xf32>
        %mul3A_1180 = arith.mulf %get3A_1178, %mul3A_1179 : vector<16xf32>
        %swap3A_1181 = arith.index_cast %add3A_1108 : i32 to index
        %swap3A_1182 = arith.constant 96 : index
        %swap3A_1183 = tpu.vector_load %arg11[%swap3A_1181, %swap3A_1182] {strides = array<i32>} : memref<128x128xf32, #tpu.memory_space<vmem>>, vector<1x16xf32>,
        %swap3A_1184 = vector.shape_cast %swap3A_1183 : vector<1x16xf32> to vector<16xf32>
        %swap3A_1185 = vector.shape_cast %mul3A_1180 : vector<16xf32> to vector<1x16xf32>
        tpu.vector_store %arg11[%swap3A_1181, %swap3A_1182], %swap3A_1185 {strides = array<i32>} : memref<128x128xf32, #tpu.memory_space<vmem>>, vector<1x16xf32>,
        %get3A_1186 = arith.index_cast %add3A_1108 : i32 to index
        %get3A_1187 = arith.constant 112 : index
        %get3A_1188 = tpu.vector_load %arg11[%get3A_1186, %get3A_1187] {strides = array<i32>} : memref<128x128xf32, #tpu.memory_space<vmem>>, vector<1x16xf32>,
        %get3A_1189 = vector.shape_cast %get3A_1188 : vector<1x16xf32> to vector<16xf32>
        %mul3A_1190 = vector.broadcast %squeeze3A_1104 : f32 to vector<16xf32>
        %mul3A_1191 = arith.mulf %get3A_1189, %mul3A_1190 : vector<16xf32>
        %swap3A_1192 = arith.index_cast %add3A_1108 : i32 to index
        %swap3A_1193 = arith.constant 112 : index
        %swap3A_1194 = tpu.vector_load %arg11[%swap3A_1192, %swap3A_1193] {strides = array<i32>} : memref<128x128xf32, #tpu.memory_space<vmem>>, vector<1x16xf32>,
        %swap3A_1195 = vector.shape_cast %swap3A_1194 : vector<1x16xf32> to vector<16xf32>
        %swap3A_1196 = vector.shape_cast %mul3A_1191 : vector<16xf32> to vector<1x16xf32>
        tpu.vector_store %arg11[%swap3A_1192, %swap3A_1193], %swap3A_1196 {strides = array<i32>} : memref<128x128xf32, #tpu.memory_space<vmem>>, vector<1x16xf32>,
        %slice3A_1197 = vector.extract_strided_slice %get3A_165 {offsets = [11], sizes = [1], strides = [1]} : vector<16xf32> to vector<1xf32>
        %squeeze3A_1198 = vector.extract %slice3A_1197[0] : f32 from vector<1xf32>
        %mul3A_1199 = arith.constant 16 : i32
        %mul3A_1200 = arith.muli %scan3A_159, %mul3A_1199 : i32
        %add3A_1201 = arith.constant 11 : i32
        %add3A_1202 = arith.addi %mul3A_1200, %add3A_1201 : i32
        %get3A_1203 = arith.index_cast %add3A_1202 : i32 to index
        %get3A_1204 = arith.constant 0 : index
        %get3A_1205 = tpu.vector_load %arg11[%get3A_1203, %get3A_1204] {strides = array<i32>} : memref<128x128xf32, #tpu.memory_space<vmem>>, vector<1x16xf32>,
        %get3A_1206 = vector.shape_cast %get3A_1205 : vector<1x16xf32> to vector<16xf32>
        %mul3A_1207 = vector.broadcast %squeeze3A_1198 : f32 to vector<16xf32>
        %mul3A_1208 = arith.mulf %get3A_1206, %mul3A_1207 : vector<16xf32>
        %swap3A_1209 = arith.index_cast %add3A_1202 : i32 to index
        %swap3A_1210 = arith.constant 0 : index
        %swap3A_1211 = tpu.vector_load %arg11[%swap3A_1209, %swap3A_1210] {strides = array<i32>} : memref<128x128xf32, #tpu.memory_space<vmem>>, vector<1x16xf32>,
        %swap3A_1212 = vector.shape_cast %swap3A_1211 : vector<1x16xf32> to vector<16xf32>
        %swap3A_1213 = vector.shape_cast %mul3A_1208 : vector<16xf32> to vector<1x16xf32>
        tpu.vector_store %arg11[%swap3A_1209, %swap3A_1210], %swap3A_1213 {strides = array<i32>} : memref<128x128xf32, #tpu.memory_space<vmem>>, vector<1x16xf32>,
        %get3A_1214 = arith.index_cast %add3A_1202 : i32 to index
        %get3A_1215 = arith.constant 16 : index
        %get3A_1216 = tpu.vector_load %arg11[%get3A_1214, %get3A_1215] {strides = array<i32>} : memref<128x128xf32, #tpu.memory_space<vmem>>, vector<1x16xf32>,
        %get3A_1217 = vector.shape_cast %get3A_1216 : vector<1x16xf32> to vector<16xf32>
        %mul3A_1218 = vector.broadcast %squeeze3A_1198 : f32 to vector<16xf32>
        %mul3A_1219 = arith.mulf %get3A_1217, %mul3A_1218 : vector<16xf32>
        %swap3A_1220 = arith.index_cast %add3A_1202 : i32 to index
        %swap3A_1221 = arith.constant 16 : index
        %swap3A_1222 = tpu.vector_load %arg11[%swap3A_1220, %swap3A_1221] {strides = array<i32>} : memref<128x128xf32, #tpu.memory_space<vmem>>, vector<1x16xf32>,
        %swap3A_1223 = vector.shape_cast %swap3A_1222 : vector<1x16xf32> to vector<16xf32>
        %swap3A_1224 = vector.shape_cast %mul3A_1219 : vector<16xf32> to vector<1x16xf32>
        tpu.vector_store %arg11[%swap3A_1220, %swap3A_1221], %swap3A_1224 {strides = array<i32>} : memref<128x128xf32, #tpu.memory_space<vmem>>, vector<1x16xf32>,
        %get3A_1225 = arith.index_cast %add3A_1202 : i32 to index
        %get3A_1226 = arith.constant 32 : index
        %get3A_1227 = tpu.vector_load %arg11[%get3A_1225, %get3A_1226] {strides = array<i32>} : memref<128x128xf32, #tpu.memory_space<vmem>>, vector<1x16xf32>,
        %get3A_1228 = vector.shape_cast %get3A_1227 : vector<1x16xf32> to vector<16xf32>
        %mul3A_1229 = vector.broadcast %squeeze3A_1198 : f32 to vector<16xf32>
        %mul3A_1230 = arith.mulf %get3A_1228, %mul3A_1229 : vector<16xf32>
        %swap3A_1231 = arith.index_cast %add3A_1202 : i32 to index
        %swap3A_1232 = arith.constant 32 : index
        %swap3A_1233 = tpu.vector_load %arg11[%swap3A_1231, %swap3A_1232] {strides = array<i32>} : memref<128x128xf32, #tpu.memory_space<vmem>>, vector<1x16xf32>,
        %swap3A_1234 = vector.shape_cast %swap3A_1233 : vector<1x16xf32> to vector<16xf32>
        %swap3A_1235 = vector.shape_cast %mul3A_1230 : vector<16xf32> to vector<1x16xf32>
        tpu.vector_store %arg11[%swap3A_1231, %swap3A_1232], %swap3A_1235 {strides = array<i32>} : memref<128x128xf32, #tpu.memory_space<vmem>>, vector<1x16xf32>,
        %get3A_1236 = arith.index_cast %add3A_1202 : i32 to index
        %get3A_1237 = arith.constant 48 : index
        %get3A_1238 = tpu.vector_load %arg11[%get3A_1236, %get3A_1237] {strides = array<i32>} : memref<128x128xf32, #tpu.memory_space<vmem>>, vector<1x16xf32>,
        %get3A_1239 = vector.shape_cast %get3A_1238 : vector<1x16xf32> to vector<16xf32>
        %mul3A_1240 = vector.broadcast %squeeze3A_1198 : f32 to vector<16xf32>
        %mul3A_1241 = arith.mulf %get3A_1239, %mul3A_1240 : vector<16xf32>
        %swap3A_1242 = arith.index_cast %add3A_1202 : i32 to index
        %swap3A_1243 = arith.constant 48 : index
        %swap3A_1244 = tpu.vector_load %arg11[%swap3A_1242, %swap3A_1243] {strides = array<i32>} : memref<128x128xf32, #tpu.memory_space<vmem>>, vector<1x16xf32>,
        %swap3A_1245 = vector.shape_cast %swap3A_1244 : vector<1x16xf32> to vector<16xf32>
        %swap3A_1246 = vector.shape_cast %mul3A_1241 : vector<16xf32> to vector<1x16xf32>
        tpu.vector_store %arg11[%swap3A_1242, %swap3A_1243], %swap3A_1246 {strides = array<i32>} : memref<128x128xf32, #tpu.memory_space<vmem>>, vector<1x16xf32>,
        %get3A_1247 = arith.index_cast %add3A_1202 : i32 to index
        %get3A_1248 = arith.constant 64 : index
        %get3A_1249 = tpu.vector_load %arg11[%get3A_1247, %get3A_1248] {strides = array<i32>} : memref<128x128xf32, #tpu.memory_space<vmem>>, vector<1x16xf32>,
        %get3A_1250 = vector.shape_cast %get3A_1249 : vector<1x16xf32> to vector<16xf32>
        %mul3A_1251 = vector.broadcast %squeeze3A_1198 : f32 to vector<16xf32>
        %mul3A_1252 = arith.mulf %get3A_1250, %mul3A_1251 : vector<16xf32>
        %swap3A_1253 = arith.index_cast %add3A_1202 : i32 to index
        %swap3A_1254 = arith.constant 64 : index
        %swap3A_1255 = tpu.vector_load %arg11[%swap3A_1253, %swap3A_1254] {strides = array<i32>} : memref<128x128xf32, #tpu.memory_space<vmem>>, vector<1x16xf32>,
        %swap3A_1256 = vector.shape_cast %swap3A_1255 : vector<1x16xf32> to vector<16xf32>
        %swap3A_1257 = vector.shape_cast %mul3A_1252 : vector<16xf32> to vector<1x16xf32>
        tpu.vector_store %arg11[%swap3A_1253, %swap3A_1254], %swap3A_1257 {strides = array<i32>} : memref<128x128xf32, #tpu.memory_space<vmem>>, vector<1x16xf32>,
        %get3A_1258 = arith.index_cast %add3A_1202 : i32 to index
        %get3A_1259 = arith.constant 80 : index
        %get3A_1260 = tpu.vector_load %arg11[%get3A_1258, %get3A_1259] {strides = array<i32>} : memref<128x128xf32, #tpu.memory_space<vmem>>, vector<1x16xf32>,
        %get3A_1261 = vector.shape_cast %get3A_1260 : vector<1x16xf32> to vector<16xf32>
        %mul3A_1262 = vector.broadcast %squeeze3A_1198 : f32 to vector<16xf32>
        %mul3A_1263 = arith.mulf %get3A_1261, %mul3A_1262 : vector<16xf32>
        %swap3A_1264 = arith.index_cast %add3A_1202 : i32 to index
        %swap3A_1265 = arith.constant 80 : index
        %swap3A_1266 = tpu.vector_load %arg11[%swap3A_1264, %swap3A_1265] {strides = array<i32>} : memref<128x128xf32, #tpu.memory_space<vmem>>, vector<1x16xf32>,
        %swap3A_1267 = vector.shape_cast %swap3A_1266 : vector<1x16xf32> to vector<16xf32>
        %swap3A_1268 = vector.shape_cast %mul3A_1263 : vector<16xf32> to vector<1x16xf32>
        tpu.vector_store %arg11[%swap3A_1264, %swap3A_1265], %swap3A_1268 {strides = array<i32>} : memref<128x128xf32, #tpu.memory_space<vmem>>, vector<1x16xf32>,
        %get3A_1269 = arith.index_cast %add3A_1202 : i32 to index
        %get3A_1270 = arith.constant 96 : index
        %get3A_1271 = tpu.vector_load %arg11[%get3A_1269, %get3A_1270] {strides = array<i32>} : memref<128x128xf32, #tpu.memory_space<vmem>>, vector<1x16xf32>,
        %get3A_1272 = vector.shape_cast %get3A_1271 : vector<1x16xf32> to vector<16xf32>
        %mul3A_1273 = vector.broadcast %squeeze3A_1198 : f32 to vector<16xf32>
        %mul3A_1274 = arith.mulf %get3A_1272, %mul3A_1273 : vector<16xf32>
        %swap3A_1275 = arith.index_cast %add3A_1202 : i32 to index
        %swap3A_1276 = arith.constant 96 : index
        %swap3A_1277 = tpu.vector_load %arg11[%swap3A_1275, %swap3A_1276] {strides = array<i32>} : memref<128x128xf32, #tpu.memory_space<vmem>>, vector<1x16xf32>,
        %swap3A_1278 = vector.shape_cast %swap3A_1277 : vector<1x16xf32> to vector<16xf32>
        %swap3A_1279 = vector.shape_cast %mul3A_1274 : vector<16xf32> to vector<1x16xf32>
        tpu.vector_store %arg11[%swap3A_1275, %swap3A_1276], %swap3A_1279 {strides = array<i32>} : memref<128x128xf32, #tpu.memory_space<vmem>>, vector<1x16xf32>,
        %get3A_1280 = arith.index_cast %add3A_1202 : i32 to index
        %get3A_1281 = arith.constant 112 : index
        %get3A_1282 = tpu.vector_load %arg11[%get3A_1280, %get3A_1281] {strides = array<i32>} : memref<128x128xf32, #tpu.memory_space<vmem>>, vector<1x16xf32>,
        %get3A_1283 = vector.shape_cast %get3A_1282 : vector<1x16xf32> to vector<16xf32>
        %mul3A_1284 = vector.broadcast %squeeze3A_1198 : f32 to vector<16xf32>
        %mul3A_1285 = arith.mulf %get3A_1283, %mul3A_1284 : vector<16xf32>
        %swap3A_1286 = arith.index_cast %add3A_1202 : i32 to index
        %swap3A_1287 = arith.constant 112 : index
        %swap3A_1288 = tpu.vector_load %arg11[%swap3A_1286, %swap3A_1287] {strides = array<i32>} : memref<128x128xf32, #tpu.memory_space<vmem>>, vector<1x16xf32>,
        %swap3A_1289 = vector.shape_cast %swap3A_1288 : vector<1x16xf32> to vector<16xf32>
        %swap3A_1290 = vector.shape_cast %mul3A_1285 : vector<16xf32> to vector<1x16xf32>
        tpu.vector_store %arg11[%swap3A_1286, %swap3A_1287], %swap3A_1290 {strides = array<i32>} : memref<128x128xf32, #tpu.memory_space<vmem>>, vector<1x16xf32>,
        %slice3A_1291 = vector.extract_strided_slice %get3A_165 {offsets = [12], sizes = [1], strides = [1]} : vector<16xf32> to vector<1xf32>
        %squeeze3A_1292 = vector.extract %slice3A_1291[0] : f32 from vector<1xf32>
        %mul3A_1293 = arith.constant 16 : i32
        %mul3A_1294 = arith.muli %scan3A_159, %mul3A_1293 : i32
        %add3A_1295 = arith.constant 12 : i32
        %add3A_1296 = arith.addi %mul3A_1294, %add3A_1295 : i32
        %get3A_1297 = arith.index_cast %add3A_1296 : i32 to index
        %get3A_1298 = arith.constant 0 : index
        %get3A_1299 = tpu.vector_load %arg11[%get3A_1297, %get3A_1298] {strides = array<i32>} : memref<128x128xf32, #tpu.memory_space<vmem>>, vector<1x16xf32>,
        %get3A_1300 = vector.shape_cast %get3A_1299 : vector<1x16xf32> to vector<16xf32>
        %mul3A_1301 = vector.broadcast %squeeze3A_1292 : f32 to vector<16xf32>
        %mul3A_1302 = arith.mulf %get3A_1300, %mul3A_1301 : vector<16xf32>
        %swap3A_1303 = arith.index_cast %add3A_1296 : i32 to index
        %swap3A_1304 = arith.constant 0 : index
        %swap3A_1305 = tpu.vector_load %arg11[%swap3A_1303, %swap3A_1304] {strides = array<i32>} : memref<128x128xf32, #tpu.memory_space<vmem>>, vector<1x16xf32>,
        %swap3A_1306 = vector.shape_cast %swap3A_1305 : vector<1x16xf32> to vector<16xf32>
        %swap3A_1307 = vector.shape_cast %mul3A_1302 : vector<16xf32> to vector<1x16xf32>
        tpu.vector_store %arg11[%swap3A_1303, %swap3A_1304], %swap3A_1307 {strides = array<i32>} : memref<128x128xf32, #tpu.memory_space<vmem>>, vector<1x16xf32>,
        %get3A_1308 = arith.index_cast %add3A_1296 : i32 to index
        %get3A_1309 = arith.constant 16 : index
        %get3A_1310 = tpu.vector_load %arg11[%get3A_1308, %get3A_1309] {strides = array<i32>} : memref<128x128xf32, #tpu.memory_space<vmem>>, vector<1x16xf32>,
        %get3A_1311 = vector.shape_cast %get3A_1310 : vector<1x16xf32> to vector<16xf32>
        %mul3A_1312 = vector.broadcast %squeeze3A_1292 : f32 to vector<16xf32>
        %mul3A_1313 = arith.mulf %get3A_1311, %mul3A_1312 : vector<16xf32>
        %swap3A_1314 = arith.index_cast %add3A_1296 : i32 to index
        %swap3A_1315 = arith.constant 16 : index
        %swap3A_1316 = tpu.vector_load %arg11[%swap3A_1314, %swap3A_1315] {strides = array<i32>} : memref<128x128xf32, #tpu.memory_space<vmem>>, vector<1x16xf32>,
        %swap3A_1317 = vector.shape_cast %swap3A_1316 : vector<1x16xf32> to vector<16xf32>
        %swap3A_1318 = vector.shape_cast %mul3A_1313 : vector<16xf32> to vector<1x16xf32>
        tpu.vector_store %arg11[%swap3A_1314, %swap3A_1315], %swap3A_1318 {strides = array<i32>} : memref<128x128xf32, #tpu.memory_space<vmem>>, vector<1x16xf32>,
        %get3A_1319 = arith.index_cast %add3A_1296 : i32 to index
        %get3A_1320 = arith.constant 32 : index
        %get3A_1321 = tpu.vector_load %arg11[%get3A_1319, %get3A_1320] {strides = array<i32>} : memref<128x128xf32, #tpu.memory_space<vmem>>, vector<1x16xf32>,
        %get3A_1322 = vector.shape_cast %get3A_1321 : vector<1x16xf32> to vector<16xf32>
        %mul3A_1323 = vector.broadcast %squeeze3A_1292 : f32 to vector<16xf32>
        %mul3A_1324 = arith.mulf %get3A_1322, %mul3A_1323 : vector<16xf32>
        %swap3A_1325 = arith.index_cast %add3A_1296 : i32 to index
        %swap3A_1326 = arith.constant 32 : index
        %swap3A_1327 = tpu.vector_load %arg11[%swap3A_1325, %swap3A_1326] {strides = array<i32>} : memref<128x128xf32, #tpu.memory_space<vmem>>, vector<1x16xf32>,
        %swap3A_1328 = vector.shape_cast %swap3A_1327 : vector<1x16xf32> to vector<16xf32>
        %swap3A_1329 = vector.shape_cast %mul3A_1324 : vector<16xf32> to vector<1x16xf32>
        tpu.vector_store %arg11[%swap3A_1325, %swap3A_1326], %swap3A_1329 {strides = array<i32>} : memref<128x128xf32, #tpu.memory_space<vmem>>, vector<1x16xf32>,
        %get3A_1330 = arith.index_cast %add3A_1296 : i32 to index
        %get3A_1331 = arith.constant 48 : index
        %get3A_1332 = tpu.vector_load %arg11[%get3A_1330, %get3A_1331] {strides = array<i32>} : memref<128x128xf32, #tpu.memory_space<vmem>>, vector<1x16xf32>,
        %get3A_1333 = vector.shape_cast %get3A_1332 : vector<1x16xf32> to vector<16xf32>
        %mul3A_1334 = vector.broadcast %squeeze3A_1292 : f32 to vector<16xf32>
        %mul3A_1335 = arith.mulf %get3A_1333, %mul3A_1334 : vector<16xf32>
        %swap3A_1336 = arith.index_cast %add3A_1296 : i32 to index
        %swap3A_1337 = arith.constant 48 : index
        %swap3A_1338 = tpu.vector_load %arg11[%swap3A_1336, %swap3A_1337] {strides = array<i32>} : memref<128x128xf32, #tpu.memory_space<vmem>>, vector<1x16xf32>,
        %swap3A_1339 = vector.shape_cast %swap3A_1338 : vector<1x16xf32> to vector<16xf32>
        %swap3A_1340 = vector.shape_cast %mul3A_1335 : vector<16xf32> to vector<1x16xf32>
        tpu.vector_store %arg11[%swap3A_1336, %swap3A_1337], %swap3A_1340 {strides = array<i32>} : memref<128x128xf32, #tpu.memory_space<vmem>>, vector<1x16xf32>,
        %get3A_1341 = arith.index_cast %add3A_1296 : i32 to index
        %get3A_1342 = arith.constant 64 : index
        %get3A_1343 = tpu.vector_load %arg11[%get3A_1341, %get3A_1342] {strides = array<i32>} : memref<128x128xf32, #tpu.memory_space<vmem>>, vector<1x16xf32>,
        %get3A_1344 = vector.shape_cast %get3A_1343 : vector<1x16xf32> to vector<16xf32>
        %mul3A_1345 = vector.broadcast %squeeze3A_1292 : f32 to vector<16xf32>
        %mul3A_1346 = arith.mulf %get3A_1344, %mul3A_1345 : vector<16xf32>
        %swap3A_1347 = arith.index_cast %add3A_1296 : i32 to index
        %swap3A_1348 = arith.constant 64 : index
        %swap3A_1349 = tpu.vector_load %arg11[%swap3A_1347, %swap3A_1348] {strides = array<i32>} : memref<128x128xf32, #tpu.memory_space<vmem>>, vector<1x16xf32>,
        %swap3A_1350 = vector.shape_cast %swap3A_1349 : vector<1x16xf32> to vector<16xf32>
        %swap3A_1351 = vector.shape_cast %mul3A_1346 : vector<16xf32> to vector<1x16xf32>
        tpu.vector_store %arg11[%swap3A_1347, %swap3A_1348], %swap3A_1351 {strides = array<i32>} : memref<128x128xf32, #tpu.memory_space<vmem>>, vector<1x16xf32>,
        %get3A_1352 = arith.index_cast %add3A_1296 : i32 to index
        %get3A_1353 = arith.constant 80 : index
        %get3A_1354 = tpu.vector_load %arg11[%get3A_1352, %get3A_1353] {strides = array<i32>} : memref<128x128xf32, #tpu.memory_space<vmem>>, vector<1x16xf32>,
        %get3A_1355 = vector.shape_cast %get3A_1354 : vector<1x16xf32> to vector<16xf32>
        %mul3A_1356 = vector.broadcast %squeeze3A_1292 : f32 to vector<16xf32>
        %mul3A_1357 = arith.mulf %get3A_1355, %mul3A_1356 : vector<16xf32>
        %swap3A_1358 = arith.index_cast %add3A_1296 : i32 to index
        %swap3A_1359 = arith.constant 80 : index
        %swap3A_1360 = tpu.vector_load %arg11[%swap3A_1358, %swap3A_1359] {strides = array<i32>} : memref<128x128xf32, #tpu.memory_space<vmem>>, vector<1x16xf32>,
        %swap3A_1361 = vector.shape_cast %swap3A_1360 : vector<1x16xf32> to vector<16xf32>
        %swap3A_1362 = vector.shape_cast %mul3A_1357 : vector<16xf32> to vector<1x16xf32>
        tpu.vector_store %arg11[%swap3A_1358, %swap3A_1359], %swap3A_1362 {strides = array<i32>} : memref<128x128xf32, #tpu.memory_space<vmem>>, vector<1x16xf32>,
        %get3A_1363 = arith.index_cast %add3A_1296 : i32 to index
        %get3A_1364 = arith.constant 96 : index
        %get3A_1365 = tpu.vector_load %arg11[%get3A_1363, %get3A_1364] {strides = array<i32>} : memref<128x128xf32, #tpu.memory_space<vmem>>, vector<1x16xf32>,
        %get3A_1366 = vector.shape_cast %get3A_1365 : vector<1x16xf32> to vector<16xf32>
        %mul3A_1367 = vector.broadcast %squeeze3A_1292 : f32 to vector<16xf32>
        %mul3A_1368 = arith.mulf %get3A_1366, %mul3A_1367 : vector<16xf32>
        %swap3A_1369 = arith.index_cast %add3A_1296 : i32 to index
        %swap3A_1370 = arith.constant 96 : index
        %swap3A_1371 = tpu.vector_load %arg11[%swap3A_1369, %swap3A_1370] {strides = array<i32>} : memref<128x128xf32, #tpu.memory_space<vmem>>, vector<1x16xf32>,
        %swap3A_1372 = vector.shape_cast %swap3A_1371 : vector<1x16xf32> to vector<16xf32>
        %swap3A_1373 = vector.shape_cast %mul3A_1368 : vector<16xf32> to vector<1x16xf32>
        tpu.vector_store %arg11[%swap3A_1369, %swap3A_1370], %swap3A_1373 {strides = array<i32>} : memref<128x128xf32, #tpu.memory_space<vmem>>, vector<1x16xf32>,
        %get3A_1374 = arith.index_cast %add3A_1296 : i32 to index
        %get3A_1375 = arith.constant 112 : index
        %get3A_1376 = tpu.vector_load %arg11[%get3A_1374, %get3A_1375] {strides = array<i32>} : memref<128x128xf32, #tpu.memory_space<vmem>>, vector<1x16xf32>,
        %get3A_1377 = vector.shape_cast %get3A_1376 : vector<1x16xf32> to vector<16xf32>
        %mul3A_1378 = vector.broadcast %squeeze3A_1292 : f32 to vector<16xf32>
        %mul3A_1379 = arith.mulf %get3A_1377, %mul3A_1378 : vector<16xf32>
        %swap3A_1380 = arith.index_cast %add3A_1296 : i32 to index
        %swap3A_1381 = arith.constant 112 : index
        %swap3A_1382 = tpu.vector_load %arg11[%swap3A_1380, %swap3A_1381] {strides = array<i32>} : memref<128x128xf32, #tpu.memory_space<vmem>>, vector<1x16xf32>,
        %swap3A_1383 = vector.shape_cast %swap3A_1382 : vector<1x16xf32> to vector<16xf32>
        %swap3A_1384 = vector.shape_cast %mul3A_1379 : vector<16xf32> to vector<1x16xf32>
        tpu.vector_store %arg11[%swap3A_1380, %swap3A_1381], %swap3A_1384 {strides = array<i32>} : memref<128x128xf32, #tpu.memory_space<vmem>>, vector<1x16xf32>,
        %slice3A_1385 = vector.extract_strided_slice %get3A_165 {offsets = [13], sizes = [1], strides = [1]} : vector<16xf32> to vector<1xf32>
        %squeeze3A_1386 = vector.extract %slice3A_1385[0] : f32 from vector<1xf32>
        %mul3A_1387 = arith.constant 16 : i32
        %mul3A_1388 = arith.muli %scan3A_159, %mul3A_1387 : i32
        %add3A_1389 = arith.constant 13 : i32
        %add3A_1390 = arith.addi %mul3A_1388, %add3A_1389 : i32
        %get3A_1391 = arith.index_cast %add3A_1390 : i32 to index
        %get3A_1392 = arith.constant 0 : index
        %get3A_1393 = tpu.vector_load %arg11[%get3A_1391, %get3A_1392] {strides = array<i32>} : memref<128x128xf32, #tpu.memory_space<vmem>>, vector<1x16xf32>,
        %get3A_1394 = vector.shape_cast %get3A_1393 : vector<1x16xf32> to vector<16xf32>
        %mul3A_1395 = vector.broadcast %squeeze3A_1386 : f32 to vector<16xf32>
        %mul3A_1396 = arith.mulf %get3A_1394, %mul3A_1395 : vector<16xf32>
        %swap3A_1397 = arith.index_cast %add3A_1390 : i32 to index
        %swap3A_1398 = arith.constant 0 : index
        %swap3A_1399 = tpu.vector_load %arg11[%swap3A_1397, %swap3A_1398] {strides = array<i32>} : memref<128x128xf32, #tpu.memory_space<vmem>>, vector<1x16xf32>,
        %swap3A_1400 = vector.shape_cast %swap3A_1399 : vector<1x16xf32> to vector<16xf32>
        %swap3A_1401 = vector.shape_cast %mul3A_1396 : vector<16xf32> to vector<1x16xf32>
        tpu.vector_store %arg11[%swap3A_1397, %swap3A_1398], %swap3A_1401 {strides = array<i32>} : memref<128x128xf32, #tpu.memory_space<vmem>>, vector<1x16xf32>,
        %get3A_1402 = arith.index_cast %add3A_1390 : i32 to index
        %get3A_1403 = arith.constant 16 : index
        %get3A_1404 = tpu.vector_load %arg11[%get3A_1402, %get3A_1403] {strides = array<i32>} : memref<128x128xf32, #tpu.memory_space<vmem>>, vector<1x16xf32>,
        %get3A_1405 = vector.shape_cast %get3A_1404 : vector<1x16xf32> to vector<16xf32>
        %mul3A_1406 = vector.broadcast %squeeze3A_1386 : f32 to vector<16xf32>
        %mul3A_1407 = arith.mulf %get3A_1405, %mul3A_1406 : vector<16xf32>
        %swap3A_1408 = arith.index_cast %add3A_1390 : i32 to index
        %swap3A_1409 = arith.constant 16 : index
        %swap3A_1410 = tpu.vector_load %arg11[%swap3A_1408, %swap3A_1409] {strides = array<i32>} : memref<128x128xf32, #tpu.memory_space<vmem>>, vector<1x16xf32>,
        %swap3A_1411 = vector.shape_cast %swap3A_1410 : vector<1x16xf32> to vector<16xf32>
        %swap3A_1412 = vector.shape_cast %mul3A_1407 : vector<16xf32> to vector<1x16xf32>
        tpu.vector_store %arg11[%swap3A_1408, %swap3A_1409], %swap3A_1412 {strides = array<i32>} : memref<128x128xf32, #tpu.memory_space<vmem>>, vector<1x16xf32>,
        %get3A_1413 = arith.index_cast %add3A_1390 : i32 to index
        %get3A_1414 = arith.constant 32 : index
        %get3A_1415 = tpu.vector_load %arg11[%get3A_1413, %get3A_1414] {strides = array<i32>} : memref<128x128xf32, #tpu.memory_space<vmem>>, vector<1x16xf32>,
        %get3A_1416 = vector.shape_cast %get3A_1415 : vector<1x16xf32> to vector<16xf32>
        %mul3A_1417 = vector.broadcast %squeeze3A_1386 : f32 to vector<16xf32>
        %mul3A_1418 = arith.mulf %get3A_1416, %mul3A_1417 : vector<16xf32>
        %swap3A_1419 = arith.index_cast %add3A_1390 : i32 to index
        %swap3A_1420 = arith.constant 32 : index
        %swap3A_1421 = tpu.vector_load %arg11[%swap3A_1419, %swap3A_1420] {strides = array<i32>} : memref<128x128xf32, #tpu.memory_space<vmem>>, vector<1x16xf32>,
        %swap3A_1422 = vector.shape_cast %swap3A_1421 : vector<1x16xf32> to vector<16xf32>
        %swap3A_1423 = vector.shape_cast %mul3A_1418 : vector<16xf32> to vector<1x16xf32>
        tpu.vector_store %arg11[%swap3A_1419, %swap3A_1420], %swap3A_1423 {strides = array<i32>} : memref<128x128xf32, #tpu.memory_space<vmem>>, vector<1x16xf32>,
        %get3A_1424 = arith.index_cast %add3A_1390 : i32 to index
        %get3A_1425 = arith.constant 48 : index
        %get3A_1426 = tpu.vector_load %arg11[%get3A_1424, %get3A_1425] {strides = array<i32>} : memref<128x128xf32, #tpu.memory_space<vmem>>, vector<1x16xf32>,
        %get3A_1427 = vector.shape_cast %get3A_1426 : vector<1x16xf32> to vector<16xf32>
        %mul3A_1428 = vector.broadcast %squeeze3A_1386 : f32 to vector<16xf32>
        %mul3A_1429 = arith.mulf %get3A_1427, %mul3A_1428 : vector<16xf32>
        %swap3A_1430 = arith.index_cast %add3A_1390 : i32 to index
        %swap3A_1431 = arith.constant 48 : index
        %swap3A_1432 = tpu.vector_load %arg11[%swap3A_1430, %swap3A_1431] {strides = array<i32>} : memref<128x128xf32, #tpu.memory_space<vmem>>, vector<1x16xf32>,
        %swap3A_1433 = vector.shape_cast %swap3A_1432 : vector<1x16xf32> to vector<16xf32>
        %swap3A_1434 = vector.shape_cast %mul3A_1429 : vector<16xf32> to vector<1x16xf32>
        tpu.vector_store %arg11[%swap3A_1430, %swap3A_1431], %swap3A_1434 {strides = array<i32>} : memref<128x128xf32, #tpu.memory_space<vmem>>, vector<1x16xf32>,
        %get3A_1435 = arith.index_cast %add3A_1390 : i32 to index
        %get3A_1436 = arith.constant 64 : index
        %get3A_1437 = tpu.vector_load %arg11[%get3A_1435, %get3A_1436] {strides = array<i32>} : memref<128x128xf32, #tpu.memory_space<vmem>>, vector<1x16xf32>,
        %get3A_1438 = vector.shape_cast %get3A_1437 : vector<1x16xf32> to vector<16xf32>
        %mul3A_1439 = vector.broadcast %squeeze3A_1386 : f32 to vector<16xf32>
        %mul3A_1440 = arith.mulf %get3A_1438, %mul3A_1439 : vector<16xf32>
        %swap3A_1441 = arith.index_cast %add3A_1390 : i32 to index
        %swap3A_1442 = arith.constant 64 : index
        %swap3A_1443 = tpu.vector_load %arg11[%swap3A_1441, %swap3A_1442] {strides = array<i32>} : memref<128x128xf32, #tpu.memory_space<vmem>>, vector<1x16xf32>,
        %swap3A_1444 = vector.shape_cast %swap3A_1443 : vector<1x16xf32> to vector<16xf32>
        %swap3A_1445 = vector.shape_cast %mul3A_1440 : vector<16xf32> to vector<1x16xf32>
        tpu.vector_store %arg11[%swap3A_1441, %swap3A_1442], %swap3A_1445 {strides = array<i32>} : memref<128x128xf32, #tpu.memory_space<vmem>>, vector<1x16xf32>,
        %get3A_1446 = arith.index_cast %add3A_1390 : i32 to index
        %get3A_1447 = arith.constant 80 : index
        %get3A_1448 = tpu.vector_load %arg11[%get3A_1446, %get3A_1447] {strides = array<i32>} : memref<128x128xf32, #tpu.memory_space<vmem>>, vector<1x16xf32>,
        %get3A_1449 = vector.shape_cast %get3A_1448 : vector<1x16xf32> to vector<16xf32>
        %mul3A_1450 = vector.broadcast %squeeze3A_1386 : f32 to vector<16xf32>
        %mul3A_1451 = arith.mulf %get3A_1449, %mul3A_1450 : vector<16xf32>
        %swap3A_1452 = arith.index_cast %add3A_1390 : i32 to index
        %swap3A_1453 = arith.constant 80 : index
        %swap3A_1454 = tpu.vector_load %arg11[%swap3A_1452, %swap3A_1453] {strides = array<i32>} : memref<128x128xf32, #tpu.memory_space<vmem>>, vector<1x16xf32>,
        %swap3A_1455 = vector.shape_cast %swap3A_1454 : vector<1x16xf32> to vector<16xf32>
        %swap3A_1456 = vector.shape_cast %mul3A_1451 : vector<16xf32> to vector<1x16xf32>
        tpu.vector_store %arg11[%swap3A_1452, %swap3A_1453], %swap3A_1456 {strides = array<i32>} : memref<128x128xf32, #tpu.memory_space<vmem>>, vector<1x16xf32>,
        %get3A_1457 = arith.index_cast %add3A_1390 : i32 to index
        %get3A_1458 = arith.constant 96 : index
        %get3A_1459 = tpu.vector_load %arg11[%get3A_1457, %get3A_1458] {strides = array<i32>} : memref<128x128xf32, #tpu.memory_space<vmem>>, vector<1x16xf32>,
        %get3A_1460 = vector.shape_cast %get3A_1459 : vector<1x16xf32> to vector<16xf32>
        %mul3A_1461 = vector.broadcast %squeeze3A_1386 : f32 to vector<16xf32>
        %mul3A_1462 = arith.mulf %get3A_1460, %mul3A_1461 : vector<16xf32>
        %swap3A_1463 = arith.index_cast %add3A_1390 : i32 to index
        %swap3A_1464 = arith.constant 96 : index
        %swap3A_1465 = tpu.vector_load %arg11[%swap3A_1463, %swap3A_1464] {strides = array<i32>} : memref<128x128xf32, #tpu.memory_space<vmem>>, vector<1x16xf32>,
        %swap3A_1466 = vector.shape_cast %swap3A_1465 : vector<1x16xf32> to vector<16xf32>
        %swap3A_1467 = vector.shape_cast %mul3A_1462 : vector<16xf32> to vector<1x16xf32>
        tpu.vector_store %arg11[%swap3A_1463, %swap3A_1464], %swap3A_1467 {strides = array<i32>} : memref<128x128xf32, #tpu.memory_space<vmem>>, vector<1x16xf32>,
        %get3A_1468 = arith.index_cast %add3A_1390 : i32 to index
        %get3A_1469 = arith.constant 112 : index
        %get3A_1470 = tpu.vector_load %arg11[%get3A_1468, %get3A_1469] {strides = array<i32>} : memref<128x128xf32, #tpu.memory_space<vmem>>, vector<1x16xf32>,
        %get3A_1471 = vector.shape_cast %get3A_1470 : vector<1x16xf32> to vector<16xf32>
        %mul3A_1472 = vector.broadcast %squeeze3A_1386 : f32 to vector<16xf32>
        %mul3A_1473 = arith.mulf %get3A_1471, %mul3A_1472 : vector<16xf32>
        %swap3A_1474 = arith.index_cast %add3A_1390 : i32 to index
        %swap3A_1475 = arith.constant 112 : index
        %swap3A_1476 = tpu.vector_load %arg11[%swap3A_1474, %swap3A_1475] {strides = array<i32>} : memref<128x128xf32, #tpu.memory_space<vmem>>, vector<1x16xf32>,
        %swap3A_1477 = vector.shape_cast %swap3A_1476 : vector<1x16xf32> to vector<16xf32>
        %swap3A_1478 = vector.shape_cast %mul3A_1473 : vector<16xf32> to vector<1x16xf32>
        tpu.vector_store %arg11[%swap3A_1474, %swap3A_1475], %swap3A_1478 {strides = array<i32>} : memref<128x128xf32, #tpu.memory_space<vmem>>, vector<1x16xf32>,
        %slice3A_1479 = vector.extract_strided_slice %get3A_165 {offsets = [14], sizes = [1], strides = [1]} : vector<16xf32> to vector<1xf32>
        %squeeze3A_1480 = vector.extract %slice3A_1479[0] : f32 from vector<1xf32>
        %mul3A_1481 = arith.constant 16 : i32
        %mul3A_1482 = arith.muli %scan3A_159, %mul3A_1481 : i32
        %add3A_1483 = arith.constant 14 : i32
        %add3A_1484 = arith.addi %mul3A_1482, %add3A_1483 : i32
        %get3A_1485 = arith.index_cast %add3A_1484 : i32 to index
        %get3A_1486 = arith.constant 0 : index
        %get3A_1487 = tpu.vector_load %arg11[%get3A_1485, %get3A_1486] {strides = array<i32>} : memref<128x128xf32, #tpu.memory_space<vmem>>, vector<1x16xf32>,
        %get3A_1488 = vector.shape_cast %get3A_1487 : vector<1x16xf32> to vector<16xf32>
        %mul3A_1489 = vector.broadcast %squeeze3A_1480 : f32 to vector<16xf32>
        %mul3A_1490 = arith.mulf %get3A_1488, %mul3A_1489 : vector<16xf32>
        %swap3A_1491 = arith.index_cast %add3A_1484 : i32 to index
        %swap3A_1492 = arith.constant 0 : index
        %swap3A_1493 = tpu.vector_load %arg11[%swap3A_1491, %swap3A_1492] {strides = array<i32>} : memref<128x128xf32, #tpu.memory_space<vmem>>, vector<1x16xf32>,
        %swap3A_1494 = vector.shape_cast %swap3A_1493 : vector<1x16xf32> to vector<16xf32>
        %swap3A_1495 = vector.shape_cast %mul3A_1490 : vector<16xf32> to vector<1x16xf32>
        tpu.vector_store %arg11[%swap3A_1491, %swap3A_1492], %swap3A_1495 {strides = array<i32>} : memref<128x128xf32, #tpu.memory_space<vmem>>, vector<1x16xf32>,
        %get3A_1496 = arith.index_cast %add3A_1484 : i32 to index
        %get3A_1497 = arith.constant 16 : index
        %get3A_1498 = tpu.vector_load %arg11[%get3A_1496, %get3A_1497] {strides = array<i32>} : memref<128x128xf32, #tpu.memory_space<vmem>>, vector<1x16xf32>,
        %get3A_1499 = vector.shape_cast %get3A_1498 : vector<1x16xf32> to vector<16xf32>
        %mul3A_1500 = vector.broadcast %squeeze3A_1480 : f32 to vector<16xf32>
        %mul3A_1501 = arith.mulf %get3A_1499, %mul3A_1500 : vector<16xf32>
        %swap3A_1502 = arith.index_cast %add3A_1484 : i32 to index
        %swap3A_1503 = arith.constant 16 : index
        %swap3A_1504 = tpu.vector_load %arg11[%swap3A_1502, %swap3A_1503] {strides = array<i32>} : memref<128x128xf32, #tpu.memory_space<vmem>>, vector<1x16xf32>,
        %swap3A_1505 = vector.shape_cast %swap3A_1504 : vector<1x16xf32> to vector<16xf32>
        %swap3A_1506 = vector.shape_cast %mul3A_1501 : vector<16xf32> to vector<1x16xf32>
        tpu.vector_store %arg11[%swap3A_1502, %swap3A_1503], %swap3A_1506 {strides = array<i32>} : memref<128x128xf32, #tpu.memory_space<vmem>>, vector<1x16xf32>,
        %get3A_1507 = arith.index_cast %add3A_1484 : i32 to index
        %get3A_1508 = arith.constant 32 : index
        %get3A_1509 = tpu.vector_load %arg11[%get3A_1507, %get3A_1508] {strides = array<i32>} : memref<128x128xf32, #tpu.memory_space<vmem>>, vector<1x16xf32>,
        %get3A_1510 = vector.shape_cast %get3A_1509 : vector<1x16xf32> to vector<16xf32>
        %mul3A_1511 = vector.broadcast %squeeze3A_1480 : f32 to vector<16xf32>
        %mul3A_1512 = arith.mulf %get3A_1510, %mul3A_1511 : vector<16xf32>
        %swap3A_1513 = arith.index_cast %add3A_1484 : i32 to index
        %swap3A_1514 = arith.constant 32 : index
        %swap3A_1515 = tpu.vector_load %arg11[%swap3A_1513, %swap3A_1514] {strides = array<i32>} : memref<128x128xf32, #tpu.memory_space<vmem>>, vector<1x16xf32>,
        %swap3A_1516 = vector.shape_cast %swap3A_1515 : vector<1x16xf32> to vector<16xf32>
        %swap3A_1517 = vector.shape_cast %mul3A_1512 : vector<16xf32> to vector<1x16xf32>
        tpu.vector_store %arg11[%swap3A_1513, %swap3A_1514], %swap3A_1517 {strides = array<i32>} : memref<128x128xf32, #tpu.memory_space<vmem>>, vector<1x16xf32>,
        %get3A_1518 = arith.index_cast %add3A_1484 : i32 to index
        %get3A_1519 = arith.constant 48 : index
        %get3A_1520 = tpu.vector_load %arg11[%get3A_1518, %get3A_1519] {strides = array<i32>} : memref<128x128xf32, #tpu.memory_space<vmem>>, vector<1x16xf32>,
        %get3A_1521 = vector.shape_cast %get3A_1520 : vector<1x16xf32> to vector<16xf32>
        %mul3A_1522 = vector.broadcast %squeeze3A_1480 : f32 to vector<16xf32>
        %mul3A_1523 = arith.mulf %get3A_1521, %mul3A_1522 : vector<16xf32>
        %swap3A_1524 = arith.index_cast %add3A_1484 : i32 to index
        %swap3A_1525 = arith.constant 48 : index
        %swap3A_1526 = tpu.vector_load %arg11[%swap3A_1524, %swap3A_1525] {strides = array<i32>} : memref<128x128xf32, #tpu.memory_space<vmem>>, vector<1x16xf32>,
        %swap3A_1527 = vector.shape_cast %swap3A_1526 : vector<1x16xf32> to vector<16xf32>
        %swap3A_1528 = vector.shape_cast %mul3A_1523 : vector<16xf32> to vector<1x16xf32>
        tpu.vector_store %arg11[%swap3A_1524, %swap3A_1525], %swap3A_1528 {strides = array<i32>} : memref<128x128xf32, #tpu.memory_space<vmem>>, vector<1x16xf32>,
        %get3A_1529 = arith.index_cast %add3A_1484 : i32 to index
        %get3A_1530 = arith.constant 64 : index
        %get3A_1531 = tpu.vector_load %arg11[%get3A_1529, %get3A_1530] {strides = array<i32>} : memref<128x128xf32, #tpu.memory_space<vmem>>, vector<1x16xf32>,
        %get3A_1532 = vector.shape_cast %get3A_1531 : vector<1x16xf32> to vector<16xf32>
        %mul3A_1533 = vector.broadcast %squeeze3A_1480 : f32 to vector<16xf32>
        %mul3A_1534 = arith.mulf %get3A_1532, %mul3A_1533 : vector<16xf32>
        %swap3A_1535 = arith.index_cast %add3A_1484 : i32 to index
        %swap3A_1536 = arith.constant 64 : index
        %swap3A_1537 = tpu.vector_load %arg11[%swap3A_1535, %swap3A_1536] {strides = array<i32>} : memref<128x128xf32, #tpu.memory_space<vmem>>, vector<1x16xf32>,
        %swap3A_1538 = vector.shape_cast %swap3A_1537 : vector<1x16xf32> to vector<16xf32>
        %swap3A_1539 = vector.shape_cast %mul3A_1534 : vector<16xf32> to vector<1x16xf32>
        tpu.vector_store %arg11[%swap3A_1535, %swap3A_1536], %swap3A_1539 {strides = array<i32>} : memref<128x128xf32, #tpu.memory_space<vmem>>, vector<1x16xf32>,
        %get3A_1540 = arith.index_cast %add3A_1484 : i32 to index
        %get3A_1541 = arith.constant 80 : index
        %get3A_1542 = tpu.vector_load %arg11[%get3A_1540, %get3A_1541] {strides = array<i32>} : memref<128x128xf32, #tpu.memory_space<vmem>>, vector<1x16xf32>,
        %get3A_1543 = vector.shape_cast %get3A_1542 : vector<1x16xf32> to vector<16xf32>
        %mul3A_1544 = vector.broadcast %squeeze3A_1480 : f32 to vector<16xf32>
        %mul3A_1545 = arith.mulf %get3A_1543, %mul3A_1544 : vector<16xf32>
        %swap3A_1546 = arith.index_cast %add3A_1484 : i32 to index
        %swap3A_1547 = arith.constant 80 : index
        %swap3A_1548 = tpu.vector_load %arg11[%swap3A_1546, %swap3A_1547] {strides = array<i32>} : memref<128x128xf32, #tpu.memory_space<vmem>>, vector<1x16xf32>,
        %swap3A_1549 = vector.shape_cast %swap3A_1548 : vector<1x16xf32> to vector<16xf32>
        %swap3A_1550 = vector.shape_cast %mul3A_1545 : vector<16xf32> to vector<1x16xf32>
        tpu.vector_store %arg11[%swap3A_1546, %swap3A_1547], %swap3A_1550 {strides = array<i32>} : memref<128x128xf32, #tpu.memory_space<vmem>>, vector<1x16xf32>,
        %get3A_1551 = arith.index_cast %add3A_1484 : i32 to index
        %get3A_1552 = arith.constant 96 : index
        %get3A_1553 = tpu.vector_load %arg11[%get3A_1551, %get3A_1552] {strides = array<i32>} : memref<128x128xf32, #tpu.memory_space<vmem>>, vector<1x16xf32>,
        %get3A_1554 = vector.shape_cast %get3A_1553 : vector<1x16xf32> to vector<16xf32>
        %mul3A_1555 = vector.broadcast %squeeze3A_1480 : f32 to vector<16xf32>
        %mul3A_1556 = arith.mulf %get3A_1554, %mul3A_1555 : vector<16xf32>
        %swap3A_1557 = arith.index_cast %add3A_1484 : i32 to index
        %swap3A_1558 = arith.constant 96 : index
        %swap3A_1559 = tpu.vector_load %arg11[%swap3A_1557, %swap3A_1558] {strides = array<i32>} : memref<128x128xf32, #tpu.memory_space<vmem>>, vector<1x16xf32>,
        %swap3A_1560 = vector.shape_cast %swap3A_1559 : vector<1x16xf32> to vector<16xf32>
        %swap3A_1561 = vector.shape_cast %mul3A_1556 : vector<16xf32> to vector<1x16xf32>
        tpu.vector_store %arg11[%swap3A_1557, %swap3A_1558], %swap3A_1561 {strides = array<i32>} : memref<128x128xf32, #tpu.memory_space<vmem>>, vector<1x16xf32>,
        %get3A_1562 = arith.index_cast %add3A_1484 : i32 to index
        %get3A_1563 = arith.constant 112 : index
        %get3A_1564 = tpu.vector_load %arg11[%get3A_1562, %get3A_1563] {strides = array<i32>} : memref<128x128xf32, #tpu.memory_space<vmem>>, vector<1x16xf32>,
        %get3A_1565 = vector.shape_cast %get3A_1564 : vector<1x16xf32> to vector<16xf32>
        %mul3A_1566 = vector.broadcast %squeeze3A_1480 : f32 to vector<16xf32>
        %mul3A_1567 = arith.mulf %get3A_1565, %mul3A_1566 : vector<16xf32>
        %swap3A_1568 = arith.index_cast %add3A_1484 : i32 to index
        %swap3A_1569 = arith.constant 112 : index
        %swap3A_1570 = tpu.vector_load %arg11[%swap3A_1568, %swap3A_1569] {strides = array<i32>} : memref<128x128xf32, #tpu.memory_space<vmem>>, vector<1x16xf32>,
        %swap3A_1571 = vector.shape_cast %swap3A_1570 : vector<1x16xf32> to vector<16xf32>
        %swap3A_1572 = vector.shape_cast %mul3A_1567 : vector<16xf32> to vector<1x16xf32>
        tpu.vector_store %arg11[%swap3A_1568, %swap3A_1569], %swap3A_1572 {strides = array<i32>} : memref<128x128xf32, #tpu.memory_space<vmem>>, vector<1x16xf32>,
        %slice3A_1573 = vector.extract_strided_slice %get3A_165 {offsets = [15], sizes = [1], strides = [1]} : vector<16xf32> to vector<1xf32>
        %squeeze3A_1574 = vector.extract %slice3A_1573[0] : f32 from vector<1xf32>
        %mul3A_1575 = arith.constant 16 : i32
        %mul3A_1576 = arith.muli %scan3A_159, %mul3A_1575 : i32
        %add3A_1577 = arith.constant 15 : i32
        %add3A_1578 = arith.addi %mul3A_1576, %add3A_1577 : i32
        %get3A_1579 = arith.index_cast %add3A_1578 : i32 to index
        %get3A_1580 = arith.constant 0 : index
        %get3A_1581 = tpu.vector_load %arg11[%get3A_1579, %get3A_1580] {strides = array<i32>} : memref<128x128xf32, #tpu.memory_space<vmem>>, vector<1x16xf32>,
        %get3A_1582 = vector.shape_cast %get3A_1581 : vector<1x16xf32> to vector<16xf32>
        %mul3A_1583 = vector.broadcast %squeeze3A_1574 : f32 to vector<16xf32>
        %mul3A_1584 = arith.mulf %get3A_1582, %mul3A_1583 : vector<16xf32>
        %swap3A_1585 = arith.index_cast %add3A_1578 : i32 to index
        %swap3A_1586 = arith.constant 0 : index
        %swap3A_1587 = tpu.vector_load %arg11[%swap3A_1585, %swap3A_1586] {strides = array<i32>} : memref<128x128xf32, #tpu.memory_space<vmem>>, vector<1x16xf32>,
        %swap3A_1588 = vector.shape_cast %swap3A_1587 : vector<1x16xf32> to vector<16xf32>
        %swap3A_1589 = vector.shape_cast %mul3A_1584 : vector<16xf32> to vector<1x16xf32>
        tpu.vector_store %arg11[%swap3A_1585, %swap3A_1586], %swap3A_1589 {strides = array<i32>} : memref<128x128xf32, #tpu.memory_space<vmem>>, vector<1x16xf32>,
        %get3A_1590 = arith.index_cast %add3A_1578 : i32 to index
        %get3A_1591 = arith.constant 16 : index
        %get3A_1592 = tpu.vector_load %arg11[%get3A_1590, %get3A_1591] {strides = array<i32>} : memref<128x128xf32, #tpu.memory_space<vmem>>, vector<1x16xf32>,
        %get3A_1593 = vector.shape_cast %get3A_1592 : vector<1x16xf32> to vector<16xf32>
        %mul3A_1594 = vector.broadcast %squeeze3A_1574 : f32 to vector<16xf32>
        %mul3A_1595 = arith.mulf %get3A_1593, %mul3A_1594 : vector<16xf32>
        %swap3A_1596 = arith.index_cast %add3A_1578 : i32 to index
        %swap3A_1597 = arith.constant 16 : index
        %swap3A_1598 = tpu.vector_load %arg11[%swap3A_1596, %swap3A_1597] {strides = array<i32>} : memref<128x128xf32, #tpu.memory_space<vmem>>, vector<1x16xf32>,
        %swap3A_1599 = vector.shape_cast %swap3A_1598 : vector<1x16xf32> to vector<16xf32>
        %swap3A_1600 = vector.shape_cast %mul3A_1595 : vector<16xf32> to vector<1x16xf32>
        tpu.vector_store %arg11[%swap3A_1596, %swap3A_1597], %swap3A_1600 {strides = array<i32>} : memref<128x128xf32, #tpu.memory_space<vmem>>, vector<1x16xf32>,
        %get3A_1601 = arith.index_cast %add3A_1578 : i32 to index
        %get3A_1602 = arith.constant 32 : index
        %get3A_1603 = tpu.vector_load %arg11[%get3A_1601, %get3A_1602] {strides = array<i32>} : memref<128x128xf32, #tpu.memory_space<vmem>>, vector<1x16xf32>,
        %get3A_1604 = vector.shape_cast %get3A_1603 : vector<1x16xf32> to vector<16xf32>
        %mul3A_1605 = vector.broadcast %squeeze3A_1574 : f32 to vector<16xf32>
        %mul3A_1606 = arith.mulf %get3A_1604, %mul3A_1605 : vector<16xf32>
        %swap3A_1607 = arith.index_cast %add3A_1578 : i32 to index
        %swap3A_1608 = arith.constant 32 : index
        %swap3A_1609 = tpu.vector_load %arg11[%swap3A_1607, %swap3A_1608] {strides = array<i32>} : memref<128x128xf32, #tpu.memory_space<vmem>>, vector<1x16xf32>,
        %swap3A_1610 = vector.shape_cast %swap3A_1609 : vector<1x16xf32> to vector<16xf32>
        %swap3A_1611 = vector.shape_cast %mul3A_1606 : vector<16xf32> to vector<1x16xf32>
        tpu.vector_store %arg11[%swap3A_1607, %swap3A_1608], %swap3A_1611 {strides = array<i32>} : memref<128x128xf32, #tpu.memory_space<vmem>>, vector<1x16xf32>,
        %get3A_1612 = arith.index_cast %add3A_1578 : i32 to index
        %get3A_1613 = arith.constant 48 : index
        %get3A_1614 = tpu.vector_load %arg11[%get3A_1612, %get3A_1613] {strides = array<i32>} : memref<128x128xf32, #tpu.memory_space<vmem>>, vector<1x16xf32>,
        %get3A_1615 = vector.shape_cast %get3A_1614 : vector<1x16xf32> to vector<16xf32>
        %mul3A_1616 = vector.broadcast %squeeze3A_1574 : f32 to vector<16xf32>
        %mul3A_1617 = arith.mulf %get3A_1615, %mul3A_1616 : vector<16xf32>
        %swap3A_1618 = arith.index_cast %add3A_1578 : i32 to index
        %swap3A_1619 = arith.constant 48 : index
        %swap3A_1620 = tpu.vector_load %arg11[%swap3A_1618, %swap3A_1619] {strides = array<i32>} : memref<128x128xf32, #tpu.memory_space<vmem>>, vector<1x16xf32>,
        %swap3A_1621 = vector.shape_cast %swap3A_1620 : vector<1x16xf32> to vector<16xf32>
        %swap3A_1622 = vector.shape_cast %mul3A_1617 : vector<16xf32> to vector<1x16xf32>
        tpu.vector_store %arg11[%swap3A_1618, %swap3A_1619], %swap3A_1622 {strides = array<i32>} : memref<128x128xf32, #tpu.memory_space<vmem>>, vector<1x16xf32>,
        %get3A_1623 = arith.index_cast %add3A_1578 : i32 to index
        %get3A_1624 = arith.constant 64 : index
        %get3A_1625 = tpu.vector_load %arg11[%get3A_1623, %get3A_1624] {strides = array<i32>} : memref<128x128xf32, #tpu.memory_space<vmem>>, vector<1x16xf32>,
        %get3A_1626 = vector.shape_cast %get3A_1625 : vector<1x16xf32> to vector<16xf32>
        %mul3A_1627 = vector.broadcast %squeeze3A_1574 : f32 to vector<16xf32>
        %mul3A_1628 = arith.mulf %get3A_1626, %mul3A_1627 : vector<16xf32>
        %swap3A_1629 = arith.index_cast %add3A_1578 : i32 to index
        %swap3A_1630 = arith.constant 64 : index
        %swap3A_1631 = tpu.vector_load %arg11[%swap3A_1629, %swap3A_1630] {strides = array<i32>} : memref<128x128xf32, #tpu.memory_space<vmem>>, vector<1x16xf32>,
        %swap3A_1632 = vector.shape_cast %swap3A_1631 : vector<1x16xf32> to vector<16xf32>
        %swap3A_1633 = vector.shape_cast %mul3A_1628 : vector<16xf32> to vector<1x16xf32>
        tpu.vector_store %arg11[%swap3A_1629, %swap3A_1630], %swap3A_1633 {strides = array<i32>} : memref<128x128xf32, #tpu.memory_space<vmem>>, vector<1x16xf32>,
        %get3A_1634 = arith.index_cast %add3A_1578 : i32 to index
        %get3A_1635 = arith.constant 80 : index
        %get3A_1636 = tpu.vector_load %arg11[%get3A_1634, %get3A_1635] {strides = array<i32>} : memref<128x128xf32, #tpu.memory_space<vmem>>, vector<1x16xf32>,
        %get3A_1637 = vector.shape_cast %get3A_1636 : vector<1x16xf32> to vector<16xf32>
        %mul3A_1638 = vector.broadcast %squeeze3A_1574 : f32 to vector<16xf32>
        %mul3A_1639 = arith.mulf %get3A_1637, %mul3A_1638 : vector<16xf32>
        %swap3A_1640 = arith.index_cast %add3A_1578 : i32 to index
        %swap3A_1641 = arith.constant 80 : index
        %swap3A_1642 = tpu.vector_load %arg11[%swap3A_1640, %swap3A_1641] {strides = array<i32>} : memref<128x128xf32, #tpu.memory_space<vmem>>, vector<1x16xf32>,
        %swap3A_1643 = vector.shape_cast %swap3A_1642 : vector<1x16xf32> to vector<16xf32>
        %swap3A_1644 = vector.shape_cast %mul3A_1639 : vector<16xf32> to vector<1x16xf32>
        tpu.vector_store %arg11[%swap3A_1640, %swap3A_1641], %swap3A_1644 {strides = array<i32>} : memref<128x128xf32, #tpu.memory_space<vmem>>, vector<1x16xf32>,
        %get3A_1645 = arith.index_cast %add3A_1578 : i32 to index
        %get3A_1646 = arith.constant 96 : index
        %get3A_1647 = tpu.vector_load %arg11[%get3A_1645, %get3A_1646] {strides = array<i32>} : memref<128x128xf32, #tpu.memory_space<vmem>>, vector<1x16xf32>,
        %get3A_1648 = vector.shape_cast %get3A_1647 : vector<1x16xf32> to vector<16xf32>
        %mul3A_1649 = vector.broadcast %squeeze3A_1574 : f32 to vector<16xf32>
        %mul3A_1650 = arith.mulf %get3A_1648, %mul3A_1649 : vector<16xf32>
        %swap3A_1651 = arith.index_cast %add3A_1578 : i32 to index
        %swap3A_1652 = arith.constant 96 : index
        %swap3A_1653 = tpu.vector_load %arg11[%swap3A_1651, %swap3A_1652] {strides = array<i32>} : memref<128x128xf32, #tpu.memory_space<vmem>>, vector<1x16xf32>,
        %swap3A_1654 = vector.shape_cast %swap3A_1653 : vector<1x16xf32> to vector<16xf32>
        %swap3A_1655 = vector.shape_cast %mul3A_1650 : vector<16xf32> to vector<1x16xf32>
        tpu.vector_store %arg11[%swap3A_1651, %swap3A_1652], %swap3A_1655 {strides = array<i32>} : memref<128x128xf32, #tpu.memory_space<vmem>>, vector<1x16xf32>,
        %get3A_1656 = arith.index_cast %add3A_1578 : i32 to index
        %get3A_1657 = arith.constant 112 : index
        %get3A_1658 = tpu.vector_load %arg11[%get3A_1656, %get3A_1657] {strides = array<i32>} : memref<128x128xf32, #tpu.memory_space<vmem>>, vector<1x16xf32>,
        %get3A_1659 = vector.shape_cast %get3A_1658 : vector<1x16xf32> to vector<16xf32>
        %mul3A_1660 = vector.broadcast %squeeze3A_1574 : f32 to vector<16xf32>
        %mul3A_1661 = arith.mulf %get3A_1659, %mul3A_1660 : vector<16xf32>
        %swap3A_1662 = arith.index_cast %add3A_1578 : i32 to index
        %swap3A_1663 = arith.constant 112 : index
        %swap3A_1664 = tpu.vector_load %arg11[%swap3A_1662, %swap3A_1663] {strides = array<i32>} : memref<128x128xf32, #tpu.memory_space<vmem>>, vector<1x16xf32>,
        %swap3A_1665 = vector.shape_cast %swap3A_1664 : vector<1x16xf32> to vector<16xf32>
        %swap3A_1666 = vector.shape_cast %mul3A_1661 : vector<16xf32> to vector<1x16xf32>
        tpu.vector_store %arg11[%swap3A_1662, %swap3A_1663], %swap3A_1666 {strides = array<i32>} : memref<128x128xf32, #tpu.memory_space<vmem>>, vector<1x16xf32>,
        %scan3A_1667 = arith.constant 0 : i32
        scf.yield %scan3A_1667 : i32
      }
      %scan3A_141 = arith.constant 8 : i32
      %dma_start3A_142 = arith.constant 0 : i32
      %dma_start3A_143 = tpu.memref_slice %arg8[%rem3A_106, %dma_start3A_142] : memref<16x128xi32, #tpu.memory_space<vmem>> -> memref<1x128xi32, #tpu.memory_space<vmem>>
      %dma_start3A_144 = tpu.memref_squeeze %dma_start3A_143 : memref<1x128xi32, #tpu.memory_space<vmem>> -> memref<128xi32, #tpu.memory_space<vmem>>
      %dma_start3A_145 = arith.constant 0 : i32
      %dma_start3A_146 = arith.constant 0 : i32
      %dma_start3A_147 = tpu.memref_slice %arg12[%dma_start3A_145, %dma_start3A_146] : memref<10240x128xf32, #tpu.memory_space<vmem_shared>> -> memref<10240x128xf32, #tpu.memory_space<vmem_shared>>
      tpu.enqueue_indirect_dma source(%arg11 : memref<128x128xf32, #tpu.memory_space<vmem>>) target(%dma_start3A_147 : memref<10240x128xf32, #tpu.memory_space<vmem_shared>>) offsets(%dma_start3A_144 : memref<128xi32, #tpu.memory_space<vmem>>) semaphore(%arg16 : memref<!tpu.dma_semaphore, #tpu.memory_space<semaphore_mem>>) {add = true}
      %add3A_148 = arith.constant 1 : i32
      %add3A_149 = arith.addi %add3A_104, %add3A_148 : i32
      %lt3A_150 = arith.constant 96 : i32
      %lt3A_151 = arith.cmpi slt, %add3A_149, %lt3A_150 : i32
      %eq3A_152 = arith.constant 0 : i32
      %eq3A_153 = arith.cmpi eq, %rem3A_110, %eq3A_152 : i32
      %and3A_154 = arith.andi %lt3A_151, %eq3A_153 : i1
      %convert_element_type3A_155 = arith.extui %and3A_154 : i1 to i32
      %cond3A_156 = arith.constant 0 : i32
      %cond3A_157 = arith.cmpi ne, %convert_element_type3A_155, %cond3A_156 : i32
      scf.if %cond3A_157 {
        %dma_wait3A_159 = arith.constant 0 : i32
        %dma_wait3A_160 = tpu.memref_slice %arg8[%rem3A_106, %dma_wait3A_159] : memref<16x128xi32, #tpu.memory_space<vmem>> -> memref<1x128xi32, #tpu.memory_space<vmem>>
        %dma_wait3A_161 = tpu.memref_squeeze %dma_wait3A_160 : memref<1x128xi32, #tpu.memory_space<vmem>> -> memref<128xi32, #tpu.memory_space<vmem>>
        %dma_wait3A_162 = arith.constant 0 : i32
        %dma_wait3A_163 = arith.constant 0 : i32
        %dma_wait3A_164 = tpu.memref_slice %arg12[%dma_wait3A_162, %dma_wait3A_163] : memref<10240x128xf32, #tpu.memory_space<vmem_shared>> -> memref<10240x128xf32, #tpu.memory_space<vmem_shared>>
        tpu.wait_indirect_dma semaphore(%arg16 : memref<!tpu.dma_semaphore, #tpu.memory_space<semaphore_mem>>) src(%arg11 : memref<128x128xf32, #tpu.memory_space<vmem>>) dst(%dma_wait3A_164 : memref<10240x128xf32, #tpu.memory_space<vmem_shared>>)
        %add3A_165 = arith.constant 1 : i32
        %add3A_166 = arith.addi %add3A_104, %add3A_165 : i32
        %multiple_of3A_167 = tpu.assume_multiple %add3A_166, 16 : i32
        "tpu.region"() ({
          %run_scoped3A = tpu.sem_alloc : memref<!tpu.dma_semaphore, #tpu.memory_space<semaphore_mem>>
          %dma_start3A_175 = arith.constant 0 : i32
          %dma_start3A_176 = tpu.memref_slice %arg3[%add3A, %multiple_of3A_167, %dma_start3A_175] : memref<32x96x128xi32, #tpu.memory_space<hbm>> -> memref<1x16x128xi32, #tpu.memory_space<hbm>>
          %dma_start3A_177 = tpu.memref_squeeze %dma_start3A_176 : memref<1x16x128xi32, #tpu.memory_space<hbm>> -> memref<16x128xi32, #tpu.memory_space<hbm>>
          %dma_start3A_178 = arith.constant 0 : i32
          %dma_start3A_179 = tpu.memref_slice %arg3[%add3A, %multiple_of3A_167, %dma_start3A_178] : memref<32x96x128xi32, #tpu.memory_space<hbm>> -> memref<1x16x128xi32, #tpu.memory_space<hbm>>
          %dma_start3A_180 = tpu.memref_squeeze %dma_start3A_179 : memref<1x16x128xi32, #tpu.memory_space<hbm>> -> memref<16x128xi32, #tpu.memory_space<hbm>>
          tpu.enqueue_dma source(%dma_start3A_180 : memref<16x128xi32, #tpu.memory_space<hbm>>) target(%arg7 : memref<16x128xi32, #tpu.memory_space<vmem>>) target_semaphore(%run_scoped3A : memref<!tpu.dma_semaphore, #tpu.memory_space<semaphore_mem>>)
          %dma_wait3A_181 = arith.constant 0 : i32
          %dma_wait3A_182 = tpu.memref_slice %arg3[%add3A, %multiple_of3A_167, %dma_wait3A_181] : memref<32x96x128xi32, #tpu.memory_space<hbm>> -> memref<1x16x128xi32, #tpu.memory_space<hbm>>
          %dma_wait3A_183 = tpu.memref_squeeze %dma_wait3A_182 : memref<1x16x128xi32, #tpu.memory_space<hbm>> -> memref<16x128xi32, #tpu.memory_space<hbm>>
          %dma_wait3A_184 = arith.constant 0 : i32
          %dma_wait3A_185 = tpu.memref_slice %arg3[%add3A, %multiple_of3A_167, %dma_wait3A_184] : memref<32x96x128xi32, #tpu.memory_space<hbm>> -> memref<1x16x128xi32, #tpu.memory_space<hbm>>
          %dma_wait3A_186 = tpu.memref_squeeze %dma_wait3A_185 : memref<1x16x128xi32, #tpu.memory_space<hbm>> -> memref<16x128xi32, #tpu.memory_space<hbm>>
          tpu.wait_dma2 semaphore(%run_scoped3A : memref<!tpu.dma_semaphore, #tpu.memory_space<semaphore_mem>>) src(%dma_wait3A_186 : memref<16x128xi32, #tpu.memory_space<hbm>>) dst(%arg7 : memref<16x128xi32, #tpu.memory_space<vmem>>)
          tpu.yield
        }) : () -> ()
        "tpu.region"() ({
          %run_scoped3A = tpu.sem_alloc : memref<!tpu.dma_semaphore, #tpu.memory_space<semaphore_mem>>
          %dma_start3A_175 = arith.constant 0 : i32
          %dma_start3A_176 = tpu.memref_slice %arg4[%add3A, %multiple_of3A_167, %dma_start3A_175] : memref<32x96x128xi32, #tpu.memory_space<hbm>> -> memref<1x16x128xi32, #tpu.memory_space<hbm>>
          %dma_start3A_177 = tpu.memref_squeeze %dma_start3A_176 : memref<1x16x128xi32, #tpu.memory_space<hbm>> -> memref<16x128xi32, #tpu.memory_space<hbm>>
          %dma_start3A_178 = arith.constant 0 : i32
          %dma_start3A_179 = tpu.memref_slice %arg4[%add3A, %multiple_of3A_167, %dma_start3A_178] : memref<32x96x128xi32, #tpu.memory_space<hbm>> -> memref<1x16x128xi32, #tpu.memory_space<hbm>>
          %dma_start3A_180 = tpu.memref_squeeze %dma_start3A_179 : memref<1x16x128xi32, #tpu.memory_space<hbm>> -> memref<16x128xi32, #tpu.memory_space<hbm>>
          tpu.enqueue_dma source(%dma_start3A_180 : memref<16x128xi32, #tpu.memory_space<hbm>>) target(%arg8 : memref<16x128xi32, #tpu.memory_space<vmem>>) target_semaphore(%run_scoped3A : memref<!tpu.dma_semaphore, #tpu.memory_space<semaphore_mem>>)
          %dma_wait3A_181 = arith.constant 0 : i32
          %dma_wait3A_182 = tpu.memref_slice %arg4[%add3A, %multiple_of3A_167, %dma_wait3A_181] : memref<32x96x128xi32, #tpu.memory_space<hbm>> -> memref<1x16x128xi32, #tpu.memory_space<hbm>>
          %dma_wait3A_183 = tpu.memref_squeeze %dma_wait3A_182 : memref<1x16x128xi32, #tpu.memory_space<hbm>> -> memref<16x128xi32, #tpu.memory_space<hbm>>
          %dma_wait3A_184 = arith.constant 0 : i32
          %dma_wait3A_185 = tpu.memref_slice %arg4[%add3A, %multiple_of3A_167, %dma_wait3A_184] : memref<32x96x128xi32, #tpu.memory_space<hbm>> -> memref<1x16x128xi32, #tpu.memory_space<hbm>>
          %dma_wait3A_186 = tpu.memref_squeeze %dma_wait3A_185 : memref<1x16x128xi32, #tpu.memory_space<hbm>> -> memref<16x128xi32, #tpu.memory_space<hbm>>
          tpu.wait_dma2 semaphore(%run_scoped3A : memref<!tpu.dma_semaphore, #tpu.memory_space<semaphore_mem>>) src(%dma_wait3A_186 : memref<16x128xi32, #tpu.memory_space<hbm>>) dst(%arg8 : memref<16x128xi32, #tpu.memory_space<vmem>>)
          tpu.yield
        }) : () -> ()
        "tpu.region"() ({
          %run_scoped3A = tpu.sem_alloc : memref<!tpu.dma_semaphore, #tpu.memory_space<semaphore_mem>>
          %dma_start3A_175 = arith.constant 0 : i32
          %dma_start3A_176 = tpu.memref_slice %arg5[%add3A, %multiple_of3A_167, %dma_start3A_175] : memref<32x96x128xf32, #tpu.memory_space<hbm>> -> memref<1x16x128xf32, #tpu.memory_space<hbm>>
          %dma_start3A_177 = tpu.memref_squeeze %dma_start3A_176 : memref<1x16x128xf32, #tpu.memory_space<hbm>> -> memref<16x128xf32, #tpu.memory_space<hbm>>
          %dma_start3A_178 = arith.constant 0 : i32
          %dma_start3A_179 = tpu.memref_slice %arg5[%add3A, %multiple_of3A_167, %dma_start3A_178] : memref<32x96x128xf32, #tpu.memory_space<hbm>> -> memref<1x16x128xf32, #tpu.memory_space<hbm>>
          %dma_start3A_180 = tpu.memref_squeeze %dma_start3A_179 : memref<1x16x128xf32, #tpu.memory_space<hbm>> -> memref<16x128xf32, #tpu.memory_space<hbm>>
          tpu.enqueue_dma source(%dma_start3A_180 : memref<16x128xf32, #tpu.memory_space<hbm>>) target(%arg9 : memref<16x128xf32, #tpu.memory_space<vmem>>) target_semaphore(%run_scoped3A : memref<!tpu.dma_semaphore, #tpu.memory_space<semaphore_mem>>)
          %dma_wait3A_181 = arith.constant 0 : i32
          %dma_wait3A_182 = tpu.memref_slice %arg5[%add3A, %multiple_of3A_167, %dma_wait3A_181] : memref<32x96x128xf32, #tpu.memory_space<hbm>> -> memref<1x16x128xf32, #tpu.memory_space<hbm>>
          %dma_wait3A_183 = tpu.memref_squeeze %dma_wait3A_182 : memref<1x16x128xf32, #tpu.memory_space<hbm>> -> memref<16x128xf32, #tpu.memory_space<hbm>>
          %dma_wait3A_184 = arith.constant 0 : i32
          %dma_wait3A_185 = tpu.memref_slice %arg5[%add3A, %multiple_of3A_167, %dma_wait3A_184] : memref<32x96x128xf32, #tpu.memory_space<hbm>> -> memref<1x16x128xf32, #tpu.memory_space<hbm>>
          %dma_wait3A_186 = tpu.memref_squeeze %dma_wait3A_185 : memref<1x16x128xf32, #tpu.memory_space<hbm>> -> memref<16x128xf32, #tpu.memory_space<hbm>>
          tpu.wait_dma2 semaphore(%run_scoped3A : memref<!tpu.dma_semaphore, #tpu.memory_space<semaphore_mem>>) src(%dma_wait3A_186 : memref<16x128xf32, #tpu.memory_space<hbm>>) dst(%arg9 : memref<16x128xf32, #tpu.memory_space<vmem>>)
          tpu.yield
        }) : () -> ()
        %dma_start3A_168 = arith.constant 0 : i32
        %dma_start3A_169 = arith.constant 0 : i32
        %dma_start3A_170 = tpu.memref_slice %arg7[%dma_start3A_168, %dma_start3A_169] : memref<16x128xi32, #tpu.memory_space<vmem>> -> memref<1x128xi32, #tpu.memory_space<vmem>>
        %dma_start3A_171 = tpu.memref_squeeze %dma_start3A_170 : memref<1x128xi32, #tpu.memory_space<vmem>> -> memref<128xi32, #tpu.memory_space<vmem>>
        %dma_start3A_172 = arith.constant 0 : i32
        %dma_start3A_173 = arith.constant 0 : i32
        %dma_start3A_174 = tpu.memref_slice %arg2[%dma_start3A_172, %dma_start3A_173] : memref<10000x128xf32, #tpu.memory_space<hbm>> -> memref<10000x128xf32, #tpu.memory_space<hbm>>
        tpu.enqueue_indirect_dma source(%dma_start3A_174 : memref<10000x128xf32, #tpu.memory_space<hbm>>) target(%arg10 : memref<128x128xf32, #tpu.memory_space<vmem>>) offsets(%dma_start3A_171 : memref<128xi32, #tpu.memory_space<vmem>>) semaphore(%arg13 : memref<!tpu.dma_semaphore, #tpu.memory_space<semaphore_mem>>)
      } else {
      }
      %scan3A_158 = arith.constant 0 : i32
      scf.yield %scan3A_158 : i32
    }
    %scan3A_32 = arith.constant 48 : i32
    %dma_wait3A = arith.constant 15 : i32
    %dma_wait3A_33 = arith.constant 0 : i32
    %dma_wait3A_34 = tpu.memref_slice %arg8[%dma_wait3A, %dma_wait3A_33] : memref<16x128xi32, #tpu.memory_space<vmem>> -> memref<1x128xi32, #tpu.memory_space<vmem>>
    %dma_wait3A_35 = tpu.memref_squeeze %dma_wait3A_34 : memref<1x128xi32, #tpu.memory_space<vmem>> -> memref<128xi32, #tpu.memory_space<vmem>>
    %dma_wait3A_36 = arith.constant 0 : i32
    %dma_wait3A_37 = arith.constant 0 : i32
    %dma_wait3A_38 = tpu.memref_slice %arg12[%dma_wait3A_36, %dma_wait3A_37] : memref<10240x128xf32, #tpu.memory_space<vmem_shared>> -> memref<10240x128xf32, #tpu.memory_space<vmem_shared>>
    tpu.wait_indirect_dma semaphore(%arg16 : memref<!tpu.dma_semaphore, #tpu.memory_space<semaphore_mem>>) src(%arg11 : memref<128x128xf32, #tpu.memory_space<vmem>>) dst(%dma_wait3A_38 : memref<10240x128xf32, #tpu.memory_space<vmem_shared>>)
    %barrier3A_39 = arith.constant 0 : index
    tpu.barrier barrier_id(%barrier3A_39)
    %add3A_40 = arith.constant 0 : i32
    %add3A_41 = arith.addi %multiple_of3A, %add3A_40 : i32
    "tpu.region"() ({
      %run_scoped3A = tpu.sem_alloc : memref<!tpu.dma_semaphore, #tpu.memory_space<semaphore_mem>>
      %dma_start3A_50 = arith.constant 0 : i32
      %dma_start3A_51 = tpu.memref_slice %arg6[%arg0, %add3A_41, %dma_start3A_50] : memref<2x10240x128xf32, #tpu.memory_space<hbm>> -> memref<1x128x128xf32, #tpu.memory_space<hbm>>
      %dma_start3A_52 = tpu.memref_squeeze %dma_start3A_51 : memref<1x128x128xf32, #tpu.memory_space<hbm>> -> memref<128x128xf32, #tpu.memory_space<hbm>>
      %dma_start3A_53 = arith.constant 0 : i32
      %dma_start3A_54 = tpu.memref_slice %arg12[%add3A_41, %dma_start3A_53] : memref<10240x128xf32, #tpu.memory_space<vmem_shared>> -> memref<128x128xf32, #tpu.memory_space<vmem_shared>>
      tpu.enqueue_dma source(%dma_start3A_54 : memref<128x128xf32, #tpu.memory_space<vmem_shared>>) target(%dma_start3A_52 : memref<128x128xf32, #tpu.memory_space<hbm>>) target_semaphore(%run_scoped3A : memref<!tpu.dma_semaphore, #tpu.memory_space<semaphore_mem>>)
      %dma_wait3A_55 = arith.constant 0 : i32
      %dma_wait3A_56 = tpu.memref_slice %arg6[%arg0, %add3A_41, %dma_wait3A_55] : memref<2x10240x128xf32, #tpu.memory_space<hbm>> -> memref<1x128x128xf32, #tpu.memory_space<hbm>>
      %dma_wait3A_57 = tpu.memref_squeeze %dma_wait3A_56 : memref<1x128x128xf32, #tpu.memory_space<hbm>> -> memref<128x128xf32, #tpu.memory_space<hbm>>
      %dma_wait3A_58 = arith.constant 0 : i32
      %dma_wait3A_59 = tpu.memref_slice %arg12[%add3A_41, %dma_wait3A_58] : memref<10240x128xf32, #tpu.memory_space<vmem_shared>> -> memref<128x128xf32, #tpu.memory_space<vmem_shared>>
      tpu.wait_dma2 semaphore(%run_scoped3A : memref<!tpu.dma_semaphore, #tpu.memory_space<semaphore_mem>>) src(%dma_wait3A_59 : memref<128x128xf32, #tpu.memory_space<vmem_shared>>) dst(%dma_wait3A_57 : memref<128x128xf32, #tpu.memory_space<hbm>>)
      tpu.yield
    }) : () -> ()
    %add3A_42 = arith.constant 128 : i32
    %add3A_43 = arith.addi %multiple_of3A, %add3A_42 : i32
    "tpu.region"() ({
      %run_scoped3A = tpu.sem_alloc : memref<!tpu.dma_semaphore, #tpu.memory_space<semaphore_mem>>
      %dma_start3A_50 = arith.constant 0 : i32
      %dma_start3A_51 = tpu.memref_slice %arg6[%arg0, %add3A_43, %dma_start3A_50] : memref<2x10240x128xf32, #tpu.memory_space<hbm>> -> memref<1x128x128xf32, #tpu.memory_space<hbm>>
      %dma_start3A_52 = tpu.memref_squeeze %dma_start3A_51 : memref<1x128x128xf32, #tpu.memory_space<hbm>> -> memref<128x128xf32, #tpu.memory_space<hbm>>
      %dma_start3A_53 = arith.constant 0 : i32
      %dma_start3A_54 = tpu.memref_slice %arg12[%add3A_43, %dma_start3A_53] : memref<10240x128xf32, #tpu.memory_space<vmem_shared>> -> memref<128x128xf32, #tpu.memory_space<vmem_shared>>
      tpu.enqueue_dma source(%dma_start3A_54 : memref<128x128xf32, #tpu.memory_space<vmem_shared>>) target(%dma_start3A_52 : memref<128x128xf32, #tpu.memory_space<hbm>>) target_semaphore(%run_scoped3A : memref<!tpu.dma_semaphore, #tpu.memory_space<semaphore_mem>>)
      %dma_wait3A_55 = arith.constant 0 : i32
      %dma_wait3A_56 = tpu.memref_slice %arg6[%arg0, %add3A_43, %dma_wait3A_55] : memref<2x10240x128xf32, #tpu.memory_space<hbm>> -> memref<1x128x128xf32, #tpu.memory_space<hbm>>
      %dma_wait3A_57 = tpu.memref_squeeze %dma_wait3A_56 : memref<1x128x128xf32, #tpu.memory_space<hbm>> -> memref<128x128xf32, #tpu.memory_space<hbm>>
      %dma_wait3A_58 = arith.constant 0 : i32
      %dma_wait3A_59 = tpu.memref_slice %arg12[%add3A_43, %dma_wait3A_58] : memref<10240x128xf32, #tpu.memory_space<vmem_shared>> -> memref<128x128xf32, #tpu.memory_space<vmem_shared>>
      tpu.wait_dma2 semaphore(%run_scoped3A : memref<!tpu.dma_semaphore, #tpu.memory_space<semaphore_mem>>) src(%dma_wait3A_59 : memref<128x128xf32, #tpu.memory_space<vmem_shared>>) dst(%dma_wait3A_57 : memref<128x128xf32, #tpu.memory_space<hbm>>)
      tpu.yield
    }) : () -> ()
    %add3A_44 = arith.constant 256 : i32
    %add3A_45 = arith.addi %multiple_of3A, %add3A_44 : i32
    "tpu.region"() ({
      %run_scoped3A = tpu.sem_alloc : memref<!tpu.dma_semaphore, #tpu.memory_space<semaphore_mem>>
      %dma_start3A_50 = arith.constant 0 : i32
      %dma_start3A_51 = tpu.memref_slice %arg6[%arg0, %add3A_45, %dma_start3A_50] : memref<2x10240x128xf32, #tpu.memory_space<hbm>> -> memref<1x128x128xf32, #tpu.memory_space<hbm>>
      %dma_start3A_52 = tpu.memref_squeeze %dma_start3A_51 : memref<1x128x128xf32, #tpu.memory_space<hbm>> -> memref<128x128xf32, #tpu.memory_space<hbm>>
      %dma_start3A_53 = arith.constant 0 : i32
      %dma_start3A_54 = tpu.memref_slice %arg12[%add3A_45, %dma_start3A_53] : memref<10240x128xf32, #tpu.memory_space<vmem_shared>> -> memref<128x128xf32, #tpu.memory_space<vmem_shared>>
      tpu.enqueue_dma source(%dma_start3A_54 : memref<128x128xf32, #tpu.memory_space<vmem_shared>>) target(%dma_start3A_52 : memref<128x128xf32, #tpu.memory_space<hbm>>) target_semaphore(%run_scoped3A : memref<!tpu.dma_semaphore, #tpu.memory_space<semaphore_mem>>)
      %dma_wait3A_55 = arith.constant 0 : i32
      %dma_wait3A_56 = tpu.memref_slice %arg6[%arg0, %add3A_45, %dma_wait3A_55] : memref<2x10240x128xf32, #tpu.memory_space<hbm>> -> memref<1x128x128xf32, #tpu.memory_space<hbm>>
      %dma_wait3A_57 = tpu.memref_squeeze %dma_wait3A_56 : memref<1x128x128xf32, #tpu.memory_space<hbm>> -> memref<128x128xf32, #tpu.memory_space<hbm>>
      %dma_wait3A_58 = arith.constant 0 : i32
      %dma_wait3A_59 = tpu.memref_slice %arg12[%add3A_45, %dma_wait3A_58] : memref<10240x128xf32, #tpu.memory_space<vmem_shared>> -> memref<128x128xf32, #tpu.memory_space<vmem_shared>>
      tpu.wait_dma2 semaphore(%run_scoped3A : memref<!tpu.dma_semaphore, #tpu.memory_space<semaphore_mem>>) src(%dma_wait3A_59 : memref<128x128xf32, #tpu.memory_space<vmem_shared>>) dst(%dma_wait3A_57 : memref<128x128xf32, #tpu.memory_space<hbm>>)
      tpu.yield
    }) : () -> ()
    %add3A_46 = arith.constant 384 : i32
    %add3A_47 = arith.addi %multiple_of3A, %add3A_46 : i32
    "tpu.region"() ({
      %run_scoped3A = tpu.sem_alloc : memref<!tpu.dma_semaphore, #tpu.memory_space<semaphore_mem>>
      %dma_start3A_50 = arith.constant 0 : i32
      %dma_start3A_51 = tpu.memref_slice %arg6[%arg0, %add3A_47, %dma_start3A_50] : memref<2x10240x128xf32, #tpu.memory_space<hbm>> -> memref<1x128x128xf32, #tpu.memory_space<hbm>>
      %dma_start3A_52 = tpu.memref_squeeze %dma_start3A_51 : memref<1x128x128xf32, #tpu.memory_space<hbm>> -> memref<128x128xf32, #tpu.memory_space<hbm>>
      %dma_start3A_53 = arith.constant 0 : i32
      %dma_start3A_54 = tpu.memref_slice %arg12[%add3A_47, %dma_start3A_53] : memref<10240x128xf32, #tpu.memory_space<vmem_shared>> -> memref<128x128xf32, #tpu.memory_space<vmem_shared>>
      tpu.enqueue_dma source(%dma_start3A_54 : memref<128x128xf32, #tpu.memory_space<vmem_shared>>) target(%dma_start3A_52 : memref<128x128xf32, #tpu.memory_space<hbm>>) target_semaphore(%run_scoped3A : memref<!tpu.dma_semaphore, #tpu.memory_space<semaphore_mem>>)
      %dma_wait3A_55 = arith.constant 0 : i32
      %dma_wait3A_56 = tpu.memref_slice %arg6[%arg0, %add3A_47, %dma_wait3A_55] : memref<2x10240x128xf32, #tpu.memory_space<hbm>> -> memref<1x128x128xf32, #tpu.memory_space<hbm>>
      %dma_wait3A_57 = tpu.memref_squeeze %dma_wait3A_56 : memref<1x128x128xf32, #tpu.memory_space<hbm>> -> memref<128x128xf32, #tpu.memory_space<hbm>>
      %dma_wait3A_58 = arith.constant 0 : i32
      %dma_wait3A_59 = tpu.memref_slice %arg12[%add3A_47, %dma_wait3A_58] : memref<10240x128xf32, #tpu.memory_space<vmem_shared>> -> memref<128x128xf32, #tpu.memory_space<vmem_shared>>
      tpu.wait_dma2 semaphore(%run_scoped3A : memref<!tpu.dma_semaphore, #tpu.memory_space<semaphore_mem>>) src(%dma_wait3A_59 : memref<128x128xf32, #tpu.memory_space<vmem_shared>>) dst(%dma_wait3A_57 : memref<128x128xf32, #tpu.memory_space<hbm>>)
      tpu.yield
    }) : () -> ()
    %add3A_48 = arith.constant 512 : i32
    %add3A_49 = arith.addi %multiple_of3A, %add3A_48 : i32
    "tpu.region"() ({
      %run_scoped3A = tpu.sem_alloc : memref<!tpu.dma_semaphore, #tpu.memory_space<semaphore_mem>>
      %dma_start3A_50 = arith.constant 0 : i32
      %dma_start3A_51 = tpu.memref_slice %arg6[%arg0, %add3A_49, %dma_start3A_50] : memref<2x10240x128xf32, #tpu.memory_space<hbm>> -> memref<1x128x128xf32, #tpu.memory_space<hbm>>
      %dma_start3A_52 = tpu.memref_squeeze %dma_start3A_51 : memref<1x128x128xf32, #tpu.memory_space<hbm>> -> memref<128x128xf32, #tpu.memory_space<hbm>>
      %dma_start3A_53 = arith.constant 0 : i32
      %dma_start3A_54 = tpu.memref_slice %arg12[%add3A_49, %dma_start3A_53] : memref<10240x128xf32, #tpu.memory_space<vmem_shared>> -> memref<128x128xf32, #tpu.memory_space<vmem_shared>>
      tpu.enqueue_dma source(%dma_start3A_54 : memref<128x128xf32, #tpu.memory_space<vmem_shared>>) target(%dma_start3A_52 : memref<128x128xf32, #tpu.memory_space<hbm>>) target_semaphore(%run_scoped3A : memref<!tpu.dma_semaphore, #tpu.memory_space<semaphore_mem>>)
      %dma_wait3A_55 = arith.constant 0 : i32
      %dma_wait3A_56 = tpu.memref_slice %arg6[%arg0, %add3A_49, %dma_wait3A_55] : memref<2x10240x128xf32, #tpu.memory_space<hbm>> -> memref<1x128x128xf32, #tpu.memory_space<hbm>>
      %dma_wait3A_57 = tpu.memref_squeeze %dma_wait3A_56 : memref<1x128x128xf32, #tpu.memory_space<hbm>> -> memref<128x128xf32, #tpu.memory_space<hbm>>
      %dma_wait3A_58 = arith.constant 0 : i32
      %dma_wait3A_59 = tpu.memref_slice %arg12[%add3A_49, %dma_wait3A_58] : memref<10240x128xf32, #tpu.memory_space<vmem_shared>> -> memref<128x128xf32, #tpu.memory_space<vmem_shared>>
      tpu.wait_dma2 semaphore(%run_scoped3A : memref<!tpu.dma_semaphore, #tpu.memory_space<semaphore_mem>>) src(%dma_wait3A_59 : memref<128x128xf32, #tpu.memory_space<vmem_shared>>) dst(%dma_wait3A_57 : memref<128x128xf32, #tpu.memory_space<hbm>>)
      tpu.yield
    }) : () -> ()
    return
  }
}

module attributes {stable_mosaic.version = 14 : i64} {
  func.func @_mlp_body(%arg0: memref<10000x128xf32, #tpu.memory_space<vmem>>, %arg1: memref<10000x128xf32, #tpu.memory_space<vmem>>, %arg2: memref<128x128xf32, #tpu.memory_space<vmem>>, %arg3: memref<128xf32, #tpu.memory_space<vmem>>, %arg4: memref<128x128xf32, #tpu.memory_space<vmem>>, %arg5: memref<128xf32, #tpu.memory_space<vmem>>, %arg6: memref<128xf32, #tpu.memory_space<vmem>>, %arg7: memref<128xf32, #tpu.memory_space<vmem>>, %arg8: memref<128xf32, #tpu.memory_space<vmem>>, %arg9: memref<128xf32, #tpu.memory_space<vmem>>, %arg10: memref<10000x128xf32, #tpu.memory_space<vmem>>) attributes {dimension_semantics = [], scalar_prefetch = 0 : i64, scratch_operands = 0 : i64, tpu.core_type = #tpu.core_type<tc>} {
    %get3A = arith.constant 0 : index
    %get3A_0 = arith.constant 0 : index
    %get3A_1 = vector.load %arg0[%get3A, %get3A_0] : memref<10000x128xf32, #tpu.memory_space<vmem>>, vector<10000x128xf32>
    %get3A_2 = arith.constant 0 : index
    %get3A_3 = arith.constant 0 : index
    %get3A_4 = vector.load %arg1[%get3A_2, %get3A_3] : memref<10000x128xf32, #tpu.memory_space<vmem>>, vector<10000x128xf32>
    %add3A = arith.addf %get3A_1, %get3A_4 : vector<10000x128xf32>
    %get3A_5 = arith.constant 0 : index
    %get3A_6 = arith.constant 0 : index
    %get3A_7 = vector.load %arg2[%get3A_5, %get3A_6] : memref<128x128xf32, #tpu.memory_space<vmem>>, vector<128x128xf32>
    %dot_general3A = arith.constant dense<0.000000e+00> : vector<10000x128xf32>
    %dot_general3A_8 = tpu.matmul %add3A, %get3A_7, %dot_general3A {dimension_numbers = #tpu.dot_dimension_numbers<[1], [0], [0], [1], [0, 0, 1, 1], [], []>, transpose_lhs_hint = false} : vector<10000x128xf32>, vector<128x128xf32>, vector<10000x128xf32> -> vector<10000x128xf32>
    %get3A_9 = arith.constant 0 : index
    %get3A_10 = vector.load %arg3[%get3A_9] : memref<128xf32, #tpu.memory_space<vmem>>, vector<128xf32>
    %broadcast_in_dim3A = vector.shape_cast %get3A_10 : vector<128xf32> to vector<1x128xf32>
    %add3A_11 = vector.broadcast %broadcast_in_dim3A : vector<1x128xf32> to vector<10000x128xf32>
    %add3A_12 = arith.addf %dot_general3A_8, %add3A_11 : vector<10000x128xf32>
    %reduce_sum3A = arith.constant dense<0.000000e+00> : vector<128xf32>
    %reduce_sum3A_13 = vector.multi_reduction <add>, %add3A_12, %reduce_sum3A [0] : vector<10000x128xf32> to vector<128xf32>
    %broadcast_in_dim3A_14 = vector.shape_cast %reduce_sum3A_13 : vector<128xf32> to vector<1x128xf32>
    %div3A = arith.constant 1.000000e+04 : f32
    %div3A_15 = vector.broadcast %div3A : f32 to vector<1x128xf32>
    %div3A_16 = arith.divf %broadcast_in_dim3A_14, %div3A_15 : vector<1x128xf32>
    %sub3A = vector.broadcast %div3A_16 : vector<1x128xf32> to vector<10000x128xf32>
    %sub3A_17 = arith.subf %add3A_12, %sub3A : vector<10000x128xf32>
    %integer_pow3A = arith.mulf %sub3A_17, %sub3A_17 : vector<10000x128xf32>
    %reduce_sum3A_18 = arith.constant dense<0.000000e+00> : vector<128xf32>
    %reduce_sum3A_19 = vector.multi_reduction <add>, %integer_pow3A, %reduce_sum3A_18 [0] : vector<10000x128xf32> to vector<128xf32>
    %broadcast_in_dim3A_20 = vector.shape_cast %reduce_sum3A_19 : vector<128xf32> to vector<1x128xf32>
    %div3A_21 = arith.constant 1.000000e+04 : f32
    %div3A_22 = vector.broadcast %div3A_21 : f32 to vector<1x128xf32>
    %div3A_23 = arith.divf %broadcast_in_dim3A_20, %div3A_22 : vector<1x128xf32>
    %get3A_24 = arith.constant 0 : index
    %get3A_25 = vector.load %arg6[%get3A_24] : memref<128xf32, #tpu.memory_space<vmem>>, vector<128xf32>
    %broadcast_in_dim3A_26 = vector.shape_cast %get3A_25 : vector<128xf32> to vector<1x128xf32>
    %sub3A_27 = vector.broadcast %div3A_16 : vector<1x128xf32> to vector<10000x128xf32>
    %sub3A_28 = arith.subf %add3A_12, %sub3A_27 : vector<10000x128xf32>
    %mul3A = vector.broadcast %broadcast_in_dim3A_26 : vector<1x128xf32> to vector<10000x128xf32>
    %mul3A_29 = arith.mulf %mul3A, %sub3A_28 : vector<10000x128xf32>
    %add3A_30 = arith.constant 9.99999974E-6 : f32
    %add3A_31 = vector.broadcast %add3A_30 : f32 to vector<1x128xf32>
    %add3A_32 = arith.addf %div3A_23, %add3A_31 : vector<1x128xf32>
    %sqrt3A = math.sqrt %add3A_32 : vector<1x128xf32>
    %div3A_33 = vector.broadcast %sqrt3A : vector<1x128xf32> to vector<10000x128xf32>
    %div3A_34 = arith.divf %mul3A_29, %div3A_33 : vector<10000x128xf32>
    %get3A_35 = arith.constant 0 : index
    %get3A_36 = vector.load %arg7[%get3A_35] : memref<128xf32, #tpu.memory_space<vmem>>, vector<128xf32>
    %broadcast_in_dim3A_37 = vector.shape_cast %get3A_36 : vector<128xf32> to vector<1x128xf32>
    %add3A_38 = vector.broadcast %broadcast_in_dim3A_37 : vector<1x128xf32> to vector<10000x128xf32>
    %add3A_39 = arith.addf %div3A_34, %add3A_38 : vector<10000x128xf32>
    %max3A = arith.constant 0.000000e+00 : f32
    %max3A_40 = vector.broadcast %max3A : f32 to vector<10000x128xf32>
    %max3A_41 = arith.maximumf %add3A_39, %max3A_40 : vector<10000x128xf32>
    %get3A_42 = arith.constant 0 : index
    %get3A_43 = arith.constant 0 : index
    %get3A_44 = vector.load %arg4[%get3A_42, %get3A_43] : memref<128x128xf32, #tpu.memory_space<vmem>>, vector<128x128xf32>
    %dot_general3A_45 = arith.constant dense<0.000000e+00> : vector<10000x128xf32>
    %dot_general3A_46 = tpu.matmul %max3A_41, %get3A_44, %dot_general3A_45 {dimension_numbers = #tpu.dot_dimension_numbers<[1], [0], [0], [1], [0, 0, 1, 1], [], []>, transpose_lhs_hint = false} : vector<10000x128xf32>, vector<128x128xf32>, vector<10000x128xf32> -> vector<10000x128xf32>
    %get3A_47 = arith.constant 0 : index
    %get3A_48 = vector.load %arg5[%get3A_47] : memref<128xf32, #tpu.memory_space<vmem>>, vector<128xf32>
    %broadcast_in_dim3A_49 = vector.shape_cast %get3A_48 : vector<128xf32> to vector<1x128xf32>
    %add3A_50 = vector.broadcast %broadcast_in_dim3A_49 : vector<1x128xf32> to vector<10000x128xf32>
    %add3A_51 = arith.addf %dot_general3A_46, %add3A_50 : vector<10000x128xf32>
    %reduce_sum3A_52 = arith.constant dense<0.000000e+00> : vector<128xf32>
    %reduce_sum3A_53 = vector.multi_reduction <add>, %add3A_51, %reduce_sum3A_52 [0] : vector<10000x128xf32> to vector<128xf32>
    %broadcast_in_dim3A_54 = vector.shape_cast %reduce_sum3A_53 : vector<128xf32> to vector<1x128xf32>
    %div3A_55 = arith.constant 1.000000e+04 : f32
    %div3A_56 = vector.broadcast %div3A_55 : f32 to vector<1x128xf32>
    %div3A_57 = arith.divf %broadcast_in_dim3A_54, %div3A_56 : vector<1x128xf32>
    %sub3A_58 = vector.broadcast %div3A_57 : vector<1x128xf32> to vector<10000x128xf32>
    %sub3A_59 = arith.subf %add3A_51, %sub3A_58 : vector<10000x128xf32>
    %integer_pow3A_60 = arith.mulf %sub3A_59, %sub3A_59 : vector<10000x128xf32>
    %reduce_sum3A_61 = arith.constant dense<0.000000e+00> : vector<128xf32>
    %reduce_sum3A_62 = vector.multi_reduction <add>, %integer_pow3A_60, %reduce_sum3A_61 [0] : vector<10000x128xf32> to vector<128xf32>
    %broadcast_in_dim3A_63 = vector.shape_cast %reduce_sum3A_62 : vector<128xf32> to vector<1x128xf32>
    %div3A_64 = arith.constant 1.000000e+04 : f32
    %div3A_65 = vector.broadcast %div3A_64 : f32 to vector<1x128xf32>
    %div3A_66 = arith.divf %broadcast_in_dim3A_63, %div3A_65 : vector<1x128xf32>
    %get3A_67 = arith.constant 0 : index
    %get3A_68 = vector.load %arg8[%get3A_67] : memref<128xf32, #tpu.memory_space<vmem>>, vector<128xf32>
    %broadcast_in_dim3A_69 = vector.shape_cast %get3A_68 : vector<128xf32> to vector<1x128xf32>
    %sub3A_70 = vector.broadcast %div3A_57 : vector<1x128xf32> to vector<10000x128xf32>
    %sub3A_71 = arith.subf %add3A_51, %sub3A_70 : vector<10000x128xf32>
    %mul3A_72 = vector.broadcast %broadcast_in_dim3A_69 : vector<1x128xf32> to vector<10000x128xf32>
    %mul3A_73 = arith.mulf %mul3A_72, %sub3A_71 : vector<10000x128xf32>
    %add3A_74 = arith.constant 9.99999974E-6 : f32
    %add3A_75 = vector.broadcast %add3A_74 : f32 to vector<1x128xf32>
    %add3A_76 = arith.addf %div3A_66, %add3A_75 : vector<1x128xf32>
    %sqrt3A_77 = math.sqrt %add3A_76 : vector<1x128xf32>
    %div3A_78 = vector.broadcast %sqrt3A_77 : vector<1x128xf32> to vector<10000x128xf32>
    %div3A_79 = arith.divf %mul3A_73, %div3A_78 : vector<10000x128xf32>
    %get3A_80 = arith.constant 0 : index
    %get3A_81 = vector.load %arg9[%get3A_80] : memref<128xf32, #tpu.memory_space<vmem>>, vector<128xf32>
    %broadcast_in_dim3A_82 = vector.shape_cast %get3A_81 : vector<128xf32> to vector<1x128xf32>
    %add3A_83 = vector.broadcast %broadcast_in_dim3A_82 : vector<1x128xf32> to vector<10000x128xf32>
    %add3A_84 = arith.addf %div3A_79, %add3A_83 : vector<10000x128xf32>
    %max3A_85 = arith.constant 0.000000e+00 : f32
    %max3A_86 = vector.broadcast %max3A_85 : f32 to vector<10000x128xf32>
    %max3A_87 = arith.maximumf %add3A_84, %max3A_86 : vector<10000x128xf32>
    %swap3A = arith.constant 0 : index
    %swap3A_88 = arith.constant 0 : index
    %swap3A_89 = vector.load %arg10[%swap3A, %swap3A_88] : memref<10000x128xf32, #tpu.memory_space<vmem>>, vector<10000x128xf32>
    tpu.vector_store %arg10[%swap3A, %swap3A_88], %max3A_87 {strides = array<i32>} : memref<10000x128xf32, #tpu.memory_space<vmem>>, vector<10000x128xf32>,
    return
  }
}

</mosaic_0001>

<sc_bundles>
// kernel: kernel.4.cloned.1.call-start
scs
__scs_entry_jumppad:
0x0: {  	(pc) =	sbr.rel $0x88, $3  }
0x1: {  	(tag) =	ssettag $0x0;
	lr =	simm.s32 $0x1  }
0x2: {  	[smem:$0x3F96] =	sst lr;
	_ =	strace $0xD0000000  }
0x3: {  	_ = 	snop  }
0x4: {  	_ = 	snop  }
0x5: {  	_ = 	snop  }
0x6: {  	_ = 	snop  }
0x7: {  	_ = 	snop  }
__scs_overlays_trampoline_lowered:
0x8: {  	[smem:$0x3FA5] =	sst s0  }
0x9: {  	[smem:$0x3FA6] =	sst s1  }
0xa: {  	[smem:$0x3FA7] =	sst s2  }
0xb: {  	[smem:$0x3FA8] =	sst s3  }
0xc: {  	[smem:$0x3FA9] =	sst s4  }
0xd: {  	[smem:$0x3FAA] =	sst s5  }
0xe: {  	[smem:$0x3FAB] =	sst s6  }
0xf: {  	[smem:$0x3FAC] =	sst s7  }
0x10: {  	[smem:$0x3FAD] =	sst s8  }
0x11: {  	[smem:$0x3FAE] =	sst s9;
	s0 =	simm.s32 @!p0 $0x0  }
0x12: {  	s1 =	sld [smem:$0x3F94];
	s0 =	simm.s32 @p0 $0x1  }
0x13: {  	[smem:$0x3FAF] =	sst s0;
	s0 =	simm.s32 @!p1 $0x0  }
0x14: {  	s2 =	sld [smem:$0x3F93];
	s0 =	simm.s32 @p1 $0x1  }
0x15: {  	[smem:$0x3FB0] =	sst s0;
	s0 =	simm.s32 @!p2 $0x0  }
0x16: {  	s3 =	sld [smem:$0x3FDB];
	s0 =	simm.s32 @p2 $0x1  }
0x17: {  	s4 =	simm.s32 $0x1BF5;
	[smem:$0x3FB2] =	sst s0  }
0x18: {  	s0 =	sld [smem:$0x3F95];
	_ =	swait.ge [sflag:s4], $0x0  }
0x19: {  	s7 =	sld [smem:$0x3F96]  }
0x1a: {  	s8 =	sadd.s32 $0xFFFFE003, lr  }
0x1b: {  	s9 =	sadd.s32 $0xFFFFFEF7, lr;
	s5 =	simm.s32 $0xFFFFFFFF;
	p2 =	slt.u32 s8, $0xFFFFF086  }
0x1c: {  	p1 =	slt.u32 s9, $0xF7A;
	s5 =	simm.s32 @!p2 $0x0  }
0x1d: {  	s5 =	simm.s32 @p1 $0x1;
	p0 =	seq.s32 s7, s2  }
0x1e: {  	s7 =	smul.u32 @!p0 $0xF7A, s2;
	p2 =	seq.s32 @!p0 s5, $0x0  }
0x1f: {  	s9 =	smul.u32 $0xF7A, s1;
	s8 =	simm.s32 @!p0 $0x1BF5;
	p2 =	por !p2, p0  }
0x20: {  	[sflag:s8] =	ssyncset.s32 @!p0 $0xFFFFF086;
	s6 =	sadd.s32 @!p0 s3, s7;
	s7 =	simm.s32 @!p0 $0x108  }
0x21: {  	s3 =	sadd.s32 s3, s9;
	s6 =	sadd.s32 @!p0 $0x88, s6;
	s7 =	simm.s32 @p2 $0x1082  }
0x22: {  	[simem:s7], [sflag:s8] =	dma.local @!p0 [hbm:s6], $0xF7A  }
0x23: {  	s9 =	sor.u32 $0xD0000000, s2;
	s6 =	simm.s32 $0x108;
	_ =	swait.ge @!p0 [sflag:s8], $0x0  }
0x24: {  	s3 =	sadd.s32 $0x88, s3;
	s6 =	simm.s32 @!p1 $0x1082;
	[sflag:s4] =	ssyncset.s32 $0xFFFFF086  }
0x25: {  	[simem:s6], [sflag:s4] =	dma.local [hbm:s3], $0xF7A  }
0x26: {  	[smem:$0x3F96] =	sst s1;
	(tag) =	ssettag s2;
	_ =	strace s9  }
0x27: {  	s1 =	sld [smem:$0x3FA6]  }
0x28: {  	s2 =	sld [smem:$0x3FA7]  }
0x29: {  	s4 =	sld [smem:$0x3FA9]  }
0x2a: {  	p0 =	seq.s32 s5, $0x0;
	s5 =	sld [smem:$0x3FAA]  }
0x2b: {  	s6 =	sld [smem:$0x3FAB]  }
0x2c: {  	s7 =	sld [smem:$0x3FAC]  }
0x2d: {  	s3 =	simm.s32 $0x108;
	s8 =	sld [smem:$0x3FAD]  }
0x2e: {  	s3 =	simm.s32 @!p0 $0x1082;
	s9 =	sld [smem:$0x3FAE]  }
0x2f: {  	lr =	sadd.s32 s0, s3;
	s0 =	sld [smem:$0x3FA5]  }
0x30: {  	s3 =	sld [smem:$0x3FA8]  }
0x31: {  	[smem:$0x3FB1] =	sst s10  }
0x32: {  	s10 =	sld [smem:$0x3FAF];
	_ =	sdelay $0x3  }
0x33: {  	p0 =	seq.s32 s10, $0x1;
	s10 =	sld [smem:$0x3FB1];
	_ =	sdelay $0x3  }
0x34: {  	[smem:$0x3FB1] =	sst s10  }
0x35: {  	s10 =	sld [smem:$0x3FB0];
	_ =	sdelay $0x3  }
0x36: {  	p1 =	seq.s32 s10, $0x1;
	s10 =	sld [smem:$0x3FB1];
	_ =	sdelay $0x3  }
0x37: {  	[smem:$0x3FB1] =	sst s10  }
0x38: {  	s10 =	sld [smem:$0x3FB2]  }
0x39: {  	_ = 	snop;
	(pc) =	sbr.ind lr, $3  }
0x3a: {  	_ = 	snop  }
0x3b: {  	_ = 	snop  }
0x3c: {  	p2 =	seq.s32 s10, $0x1;
	s10 =	sld [smem:$0x3FB1]  }
0x3d: {  	_ =	shalt  }
0x3e: {  	_ =	shalt  }
0x3f: {  	_ =	shalt  }
0x40: {  	_ =	shalt  }
0x41: {  	_ =	shalt  }
0x42: {  	_ =	shalt  }
0x43: {  	_ =	shalt  }
0x44: {  	_ =	shalt  }
0x45: {  	_ =	shalt  }
0x46: {  	_ =	shalt  }
0x47: {  	_ =	shalt  }
0x48: {  	_ =	shalt  }
0x49: {  	_ =	shalt  }
0x4a: {  	_ =	shalt  }
0x4b: {  	_ =	shalt  }
0x4c: {  	_ =	shalt  }
0x4d: {  	_ =	shalt  }
0x4e: {  	_ =	shalt  }
0x4f: {  	_ =	shalt  }
0x50: {  	_ =	shalt  }
0x51: {  	_ =	shalt  }
0x52: {  	_ =	shalt  }
0x53: {  	_ =	shalt  }
0x54: {  	_ =	shalt  }
0x55: {  	_ =	shalt  }
0x56: {  	_ =	shalt  }
0x57: {  	_ =	shalt  }
0x58: {  	_ =	shalt  }
0x59: {  	_ =	shalt  }
0x5a: {  	_ =	shalt  }
0x5b: {  	_ =	shalt  }
0x5c: {  	_ =	shalt  }
0x5d: {  	_ =	shalt  }
0x5e: {  	_ =	shalt  }
0x5f: {  	_ =	shalt  }
0x60: {  	_ =	shalt  }
0x61: {  	_ =	shalt  }
0x62: {  	_ =	shalt  }
0x63: {  	_ =	shalt  }
0x64: {  	_ =	shalt  }
0x65: {  	_ =	shalt  }
0x66: {  	_ =	shalt  }
0x67: {  	_ =	shalt  }
0x68: {  	_ =	shalt  }
0x69: {  	_ =	shalt  }
0x6a: {  	_ =	shalt  }
0x6b: {  	_ =	shalt  }
0x6c: {  	_ =	shalt  }
0x6d: {  	_ =	shalt  }
0x6e: {  	_ =	shalt  }
0x6f: {  	_ =	shalt  }
0x70: {  	_ =	shalt  }
0x71: {  	_ =	shalt  }
0x72: {  	_ =	shalt  }
0x73: {  	_ =	shalt  }
0x74: {  	_ =	shalt  }
0x75: {  	_ =	shalt  }
0x76: {  	_ =	shalt  }
0x77: {  	_ =	shalt  }
0x78: {  	_ =	shalt  }
0x79: {  	_ =	shalt  }
0x7a: {  	_ =	shalt  }
0x7b: {  	_ =	shalt  }
0x7c: {  	_ =	shalt  }
0x7d: {  	_ =	shalt  }
0x7e: {  	_ =	shalt  }
0x7f: {  	_ =	shalt  }
0x80: {  	_ =	shalt  }
0x81: {  	_ =	shalt  }
0x82: {  	_ =	shalt  }
0x83: {  	_ =	shalt  }
0x84: {  	_ =	shalt  }
0x85: {  	_ =	shalt  }
0x86: {  	_ =	shalt  }
0x87: {  	_ =	shalt  }
.Lfunc_end0:
.L_simem_size_0:
called_computation_lowered:
.L_overlay_start_0:
0x88: {  	s2 =	sld [smem:$0x3FD9]  }
0x89: {  	s3 =	sld [smem:$0x3FFE];
	_ =	sdelay $0x1  }
0x8a: {  	s1 =	srdreg.scid  }
0x8b: {  	s0 =	sand.u32 $0x1, s1  }
0x8c: {  	s17 =	sshll.u32 s0, $0xA;
	s2 =	sadd.s32 s3, s2  }
0x8d: {  	s2 =	sadd.s32 s2, s17  }
0x8e: {  	[smem:$0x3FBD] =	sst s2  }
0x8f: {  	_ = 	snop  }
0x90: {  	s2 =	sld [smem:$0x3FC9]  }
0x91: {  	s18 =	sld [smem:$0x3FD0];
	(tm) =	ssettm $0x1  }
0x92: {  	s4 =	sld [smem:$0x3FFB];
	_ =	sdelay $0x3  }
0x93: {  	_ =	strace s4  }
0x94: {  	s4 =	sld [smem:$0x3FFC];
	_ =	sdelay $0x3  }
0x95: {  	_ =	strace s4  }
0x96: {  	s4 =	sld [smem:$0x3FFD];
	_ =	sdelay $0x3  }
0x97: {  	_ =	strace s4  }
0x98: {  	_ =	strace $0x8FFFFFFF  }
0x99: {  	s19 =	sld [smem:$0x3FDB];
	_ =	sdelay $0x1  }
0x9a: {  	s5 =	simm.s32 $_scs_section_size  }
0x9b: {  	s6 =	simm.s32 $_size__tile_overlayer_lowered;
	s7 =	simm.s32 $_tile_overlayer_lowered  }
0x9c: {  	s22 =	simm.s32 $0x1BFF;
	s21 =	sshll.u32 s7, $0x1;
	s4 =	sadd.s32 s5, s19  }
0x9d: {  	s8 =	simm.s32 $0x0;
	s20 =	sshll.u32 s6, $0x1;
	s6 =	sadd.s32 s21, s4  }
0x9e: {  	[timem:s8], [sflag:s22] =	dma.local [hbm:s6], s20  }
0x9f: {  	_ =	swait.ge [sflag:s22], s20  }
0xa0: {  	s5 =	ssub.s32 $0x0, s20;
	[sflag:s22] =	ssyncset.done $0x0  }
0xa1: {  	[sflag:s22] =	ssyncadd.s32 s5;
	_ =	sdelay $0x1  }
0xa2: {  	s23 =	simm.s32 $0x1B8B  }
0xa3: {  	_ =	swait.ge [sflag:s23], $0x1  }
0xa4: {  	[sflag:s23] =	ssyncset.done $0x0  }
0xa5: {  	s25 =	simm.s32 $0x1B8E;
	s24 =	sld [smem:$0x3FFE];
	[sflag:s23] =	ssyncadd.s32 $0xFFFFFFFF  }
0xa6: {  	s26 =	simm.s32 $execute0_lowered;
	[smem:$0x3FD2] =	sst s25  }
0xa7: {  	s6 =	sshll.u32 s26, $0x1;
	_ =	strace $0x80000046;
	[dreg:$0x1] =	wrdreg $0xFFFFFFFF  }
0xa8: {  	s28 =	simm.s32 $_size_execute0_lowered;
	s4 =	sadd.s32 s4, s6;
	[dreg:$0x0] =	wrdreg $0x0  }
0xa9: {  	s6 =	sshll.u32 s28, $0x1;
	[dreg:$0x2] =	wrdreg s4  }
0xaa: {  	[dreg:$0x3] =	wrdreg s6  }
0xab: {  	[dreg:$0x4] =	wrdreg $0xC0  }
0xac: {  	_ =	task [dreg:s8], $0x5FFFF  }
0xad: {  	[dreg:$0x1] =	wrdreg $0xFFFFFFFF  }
0xae: {  	[dreg:$0x0] =	wrdreg $0x60  }
0xaf: {  	[dreg:$0x2] =	wrdreg s2  }
0xb0: {  	[dreg:$0x3] =	wrdreg s18  }
0xb1: {  	[dreg:$0x4] =	wrdreg s24  }
0xb2: {  	[dreg:$0x5] =	wrdreg $0x98000  }
0xb3: {  	[dreg:$0x6] =	wrdreg $0x9  }
0xb4: {  	_ =	task.clear_ibuf [dreg:s8], $0x7FFFF;
	_ =	strace $0x90000046  }
0xb5: {  	s29 =	simm.s32 $0x9;
	_ =	strace $0x80000048  }
0xb6: {  	_ =	swait.ge [sflag:s29], $0x1  }
0xb7: {  	[sflag:s29] =	ssyncadd.s32 $0xFFFFFFFF  }
0xb8: {  	_ =	strace $0x90000048  }
0xb9: {  	_ =	sfence  }
0xba: {  	s30 =	sld [smem:$0x0];
	_ =	sdelay $0x2  }
0xbb: {  	s31 =	sshll.u32 s1, $0xD;
	s1 =	sshrl.u32 s1, $0x2  }
0xbc: {  	s3 =	sand.u32 $0x4000, s31;
	s1 =	sadd.s32 s1, s30  }
0xbd: {  	s0 =	sor.u32 s3, s0;
	s1 =	sshll.u32 s1, $0x11  }
0xbe: {  	s0 =	sor.u32 s1, s0  }
0xbf: {  	s0 =	sadd.s32 $0x8F2B, s0  }
0xc0: {  	[sflag:s0] =	ssyncadd.remote.s32 $0x1  }
0xc1: {  	_ =	sfence.sel $0xFFFF  }
0xc2: {  	[dreg:$0x0] =	wrdreg $0xFFFFFFFF;
	(pc) =	sbr.abs _section_cstart, $3  }
0xc3: {  	[dreg:$0x1] =	wrdreg $0xFFFFFFFF  }
0xc4: {  	_ =	task.clear_ibuf [dreg:s8], $0x2FFFF;
	_ =	strace $0x9FFFFFFF  }
0xc5: {  	(tm) =	ssettm $0x7FFFFFFF  }
tec
execute0_lowered:
.L_overlay_start_1:
0x0: {  	(tag) =	ssettag $0x1  }
0x1: {  	s1 =	rddreg [dreg:$0x0]  }
0x2: {  	s2 =	rddreg [dreg:$0x1]  }
0x3: {  	s0 =	rddreg [dreg:$0x2]  }
0x4: {  	s3 =	rddreg [dreg:$0x3];
	s4 =	simm.s32 $0x0  }
0x5: {  	s5 =	srdreg.scid;
	s11 =	stileid.u32;
	s28 =	simm.s32 $0x80  }
0x6: {  	s29 =	simm.s32 $0x1;
	s30 =	simm.s32 $0x5800;
	s31 =	simm.s32 $0x2  }
0x7: {  	[smem:$0x7FF] =	sst s4;
	s6 =	sadd.s32 $0x1000, s0;
	s5 =	sand.u32 $0x1, s5  }
0x8: {  	s7 =	sadd.s32 $0xD000, s0;
	s9 =	smul.u32 $0x50000, s11;
	s0 =	sadd.s32 $0x19000, s0  }
0x9: {  	s14 =	smul.u32 $0x14000, s11;
	_ =	strace $0x80000047;
	s8 =	ssub.s32 $0x2, s5  }
0xa: {  	s21 =	sshll.u32 s5, $0x4;
	s5 =	smul.u32 $0x140000, s5;
	s10 =	sshrl.u32 s8, $0x1  }
0xb: {  	s9 =	sshrl.u32 s9, $0x2;
	s22 =	sor.u32 s11, s21;
	s16 =	sadd.s32 $0x4000, s14  }
0xc: {  	s17 =	sadd.s32 $0x8000, s14;
	s19 =	sadd.s32 $0xC000, s14;
	s20 =	sadd.s32 $0x10000, s14  }
0xd: {  	s15 =	ssub.s32 s8, s10;
	s8 =	sadd.s32 s9, s3;
	s9 =	sadd.s32 s16, s3  }
0xe: {  	s10 =	smul.u32 $0x3000, s22;
	s11 =	sadd.s32 s17, s3;
	s12 =	sadd.s32 s19, s3  }
0xf: {  	s13 =	sadd.s32 s20, s3;
	s14 =	sadd.s32 s14, s5;
	s16 =	sadd.s32 s5, s16  }
0x10: {  	s25 =	sadd.s32 s5, s17;
	s26 =	sadd.s32 s5, s19;
	s14 =	sshrl.u32 s14, $0x3  }
0x11: {  	s5 =	sadd.s32 s5, s20;
	s18 =	sshrl.u32 s10, $0x3;
	s14 =	sadd.s32 s0, s14  }
0x12: {  	s24 =	sshrl.u32 s16, $0x3;
	s21 =	sadd.s32 s2, s18;
	[dreg:$0x8] =	wrdreg s14  }
0x13: {  	s16 =	sshrl.u32 s26, $0x3;
	s23 =	sadd.s32 s6, s18;
	[dreg:$0x5] =	wrdreg s21  }
0x14: {  	s5 =	sshrl.u32 s5, $0x3;
	s18 =	sadd.s32 s7, s18;
	[dreg:$0x6] =	wrdreg s23  }
0x15: {  	s22 =	smax.u32 s15, $0x1;
	s14 =	sadd.s32 s0, s24;
	[dreg:$0x7] =	wrdreg s18  }
0x16: {  	s20 =	sadd.s32 s0, s16;
	s24 =	simm.s32 $0x5;
	[dreg:$0x9] =	wrdreg s14  }
0x17: {  	s14 =	sshrl.u32 s25, $0x3;
	s21 =	sadd.s32 s0, s5;
	s23 =	simm.s32 $0x1800  }
0x18: {  	v0 =	vimm.f32 $0.0e+00;
	s25 =	simm.s32 $0x4;
	s19 =	sadd.s32 s0, s14;
	s0 =	simm.s32 $0x3  }
.LBB2_1:
0x19: {  	s5 =	simm.s32 $0x0;
	s14 =	simm.s32 $0x200  }
.LBB2_2:
0x1a: {  	p0 =	sne.s32 s14, $0xFE00;
	[tilespmem:s5+$0x1870] =	vst v0  }
0x1b: {  	[tilespmem:s5+$0x1800] =	vst v0  }
0x1c: {  	[tilespmem:s5+$0x1810] =	vst v0  }
.Ltmp0:
0x1d: {  	[tilespmem:s5+$0x1820] =	vst v0;
	(pc) =	sbr.rel @p0 .LBB2_2-.Ltmp0, $4  }
0x1e: {  	[tilespmem:s5+$0x1830] =	vst v0  }
0x1f: {  	[tilespmem:s5+$0x1840] =	vst v0  }
0x20: {  	[tilespmem:s5+$0x1850] =	vst v0  }
0x21: {  	[tilespmem:s5+$0x1860] =	vst v0;
	s5 =	sshra.s32 s14, $0x2;
	s14 =	sadd.s32 $0x200, s14  }
0x22: {  	[tilespmem:s5+$0x1870] =	vst v0  }
0x23: {  	[tilespmem:s5+$0x1800] =	vst v0  }
0x24: {  	[tilespmem:s5+$0x1810] =	vst v0  }
0x25: {  	[tilespmem:s5+$0x1820] =	vst v0  }
0x26: {  	[tilespmem:s5+$0x1830] =	vst v0  }
0x27: {  	[tilespmem:s5+$0x1840] =	vst v0  }
0x28: {  	[tilespmem:s5+$0x1850] =	vst v0  }
0x29: {  	[tilespmem:s5+$0x1860] =	vst v0  }
0x2a: {  	[spmem:s8] =	stream.linear.scatter [tilespmem:s23], [sflag:$0x5], $0x4000, $0x38;
	[tilespmem:$0x1D800] =	vst v63  }
0x2b: {  	_ =	swait.ge [sflag:s24], $0x4000  }
0x2c: {  	[sflag:s24] =	ssyncset.done $0x0  }
0x2d: {  	[sflag:s24] =	ssyncadd.s32 $0xFFFFC000  }
0x2e: {  	[spmem:s9] =	stream.linear.scatter [tilespmem:s23], [sflag:$0x5], $0x4000, $0x38;
	[tilespmem:$0x1D800] =	vst v63  }
0x2f: {  	_ =	swait.ge [sflag:s24], $0x4000  }
0x30: {  	[sflag:s24] =	ssyncset.done $0x0  }
0x31: {  	[sflag:s24] =	ssyncadd.s32 $0xFFFFC000  }
0x32: {  	[spmem:s11] =	stream.linear.scatter [tilespmem:s23], [sflag:$0x5], $0x4000, $0x38;
	[tilespmem:$0x1D800] =	vst v63  }
0x33: {  	_ =	swait.ge [sflag:s24], $0x4000  }
0x34: {  	[sflag:s24] =	ssyncset.done $0x0  }
0x35: {  	[sflag:s24] =	ssyncadd.s32 $0xFFFFC000  }
0x36: {  	[spmem:s12] =	stream.linear.scatter [tilespmem:s23], [sflag:$0x5], $0x4000, $0x38;
	[tilespmem:$0x1D800] =	vst v63  }
0x37: {  	_ =	swait.ge [sflag:s24], $0x4000  }
0x38: {  	[sflag:s24] =	ssyncset.done $0x0  }
0x39: {  	[sflag:s24] =	ssyncadd.s32 $0xFFFFC000  }
0x3a: {  	[spmem:s13] =	stream.linear.scatter [tilespmem:s23], [sflag:$0x5], $0x4000, $0x38;
	[tilespmem:$0x1D800] =	vst v63  }
0x3b: {  	_ =	swait.ge [sflag:s24], $0x4000  }
0x3c: {  	[sflag:s24] =	ssyncset.done $0x0  }
0x3d: {  	[sflag:s24] =	ssyncadd.s32 $0xFFFFC000  }
0x3e: {  	[bflag:$0x0] =	sbarrier.arrive $0xFFFF  }
0x3f: {  	s26 =	simm.s32 $0x0;
	s15 =	rddreg [dreg:$0x5]  }
0x40: {  	[tilespmem:s26], [sflag:$0x5] =	stream.linear.gather [hbm4b:s15+s26], $0x800, $0x38;
	[tilespmem:$0x1D800] =	vst v63  }
0x41: {  	_ =	swait.ge [sflag:s24], $0x800  }
0x42: {  	[sflag:s24] =	ssyncset.done $0x0  }
0x43: {  	s14 =	simm.s32 $0x800;
	s16 =	rddreg [dreg:$0x6];
	[sflag:s24] =	ssyncadd.s32 $0xFFFFF800  }
0x44: {  	[tilespmem:s14], [sflag:$0x5] =	stream.linear.gather [hbm4b:s16+s26], $0x800, $0x38;
	[tilespmem:$0x1D800] =	vst v63  }
0x45: {  	_ =	swait.ge [sflag:s24], $0x800  }
0x46: {  	[sflag:s24] =	ssyncset.done $0x0  }
0x47: {  	s18 =	simm.s32 $0x1000;
	s17 =	rddreg [dreg:$0x7];
	[sflag:s24] =	ssyncadd.s32 $0xFFFFF800  }
0x48: {  	[tilespmem:s18], [sflag:$0x5] =	stream.linear.gather [hbm4b:s17+s26], $0x800, $0x38;
	[tilespmem:$0x1D800] =	vst v63  }
0x49: {  	_ =	swait.ge [sflag:s24], $0x800  }
0x4a: {  	[sflag:s24] =	ssyncset.done $0x0  }
0x4b: {  	[sflag:s24] =	ssyncadd.s32 $0xFFFFF800  }
0x4c: {  	[tilespmem:s23], [sflag:$0x1] =	stream.indirect.gather [hbm4b:s1+s28], $0x80, s26, s28, $0xb8;
	[tilespmem:$0x1D800] =	vst v63  }
.LBB2_4:
0x4d: {  	s14 =	sshll.u32 s26, $0x1  }
0x4e: {  	s5 =	sand.u32 $0xE, s14  }
0x4f: {  	p0 =	seq.s32 s5, $0x0;
	s5 =	sshll.u32 s5, $0x9  }
0x50: {  	_ =	swait.ge [sflag:s29], $0x4000;
	s15 =	sshrl.u32 s5, $0x2  }
0x51: {  	[sflag:s29] =	ssyncset.done $0x0;
	s17 =	sor.u32 $0x1000, s15  }
0x52: {  	[sflag:s29] =	ssyncadd.s32 $0xFFFFC000;
	s16 =	simm.s32 @!p0 $0x4;
	v1 =	vmov s17  }
0x53: {  	s18 =	simm.s32 $0x0;
	_ =	swait.ge @!p0 [sflag:s16], $0x4000  }
0x54: {  	s5 =	sor.u32 $0x200, s5;
	[sflag:s16] =	ssyncset.done @!p0 $0x0;
	s17 =	simm.s32 $0x0  }
0x55: {  	s5 =	sshrl.u32 s5, $0x2;
	[sflag:s16] =	ssyncadd.s32 @!p0 $0xFFFFC000;
	s16 =	sand.u32 $0x3FFFFFF0, s17  }
0x56: {  	[tilespmem:s30], [sflag:$0x2] =	stream.indirect.gather [hbm4b:s1+s28], $0x80, s5, s28, $0xb8;
	[tilespmem:$0x1D800] =	vst v63  }
0x57: {  	v2 =	vld.idx.msk [tilespmem:v1+s16+$0x0 ss:$0x1], $0xffff;
	s16 =	sand.u32 $0x3FFFF800, s18  }
0x58: {  	v8 =	vld [tilespmem:s16+$0x18C0]  }
0x59: {  	v4 =	vld [tilespmem:s16+$0x1820]  }
0x5a: {  	v5 =	vld [tilespmem:s16+$0x1830]  }
0x5b: {  	v11 =	vld [tilespmem:s16+$0x1860]  }
0x5c: {  	v12 =	vld [tilespmem:s16+$0x1870];
	v3 =	vbroadcast v2, $0x0  }
0x5d: {  	v13 =	vld [tilespmem:s16+$0x1880]  }
0x5e: {  	v14 =	vld [tilespmem:s16+$0x1890];
	v4 =	vmul.f32 v4, v3  }
0x5f: {  	v15 =	vld [tilespmem:s16+$0x18A0];
	v5 =	vmul.f32 v5, v3  }
0x60: {  	v10 =	vld [tilespmem:s16+$0x18B0];
	v21 =	vbroadcast v2, $0x1;
	v20 =	vmul.f32 v11, v3;
	[tilespmem:s16+$0x1820] =	vst v4  }
0x61: {  	v9 =	vld [tilespmem:s16+$0x18D0];
	v12 =	vmul.f32 v12, v3;
	[tilespmem:s16+$0x1830] =	vst v5  }
0x62: {  	v7 =	vld [tilespmem:s16+$0x1D70];
	v13 =	vmul.f32 v13, v21;
	[tilespmem:s16+$0x1860] =	vst v20  }
0x63: {  	v23 =	vld [tilespmem:s16+$0x18F0];
	v14 =	vmul.f32 v14, v21;
	[tilespmem:s16+$0x1870] =	vst v12  }
0x64: {  	v24 =	vld [tilespmem:s16+$0x1900];
	v15 =	vmul.f32 v15, v21;
	[tilespmem:s16+$0x1880] =	vst v13  }
0x65: {  	v25 =	vld [tilespmem:s16+$0x1910];
	v10 =	vmul.f32 v10, v21;
	[tilespmem:s16+$0x1890] =	vst v14  }
0x66: {  	v22 =	vld [tilespmem:s16+$0x18E0];
	v8 =	vmul.f32 v8, v21;
	[tilespmem:s16+$0x18A0] =	vst v15  }
0x67: {  	v26 =	vld [tilespmem:s16+$0x1920];
	v16 =	vbroadcast v2, $0x2;
	v9 =	vmul.f32 v9, v21;
	[tilespmem:s16+$0x18B0] =	vst v10  }
0x68: {  	v27 =	vld [tilespmem:s16+$0x1930];
	v11 =	vmul.f32 v23, v21;
	[tilespmem:s16+$0x18C0] =	vst v8  }
0x69: {  	v28 =	vld [tilespmem:s16+$0x1940];
	v6 =	vbroadcast v2, $0xA;
	v30 =	vmul.f32 v24, v16;
	[tilespmem:s16+$0x18D0] =	vst v9  }
0x6a: {  	v29 =	vld [tilespmem:s16+$0x1950];
	v32 =	vmul.f32 v25, v16;
	[tilespmem:s16+$0x18F0] =	vst v11  }
0x6b: {  	v31 =	vld [tilespmem:s16+$0x1960];
	v4 =	vmul.f32 v7, v6;
	[tilespmem:s16+$0x1900] =	vst v30  }
0x6c: {  	v33 =	vld [tilespmem:s16+$0x1970];
	v12 =	vmul.f32 v22, v21;
	[tilespmem:s16+$0x1910] =	vst v32  }
0x6d: {  	v34 =	vld [tilespmem:s16+$0x1980];
	v10 =	vmul.f32 v26, v16;
	[tilespmem:s16+$0x1D70] =	vst v4  }
0x6e: {  	v35 =	vld [tilespmem:s16+$0x1990];
	v8 =	vmul.f32 v27, v16;
	[tilespmem:s16+$0x18E0] =	vst v12  }
0x6f: {  	v36 =	vld [tilespmem:s16+$0x19A0];
	v9 =	vmul.f32 v28, v16;
	[tilespmem:s16+$0x1920] =	vst v10  }
0x70: {  	v37 =	vld [tilespmem:s16+$0x19B0];
	v39 =	vbroadcast v2, $0x3;
	v11 =	vmul.f32 v31, v16;
	[tilespmem:s16+$0x1930] =	vst v8  }
0x71: {  	v38 =	vld [tilespmem:s16+$0x19C0];
	v13 =	vmul.f32 v33, v16;
	[tilespmem:s16+$0x1940] =	vst v9  }
0x72: {  	v40 =	vld [tilespmem:s16+$0x19D0];
	v14 =	vmul.f32 v34, v39;
	[tilespmem:s16+$0x1960] =	vst v11  }
0x73: {  	v41 =	vld [tilespmem:s16+$0x19E0];
	v12 =	vmul.f32 v29, v16;
	[tilespmem:s16+$0x1970] =	vst v13  }
0x74: {  	v42 =	vld [tilespmem:s16+$0x19F0];
	v10 =	vmul.f32 v35, v39;
	[tilespmem:s16+$0x1980] =	vst v14  }
0x75: {  	v43 =	vld [tilespmem:s16+$0x1A00];
	v8 =	vmul.f32 v36, v39;
	[tilespmem:s16+$0x1950] =	vst v12  }
0x76: {  	v44 =	vld [tilespmem:s16+$0x1A10];
	v9 =	vmul.f32 v37, v39;
	[tilespmem:s16+$0x1990] =	vst v10  }
0x77: {  	v45 =	vld [tilespmem:s16+$0x1A20];
	v11 =	vmul.f32 v40, v39;
	[tilespmem:s16+$0x19A0] =	vst v8  }
0x78: {  	v46 =	vld [tilespmem:s16+$0x1A30];
	v13 =	vmul.f32 v41, v39;
	[tilespmem:s16+$0x19B0] =	vst v9  }
0x79: {  	v47 =	vld [tilespmem:s16+$0x1A40];
	v48 =	vbroadcast v2, $0x4;
	v14 =	vmul.f32 v42, v39;
	[tilespmem:s16+$0x19D0] =	vst v11  }
0x7a: {  	v49 =	vld [tilespmem:s16+$0x1A50];
	v12 =	vmul.f32 v38, v39;
	[tilespmem:s16+$0x19E0] =	vst v13  }
0x7b: {  	v50 =	vld [tilespmem:s16+$0x1A60];
	v10 =	vmul.f32 v43, v48;
	[tilespmem:s16+$0x19F0] =	vst v14  }
0x7c: {  	v51 =	vld [tilespmem:s16+$0x1A70];
	v8 =	vmul.f32 v44, v48;
	[tilespmem:s16+$0x19C0] =	vst v12  }
0x7d: {  	v52 =	vld [tilespmem:s16+$0x1A80];
	v9 =	vmul.f32 v45, v48;
	[tilespmem:s16+$0x1A00] =	vst v10  }
0x7e: {  	v53 =	vld [tilespmem:s16+$0x1A90];
	v11 =	vmul.f32 v47, v48;
	[tilespmem:s16+$0x1A10] =	vst v8  }
0x7f: {  	v54 =	vld [tilespmem:s16+$0x1AA0];
	v13 =	vmul.f32 v49, v48;
	[tilespmem:s16+$0x1A20] =	vst v9  }
0x80: {  	v55 =	vld [tilespmem:s16+$0x1AB0];
	v14 =	vmul.f32 v50, v48;
	[tilespmem:s16+$0x1A40] =	vst v11  }
0x81: {  	v56 =	vld [tilespmem:s16+$0x1AC0];
	v57 =	vbroadcast v2, $0x5;
	v12 =	vmul.f32 v46, v48;
	[tilespmem:s16+$0x1A50] =	vst v13  }
0x82: {  	v58 =	vld [tilespmem:s16+$0x1AD0];
	v10 =	vmul.f32 v51, v48;
	[tilespmem:s16+$0x1A60] =	vst v14  }
0x83: {  	v59 =	vld [tilespmem:s16+$0x1AE0];
	v8 =	vmul.f32 v52, v57;
	[tilespmem:s16+$0x1A30] =	vst v12  }
0x84: {  	v60 =	vld [tilespmem:s16+$0x1AF0];
	v9 =	vmul.f32 v53, v57;
	[tilespmem:s16+$0x1A70] =	vst v10  }
0x85: {  	v61 =	vld [tilespmem:s16+$0x1B00];
	v11 =	vmul.f32 v55, v57;
	[tilespmem:s16+$0x1A80] =	vst v8  }
0x86: {  	v62 =	vld [tilespmem:s16+$0x1B10];
	v13 =	vmul.f32 v56, v57;
	[tilespmem:s16+$0x1A90] =	vst v9  }
0x87: {  	v63 =	vld [tilespmem:s16+$0x1B20];
	v14 =	vmul.f32 v58, v57;
	[tilespmem:s16+$0x1AB0] =	vst v11  }
0x88: {  	v20 =	vld [tilespmem:s16+$0x1B30];
	v12 =	vmul.f32 v54, v57;
	[tilespmem:s16+$0x1AC0] =	vst v13  }
0x89: {  	v21 =	vld [tilespmem:s16+$0x1B40];
	v22 =	vbroadcast v2, $0x6;
	v10 =	vmul.f32 v59, v57;
	[tilespmem:s16+$0x1AD0] =	vst v14  }
0x8a: {  	v23 =	vld [tilespmem:s16+$0x1B50];
	v8 =	vmul.f32 v60, v57;
	[tilespmem:s16+$0x1AA0] =	vst v12  }
0x8b: {  	v24 =	vld [tilespmem:s16+$0x1B60];
	v9 =	vmul.f32 v61, v22;
	[tilespmem:s16+$0x1AE0] =	vst v10  }
0x8c: {  	v25 =	vld [tilespmem:s16+$0x1B70];
	v11 =	vmul.f32 v63, v22;
	[tilespmem:s16+$0x1AF0] =	vst v8  }
0x8d: {  	v5 =	vld [tilespmem:s16+$0x1D80];
	v13 =	vmul.f32 v20, v22;
	[tilespmem:s16+$0x1B00] =	vst v9  }
0x8e: {  	v27 =	vld [tilespmem:s16+$0x1B90];
	v14 =	vmul.f32 v21, v22;
	[tilespmem:s16+$0x1B20] =	vst v11  }
0x8f: {  	v28 =	vld [tilespmem:s16+$0x1BA0];
	v12 =	vmul.f32 v62, v22;
	[tilespmem:s16+$0x1B30] =	vst v13  }
0x90: {  	v29 =	vld [tilespmem:s16+$0x1BB0];
	v10 =	vmul.f32 v23, v22;
	[tilespmem:s16+$0x1B40] =	vst v14  }
0x91: {  	v31 =	vbroadcast v2, $0x7;
	v53 =	vld [tilespmem:s16+$0x1D00];
	v8 =	vmul.f32 v24, v22;
	[tilespmem:s16+$0x1B10] =	vst v12  }
0x92: {  	v58 =	vld [tilespmem:s16+$0x1D50];
	v9 =	vmul.f32 v25, v22;
	[tilespmem:s16+$0x1B50] =	vst v10  }
0x93: {  	v26 =	vld [tilespmem:s16+$0x1B80];
	v11 =	vmul.f32 v27, v31;
	[tilespmem:s16+$0x1B60] =	vst v8  }
0x94: {  	v30 =	vld [tilespmem:s16+$0x1BC0];
	v13 =	vmul.f32 v28, v31;
	[tilespmem:s16+$0x1B70] =	vst v9  }
0x95: {  	v32 =	vld [tilespmem:s16+$0x1BD0];
	v14 =	vmul.f32 v29, v31;
	[tilespmem:s16+$0x1B90] =	vst v11  }
0x96: {  	v33 =	vld [tilespmem:s16+$0x1BE0];
	v59 =	vmul.f32 v53, v6;
	[tilespmem:s16+$0x1BA0] =	vst v13  }
0x97: {  	v35 =	vld [tilespmem:s16+$0x1C00];
	v21 =	vmul.f32 v58, v6;
	[tilespmem:s16+$0x1BB0] =	vst v14  }
0x98: {  	v36 =	vld [tilespmem:s16+$0x1C10];
	v12 =	vmul.f32 v26, v31;
	[tilespmem:s16+$0x1D00] =	vst v59  }
0x99: {  	v37 =	vld [tilespmem:s16+$0x1C20];
	v10 =	vmul.f32 v30, v31;
	[tilespmem:s16+$0x1D50] =	vst v21  }
0x9a: {  	v7 =	vld [tilespmem:s16+$0x1D90];
	v40 =	vbroadcast v2, $0x8;
	v8 =	vmul.f32 v32, v31;
	[tilespmem:s16+$0x1B80] =	vst v12  }
0x9b: {  	v34 =	vld [tilespmem:s16+$0x1BF0];
	v9 =	vmul.f32 v33, v31;
	[tilespmem:s16+$0x1BC0] =	vst v10  }
0x9c: {  	v57 =	vld [tilespmem:s16+$0x1D40];
	v11 =	vmul.f32 v35, v40;
	[tilespmem:s16+$0x1BD0] =	vst v8  }
0x9d: {  	v61 =	vld [tilespmem:s16+$0x1800];
	v24 =	vbroadcast v2, $0xB;
	v13 =	vmul.f32 v36, v40;
	[tilespmem:s16+$0x1BE0] =	vst v9  }
0x9e: {  	v4 =	vld [tilespmem:s16+$0x1FD0];
	v14 =	vmul.f32 v37, v40;
	[tilespmem:s16+$0x1C00] =	vst v11  }
0x9f: {  	v38 =	vld [tilespmem:s16+$0x1C30];
	v5 =	vmul.f32 v5, v24;
	[tilespmem:s16+$0x1C10] =	vst v13  }
0xa0: {  	v39 =	vld [tilespmem:s16+$0x1C40];
	v7 =	vmul.f32 v7, v24;
	[tilespmem:s16+$0x1C20] =	vst v14  }
0xa1: {  	v41 =	vld [tilespmem:s16+$0x1C50];
	v19 =	vmul.f32 v57, v6;
	[tilespmem:s16+$0x1D80] =	vst v5  }
0xa2: {  	v43 =	vld [tilespmem:s16+$0x1C70];
	v25 =	vmul.f32 v3, v61;
	[tilespmem:s16+$0x1D90] =	vst v7  }
0xa3: {  	v44 =	vld [tilespmem:s16+$0x1C80];
	v12 =	vmul.f32 v34, v31;
	[tilespmem:s16+$0x1D40] =	vst v19  }
0xa4: {  	v45 =	vld [tilespmem:s16+$0x1C90];
	v10 =	vmul.f32 v38, v40;
	[tilespmem:s16+$0x1800] =	vst v25  }
0xa5: {  	v27 =	vld [tilespmem:s16+$0x1DD0];
	v8 =	vmul.f32 v39, v40;
	[tilespmem:s16+$0x1BF0] =	vst v12  }
0xa6: {  	v49 =	vbroadcast v2, $0x9;
	v29 =	vld [tilespmem:s16+$0x1DF0];
	v9 =	vmul.f32 v41, v40;
	[tilespmem:s16+$0x1C30] =	vst v10  }
0xa7: {  	v42 =	vld [tilespmem:s16+$0x1C60];
	v11 =	vmul.f32 v43, v40;
	[tilespmem:s16+$0x1C40] =	vst v8  }
0xa8: {  	v46 =	vld [tilespmem:s16+$0x1CA0];
	v13 =	vmul.f32 v44, v49;
	[tilespmem:s16+$0x1C50] =	vst v9  }
0xa9: {  	v47 =	vld [tilespmem:s16+$0x1CB0];
	v14 =	vmul.f32 v45, v49;
	[tilespmem:s16+$0x1C70] =	vst v11  }
0xaa: {  	v48 =	vld [tilespmem:s16+$0x1CC0];
	v32 =	vmul.f32 v27, v24;
	[tilespmem:s16+$0x1C80] =	vst v13  }
0xab: {  	v51 =	vld [tilespmem:s16+$0x1CE0];
	v7 =	vmul.f32 v29, v24;
	[tilespmem:s16+$0x1C90] =	vst v14  }
0xac: {  	v52 =	vld [tilespmem:s16+$0x1CF0];
	v12 =	vmul.f32 v42, v40;
	[tilespmem:s16+$0x1DD0] =	vst v32  }
0xad: {  	v10 =	vmul.f32 v46, v49;
	[tilespmem:s16+$0x1DF0] =	vst v7  }
0xae: {  	v28 =	vld [tilespmem:s16+$0x1DE0];
	v8 =	vmul.f32 v47, v49;
	[tilespmem:s16+$0x1C60] =	vst v12  }
0xaf: {  	v30 =	vld [tilespmem:s16+$0x1E00];
	v9 =	vmul.f32 v48, v49;
	[tilespmem:s16+$0x1CA0] =	vst v10  }
0xb0: {  	v50 =	vld [tilespmem:s16+$0x1CD0];
	v5 =	vbroadcast v2, $0xF;
	v11 =	vmul.f32 v51, v49;
	[tilespmem:s16+$0x1CB0] =	vst v8  }
0xb1: {  	v54 =	vld [tilespmem:s16+$0x1D10];
	v13 =	vmul.f32 v52, v49;
	[tilespmem:s16+$0x1CC0] =	vst v9  }
0xb2: {  	v55 =	vld [tilespmem:s16+$0x1D20];
	v35 =	vbroadcast v2, $0xC;
	v4 =	vmul.f32 v4, v5;
	[tilespmem:s16+$0x1CE0] =	vst v11  }
0xb3: {  	v56 =	vld [tilespmem:s16+$0x1D30];
	v40 =	vmul.f32 v28, v24;
	[tilespmem:s16+$0x1CF0] =	vst v13  }
0xb4: {  	v60 =	vld [tilespmem:s16+$0x1D60];
	v16 =	vmul.f32 v30, v35;
	[tilespmem:s16+$0x1FD0] =	vst v4  }
0xb5: {  	v62 =	vld [tilespmem:s16+$0x1810];
	v12 =	vmul.f32 v50, v49;
	[tilespmem:s16+$0x1DE0] =	vst v40  }
0xb6: {  	v63 =	vld [tilespmem:s16+$0x1840];
	v10 =	vmul.f32 v54, v6;
	[tilespmem:s16+$0x1E00] =	vst v16  }
0xb7: {  	v20 =	vld [tilespmem:s16+$0x1850];
	v8 =	vmul.f32 v55, v6;
	[tilespmem:s16+$0x1CD0] =	vst v12  }
0xb8: {  	v33 =	vld [tilespmem:s16+$0x1E30];
	v9 =	vmul.f32 v56, v6;
	[tilespmem:s16+$0x1D10] =	vst v10  }
0xb9: {  	v61 =	vld [tilespmem:s16+$0x1FF0];
	v6 =	vmul.f32 v60, v6;
	[tilespmem:s16+$0x1D20] =	vst v8  }
0xba: {  	v38 =	vld [tilespmem:s16+$0x1E70];
	v13 =	vmul.f32 v62, v3;
	[tilespmem:s16+$0x1D30] =	vst v9  }
0xbb: {  	v22 =	vld [tilespmem:s16+$0x1DA0];
	v4 =	vmul.f32 v63, v3;
	[tilespmem:s16+$0x1D60] =	vst v6  }
0xbc: {  	v23 =	vld [tilespmem:s16+$0x1DB0];
	v3 =	vmul.f32 v20, v3;
	[tilespmem:s16+$0x1810] =	vst v13  }
0xbd: {  	v26 =	vld [tilespmem:s16+$0x1DC0];
	v62 =	vmul.f32 v33, v35;
	[tilespmem:s16+$0x1840] =	vst v4  }
0xbe: {  	v31 =	vld [tilespmem:s16+$0x1E10];
	v63 =	vmul.f32 v61, v5;
	[tilespmem:s16+$0x1850] =	vst v3  }
0xbf: {  	v34 =	vld [tilespmem:s16+$0x1E40];
	v16 =	vmul.f32 v38, v35;
	[tilespmem:s16+$0x1E30] =	vst v62  }
0xc0: {  	v41 =	vld [tilespmem:s16+$0x1EA0];
	v8 =	vmul.f32 v22, v24;
	[tilespmem:s16+$0x1FF0] =	vst v63  }
0xc1: {  	v46 =	vld [tilespmem:s16+$0x1EE0];
	v9 =	vmul.f32 v23, v24;
	[tilespmem:s16+$0x1E70] =	vst v16  }
0xc2: {  	v6 =	vmul.f32 v26, v24;
	v3 =	vld [tilespmem:s16+$0x1E90];
	[tilespmem:s16+$0x1DA0] =	vst v8  }
0xc3: {  	v36 =	vld [tilespmem:s16+$0x1E50];
	v44 =	vbroadcast v2, $0xD;
	v10 =	vmul.f32 v31, v35;
	[tilespmem:s16+$0x1DB0] =	vst v9  }
0xc4: {  	v37 =	vld [tilespmem:s16+$0x1E60];
	v13 =	vmul.f32 v34, v35;
	[tilespmem:s16+$0x1DC0] =	vst v6  }
0xc5: {  	v39 =	vld [tilespmem:s16+$0x1E80];
	v12 =	vmul.f32 v41, v44;
	[tilespmem:s16+$0x1E10] =	vst v10  }
0xc6: {  	v42 =	vld [tilespmem:s16+$0x1EB0];
	v51 =	vmul.f32 v46, v44;
	[tilespmem:s16+$0x1E40] =	vst v13  }
0xc7: {  	v48 =	vld [tilespmem:s16+$0x1F10];
	[tilespmem:s16+$0x1EA0] =	vst v12;
	v3 =	vmul.f32 v3, v44  }
0xc8: {  	v49 =	vld [tilespmem:s16+$0x1F20];
	v9 =	vmul.f32 v36, v35;
	[tilespmem:s16+$0x1EE0] =	vst v51  }
0xc9: {  	v6 =	vmul.f32 v37, v35;
	[tilespmem:s16+$0x1E90] =	vst v3;
	v3 =	vld [tilespmem:s16+$0x1F00]  }
0xca: {  	v2 =	vbroadcast v2, $0xE;
	v50 =	vld [tilespmem:s16+$0x1F30];
	v10 =	vmul.f32 v39, v44;
	[tilespmem:s16+$0x1E50] =	vst v9  }
0xcb: {  	v45 =	vld [tilespmem:s16+$0x1ED0];
	v13 =	vmul.f32 v42, v44;
	[tilespmem:s16+$0x1E60] =	vst v6  }
0xcc: {  	v47 =	vld [tilespmem:s16+$0x1EF0];
	v12 =	vmul.f32 v48, v2;
	[tilespmem:s16+$0x1E80] =	vst v10  }
0xcd: {  	v43 =	vld [tilespmem:s16+$0x1EC0];
	v11 =	vmul.f32 v49, v2;
	[tilespmem:s16+$0x1EB0] =	vst v13  }
0xce: {  	v55 =	vld [tilespmem:s16+$0x1F80];
	[tilespmem:s16+$0x1F10] =	vst v12;
	v3 =	vmul.f32 v3, v2  }
0xcf: {  	v57 =	vld [tilespmem:s16+$0x1FA0];
	v7 =	vmul.f32 v50, v2;
	[tilespmem:s16+$0x1F20] =	vst v11  }
0xd0: {  	v6 =	vmul.f32 v45, v44;
	[tilespmem:s16+$0x1F00] =	vst v3;
	v3 =	vld [tilespmem:s16+$0x1F70]  }
0xd1: {  	v52 =	vld [tilespmem:s16+$0x1F40];
	v10 =	vmul.f32 v47, v44;
	[tilespmem:s16+$0x1F30] =	vst v7  }
0xd2: {  	v56 =	vld [tilespmem:s16+$0x1F90];
	v9 =	vmul.f32 v43, v44;
	[tilespmem:s16+$0x1ED0] =	vst v6  }
0xd3: {  	v54 =	vld [tilespmem:s16+$0x1F60];
	v12 =	vmul.f32 v55, v5;
	[tilespmem:s16+$0x1EF0] =	vst v10  }
0xd4: {  	v58 =	vld [tilespmem:s16+$0x1FB0];
	v7 =	vmul.f32 v57, v5;
	[tilespmem:s16+$0x1EC0] =	vst v9  }
0xd5: {  	v53 =	vld [tilespmem:s16+$0x1F50];
	[tilespmem:s16+$0x1F80] =	vst v12;
	v3 =	vmul.f32 v3, v2  }
0xd6: {  	v59 =	vld [tilespmem:s16+$0x1FC0];
	v6 =	vmul.f32 v52, v2;
	[tilespmem:s16+$0x1FA0] =	vst v7  }
0xd7: {  	v60 =	vld [tilespmem:s16+$0x1FE0];
	[tilespmem:s16+$0x1F70] =	vst v3;
	v3 =	vmul.f32 v56, v5  }
0xd8: {  	v10 =	vmul.f32 v54, v2;
	[tilespmem:s16+$0x1F40] =	vst v6  }
0xd9: {  	v4 =	vld [tilespmem:s16+$0x1E20];
	[tilespmem:s16+$0x1F90] =	vst v3;
	v3 =	vmul.f32 v58, v5  }
0xda: {  	[tilespmem:s16+$0x1F60] =	vst v10;
	v2 =	vmul.f32 v53, v2  }
0xdb: {  	[tilespmem:s16+$0x1FB0] =	vst v3;
	v3 =	vmul.f32 v59, v5  }
0xdc: {  	[tilespmem:s16+$0x1F50] =	vst v2;
	v5 =	vmul.f32 v60, v5  }
0xdd: {  	[tilespmem:s16+$0x1FC0] =	vst v3  }
0xde: {  	s17 =	simm.s32 $0x1;
	v3 =	vmul.f32 v4, v35;
	[tilespmem:s16+$0x1FE0] =	vst v5  }
.LBB2_5:
0xdf: {  	s18 =	sshll.u32 s17, $0x4  }
0xe0: {  	p0 =	sne.s32 s17, $0x7;
	[tilespmem:s16+$0x1E20] =	vst v3;
	s16 =	smov.u32 s17;
	s17 =	sadd.s32 $0x1, s17  }
0xe1: {  	s18 =	sand.u32 $0x3FFFFFF0, s18  }
0xe2: {  	v2 =	vld.idx.msk [tilespmem:v1+s18+$0x0 ss:$0x1], $0xffff  }
0xe3: {  	s16 =	sshll.u32 s16, $0xB  }
0xe4: {  	s16 =	sand.u32 $0x3FFFF800, s16  }
0xe5: {  	v9 =	vld [tilespmem:s16+$0x18C0]  }
0xe6: {  	v10 =	vld [tilespmem:s16+$0x18D0]  }
0xe7: {  	v11 =	vld [tilespmem:s16+$0x18B0]  }
0xe8: {  	v3 =	vbroadcast v2, $0x0;
	v8 =	vbroadcast v2, $0x4;
	v4 =	vld [tilespmem:s16+$0x1820]  }
0xe9: {  	v6 =	vld [tilespmem:s16+$0x1830]  }
0xea: {  	v7 =	vld [tilespmem:s16+$0x1D70]  }
0xeb: {  	v12 =	vld [tilespmem:s16+$0x1860]  }
0xec: {  	v13 =	vld [tilespmem:s16+$0x1870]  }
0xed: {  	v5 =	vbroadcast v2, $0xA;
	v4 =	vmul.f32 v4, v3;
	v14 =	vld [tilespmem:s16+$0x1880]  }
0xee: {  	v6 =	vmul.f32 v6, v3;
	v15 =	vld [tilespmem:s16+$0x1890]  }
0xef: {  	[tilespmem:s16+$0x1820] =	vst v4;
	v16 =	vld [tilespmem:s16+$0x18A0];
	v4 =	vmul.f32 v7, v5  }
0xf0: {  	[tilespmem:s16+$0x1830] =	vst v6;
	v7 =	vmul.f32 v12, v3;
	v12 =	vbroadcast v2, $0x1;
	v6 =	vld [tilespmem:s16+$0x1D80]  }
0xf1: {  	v13 =	vmul.f32 v13, v3;
	[tilespmem:s16+$0x1D70] =	vst v4;
	v4 =	vld [tilespmem:s16+$0x1FD0]  }
0xf2: {  	[tilespmem:s16+$0x1860] =	vst v7;
	v14 =	vmul.f32 v14, v12;
	v7 =	vld [tilespmem:s16+$0x1D90]  }
0xf3: {  	[tilespmem:s16+$0x1870] =	vst v13;
	v13 =	vmul.f32 v15, v12;
	v15 =	vld [tilespmem:s16+$0x18E0]  }
0xf4: {  	[tilespmem:s16+$0x1880] =	vst v14;
	v14 =	vmul.f32 v16, v12;
	v16 =	vld [tilespmem:s16+$0x18F0]  }
0xf5: {  	v11 =	vmul.f32 v11, v12;
	[tilespmem:s16+$0x1890] =	vst v13;
	v13 =	vld [tilespmem:s16+$0x1900]  }
0xf6: {  	v9 =	vmul.f32 v9, v12;
	[tilespmem:s16+$0x18A0] =	vst v14;
	v14 =	vld [tilespmem:s16+$0x1910]  }
0xf7: {  	v10 =	vmul.f32 v10, v12;
	[tilespmem:s16+$0x18B0] =	vst v11;
	v11 =	vld [tilespmem:s16+$0x1920]  }
0xf8: {  	[tilespmem:s16+$0x18C0] =	vst v9;
	v9 =	vmul.f32 v15, v12;
	v15 =	vbroadcast v2, $0x2;
	v17 =	vld [tilespmem:s16+$0x1930]  }
0xf9: {  	[tilespmem:s16+$0x18D0] =	vst v10;
	v10 =	vmul.f32 v16, v12;
	v12 =	vld [tilespmem:s16+$0x1940]  }
0xfa: {  	[tilespmem:s16+$0x18E0] =	vst v9;
	v9 =	vmul.f32 v13, v15;
	v13 =	vld [tilespmem:s16+$0x1950]  }
0xfb: {  	[tilespmem:s16+$0x18F0] =	vst v10;
	v10 =	vmul.f32 v14, v15;
	v14 =	vld [tilespmem:s16+$0x1960]  }
0xfc: {  	[tilespmem:s16+$0x1900] =	vst v9;
	v9 =	vmul.f32 v11, v15;
	v11 =	vld [tilespmem:s16+$0x1970]  }
0xfd: {  	[tilespmem:s16+$0x1910] =	vst v10;
	v10 =	vmul.f32 v17, v15;
	v16 =	vld [tilespmem:s16+$0x1980]  }
0xfe: {  	[tilespmem:s16+$0x1920] =	vst v9;
	v9 =	vmul.f32 v12, v15;
	v12 =	vld [tilespmem:s16+$0x1990]  }
0xff: {  	[tilespmem:s16+$0x1930] =	vst v10;
	v10 =	vmul.f32 v13, v15;
	v13 =	vld [tilespmem:s16+$0x19A0]  }
0x100: {  	[tilespmem:s16+$0x1940] =	vst v9;
	v9 =	vmul.f32 v14, v15;
	v14 =	vbroadcast v2, $0x3;
	v17 =	vld [tilespmem:s16+$0x19B0]  }
0x101: {  	[tilespmem:s16+$0x1950] =	vst v10;
	v10 =	vmul.f32 v11, v15;
	v11 =	vld [tilespmem:s16+$0x19C0]  }
0x102: {  	[tilespmem:s16+$0x1960] =	vst v9;
	v9 =	vmul.f32 v16, v14;
	v15 =	vld [tilespmem:s16+$0x19D0]  }
0x103: {  	[tilespmem:s16+$0x1970] =	vst v10;
	v10 =	vmul.f32 v12, v14;
	v12 =	vld [tilespmem:s16+$0x19E0]  }
0x104: {  	[tilespmem:s16+$0x1980] =	vst v9;
	v9 =	vmul.f32 v13, v14;
	v13 =	vld [tilespmem:s16+$0x19F0]  }
0x105: {  	[tilespmem:s16+$0x1990] =	vst v10;
	v10 =	vmul.f32 v17, v14;
	v16 =	vld [tilespmem:s16+$0x1A00]  }
0x106: {  	[tilespmem:s16+$0x19A0] =	vst v9;
	v9 =	vmul.f32 v11, v14;
	v11 =	vld [tilespmem:s16+$0x1A10]  }
0x107: {  	[tilespmem:s16+$0x19B0] =	vst v10;
	v10 =	vmul.f32 v15, v14;
	v15 =	vld [tilespmem:s16+$0x1A20]  }
0x108: {  	[tilespmem:s16+$0x19C0] =	vst v9;
	v9 =	vmul.f32 v12, v14;
	v12 =	vld [tilespmem:s16+$0x1A30]  }
0x109: {  	[tilespmem:s16+$0x19D0] =	vst v10;
	v10 =	vmul.f32 v13, v14;
	v13 =	vld [tilespmem:s16+$0x1A40]  }
0x10a: {  	[tilespmem:s16+$0x19E0] =	vst v9;
	v9 =	vmul.f32 v16, v8;
	v14 =	vld [tilespmem:s16+$0x1A50]  }
0x10b: {  	[tilespmem:s16+$0x19F0] =	vst v10;
	v10 =	vmul.f32 v11, v8;
	v11 =	vld [tilespmem:s16+$0x1A60]  }
0x10c: {  	[tilespmem:s16+$0x1A00] =	vst v9;
	v9 =	vmul.f32 v15, v8;
	v15 =	vld [tilespmem:s16+$0x1A70]  }
0x10d: {  	[tilespmem:s16+$0x1A10] =	vst v10;
	v10 =	vmul.f32 v12, v8;
	v12 =	vld [tilespmem:s16+$0x1A80]  }
0x10e: {  	[tilespmem:s16+$0x1A20] =	vst v9;
	v9 =	vmul.f32 v13, v8;
	v13 =	vld [tilespmem:s16+$0x1A90]  }
0x10f: {  	[tilespmem:s16+$0x1A30] =	vst v10;
	v10 =	vmul.f32 v14, v8;
	v14 =	vld [tilespmem:s16+$0x1AA0]  }
0x110: {  	[tilespmem:s16+$0x1A40] =	vst v9;
	v9 =	vmul.f32 v11, v8;
	v11 =	vbroadcast v2, $0x5;
	v16 =	vld [tilespmem:s16+$0x1AB0]  }
0x111: {  	[tilespmem:s16+$0x1A50] =	vst v10;
	v8 =	vmul.f32 v15, v8;
	v10 =	vld [tilespmem:s16+$0x1AC0]  }
0x112: {  	[tilespmem:s16+$0x1A60] =	vst v9;
	v9 =	vmul.f32 v12, v11;
	v12 =	vld [tilespmem:s16+$0x1AD0]  }
0x113: {  	[tilespmem:s16+$0x1A70] =	vst v8;
	v8 =	vmul.f32 v13, v11;
	v13 =	vld [tilespmem:s16+$0x1AE0]  }
0x114: {  	[tilespmem:s16+$0x1A80] =	vst v9;
	v9 =	vmul.f32 v14, v11;
	v14 =	vld [tilespmem:s16+$0x1AF0]  }
0x115: {  	[tilespmem:s16+$0x1A90] =	vst v8;
	v8 =	vmul.f32 v16, v11;
	v15 =	vld [tilespmem:s16+$0x1B00]  }
0x116: {  	[tilespmem:s16+$0x1AA0] =	vst v9;
	v9 =	vmul.f32 v10, v11;
	v10 =	vld [tilespmem:s16+$0x1B10]  }
0x117: {  	[tilespmem:s16+$0x1AB0] =	vst v8;
	v8 =	vmul.f32 v12, v11;
	v12 =	vld [tilespmem:s16+$0x1B20]  }
0x118: {  	[tilespmem:s16+$0x1AC0] =	vst v9;
	v9 =	vmul.f32 v13, v11;
	v13 =	vbroadcast v2, $0x6;
	v16 =	vld [tilespmem:s16+$0x1B30]  }
0x119: {  	[tilespmem:s16+$0x1AD0] =	vst v8;
	v8 =	vmul.f32 v14, v11;
	v11 =	vld [tilespmem:s16+$0x1B40]  }
0x11a: {  	[tilespmem:s16+$0x1AE0] =	vst v9;
	v9 =	vmul.f32 v15, v13;
	v14 =	vld [tilespmem:s16+$0x1B50]  }
0x11b: {  	[tilespmem:s16+$0x1AF0] =	vst v8;
	v8 =	vmul.f32 v10, v13;
	v10 =	vld [tilespmem:s16+$0x1B60]  }
0x11c: {  	[tilespmem:s16+$0x1B00] =	vst v9;
	v9 =	vmul.f32 v12, v13;
	v12 =	vld [tilespmem:s16+$0x1B70]  }
0x11d: {  	[tilespmem:s16+$0x1B10] =	vst v8;
	v8 =	vmul.f32 v16, v13;
	v15 =	vld [tilespmem:s16+$0x1B80]  }
0x11e: {  	[tilespmem:s16+$0x1B20] =	vst v9;
	v9 =	vmul.f32 v11, v13;
	v11 =	vld [tilespmem:s16+$0x1B90]  }
0x11f: {  	[tilespmem:s16+$0x1B30] =	vst v8;
	v8 =	vmul.f32 v14, v13;
	v14 =	vld [tilespmem:s16+$0x1BA0]  }
0x120: {  	[tilespmem:s16+$0x1B40] =	vst v9;
	v9 =	vmul.f32 v10, v13;
	v10 =	vbroadcast v2, $0x7;
	v16 =	vld [tilespmem:s16+$0x1BB0]  }
0x121: {  	[tilespmem:s16+$0x1B50] =	vst v8;
	v8 =	vmul.f32 v12, v13;
	v12 =	vld [tilespmem:s16+$0x1BC0]  }
0x122: {  	[tilespmem:s16+$0x1B60] =	vst v9;
	v9 =	vmul.f32 v15, v10;
	v13 =	vld [tilespmem:s16+$0x1BD0]  }
0x123: {  	[tilespmem:s16+$0x1B70] =	vst v8;
	v8 =	vmul.f32 v11, v10;
	v11 =	vld [tilespmem:s16+$0x1BE0]  }
0x124: {  	[tilespmem:s16+$0x1B80] =	vst v9;
	v9 =	vmul.f32 v14, v10;
	v14 =	vld [tilespmem:s16+$0x1BF0]  }
0x125: {  	[tilespmem:s16+$0x1B90] =	vst v8;
	v8 =	vmul.f32 v16, v10;
	v15 =	vld [tilespmem:s16+$0x1C00]  }
0x126: {  	[tilespmem:s16+$0x1BA0] =	vst v9;
	v9 =	vmul.f32 v12, v10;
	v12 =	vld [tilespmem:s16+$0x1C10]  }
0x127: {  	[tilespmem:s16+$0x1BB0] =	vst v8;
	v8 =	vmul.f32 v13, v10;
	v13 =	vld [tilespmem:s16+$0x1C20]  }
0x128: {  	[tilespmem:s16+$0x1BC0] =	vst v9;
	v9 =	vmul.f32 v11, v10;
	v11 =	vbroadcast v2, $0x8;
	v16 =	vld [tilespmem:s16+$0x1C30]  }
0x129: {  	[tilespmem:s16+$0x1BD0] =	vst v8;
	v8 =	vmul.f32 v14, v10;
	v10 =	vld [tilespmem:s16+$0x1C40]  }
0x12a: {  	[tilespmem:s16+$0x1BE0] =	vst v9;
	v9 =	vmul.f32 v15, v11;
	v14 =	vld [tilespmem:s16+$0x1C50]  }
0x12b: {  	[tilespmem:s16+$0x1BF0] =	vst v8;
	v8 =	vmul.f32 v12, v11;
	v12 =	vld [tilespmem:s16+$0x1C60]  }
0x12c: {  	[tilespmem:s16+$0x1C00] =	vst v9;
	v9 =	vmul.f32 v13, v11;
	v13 =	vld [tilespmem:s16+$0x1C70]  }
0x12d: {  	[tilespmem:s16+$0x1C10] =	vst v8;
	v8 =	vmul.f32 v16, v11;
	v15 =	vld [tilespmem:s16+$0x1C80]  }
0x12e: {  	[tilespmem:s16+$0x1C20] =	vst v9;
	v9 =	vmul.f32 v10, v11;
	v10 =	vld [tilespmem:s16+$0x1C90]  }
0x12f: {  	[tilespmem:s16+$0x1C30] =	vst v8;
	v8 =	vmul.f32 v14, v11;
	v14 =	vld [tilespmem:s16+$0x1CA0]  }
0x130: {  	[tilespmem:s16+$0x1C40] =	vst v9;
	v9 =	vmul.f32 v12, v11;
	v12 =	vbroadcast v2, $0x9;
	v16 =	vld [tilespmem:s16+$0x1CB0]  }
0x131: {  	[tilespmem:s16+$0x1C50] =	vst v8;
	v8 =	vmul.f32 v13, v11;
	v11 =	vld [tilespmem:s16+$0x1CC0]  }
0x132: {  	[tilespmem:s16+$0x1C60] =	vst v9;
	v9 =	vmul.f32 v15, v12;
	v13 =	vld [tilespmem:s16+$0x1CD0]  }
0x133: {  	[tilespmem:s16+$0x1C70] =	vst v8;
	v8 =	vmul.f32 v10, v12;
	v10 =	vld [tilespmem:s16+$0x1CE0]  }
0x134: {  	[tilespmem:s16+$0x1C80] =	vst v9;
	v9 =	vmul.f32 v14, v12;
	v14 =	vld [tilespmem:s16+$0x1CF0]  }
0x135: {  	[tilespmem:s16+$0x1C90] =	vst v8;
	v8 =	vmul.f32 v16, v12;
	v15 =	vld [tilespmem:s16+$0x1D00]  }
0x136: {  	[tilespmem:s16+$0x1CA0] =	vst v9;
	v9 =	vmul.f32 v11, v12;
	v11 =	vld [tilespmem:s16+$0x1D10]  }
0x137: {  	[tilespmem:s16+$0x1CB0] =	vst v8;
	v8 =	vmul.f32 v13, v12;
	v13 =	vld [tilespmem:s16+$0x1D20]  }
0x138: {  	[tilespmem:s16+$0x1CC0] =	vst v9;
	v9 =	vmul.f32 v10, v12;
	v10 =	vld [tilespmem:s16+$0x1D30]  }
0x139: {  	[tilespmem:s16+$0x1CD0] =	vst v8;
	v8 =	vmul.f32 v14, v12;
	v12 =	vld [tilespmem:s16+$0x1D40]  }
0x13a: {  	[tilespmem:s16+$0x1CE0] =	vst v9;
	v9 =	vmul.f32 v15, v5;
	v14 =	vld [tilespmem:s16+$0x1D50]  }
0x13b: {  	[tilespmem:s16+$0x1CF0] =	vst v8;
	v8 =	vmul.f32 v11, v5;
	v11 =	vld [tilespmem:s16+$0x1D60]  }
0x13c: {  	v15 =	vld [tilespmem:s16+$0x1800];
	[tilespmem:s16+$0x1D00] =	vst v9;
	v9 =	vmul.f32 v13, v5  }
0x13d: {  	v13 =	vld [tilespmem:s16+$0x1810];
	[tilespmem:s16+$0x1D10] =	vst v8;
	v8 =	vmul.f32 v10, v5  }
0x13e: {  	v10 =	vld [tilespmem:s16+$0x1840];
	[tilespmem:s16+$0x1D20] =	vst v9;
	v9 =	vmul.f32 v12, v5  }
0x13f: {  	v12 =	vld [tilespmem:s16+$0x1850];
	[tilespmem:s16+$0x1D30] =	vst v8;
	v8 =	vmul.f32 v14, v5  }
0x140: {  	[tilespmem:s16+$0x1D40] =	vst v9;
	v9 =	vmul.f32 v11, v5;
	v11 =	vbroadcast v2, $0xB;
	v14 =	vld [tilespmem:s16+$0x1DA0]  }
0x141: {  	v5 =	vbroadcast v2, $0xF;
	v15 =	vmul.f32 v3, v15;
	[tilespmem:s16+$0x1D50] =	vst v8;
	v8 =	vld [tilespmem:s16+$0x1DB0]  }
0x142: {  	v13 =	vmul.f32 v13, v3;
	[tilespmem:s16+$0x1D60] =	vst v9;
	v6 =	vmul.f32 v6, v11;
	v9 =	vld [tilespmem:s16+$0x1DC0]  }
0x143: {  	v7 =	vmul.f32 v7, v11;
	[tilespmem:s16+$0x1800] =	vst v15;
	v10 =	vmul.f32 v10, v3;
	v15 =	vld [tilespmem:s16+$0x1DD0]  }
0x144: {  	v4 =	vmul.f32 v4, v5;
	v12 =	vmul.f32 v12, v3;
	[tilespmem:s16+$0x1D80] =	vst v6;
	v3 =	vld [tilespmem:s16+$0x1DE0]  }
0x145: {  	[tilespmem:s16+$0x1D90] =	vst v7;
	v6 =	vmul.f32 v14, v11;
	v7 =	vld [tilespmem:s16+$0x1DF0]  }
0x146: {  	v8 =	vmul.f32 v8, v11;
	v14 =	vld [tilespmem:s16+$0x1E00];
	[tilespmem:s16+$0x1FD0] =	vst v4  }
0x147: {  	[tilespmem:s16+$0x1810] =	vst v13;
	v4 =	vmul.f32 v9, v11;
	v9 =	vld [tilespmem:s16+$0x1E10]  }
0x148: {  	[tilespmem:s16+$0x1840] =	vst v10;
	v10 =	vmul.f32 v15, v11;
	v13 =	vld [tilespmem:s16+$0x1E20]  }
0x149: {  	v15 =	vbroadcast v2, $0xC;
	[tilespmem:s16+$0x1DA0] =	vst v6;
	v6 =	vmul.f32 v3, v11;
	v16 =	vld [tilespmem:s16+$0x1E30]  }
0x14a: {  	[tilespmem:s16+$0x1DD0] =	vst v10;
	v7 =	vmul.f32 v7, v11;
	v10 =	vld [tilespmem:s16+$0x1E40]  }
0x14b: {  	[tilespmem:s16+$0x1DB0] =	vst v8;
	v3 =	vmul.f32 v14, v15;
	v8 =	vld [tilespmem:s16+$0x1E50]  }
0x14c: {  	[tilespmem:s16+$0x1DC0] =	vst v4;
	v4 =	vmul.f32 v9, v15;
	v9 =	vld [tilespmem:s16+$0x1E60]  }
0x14d: {  	[tilespmem:s16+$0x1E00] =	vst v3;
	v3 =	vmul.f32 v13, v15;
	v11 =	vld [tilespmem:s16+$0x1E70]  }
0x14e: {  	[tilespmem:s16+$0x1E10] =	vst v4;
	v4 =	vld [tilespmem:s16+$0x1E80]  }
0x14f: {  	[tilespmem:s16+$0x1850] =	vst v12;
	v10 =	vmul.f32 v10, v15;
	v12 =	vld [tilespmem:s16+$0x1E90]  }
0x150: {  	[tilespmem:s16+$0x1DE0] =	vst v6;
	v6 =	vmul.f32 v8, v15;
	v8 =	vld [tilespmem:s16+$0x1EA0]  }
0x151: {  	[tilespmem:s16+$0x1E40] =	vst v10;
	v9 =	vmul.f32 v9, v15;
	v10 =	vbroadcast v2, $0xD;
	v13 =	vld [tilespmem:s16+$0x1EB0]  }
0x152: {  	[tilespmem:s16+$0x1E50] =	vst v6;
	v6 =	vmul.f32 v11, v15;
	v11 =	vld [tilespmem:s16+$0x1EC0]  }
0x153: {  	[tilespmem:s16+$0x1E60] =	vst v9;
	v4 =	vmul.f32 v4, v10;
	v9 =	vld [tilespmem:s16+$0x1ED0]  }
0x154: {  	[tilespmem:s16+$0x1E70] =	vst v6;
	v6 =	vmul.f32 v12, v10;
	v12 =	vld [tilespmem:s16+$0x1EE0]  }
0x155: {  	[tilespmem:s16+$0x1E80] =	vst v4;
	v4 =	vmul.f32 v8, v10;
	v8 =	vld [tilespmem:s16+$0x1EF0]  }
0x156: {  	[tilespmem:s16+$0x1E90] =	vst v6;
	v6 =	vmul.f32 v13, v10;
	v13 =	vld [tilespmem:s16+$0x1F00]  }
0x157: {  	[tilespmem:s16+$0x1EA0] =	vst v4;
	v4 =	vmul.f32 v11, v10;
	v11 =	vld [tilespmem:s16+$0x1F10]  }
0x158: {  	[tilespmem:s16+$0x1EB0] =	vst v6;
	v6 =	vmul.f32 v9, v10;
	v9 =	vld [tilespmem:s16+$0x1F20]  }
0x159: {  	v2 =	vbroadcast v2, $0xE;
	[tilespmem:s16+$0x1DF0] =	vst v7;
	v7 =	vmul.f32 v12, v10;
	v12 =	vld [tilespmem:s16+$0x1F30]  }
0x15a: {  	[tilespmem:s16+$0x1ED0] =	vst v6;
	v6 =	vmul.f32 v8, v10;
	v8 =	vld [tilespmem:s16+$0x1F40]  }
0x15b: {  	[tilespmem:s16+$0x1EE0] =	vst v7;
	v7 =	vmul.f32 v13, v2;
	v10 =	vld [tilespmem:s16+$0x1F50]  }
0x15c: {  	[tilespmem:s16+$0x1EF0] =	vst v6;
	v6 =	vmul.f32 v11, v2;
	v11 =	vld [tilespmem:s16+$0x1F60]  }
0x15d: {  	[tilespmem:s16+$0x1F00] =	vst v7;
	v7 =	vmul.f32 v9, v2;
	v9 =	vld [tilespmem:s16+$0x1F70]  }
0x15e: {  	[tilespmem:s16+$0x1F10] =	vst v6;
	v6 =	vmul.f32 v12, v2;
	v12 =	vld [tilespmem:s16+$0x1F80]  }
0x15f: {  	[tilespmem:s16+$0x1F20] =	vst v7;
	v7 =	vmul.f32 v8, v2;
	v8 =	vld [tilespmem:s16+$0x1F90]  }
0x160: {  	[tilespmem:s16+$0x1F30] =	vst v6;
	v6 =	vmul.f32 v10, v2;
	v10 =	vld [tilespmem:s16+$0x1FA0]  }
0x161: {  	[tilespmem:s16+$0x1F40] =	vst v7;
	v7 =	vmul.f32 v11, v2;
	v11 =	vld [tilespmem:s16+$0x1FB0]  }
0x162: {  	[tilespmem:s16+$0x1EC0] =	vst v4;
	v2 =	vmul.f32 v9, v2;
	v4 =	vld [tilespmem:s16+$0x1FC0]  }
0x163: {  	[tilespmem:s16+$0x1F60] =	vst v7;
	v7 =	vmul.f32 v12, v5;
	v9 =	vld [tilespmem:s16+$0x1FE0]  }
0x164: {  	[tilespmem:s16+$0x1F70] =	vst v2;
	v2 =	vmul.f32 v8, v5;
	v8 =	vld [tilespmem:s16+$0x1FF0]  }
0x165: {  	[tilespmem:s16+$0x1F80] =	vst v7;
	v7 =	vmul.f32 v10, v5  }
0x166: {  	[tilespmem:s16+$0x1F90] =	vst v2;
	v2 =	vmul.f32 v11, v5  }
0x167: {  	v10 =	vmul.f32 v16, v15;
	[tilespmem:s16+$0x1FA0] =	vst v7  }
0x168: {  	[tilespmem:s16+$0x1FB0] =	vst v2;
	v2 =	vmul.f32 v4, v5  }
.Ltmp1:
0x169: {  	[tilespmem:s16+$0x1E30] =	vst v10;
	v4 =	vmul.f32 v8, v5;
	(pc) =	sbr.rel @p0 .LBB2_5-.Ltmp1, $4  }
0x16a: {  	[tilespmem:s16+$0x1FC0] =	vst v2  }
0x16b: {  	v2 =	vmul.f32 v9, v5;
	[tilespmem:s16+$0x1FF0] =	vst v4  }
0x16c: {  	[tilespmem:s16+$0x1F50] =	vst v6  }
0x16d: {  	[tilespmem:s16+$0x1FE0] =	vst v2  }
0x16e: {  	[tilespmem:s16+$0x1E20] =	vst v3;
	s15 =	sor.u32 $0x800, s15  }
0x16f: {  	[spmem:s3] =	stream.indirect.scatter.add.f32 [tilespmem:s23], [sflag:$0x3], $0x80, s15, s28, $0xb8;
	[tilespmem:$0x1D800] =	vst v63  }
0x170: {  	s14 =	sadd.s32 $0x2, s14;
	_ =	swait.ge [sflag:s31], $0x4000  }
0x171: {  	p0 =	seq.s32 s26, $0x2F;
	s15 =	sand.u32 $0xE, s14;
	[sflag:s31] =	ssyncset.done $0x0  }
0x172: {  	p1 =	seq.s32 @!p0 s15, $0x0;
	[sflag:s31] =	ssyncadd.s32 $0xFFFFC000  }
0x173: {  	s18 =	sor.u32 $0x1000, s5;
	p1 =	por p1, p0;
	_ =	swait.ge [sflag:s0], $0x4000  }
0x174: {  	v1 =	vmov s18;
	s16 =	sshll.u32 @!p1 s15, $0x7;
	[sflag:s0] =	ssyncset.done $0x0  }
0x175: {  	s17 =	simm.s32 @!p1 $0x80;
	s18 =	simm.s32 @!p1 $0x1800;
	[sflag:s0] =	ssyncadd.s32 $0xFFFFC000  }
0x176: {  	[tilespmem:s18], [sflag:$0x1] =	stream.indirect.gather @!p1 [hbm4b:s1+s17], $0x80, s16, s17, $0xb8;
	[tilespmem:$0x1D800] =	vst v63  }
0x177: {  	s17 =	simm.s32 $0x0  }
0x178: {  	s18 =	simm.s32 $0x0;
	s16 =	sand.u32 $0x3FFFFFF0, s17  }
0x179: {  	v2 =	vld.idx.msk [tilespmem:v1+s16+$0x0 ss:$0x1], $0xffff;
	s16 =	sand.u32 $0x3FFFF800, s18  }
0x17a: {  	v8 =	vld [tilespmem:s16+$0x58C0]  }
0x17b: {  	v4 =	vld [tilespmem:s16+$0x5820]  }
0x17c: {  	v5 =	vld [tilespmem:s16+$0x5830]  }
0x17d: {  	v11 =	vld [tilespmem:s16+$0x5860]  }
0x17e: {  	v12 =	vld [tilespmem:s16+$0x5870];
	v3 =	vbroadcast v2, $0x0  }
0x17f: {  	v13 =	vld [tilespmem:s16+$0x5880]  }
0x180: {  	v14 =	vld [tilespmem:s16+$0x5890];
	v4 =	vmul.f32 v4, v3  }
0x181: {  	v15 =	vld [tilespmem:s16+$0x58A0];
	v5 =	vmul.f32 v5, v3  }
0x182: {  	v10 =	vld [tilespmem:s16+$0x58B0];
	v21 =	vbroadcast v2, $0x1;
	v20 =	vmul.f32 v11, v3;
	[tilespmem:s16+$0x5820] =	vst v4  }
0x183: {  	v9 =	vld [tilespmem:s16+$0x58D0];
	v12 =	vmul.f32 v12, v3;
	[tilespmem:s16+$0x5830] =	vst v5  }
0x184: {  	v7 =	vld [tilespmem:s16+$0x5D70];
	v13 =	vmul.f32 v13, v21;
	[tilespmem:s16+$0x5860] =	vst v20  }
0x185: {  	v23 =	vld [tilespmem:s16+$0x58F0];
	v14 =	vmul.f32 v14, v21;
	[tilespmem:s16+$0x5870] =	vst v12  }
0x186: {  	v24 =	vld [tilespmem:s16+$0x5900];
	v15 =	vmul.f32 v15, v21;
	[tilespmem:s16+$0x5880] =	vst v13  }
0x187: {  	v25 =	vld [tilespmem:s16+$0x5910];
	v10 =	vmul.f32 v10, v21;
	[tilespmem:s16+$0x5890] =	vst v14  }
0x188: {  	v22 =	vld [tilespmem:s16+$0x58E0];
	v8 =	vmul.f32 v8, v21;
	[tilespmem:s16+$0x58A0] =	vst v15  }
0x189: {  	v26 =	vld [tilespmem:s16+$0x5920];
	v16 =	vbroadcast v2, $0x2;
	v9 =	vmul.f32 v9, v21;
	[tilespmem:s16+$0x58B0] =	vst v10  }
0x18a: {  	v27 =	vld [tilespmem:s16+$0x5930];
	v11 =	vmul.f32 v23, v21;
	[tilespmem:s16+$0x58C0] =	vst v8  }
0x18b: {  	v28 =	vld [tilespmem:s16+$0x5940];
	v6 =	vbroadcast v2, $0xA;
	v30 =	vmul.f32 v24, v16;
	[tilespmem:s16+$0x58D0] =	vst v9  }
0x18c: {  	v29 =	vld [tilespmem:s16+$0x5950];
	v32 =	vmul.f32 v25, v16;
	[tilespmem:s16+$0x58F0] =	vst v11  }
0x18d: {  	v31 =	vld [tilespmem:s16+$0x5960];
	v4 =	vmul.f32 v7, v6;
	[tilespmem:s16+$0x5900] =	vst v30  }
0x18e: {  	v33 =	vld [tilespmem:s16+$0x5970];
	v12 =	vmul.f32 v22, v21;
	[tilespmem:s16+$0x5910] =	vst v32  }
0x18f: {  	v34 =	vld [tilespmem:s16+$0x5980];
	v10 =	vmul.f32 v26, v16;
	[tilespmem:s16+$0x5D70] =	vst v4  }
0x190: {  	v35 =	vld [tilespmem:s16+$0x5990];
	v8 =	vmul.f32 v27, v16;
	[tilespmem:s16+$0x58E0] =	vst v12  }
0x191: {  	v36 =	vld [tilespmem:s16+$0x59A0];
	v9 =	vmul.f32 v28, v16;
	[tilespmem:s16+$0x5920] =	vst v10  }
0x192: {  	v37 =	vld [tilespmem:s16+$0x59B0];
	v39 =	vbroadcast v2, $0x3;
	v11 =	vmul.f32 v31, v16;
	[tilespmem:s16+$0x5930] =	vst v8  }
0x193: {  	v38 =	vld [tilespmem:s16+$0x59C0];
	v13 =	vmul.f32 v33, v16;
	[tilespmem:s16+$0x5940] =	vst v9  }
0x194: {  	v40 =	vld [tilespmem:s16+$0x59D0];
	v14 =	vmul.f32 v34, v39;
	[tilespmem:s16+$0x5960] =	vst v11  }
0x195: {  	v41 =	vld [tilespmem:s16+$0x59E0];
	v12 =	vmul.f32 v29, v16;
	[tilespmem:s16+$0x5970] =	vst v13  }
0x196: {  	v42 =	vld [tilespmem:s16+$0x59F0];
	v10 =	vmul.f32 v35, v39;
	[tilespmem:s16+$0x5980] =	vst v14  }
0x197: {  	v43 =	vld [tilespmem:s16+$0x5A00];
	v8 =	vmul.f32 v36, v39;
	[tilespmem:s16+$0x5950] =	vst v12  }
0x198: {  	v44 =	vld [tilespmem:s16+$0x5A10];
	v9 =	vmul.f32 v37, v39;
	[tilespmem:s16+$0x5990] =	vst v10  }
0x199: {  	v45 =	vld [tilespmem:s16+$0x5A20];
	v11 =	vmul.f32 v40, v39;
	[tilespmem:s16+$0x59A0] =	vst v8  }
0x19a: {  	v46 =	vld [tilespmem:s16+$0x5A30];
	v13 =	vmul.f32 v41, v39;
	[tilespmem:s16+$0x59B0] =	vst v9  }
0x19b: {  	v47 =	vld [tilespmem:s16+$0x5A40];
	v48 =	vbroadcast v2, $0x4;
	v14 =	vmul.f32 v42, v39;
	[tilespmem:s16+$0x59D0] =	vst v11  }
0x19c: {  	v49 =	vld [tilespmem:s16+$0x5A50];
	v12 =	vmul.f32 v38, v39;
	[tilespmem:s16+$0x59E0] =	vst v13  }
0x19d: {  	v50 =	vld [tilespmem:s16+$0x5A60];
	v10 =	vmul.f32 v43, v48;
	[tilespmem:s16+$0x59F0] =	vst v14  }
0x19e: {  	v51 =	vld [tilespmem:s16+$0x5A70];
	v8 =	vmul.f32 v44, v48;
	[tilespmem:s16+$0x59C0] =	vst v12  }
0x19f: {  	v52 =	vld [tilespmem:s16+$0x5A80];
	v9 =	vmul.f32 v45, v48;
	[tilespmem:s16+$0x5A00] =	vst v10  }
0x1a0: {  	v53 =	vld [tilespmem:s16+$0x5A90];
	v11 =	vmul.f32 v47, v48;
	[tilespmem:s16+$0x5A10] =	vst v8  }
0x1a1: {  	v54 =	vld [tilespmem:s16+$0x5AA0];
	v13 =	vmul.f32 v49, v48;
	[tilespmem:s16+$0x5A20] =	vst v9  }
0x1a2: {  	v55 =	vld [tilespmem:s16+$0x5AB0];
	v14 =	vmul.f32 v50, v48;
	[tilespmem:s16+$0x5A40] =	vst v11  }
0x1a3: {  	v56 =	vld [tilespmem:s16+$0x5AC0];
	v57 =	vbroadcast v2, $0x5;
	v12 =	vmul.f32 v46, v48;
	[tilespmem:s16+$0x5A50] =	vst v13  }
0x1a4: {  	v58 =	vld [tilespmem:s16+$0x5AD0];
	v10 =	vmul.f32 v51, v48;
	[tilespmem:s16+$0x5A60] =	vst v14  }
0x1a5: {  	v59 =	vld [tilespmem:s16+$0x5AE0];
	v8 =	vmul.f32 v52, v57;
	[tilespmem:s16+$0x5A30] =	vst v12  }
0x1a6: {  	v60 =	vld [tilespmem:s16+$0x5AF0];
	v9 =	vmul.f32 v53, v57;
	[tilespmem:s16+$0x5A70] =	vst v10  }
0x1a7: {  	v61 =	vld [tilespmem:s16+$0x5B00];
	v11 =	vmul.f32 v55, v57;
	[tilespmem:s16+$0x5A80] =	vst v8  }
0x1a8: {  	v62 =	vld [tilespmem:s16+$0x5B10];
	v13 =	vmul.f32 v56, v57;
	[tilespmem:s16+$0x5A90] =	vst v9  }
0x1a9: {  	v63 =	vld [tilespmem:s16+$0x5B20];
	v14 =	vmul.f32 v58, v57;
	[tilespmem:s16+$0x5AB0] =	vst v11  }
0x1aa: {  	v20 =	vld [tilespmem:s16+$0x5B30];
	v12 =	vmul.f32 v54, v57;
	[tilespmem:s16+$0x5AC0] =	vst v13  }
0x1ab: {  	v21 =	vld [tilespmem:s16+$0x5B40];
	v22 =	vbroadcast v2, $0x6;
	v10 =	vmul.f32 v59, v57;
	[tilespmem:s16+$0x5AD0] =	vst v14  }
0x1ac: {  	v23 =	vld [tilespmem:s16+$0x5B50];
	v8 =	vmul.f32 v60, v57;
	[tilespmem:s16+$0x5AA0] =	vst v12  }
0x1ad: {  	v24 =	vld [tilespmem:s16+$0x5B60];
	v9 =	vmul.f32 v61, v22;
	[tilespmem:s16+$0x5AE0] =	vst v10  }
0x1ae: {  	v25 =	vld [tilespmem:s16+$0x5B70];
	v11 =	vmul.f32 v63, v22;
	[tilespmem:s16+$0x5AF0] =	vst v8  }
0x1af: {  	v5 =	vld [tilespmem:s16+$0x5D80];
	v13 =	vmul.f32 v20, v22;
	[tilespmem:s16+$0x5B00] =	vst v9  }
0x1b0: {  	v27 =	vld [tilespmem:s16+$0x5B90];
	v14 =	vmul.f32 v21, v22;
	[tilespmem:s16+$0x5B20] =	vst v11  }
0x1b1: {  	v28 =	vld [tilespmem:s16+$0x5BA0];
	v12 =	vmul.f32 v62, v22;
	[tilespmem:s16+$0x5B30] =	vst v13  }
0x1b2: {  	v29 =	vld [tilespmem:s16+$0x5BB0];
	v10 =	vmul.f32 v23, v22;
	[tilespmem:s16+$0x5B40] =	vst v14  }
0x1b3: {  	v31 =	vbroadcast v2, $0x7;
	v53 =	vld [tilespmem:s16+$0x5D00];
	v8 =	vmul.f32 v24, v22;
	[tilespmem:s16+$0x5B10] =	vst v12  }
0x1b4: {  	v58 =	vld [tilespmem:s16+$0x5D50];
	v9 =	vmul.f32 v25, v22;
	[tilespmem:s16+$0x5B50] =	vst v10  }
0x1b5: {  	v26 =	vld [tilespmem:s16+$0x5B80];
	v11 =	vmul.f32 v27, v31;
	[tilespmem:s16+$0x5B60] =	vst v8  }
0x1b6: {  	v30 =	vld [tilespmem:s16+$0x5BC0];
	v13 =	vmul.f32 v28, v31;
	[tilespmem:s16+$0x5B70] =	vst v9  }
0x1b7: {  	v32 =	vld [tilespmem:s16+$0x5BD0];
	v14 =	vmul.f32 v29, v31;
	[tilespmem:s16+$0x5B90] =	vst v11  }
0x1b8: {  	v33 =	vld [tilespmem:s16+$0x5BE0];
	v59 =	vmul.f32 v53, v6;
	[tilespmem:s16+$0x5BA0] =	vst v13  }
0x1b9: {  	v35 =	vld [tilespmem:s16+$0x5C00];
	v21 =	vmul.f32 v58, v6;
	[tilespmem:s16+$0x5BB0] =	vst v14  }
0x1ba: {  	v36 =	vld [tilespmem:s16+$0x5C10];
	v12 =	vmul.f32 v26, v31;
	[tilespmem:s16+$0x5D00] =	vst v59  }
0x1bb: {  	v37 =	vld [tilespmem:s16+$0x5C20];
	v10 =	vmul.f32 v30, v31;
	[tilespmem:s16+$0x5D50] =	vst v21  }
0x1bc: {  	v7 =	vld [tilespmem:s16+$0x5D90];
	v40 =	vbroadcast v2, $0x8;
	v8 =	vmul.f32 v32, v31;
	[tilespmem:s16+$0x5B80] =	vst v12  }
0x1bd: {  	v34 =	vld [tilespmem:s16+$0x5BF0];
	v9 =	vmul.f32 v33, v31;
	[tilespmem:s16+$0x5BC0] =	vst v10  }
0x1be: {  	v57 =	vld [tilespmem:s16+$0x5D40];
	v11 =	vmul.f32 v35, v40;
	[tilespmem:s16+$0x5BD0] =	vst v8  }
0x1bf: {  	v61 =	vld [tilespmem:s16+$0x5800];
	v24 =	vbroadcast v2, $0xB;
	v13 =	vmul.f32 v36, v40;
	[tilespmem:s16+$0x5BE0] =	vst v9  }
0x1c0: {  	v4 =	vld [tilespmem:s16+$0x5FD0];
	v14 =	vmul.f32 v37, v40;
	[tilespmem:s16+$0x5C00] =	vst v11  }
0x1c1: {  	v38 =	vld [tilespmem:s16+$0x5C30];
	v5 =	vmul.f32 v5, v24;
	[tilespmem:s16+$0x5C10] =	vst v13  }
0x1c2: {  	v39 =	vld [tilespmem:s16+$0x5C40];
	v7 =	vmul.f32 v7, v24;
	[tilespmem:s16+$0x5C20] =	vst v14  }
0x1c3: {  	v41 =	vld [tilespmem:s16+$0x5C50];
	v19 =	vmul.f32 v57, v6;
	[tilespmem:s16+$0x5D80] =	vst v5  }
0x1c4: {  	v43 =	vld [tilespmem:s16+$0x5C70];
	v25 =	vmul.f32 v3, v61;
	[tilespmem:s16+$0x5D90] =	vst v7  }
0x1c5: {  	v44 =	vld [tilespmem:s16+$0x5C80];
	v12 =	vmul.f32 v34, v31;
	[tilespmem:s16+$0x5D40] =	vst v19  }
0x1c6: {  	v45 =	vld [tilespmem:s16+$0x5C90];
	v10 =	vmul.f32 v38, v40;
	[tilespmem:s16+$0x5800] =	vst v25  }
0x1c7: {  	v27 =	vld [tilespmem:s16+$0x5DD0];
	v8 =	vmul.f32 v39, v40;
	[tilespmem:s16+$0x5BF0] =	vst v12  }
0x1c8: {  	v49 =	vbroadcast v2, $0x9;
	v29 =	vld [tilespmem:s16+$0x5DF0];
	v9 =	vmul.f32 v41, v40;
	[tilespmem:s16+$0x5C30] =	vst v10  }
0x1c9: {  	v42 =	vld [tilespmem:s16+$0x5C60];
	v11 =	vmul.f32 v43, v40;
	[tilespmem:s16+$0x5C40] =	vst v8  }
0x1ca: {  	v46 =	vld [tilespmem:s16+$0x5CA0];
	v13 =	vmul.f32 v44, v49;
	[tilespmem:s16+$0x5C50] =	vst v9  }
0x1cb: {  	v47 =	vld [tilespmem:s16+$0x5CB0];
	v14 =	vmul.f32 v45, v49;
	[tilespmem:s16+$0x5C70] =	vst v11  }
0x1cc: {  	v48 =	vld [tilespmem:s16+$0x5CC0];
	v32 =	vmul.f32 v27, v24;
	[tilespmem:s16+$0x5C80] =	vst v13  }
0x1cd: {  	v51 =	vld [tilespmem:s16+$0x5CE0];
	v7 =	vmul.f32 v29, v24;
	[tilespmem:s16+$0x5C90] =	vst v14  }
0x1ce: {  	v52 =	vld [tilespmem:s16+$0x5CF0];
	v12 =	vmul.f32 v42, v40;
	[tilespmem:s16+$0x5DD0] =	vst v32  }
0x1cf: {  	v10 =	vmul.f32 v46, v49;
	[tilespmem:s16+$0x5DF0] =	vst v7  }
0x1d0: {  	v28 =	vld [tilespmem:s16+$0x5DE0];
	v8 =	vmul.f32 v47, v49;
	[tilespmem:s16+$0x5C60] =	vst v12  }
0x1d1: {  	v30 =	vld [tilespmem:s16+$0x5E00];
	v9 =	vmul.f32 v48, v49;
	[tilespmem:s16+$0x5CA0] =	vst v10  }
0x1d2: {  	v50 =	vld [tilespmem:s16+$0x5CD0];
	v5 =	vbroadcast v2, $0xF;
	v11 =	vmul.f32 v51, v49;
	[tilespmem:s16+$0x5CB0] =	vst v8  }
0x1d3: {  	v54 =	vld [tilespmem:s16+$0x5D10];
	v13 =	vmul.f32 v52, v49;
	[tilespmem:s16+$0x5CC0] =	vst v9  }
0x1d4: {  	v55 =	vld [tilespmem:s16+$0x5D20];
	v35 =	vbroadcast v2, $0xC;
	v4 =	vmul.f32 v4, v5;
	[tilespmem:s16+$0x5CE0] =	vst v11  }
0x1d5: {  	v56 =	vld [tilespmem:s16+$0x5D30];
	v40 =	vmul.f32 v28, v24;
	[tilespmem:s16+$0x5CF0] =	vst v13  }
0x1d6: {  	v60 =	vld [tilespmem:s16+$0x5D60];
	v16 =	vmul.f32 v30, v35;
	[tilespmem:s16+$0x5FD0] =	vst v4  }
0x1d7: {  	v62 =	vld [tilespmem:s16+$0x5810];
	v12 =	vmul.f32 v50, v49;
	[tilespmem:s16+$0x5DE0] =	vst v40  }
0x1d8: {  	v63 =	vld [tilespmem:s16+$0x5840];
	v10 =	vmul.f32 v54, v6;
	[tilespmem:s16+$0x5E00] =	vst v16  }
0x1d9: {  	v20 =	vld [tilespmem:s16+$0x5850];
	v8 =	vmul.f32 v55, v6;
	[tilespmem:s16+$0x5CD0] =	vst v12  }
0x1da: {  	v33 =	vld [tilespmem:s16+$0x5E30];
	v9 =	vmul.f32 v56, v6;
	[tilespmem:s16+$0x5D10] =	vst v10  }
0x1db: {  	v61 =	vld [tilespmem:s16+$0x5FF0];
	v6 =	vmul.f32 v60, v6;
	[tilespmem:s16+$0x5D20] =	vst v8  }
0x1dc: {  	v38 =	vld [tilespmem:s16+$0x5E70];
	v13 =	vmul.f32 v62, v3;
	[tilespmem:s16+$0x5D30] =	vst v9  }
0x1dd: {  	v22 =	vld [tilespmem:s16+$0x5DA0];
	v4 =	vmul.f32 v63, v3;
	[tilespmem:s16+$0x5D60] =	vst v6  }
0x1de: {  	v23 =	vld [tilespmem:s16+$0x5DB0];
	v3 =	vmul.f32 v20, v3;
	[tilespmem:s16+$0x5810] =	vst v13  }
0x1df: {  	v26 =	vld [tilespmem:s16+$0x5DC0];
	v62 =	vmul.f32 v33, v35;
	[tilespmem:s16+$0x5840] =	vst v4  }
0x1e0: {  	v31 =	vld [tilespmem:s16+$0x5E10];
	v63 =	vmul.f32 v61, v5;
	[tilespmem:s16+$0x5850] =	vst v3  }
0x1e1: {  	v34 =	vld [tilespmem:s16+$0x5E40];
	v16 =	vmul.f32 v38, v35;
	[tilespmem:s16+$0x5E30] =	vst v62  }
0x1e2: {  	v41 =	vld [tilespmem:s16+$0x5EA0];
	v8 =	vmul.f32 v22, v24;
	[tilespmem:s16+$0x5FF0] =	vst v63  }
0x1e3: {  	v46 =	vld [tilespmem:s16+$0x5EE0];
	v9 =	vmul.f32 v23, v24;
	[tilespmem:s16+$0x5E70] =	vst v16  }
0x1e4: {  	v6 =	vmul.f32 v26, v24;
	v3 =	vld [tilespmem:s16+$0x5E90];
	[tilespmem:s16+$0x5DA0] =	vst v8  }
0x1e5: {  	v36 =	vld [tilespmem:s16+$0x5E50];
	v44 =	vbroadcast v2, $0xD;
	v10 =	vmul.f32 v31, v35;
	[tilespmem:s16+$0x5DB0] =	vst v9  }
0x1e6: {  	v37 =	vld [tilespmem:s16+$0x5E60];
	v13 =	vmul.f32 v34, v35;
	[tilespmem:s16+$0x5DC0] =	vst v6  }
0x1e7: {  	v39 =	vld [tilespmem:s16+$0x5E80];
	v12 =	vmul.f32 v41, v44;
	[tilespmem:s16+$0x5E10] =	vst v10  }
0x1e8: {  	v42 =	vld [tilespmem:s16+$0x5EB0];
	v51 =	vmul.f32 v46, v44;
	[tilespmem:s16+$0x5E40] =	vst v13  }
0x1e9: {  	v48 =	vld [tilespmem:s16+$0x5F10];
	[tilespmem:s16+$0x5EA0] =	vst v12;
	v3 =	vmul.f32 v3, v44  }
0x1ea: {  	v49 =	vld [tilespmem:s16+$0x5F20];
	v9 =	vmul.f32 v36, v35;
	[tilespmem:s16+$0x5EE0] =	vst v51  }
0x1eb: {  	v6 =	vmul.f32 v37, v35;
	[tilespmem:s16+$0x5E90] =	vst v3;
	v3 =	vld [tilespmem:s16+$0x5F00]  }
0x1ec: {  	v2 =	vbroadcast v2, $0xE;
	v50 =	vld [tilespmem:s16+$0x5F30];
	v10 =	vmul.f32 v39, v44;
	[tilespmem:s16+$0x5E50] =	vst v9  }
0x1ed: {  	v45 =	vld [tilespmem:s16+$0x5ED0];
	v13 =	vmul.f32 v42, v44;
	[tilespmem:s16+$0x5E60] =	vst v6  }
0x1ee: {  	v47 =	vld [tilespmem:s16+$0x5EF0];
	v12 =	vmul.f32 v48, v2;
	[tilespmem:s16+$0x5E80] =	vst v10  }
0x1ef: {  	v43 =	vld [tilespmem:s16+$0x5EC0];
	v11 =	vmul.f32 v49, v2;
	[tilespmem:s16+$0x5EB0] =	vst v13  }
0x1f0: {  	v55 =	vld [tilespmem:s16+$0x5F80];
	[tilespmem:s16+$0x5F10] =	vst v12;
	v3 =	vmul.f32 v3, v2  }
0x1f1: {  	v57 =	vld [tilespmem:s16+$0x5FA0];
	v7 =	vmul.f32 v50, v2;
	[tilespmem:s16+$0x5F20] =	vst v11  }
0x1f2: {  	v6 =	vmul.f32 v45, v44;
	[tilespmem:s16+$0x5F00] =	vst v3;
	v3 =	vld [tilespmem:s16+$0x5F70]  }
0x1f3: {  	v52 =	vld [tilespmem:s16+$0x5F40];
	v10 =	vmul.f32 v47, v44;
	[tilespmem:s16+$0x5F30] =	vst v7  }
0x1f4: {  	v56 =	vld [tilespmem:s16+$0x5F90];
	v9 =	vmul.f32 v43, v44;
	[tilespmem:s16+$0x5ED0] =	vst v6  }
0x1f5: {  	v54 =	vld [tilespmem:s16+$0x5F60];
	v12 =	vmul.f32 v55, v5;
	[tilespmem:s16+$0x5EF0] =	vst v10  }
0x1f6: {  	v58 =	vld [tilespmem:s16+$0x5FB0];
	v7 =	vmul.f32 v57, v5;
	[tilespmem:s16+$0x5EC0] =	vst v9  }
0x1f7: {  	v53 =	vld [tilespmem:s16+$0x5F50];
	[tilespmem:s16+$0x5F80] =	vst v12;
	v3 =	vmul.f32 v3, v2  }
0x1f8: {  	v59 =	vld [tilespmem:s16+$0x5FC0];
	v6 =	vmul.f32 v52, v2;
	[tilespmem:s16+$0x5FA0] =	vst v7  }
0x1f9: {  	v60 =	vld [tilespmem:s16+$0x5FE0];
	[tilespmem:s16+$0x5F70] =	vst v3;
	v3 =	vmul.f32 v56, v5  }
0x1fa: {  	v10 =	vmul.f32 v54, v2;
	[tilespmem:s16+$0x5F40] =	vst v6  }
0x1fb: {  	v4 =	vld [tilespmem:s16+$0x5E20];
	[tilespmem:s16+$0x5F90] =	vst v3;
	v3 =	vmul.f32 v58, v5  }
0x1fc: {  	[tilespmem:s16+$0x5F60] =	vst v10;
	v2 =	vmul.f32 v53, v2  }
0x1fd: {  	[tilespmem:s16+$0x5FB0] =	vst v3;
	v3 =	vmul.f32 v59, v5  }
0x1fe: {  	[tilespmem:s16+$0x5F50] =	vst v2;
	v5 =	vmul.f32 v60, v5  }
0x1ff: {  	[tilespmem:s16+$0x5FC0] =	vst v3  }
0x200: {  	s17 =	simm.s32 $0x1;
	v3 =	vmul.f32 v4, v35;
	[tilespmem:s16+$0x5FE0] =	vst v5  }
.LBB2_7:
0x201: {  	s18 =	sshll.u32 s17, $0x4  }
0x202: {  	p1 =	sne.s32 s17, $0x7;
	[tilespmem:s16+$0x5E20] =	vst v3;
	s16 =	smov.u32 s17;
	s17 =	sadd.s32 $0x1, s17  }
0x203: {  	s18 =	sand.u32 $0x3FFFFFF0, s18  }
0x204: {  	v2 =	vld.idx.msk [tilespmem:v1+s18+$0x0 ss:$0x1], $0xffff  }
0x205: {  	s16 =	sshll.u32 s16, $0xB  }
0x206: {  	s16 =	sand.u32 $0x3FFFF800, s16  }
0x207: {  	v9 =	vld [tilespmem:s16+$0x58C0]  }
0x208: {  	v10 =	vld [tilespmem:s16+$0x58D0]  }
0x209: {  	v11 =	vld [tilespmem:s16+$0x58B0]  }
0x20a: {  	v3 =	vbroadcast v2, $0x0;
	v8 =	vbroadcast v2, $0x4;
	v4 =	vld [tilespmem:s16+$0x5820]  }
0x20b: {  	v6 =	vld [tilespmem:s16+$0x5830]  }
0x20c: {  	v7 =	vld [tilespmem:s16+$0x5D70]  }
0x20d: {  	v12 =	vld [tilespmem:s16+$0x5860]  }
0x20e: {  	v13 =	vld [tilespmem:s16+$0x5870]  }
0x20f: {  	v5 =	vbroadcast v2, $0xA;
	v4 =	vmul.f32 v4, v3;
	v14 =	vld [tilespmem:s16+$0x5880]  }
0x210: {  	v6 =	vmul.f32 v6, v3;
	v15 =	vld [tilespmem:s16+$0x5890]  }
0x211: {  	[tilespmem:s16+$0x5820] =	vst v4;
	v16 =	vld [tilespmem:s16+$0x58A0];
	v4 =	vmul.f32 v7, v5  }
0x212: {  	[tilespmem:s16+$0x5830] =	vst v6;
	v7 =	vmul.f32 v12, v3;
	v12 =	vbroadcast v2, $0x1;
	v6 =	vld [tilespmem:s16+$0x5D80]  }
0x213: {  	v13 =	vmul.f32 v13, v3;
	[tilespmem:s16+$0x5D70] =	vst v4;
	v4 =	vld [tilespmem:s16+$0x5FD0]  }
0x214: {  	[tilespmem:s16+$0x5860] =	vst v7;
	v14 =	vmul.f32 v14, v12;
	v7 =	vld [tilespmem:s16+$0x5D90]  }
0x215: {  	[tilespmem:s16+$0x5870] =	vst v13;
	v13 =	vmul.f32 v15, v12;
	v15 =	vld [tilespmem:s16+$0x58E0]  }
0x216: {  	[tilespmem:s16+$0x5880] =	vst v14;
	v14 =	vmul.f32 v16, v12;
	v16 =	vld [tilespmem:s16+$0x58F0]  }
0x217: {  	v11 =	vmul.f32 v11, v12;
	[tilespmem:s16+$0x5890] =	vst v13;
	v13 =	vld [tilespmem:s16+$0x5900]  }
0x218: {  	v9 =	vmul.f32 v9, v12;
	[tilespmem:s16+$0x58A0] =	vst v14;
	v14 =	vld [tilespmem:s16+$0x5910]  }
0x219: {  	v10 =	vmul.f32 v10, v12;
	[tilespmem:s16+$0x58B0] =	vst v11;
	v11 =	vld [tilespmem:s16+$0x5920]  }
0x21a: {  	[tilespmem:s16+$0x58C0] =	vst v9;
	v9 =	vmul.f32 v15, v12;
	v15 =	vbroadcast v2, $0x2;
	v17 =	vld [tilespmem:s16+$0x5930]  }
0x21b: {  	[tilespmem:s16+$0x58D0] =	vst v10;
	v10 =	vmul.f32 v16, v12;
	v12 =	vld [tilespmem:s16+$0x5940]  }
0x21c: {  	[tilespmem:s16+$0x58E0] =	vst v9;
	v9 =	vmul.f32 v13, v15;
	v13 =	vld [tilespmem:s16+$0x5950]  }
0x21d: {  	[tilespmem:s16+$0x58F0] =	vst v10;
	v10 =	vmul.f32 v14, v15;
	v14 =	vld [tilespmem:s16+$0x5960]  }
0x21e: {  	[tilespmem:s16+$0x5900] =	vst v9;
	v9 =	vmul.f32 v11, v15;
	v11 =	vld [tilespmem:s16+$0x5970]  }
0x21f: {  	[tilespmem:s16+$0x5910] =	vst v10;
	v10 =	vmul.f32 v17, v15;
	v16 =	vld [tilespmem:s16+$0x5980]  }
0x220: {  	[tilespmem:s16+$0x5920] =	vst v9;
	v9 =	vmul.f32 v12, v15;
	v12 =	vld [tilespmem:s16+$0x5990]  }
0x221: {  	[tilespmem:s16+$0x5930] =	vst v10;
	v10 =	vmul.f32 v13, v15;
	v13 =	vld [tilespmem:s16+$0x59A0]  }
0x222: {  	[tilespmem:s16+$0x5940] =	vst v9;
	v9 =	vmul.f32 v14, v15;
	v14 =	vbroadcast v2, $0x3;
	v17 =	vld [tilespmem:s16+$0x59B0]  }
0x223: {  	[tilespmem:s16+$0x5950] =	vst v10;
	v10 =	vmul.f32 v11, v15;
	v11 =	vld [tilespmem:s16+$0x59C0]  }
0x224: {  	[tilespmem:s16+$0x5960] =	vst v9;
	v9 =	vmul.f32 v16, v14;
	v15 =	vld [tilespmem:s16+$0x59D0]  }
0x225: {  	[tilespmem:s16+$0x5970] =	vst v10;
	v10 =	vmul.f32 v12, v14;
	v12 =	vld [tilespmem:s16+$0x59E0]  }
0x226: {  	[tilespmem:s16+$0x5980] =	vst v9;
	v9 =	vmul.f32 v13, v14;
	v13 =	vld [tilespmem:s16+$0x59F0]  }
0x227: {  	[tilespmem:s16+$0x5990] =	vst v10;
	v10 =	vmul.f32 v17, v14;
	v16 =	vld [tilespmem:s16+$0x5A00]  }
0x228: {  	[tilespmem:s16+$0x59A0] =	vst v9;
	v9 =	vmul.f32 v11, v14;
	v11 =	vld [tilespmem:s16+$0x5A10]  }
0x229: {  	[tilespmem:s16+$0x59B0] =	vst v10;
	v10 =	vmul.f32 v15, v14;
	v15 =	vld [tilespmem:s16+$0x5A20]  }
0x22a: {  	[tilespmem:s16+$0x59C0] =	vst v9;
	v9 =	vmul.f32 v12, v14;
	v12 =	vld [tilespmem:s16+$0x5A30]  }
0x22b: {  	[tilespmem:s16+$0x59D0] =	vst v10;
	v10 =	vmul.f32 v13, v14;
	v13 =	vld [tilespmem:s16+$0x5A40]  }
0x22c: {  	[tilespmem:s16+$0x59E0] =	vst v9;
	v9 =	vmul.f32 v16, v8;
	v14 =	vld [tilespmem:s16+$0x5A50]  }
0x22d: {  	[tilespmem:s16+$0x59F0] =	vst v10;
	v10 =	vmul.f32 v11, v8;
	v11 =	vld [tilespmem:s16+$0x5A60]  }
0x22e: {  	[tilespmem:s16+$0x5A00] =	vst v9;
	v9 =	vmul.f32 v15, v8;
	v15 =	vld [tilespmem:s16+$0x5A70]  }
0x22f: {  	[tilespmem:s16+$0x5A10] =	vst v10;
	v10 =	vmul.f32 v12, v8;
	v12 =	vld [tilespmem:s16+$0x5A80]  }
0x230: {  	[tilespmem:s16+$0x5A20] =	vst v9;
	v9 =	vmul.f32 v13, v8;
	v13 =	vld [tilespmem:s16+$0x5A90]  }
0x231: {  	[tilespmem:s16+$0x5A30] =	vst v10;
	v10 =	vmul.f32 v14, v8;
	v14 =	vld [tilespmem:s16+$0x5AA0]  }
0x232: {  	[tilespmem:s16+$0x5A40] =	vst v9;
	v9 =	vmul.f32 v11, v8;
	v11 =	vbroadcast v2, $0x5;
	v16 =	vld [tilespmem:s16+$0x5AB0]  }
0x233: {  	[tilespmem:s16+$0x5A50] =	vst v10;
	v8 =	vmul.f32 v15, v8;
	v10 =	vld [tilespmem:s16+$0x5AC0]  }
0x234: {  	[tilespmem:s16+$0x5A60] =	vst v9;
	v9 =	vmul.f32 v12, v11;
	v12 =	vld [tilespmem:s16+$0x5AD0]  }
0x235: {  	[tilespmem:s16+$0x5A70] =	vst v8;
	v8 =	vmul.f32 v13, v11;
	v13 =	vld [tilespmem:s16+$0x5AE0]  }
0x236: {  	[tilespmem:s16+$0x5A80] =	vst v9;
	v9 =	vmul.f32 v14, v11;
	v14 =	vld [tilespmem:s16+$0x5AF0]  }
0x237: {  	[tilespmem:s16+$0x5A90] =	vst v8;
	v8 =	vmul.f32 v16, v11;
	v15 =	vld [tilespmem:s16+$0x5B00]  }
0x238: {  	[tilespmem:s16+$0x5AA0] =	vst v9;
	v9 =	vmul.f32 v10, v11;
	v10 =	vld [tilespmem:s16+$0x5B10]  }
0x239: {  	[tilespmem:s16+$0x5AB0] =	vst v8;
	v8 =	vmul.f32 v12, v11;
	v12 =	vld [tilespmem:s16+$0x5B20]  }
0x23a: {  	[tilespmem:s16+$0x5AC0] =	vst v9;
	v9 =	vmul.f32 v13, v11;
	v13 =	vbroadcast v2, $0x6;
	v16 =	vld [tilespmem:s16+$0x5B30]  }
0x23b: {  	[tilespmem:s16+$0x5AD0] =	vst v8;
	v8 =	vmul.f32 v14, v11;
	v11 =	vld [tilespmem:s16+$0x5B40]  }
0x23c: {  	[tilespmem:s16+$0x5AE0] =	vst v9;
	v9 =	vmul.f32 v15, v13;
	v14 =	vld [tilespmem:s16+$0x5B50]  }
0x23d: {  	[tilespmem:s16+$0x5AF0] =	vst v8;
	v8 =	vmul.f32 v10, v13;
	v10 =	vld [tilespmem:s16+$0x5B60]  }
0x23e: {  	[tilespmem:s16+$0x5B00] =	vst v9;
	v9 =	vmul.f32 v12, v13;
	v12 =	vld [tilespmem:s16+$0x5B70]  }
0x23f: {  	[tilespmem:s16+$0x5B10] =	vst v8;
	v8 =	vmul.f32 v16, v13;
	v15 =	vld [tilespmem:s16+$0x5B80]  }
0x240: {  	[tilespmem:s16+$0x5B20] =	vst v9;
	v9 =	vmul.f32 v11, v13;
	v11 =	vld [tilespmem:s16+$0x5B90]  }
0x241: {  	[tilespmem:s16+$0x5B30] =	vst v8;
	v8 =	vmul.f32 v14, v13;
	v14 =	vld [tilespmem:s16+$0x5BA0]  }
0x242: {  	[tilespmem:s16+$0x5B40] =	vst v9;
	v9 =	vmul.f32 v10, v13;
	v10 =	vbroadcast v2, $0x7;
	v16 =	vld [tilespmem:s16+$0x5BB0]  }
0x243: {  	[tilespmem:s16+$0x5B50] =	vst v8;
	v8 =	vmul.f32 v12, v13;
	v12 =	vld [tilespmem:s16+$0x5BC0]  }
0x244: {  	[tilespmem:s16+$0x5B60] =	vst v9;
	v9 =	vmul.f32 v15, v10;
	v13 =	vld [tilespmem:s16+$0x5BD0]  }
0x245: {  	[tilespmem:s16+$0x5B70] =	vst v8;
	v8 =	vmul.f32 v11, v10;
	v11 =	vld [tilespmem:s16+$0x5BE0]  }
0x246: {  	[tilespmem:s16+$0x5B80] =	vst v9;
	v9 =	vmul.f32 v14, v10;
	v14 =	vld [tilespmem:s16+$0x5BF0]  }
0x247: {  	[tilespmem:s16+$0x5B90] =	vst v8;
	v8 =	vmul.f32 v16, v10;
	v15 =	vld [tilespmem:s16+$0x5C00]  }
0x248: {  	[tilespmem:s16+$0x5BA0] =	vst v9;
	v9 =	vmul.f32 v12, v10;
	v12 =	vld [tilespmem:s16+$0x5C10]  }
0x249: {  	[tilespmem:s16+$0x5BB0] =	vst v8;
	v8 =	vmul.f32 v13, v10;
	v13 =	vld [tilespmem:s16+$0x5C20]  }
0x24a: {  	[tilespmem:s16+$0x5BC0] =	vst v9;
	v9 =	vmul.f32 v11, v10;
	v11 =	vbroadcast v2, $0x8;
	v16 =	vld [tilespmem:s16+$0x5C30]  }
0x24b: {  	[tilespmem:s16+$0x5BD0] =	vst v8;
	v8 =	vmul.f32 v14, v10;
	v10 =	vld [tilespmem:s16+$0x5C40]  }
0x24c: {  	[tilespmem:s16+$0x5BE0] =	vst v9;
	v9 =	vmul.f32 v15, v11;
	v14 =	vld [tilespmem:s16+$0x5C50]  }
0x24d: {  	[tilespmem:s16+$0x5BF0] =	vst v8;
	v8 =	vmul.f32 v12, v11;
	v12 =	vld [tilespmem:s16+$0x5C60]  }
0x24e: {  	[tilespmem:s16+$0x5C00] =	vst v9;
	v9 =	vmul.f32 v13, v11;
	v13 =	vld [tilespmem:s16+$0x5C70]  }
0x24f: {  	[tilespmem:s16+$0x5C10] =	vst v8;
	v8 =	vmul.f32 v16, v11;
	v15 =	vld [tilespmem:s16+$0x5C80]  }
0x250: {  	[tilespmem:s16+$0x5C20] =	vst v9;
	v9 =	vmul.f32 v10, v11;
	v10 =	vld [tilespmem:s16+$0x5C90]  }
0x251: {  	[tilespmem:s16+$0x5C30] =	vst v8;
	v8 =	vmul.f32 v14, v11;
	v14 =	vld [tilespmem:s16+$0x5CA0]  }
0x252: {  	[tilespmem:s16+$0x5C40] =	vst v9;
	v9 =	vmul.f32 v12, v11;
	v12 =	vbroadcast v2, $0x9;
	v16 =	vld [tilespmem:s16+$0x5CB0]  }
0x253: {  	[tilespmem:s16+$0x5C50] =	vst v8;
	v8 =	vmul.f32 v13, v11;
	v11 =	vld [tilespmem:s16+$0x5CC0]  }
0x254: {  	[tilespmem:s16+$0x5C60] =	vst v9;
	v9 =	vmul.f32 v15, v12;
	v13 =	vld [tilespmem:s16+$0x5CD0]  }
0x255: {  	[tilespmem:s16+$0x5C70] =	vst v8;
	v8 =	vmul.f32 v10, v12;
	v10 =	vld [tilespmem:s16+$0x5CE0]  }
0x256: {  	[tilespmem:s16+$0x5C80] =	vst v9;
	v9 =	vmul.f32 v14, v12;
	v14 =	vld [tilespmem:s16+$0x5CF0]  }
0x257: {  	[tilespmem:s16+$0x5C90] =	vst v8;
	v8 =	vmul.f32 v16, v12;
	v15 =	vld [tilespmem:s16+$0x5D00]  }
0x258: {  	[tilespmem:s16+$0x5CA0] =	vst v9;
	v9 =	vmul.f32 v11, v12;
	v11 =	vld [tilespmem:s16+$0x5D10]  }
0x259: {  	[tilespmem:s16+$0x5CB0] =	vst v8;
	v8 =	vmul.f32 v13, v12;
	v13 =	vld [tilespmem:s16+$0x5D20]  }
0x25a: {  	[tilespmem:s16+$0x5CC0] =	vst v9;
	v9 =	vmul.f32 v10, v12;
	v10 =	vld [tilespmem:s16+$0x5D30]  }
0x25b: {  	[tilespmem:s16+$0x5CD0] =	vst v8;
	v8 =	vmul.f32 v14, v12;
	v12 =	vld [tilespmem:s16+$0x5D40]  }
0x25c: {  	[tilespmem:s16+$0x5CE0] =	vst v9;
	v9 =	vmul.f32 v15, v5;
	v14 =	vld [tilespmem:s16+$0x5D50]  }
0x25d: {  	[tilespmem:s16+$0x5CF0] =	vst v8;
	v8 =	vmul.f32 v11, v5;
	v11 =	vld [tilespmem:s16+$0x5D60]  }
0x25e: {  	v15 =	vld [tilespmem:s16+$0x5800];
	[tilespmem:s16+$0x5D00] =	vst v9;
	v9 =	vmul.f32 v13, v5  }
0x25f: {  	v13 =	vld [tilespmem:s16+$0x5810];
	[tilespmem:s16+$0x5D10] =	vst v8;
	v8 =	vmul.f32 v10, v5  }
0x260: {  	v10 =	vld [tilespmem:s16+$0x5840];
	[tilespmem:s16+$0x5D20] =	vst v9;
	v9 =	vmul.f32 v12, v5  }
0x261: {  	v12 =	vld [tilespmem:s16+$0x5850];
	[tilespmem:s16+$0x5D30] =	vst v8;
	v8 =	vmul.f32 v14, v5  }
0x262: {  	[tilespmem:s16+$0x5D40] =	vst v9;
	v9 =	vmul.f32 v11, v5;
	v11 =	vbroadcast v2, $0xB;
	v14 =	vld [tilespmem:s16+$0x5DA0]  }
0x263: {  	v5 =	vbroadcast v2, $0xF;
	v15 =	vmul.f32 v3, v15;
	[tilespmem:s16+$0x5D50] =	vst v8;
	v8 =	vld [tilespmem:s16+$0x5DB0]  }
0x264: {  	v13 =	vmul.f32 v13, v3;
	[tilespmem:s16+$0x5D60] =	vst v9;
	v6 =	vmul.f32 v6, v11;
	v9 =	vld [tilespmem:s16+$0x5DC0]  }
0x265: {  	v7 =	vmul.f32 v7, v11;
	[tilespmem:s16+$0x5800] =	vst v15;
	v10 =	vmul.f32 v10, v3;
	v15 =	vld [tilespmem:s16+$0x5DD0]  }
0x266: {  	v4 =	vmul.f32 v4, v5;
	v12 =	vmul.f32 v12, v3;
	[tilespmem:s16+$0x5D80] =	vst v6;
	v3 =	vld [tilespmem:s16+$0x5DE0]  }
0x267: {  	[tilespmem:s16+$0x5D90] =	vst v7;
	v6 =	vmul.f32 v14, v11;
	v7 =	vld [tilespmem:s16+$0x5DF0]  }
0x268: {  	v8 =	vmul.f32 v8, v11;
	v14 =	vld [tilespmem:s16+$0x5E00];
	[tilespmem:s16+$0x5FD0] =	vst v4  }
0x269: {  	[tilespmem:s16+$0x5810] =	vst v13;
	v4 =	vmul.f32 v9, v11;
	v9 =	vld [tilespmem:s16+$0x5E10]  }
0x26a: {  	[tilespmem:s16+$0x5840] =	vst v10;
	v10 =	vmul.f32 v15, v11;
	v13 =	vld [tilespmem:s16+$0x5E20]  }
0x26b: {  	v15 =	vbroadcast v2, $0xC;
	[tilespmem:s16+$0x5DA0] =	vst v6;
	v6 =	vmul.f32 v3, v11;
	v16 =	vld [tilespmem:s16+$0x5E30]  }
0x26c: {  	[tilespmem:s16+$0x5DD0] =	vst v10;
	v7 =	vmul.f32 v7, v11;
	v10 =	vld [tilespmem:s16+$0x5E40]  }
0x26d: {  	[tilespmem:s16+$0x5DB0] =	vst v8;
	v3 =	vmul.f32 v14, v15;
	v8 =	vld [tilespmem:s16+$0x5E50]  }
0x26e: {  	[tilespmem:s16+$0x5DC0] =	vst v4;
	v4 =	vmul.f32 v9, v15;
	v9 =	vld [tilespmem:s16+$0x5E60]  }
0x26f: {  	[tilespmem:s16+$0x5E00] =	vst v3;
	v3 =	vmul.f32 v13, v15;
	v11 =	vld [tilespmem:s16+$0x5E70]  }
0x270: {  	[tilespmem:s16+$0x5E10] =	vst v4;
	v4 =	vld [tilespmem:s16+$0x5E80]  }
0x271: {  	[tilespmem:s16+$0x5850] =	vst v12;
	v10 =	vmul.f32 v10, v15;
	v12 =	vld [tilespmem:s16+$0x5E90]  }
0x272: {  	[tilespmem:s16+$0x5DE0] =	vst v6;
	v6 =	vmul.f32 v8, v15;
	v8 =	vld [tilespmem:s16+$0x5EA0]  }
0x273: {  	[tilespmem:s16+$0x5E40] =	vst v10;
	v9 =	vmul.f32 v9, v15;
	v10 =	vbroadcast v2, $0xD;
	v13 =	vld [tilespmem:s16+$0x5EB0]  }
0x274: {  	[tilespmem:s16+$0x5E50] =	vst v6;
	v6 =	vmul.f32 v11, v15;
	v11 =	vld [tilespmem:s16+$0x5EC0]  }
0x275: {  	[tilespmem:s16+$0x5E60] =	vst v9;
	v4 =	vmul.f32 v4, v10;
	v9 =	vld [tilespmem:s16+$0x5ED0]  }
0x276: {  	[tilespmem:s16+$0x5E70] =	vst v6;
	v6 =	vmul.f32 v12, v10;
	v12 =	vld [tilespmem:s16+$0x5EE0]  }
0x277: {  	[tilespmem:s16+$0x5E80] =	vst v4;
	v4 =	vmul.f32 v8, v10;
	v8 =	vld [tilespmem:s16+$0x5EF0]  }
0x278: {  	[tilespmem:s16+$0x5E90] =	vst v6;
	v6 =	vmul.f32 v13, v10;
	v13 =	vld [tilespmem:s16+$0x5F00]  }
0x279: {  	[tilespmem:s16+$0x5EA0] =	vst v4;
	v4 =	vmul.f32 v11, v10;
	v11 =	vld [tilespmem:s16+$0x5F10]  }
0x27a: {  	[tilespmem:s16+$0x5EB0] =	vst v6;
	v6 =	vmul.f32 v9, v10;
	v9 =	vld [tilespmem:s16+$0x5F20]  }
0x27b: {  	v2 =	vbroadcast v2, $0xE;
	[tilespmem:s16+$0x5DF0] =	vst v7;
	v7 =	vmul.f32 v12, v10;
	v12 =	vld [tilespmem:s16+$0x5F30]  }
0x27c: {  	[tilespmem:s16+$0x5ED0] =	vst v6;
	v6 =	vmul.f32 v8, v10;
	v8 =	vld [tilespmem:s16+$0x5F40]  }
0x27d: {  	[tilespmem:s16+$0x5EE0] =	vst v7;
	v7 =	vmul.f32 v13, v2;
	v10 =	vld [tilespmem:s16+$0x5F50]  }
0x27e: {  	[tilespmem:s16+$0x5EF0] =	vst v6;
	v6 =	vmul.f32 v11, v2;
	v11 =	vld [tilespmem:s16+$0x5F60]  }
0x27f: {  	[tilespmem:s16+$0x5F00] =	vst v7;
	v7 =	vmul.f32 v9, v2;
	v9 =	vld [tilespmem:s16+$0x5F70]  }
0x280: {  	[tilespmem:s16+$0x5F10] =	vst v6;
	v6 =	vmul.f32 v12, v2;
	v12 =	vld [tilespmem:s16+$0x5F80]  }
0x281: {  	[tilespmem:s16+$0x5F20] =	vst v7;
	v7 =	vmul.f32 v8, v2;
	v8 =	vld [tilespmem:s16+$0x5F90]  }
0x282: {  	[tilespmem:s16+$0x5F30] =	vst v6;
	v6 =	vmul.f32 v10, v2;
	v10 =	vld [tilespmem:s16+$0x5FA0]  }
0x283: {  	[tilespmem:s16+$0x5F40] =	vst v7;
	v7 =	vmul.f32 v11, v2;
	v11 =	vld [tilespmem:s16+$0x5FB0]  }
0x284: {  	[tilespmem:s16+$0x5EC0] =	vst v4;
	v2 =	vmul.f32 v9, v2;
	v4 =	vld [tilespmem:s16+$0x5FC0]  }
0x285: {  	[tilespmem:s16+$0x5F60] =	vst v7;
	v7 =	vmul.f32 v12, v5;
	v9 =	vld [tilespmem:s16+$0x5FE0]  }
0x286: {  	[tilespmem:s16+$0x5F70] =	vst v2;
	v2 =	vmul.f32 v8, v5;
	v8 =	vld [tilespmem:s16+$0x5FF0]  }
0x287: {  	[tilespmem:s16+$0x5F80] =	vst v7;
	v7 =	vmul.f32 v10, v5  }
0x288: {  	[tilespmem:s16+$0x5F90] =	vst v2;
	v2 =	vmul.f32 v11, v5  }
0x289: {  	v10 =	vmul.f32 v16, v15;
	[tilespmem:s16+$0x5FA0] =	vst v7  }
0x28a: {  	[tilespmem:s16+$0x5FB0] =	vst v2;
	v2 =	vmul.f32 v4, v5  }
.Ltmp2:
0x28b: {  	[tilespmem:s16+$0x5E30] =	vst v10;
	v4 =	vmul.f32 v8, v5;
	(pc) =	sbr.rel @p1 .LBB2_7-.Ltmp2, $4  }
0x28c: {  	[tilespmem:s16+$0x5FC0] =	vst v2  }
0x28d: {  	v2 =	vmul.f32 v9, v5;
	[tilespmem:s16+$0x5FF0] =	vst v4  }
0x28e: {  	[tilespmem:s16+$0x5F50] =	vst v6  }
0x28f: {  	[tilespmem:s16+$0x5FE0] =	vst v2  }
0x290: {  	[tilespmem:s16+$0x5E20] =	vst v3;
	s5 =	sor.u32 $0x800, s5;
	p1 =	sne.s32 @!p0 s15, $0x0  }
0x291: {  	[spmem:s3] =	stream.indirect.scatter.add.f32 [tilespmem:s30], [sflag:$0x4], $0x80, s5, s28, $0xb8;
	[tilespmem:$0x1D800] =	vst v63  }
0x292: {  	p0 =	por p1, p0  }
0x293: {  	s5 =	simm.s32 @!p0 $0x4;
	s14 =	sshll.u32 @!p0 s14, $0x7  }
0x294: {  	_ =	swait.ge @!p0 [sflag:s5], $0x4000;
	s14 =	sadd.s32 @!p0 s10, s14  }
0x295: {  	[sflag:s5] =	ssyncset.done @!p0 $0x0;
	s14 =	sshrl.u32 @!p0 s14, $0x3  }
0x296: {  	s15 =	simm.s32 @!p0 $0x0;
	[sflag:s5] =	ssyncadd.s32 @!p0 $0xFFFFC000;
	s5 =	sadd.s32 @!p0 s2, s14  }
0x297: {  	[tilespmem:s15], [sflag:$0x5] =	stream.linear.gather @!p0 [hbm4b:s5+s15], $0x800, $0x38;
	[tilespmem:$0x1D800] =	vst v63  }
0x298: {  	s5 =	simm.s32 @!p0 $0x5  }
0x299: {  	_ =	swait.ge @!p0 [sflag:s5], $0x800  }
0x29a: {  	[sflag:s5] =	ssyncset.done @!p0 $0x0  }
0x29b: {  	s17 =	simm.s32 @!p0 $0x800;
	s16 =	sadd.s32 @!p0 s6, s14;
	[sflag:s5] =	ssyncadd.s32 @!p0 $0xFFFFF800  }
0x29c: {  	[tilespmem:s17], [sflag:$0x5] =	stream.linear.gather @!p0 [hbm4b:s16+s15], $0x800, $0x38;
	[tilespmem:$0x1D800] =	vst v63  }
0x29d: {  	_ =	swait.ge @!p0 [sflag:s5], $0x800  }
0x29e: {  	[sflag:s5] =	ssyncset.done @!p0 $0x0  }
0x29f: {  	s14 =	sadd.s32 @!p0 s7, s14;
	s16 =	simm.s32 @!p0 $0x1000;
	[sflag:s5] =	ssyncadd.s32 @!p0 $0xFFFFF800  }
0x2a0: {  	[tilespmem:s16], [sflag:$0x5] =	stream.linear.gather @!p0 [hbm4b:s14+s15], $0x800, $0x38;
	[tilespmem:$0x1D800] =	vst v63  }
0x2a1: {  	_ =	swait.ge @!p0 [sflag:s5], $0x800  }
0x2a2: {  	s26 =	sadd.s32 $0x1, s26;
	[sflag:s5] =	ssyncset.done @!p0 $0x0  }
0x2a3: {  	s14 =	simm.s32 @!p0 $0x1800;
	[sflag:s5] =	ssyncadd.s32 @!p0 $0xFFFFF800;
	s5 =	simm.s32 @!p0 $0x80  }
0x2a4: {  	[tilespmem:s14], [sflag:$0x1] =	stream.indirect.gather @!p0 [hbm4b:s1+s5], $0x80, s15, s5, $0xb8;
	[tilespmem:$0x1D800] =	vst v63  }
0x2a5: {  	p0 =	sne.s32 s26, $0x30  }
.Ltmp3:
0x2a6: {  	_ = 	snop;
	(pc) =	sbr.rel @p0 .LBB2_4-.Ltmp3, $1  }
0x2a7: {  	_ =	sdelay $0x3  }
0x2a8: {  	_ =	swait.ge [sflag:s25], $0x4000  }
0x2a9: {  	[sflag:s25] =	ssyncset.done $0x0  }
0x2aa: {  	s5 =	stileid.u32;
	[sflag:s25] =	ssyncadd.s32 $0xFFFFC000  }
0x2ab: {  	s5 =	sshll.u32 s5, $0x6;
	[bflag:$0x0] =	sbarrier.arrive $0xFFFF  }
0x2ac: {  	s14 =	sshrl.u32 s8, $0x3;
	s5 =	sor.u32 $0x1C05, s5;
	s15 =	rddreg [dreg:$0x8]  }
0x2ad: {  	[hbm:s15], [sflag:s5] =	dma.local [spmem:s14], $0x800  }
0x2ae: {  	_ =	swait.ge [sflag:s24], $0x800  }
0x2af: {  	[sflag:s24] =	ssyncset.done $0x0  }
0x2b0: {  	s15 =	sshrl.u32 s9, $0x3;
	s16 =	rddreg [dreg:$0x9];
	[sflag:s24] =	ssyncadd.s32 $0xFFFFF800  }
0x2b1: {  	[hbm:s16], [sflag:s5] =	dma.local [spmem:s15], $0x800  }
0x2b2: {  	_ =	swait.ge [sflag:s24], $0x800  }
0x2b3: {  	[sflag:s24] =	ssyncset.done $0x0  }
0x2b4: {  	s17 =	sshrl.u32 s11, $0x3;
	[sflag:s24] =	ssyncadd.s32 $0xFFFFF800  }
0x2b5: {  	[hbm:s19], [sflag:s5] =	dma.local [spmem:s17], $0x800  }
0x2b6: {  	_ =	swait.ge [sflag:s24], $0x800  }
0x2b7: {  	[sflag:s24] =	ssyncset.done $0x0  }
0x2b8: {  	s18 =	sshrl.u32 s12, $0x3;
	[sflag:s24] =	ssyncadd.s32 $0xFFFFF800  }
0x2b9: {  	[hbm:s20], [sflag:s5] =	dma.local [spmem:s18], $0x800  }
0x2ba: {  	s4 =	sadd.s32 $0x1, s4;
	_ =	swait.ge [sflag:s24], $0x800  }
0x2bb: {  	p0 =	sne.s32 s4, s22;
	[sflag:s24] =	ssyncset.done $0x0  }
.Ltmp4:
0x2bc: {  	s26 =	sshrl.u32 s13, $0x3;
	[sflag:s24] =	ssyncadd.s32 $0xFFFFF800;
	(pc) =	sbr.rel @p0 .LBB2_1-.Ltmp4, $4  }
0x2bd: {  	[hbm:s21], [sflag:s5] =	dma.local [spmem:s26], $0x800  }
0x2be: {  	_ =	swait.ge [sflag:s24], $0x800  }
0x2bf: {  	[sflag:s24] =	ssyncset.done $0x0  }
0x2c0: {  	[sflag:s24] =	ssyncadd.s32 $0xFFFFF800  }
0x2c1: {  	_ =	sfence.sel $0x180000  }
0x2c2: {  	[bflag:$0x0] =	sbarrier.arrive $0xFFFF  }
0x2c3: {  	_ =	strace $0x90000047  }
0x2c4: {  	s0 =	stileid.u32;
	[bflag:$0x2] =	sbarrier.arrive $0xFFFF  }
0x2c5: {  	p0 =	sne.s32 s0, $0x0;
	s0 =	rddreg [dreg:$0x4]  }
0x2c6: {  	s0 =	sadd.s32 @!p0 $0x100000, s0  }
0x2c7: {  	[sflag:s0] =	ssyncadd.tile.s32 @!p0 $0x1;
	_ =	shalt  }
.Lfunc_end2:
_tile_overlayer_lowered:
.L_overlay_start_2:
0x2c8: {  	(tag) =	ssettag $0x2  }
0x2c9: {  	s0 =	rddreg [dreg:$0x0];
	s2 =	stileid.u32  }
0x2ca: {  	s1 =	rddreg [dreg:$0x1];
	p0 =	sne.s32 s2, $0x0  }
0x2cb: {  	s3 =	rddreg [dreg:$0x2];
	[bflag:$0x3] =	sbarrier.arrive $0xFFFF;
	s2 =	simm.s32 @!p0 $0x1C05  }
0x2cc: {  	[timem:s3], [sflag:s2] =	dma.local @!p0 [hbm:s0], s1  }
0x2cd: {  	s0 =	simm.s32 @!p0 $0x5  }
0x2ce: {  	_ =	swait.ge @!p0 [sflag:s0], s1  }
0x2cf: {  	s1 =	ssub.s32 @!p0 $0x0, s1;
	[sflag:s0] =	ssyncset.done @!p0 $0x0  }
0x2d0: {  	[sflag:s0] =	ssyncadd.s32 @!p0 s1  }
0x2d1: {  	[bflag:$0x3] =	sbarrier.arrive $0xFFFF  }
0x2d2: {  	_ =	shalt  }

</sc_bundles>
